<compile_context>
chip_gen: v7x
topology: tpu7x:2x2x1
jax: 0.10.2.dev20260603
libtpu: 0.0.44.dev20260713+nightly
codegen_flags: <defaults>
</compile_context>

<pallas_src>
import functools

import jax
import jax.numpy as jnp
from jax import lax
from jax.experimental import pallas as pl
from jax.experimental.pallas import tpu as pltpu
from jax.experimental.pallas import tpu_sc as plsc

HID = 256
N_GRID = 8000
N_MESH = 2000
N_NODES = 10000
E = 100000
D_NODE = 128
D_EDGE = 4

NC = 2
NS = 16
NW = NC * NS

EPAD = 102400
TPW = EPAD // NW
CH = 128
HALF = HID // 2
NPAD = 10240
ROWS_PT = NPAD // NS

_f32 = jnp.float32

import numpy as _np
_PERM = _np.concatenate([_np.arange(0, HID, 2), _np.arange(1, HID, 2)])



def _dot(a, b):
    return jnp.dot(a, b, preferred_element_type=_f32)


def _mlp2_body(x_ref, w1_ref, b1_ref, w2_ref, b2_ref, o_ref):
    h = jnp.maximum(_dot(x_ref[...], w1_ref[...]) + b1_ref[...], 0.0)
    o_ref[...] = _dot(h, w2_ref[...]) + b2_ref[...]


def _mlp2(x, W1, b1, W2, b2, blk):
    R, K = x.shape
    Km = W1.shape[1]
    Ko = W2.shape[1]
    return pl.pallas_call(
        _mlp2_body,
        grid=(R // blk,),
        in_specs=[
            pl.BlockSpec((blk, K), lambda i: (i, 0)),
            pl.BlockSpec((K, Km), lambda i: (0, 0)),
            pl.BlockSpec((1, Km), lambda i: (0, 0)),
            pl.BlockSpec((Km, Ko), lambda i: (0, 0)),
            pl.BlockSpec((1, Ko), lambda i: (0, 0)),
        ],
        out_specs=pl.BlockSpec((blk, Ko), lambda i: (i, 0)),
        out_shape=jax.ShapeDtypeStruct((R, Ko), _f32),
    )(x, W1, b1.reshape(1, -1), W2, b2.reshape(1, -1))


def _embproj_body(x_ref, w1_ref, b1_ref, w2_ref, b2_ref, wp_ref, bp_ref,
                  e_ref, p_ref):
    h = jnp.maximum(
        lax.dot_general(x_ref[...], w1_ref[...], (((0,), (0,)), ((), ())),
                        preferred_element_type=_f32) + b1_ref[...], 0.0)
    e = _dot(h, w2_ref[...]) + b2_ref[...]
    e_ref[...] = e.astype(jnp.bfloat16)
    p_ref[...] = (_dot(e, wp_ref[...]) + bp_ref[...]).astype(jnp.bfloat16)


def _edge_embed_proj(x, W1, b1, W2, b2, Wp, bp, blk):
    K, R = x.shape
    Km = W1.shape[1]
    return pl.pallas_call(
        _embproj_body,
        grid=(R // blk,),
        in_specs=[
            pl.BlockSpec((K, blk), lambda i: (0, i)),
            pl.BlockSpec((K, Km), lambda i: (0, 0)),
            pl.BlockSpec((1, Km), lambda i: (0, 0)),
            pl.BlockSpec((Km, HID), lambda i: (0, 0)),
            pl.BlockSpec((1, HID), lambda i: (0, 0)),
            pl.BlockSpec((HID, HID), lambda i: (0, 0)),
            pl.BlockSpec((1, HID), lambda i: (0, 0)),
        ],
        out_specs=[
            pl.BlockSpec((blk, HID), lambda i: (i, 0)),
            pl.BlockSpec((blk, HID), lambda i: (i, 0)),
        ],
        out_shape=[
            jax.ShapeDtypeStruct((R, HID), jnp.bfloat16),
            jax.ShapeDtypeStruct((R, HID), jnp.bfloat16),
        ],
    )(x, W1, b1.reshape(1, -1), W2, b2.reshape(1, -1), Wp, bp.reshape(1, -1))


def _nodeproj_body(x_ref, w_ref, o_ref):
    p = _dot(x_ref[...], w_ref[0])
    ev = lax.bitcast_convert_type(
        p[:, :HID // 2].astype(jnp.bfloat16), jnp.uint16).astype(jnp.uint32)
    od = lax.bitcast_convert_type(
        p[:, HID // 2:].astype(jnp.bfloat16), jnp.uint16).astype(jnp.uint32)
    o_ref[...] = lax.bitcast_convert_type(
        jnp.bitwise_or(jnp.left_shift(od, 16), ev), jnp.int32)


def _node_proj(node, Wsd, blk):
    R = node.shape[0]
    nb = R // blk
    return pl.pallas_call(
        _nodeproj_body,
        grid=(2, nb),
        in_specs=[
            pl.BlockSpec((blk, HID), lambda j, i: (i, 0)),
            pl.BlockSpec((1, HID, HID), lambda j, i: (j, 0, 0)),
        ],
        out_specs=pl.BlockSpec((blk, HID // 2), lambda j, i: (j * nb + i, 0)),
        out_shape=jax.ShapeDtypeStruct((2 * R, HID // 2), jnp.int32),
    )(node, Wsd)


def _unpack_lo_hi(w):
    lo = lax.bitcast_convert_type(jnp.left_shift(w, 16), _f32)
    hi = lax.bitcast_convert_type(
        jnp.bitwise_and(w, jnp.int32(-65536)), _f32)
    return lo, hi


def _eup_body(g1_ref, g2_ref, ep_ref, ee_ref, w2_ref, b2_ref, o_ref, *, blk):
    i = pl.program_id(0)
    lo1, hi1 = _unpack_lo_hi(g1_ref[...])
    lo2, hi2 = _unpack_lo_hi(g2_ref[...])
    ep = ep_ref[...].astype(_f32)
    t = jnp.maximum(
        jnp.concatenate(
            [lo1 + lo2 + ep[:, :HID // 2], hi1 + hi2 + ep[:, HID // 2:]],
            axis=1),
        0.0)
    ne = ee_ref[...].astype(_f32) + _dot(t, w2_ref[...]) + b2_ref[...]
    rows = i * blk + lax.broadcasted_iota(jnp.int32, (blk, 1), 0)
    o_ref[...] = jnp.where(rows < E, ne, 0.0)


def _edge_update(G, eproj, eemb, W2p, b2, blk):
    nb = EPAD // blk
    eblk = pl.BlockSpec((blk, HID), lambda i: (i, 0))
    gblk0 = pl.BlockSpec((blk, HID // 2), lambda i: (i, 0))
    gblk1 = pl.BlockSpec((blk, HID // 2), lambda i: (i + nb, 0))
    return pl.pallas_call(
        functools.partial(_eup_body, blk=blk),
        grid=(nb,),
        in_specs=[
            gblk0, gblk1, eblk, eblk,
            pl.BlockSpec((HID, HID), lambda i: (0, 0)),
            pl.BlockSpec((1, HID), lambda i: (0, 0)),
        ],
        out_specs=eblk,
        out_shape=jax.ShapeDtypeStruct((EPAD, HID), _f32),
    )(G, G, eproj, eemb, W2p, b2.reshape(1, -1))


def _nup_body(x_ref, agg_ref, wa_ref, wb_ref, b1_ref, w2_ref, b2_ref, o_ref):
    x = x_ref[...]
    h = jnp.maximum(_dot(x, wa_ref[...]) + _dot(agg_ref[...], wb_ref[...])
                    + b1_ref[...], 0.0)
    o_ref[...] = x + _dot(h, w2_ref[...]) + b2_ref[...]


def _nup_extra_body(x_ref, agg_ref, ex_ref, wa_ref, wb_ref, b1_ref, w2_ref,
                    b2_ref, o_ref):
    x = x_ref[...]
    h = jnp.maximum(_dot(x, wa_ref[...]) + _dot(agg_ref[...], wb_ref[...])
                    + b1_ref[...], 0.0)
    o_ref[...] = x + _dot(h, w2_ref[...]) + b2_ref[...] + ex_ref[...]


def _node_update(node, agg, Wa, Wb, b1, W2, b2, blk, extra=None):
    R = node.shape[0]
    nblk = pl.BlockSpec((blk, HID), lambda i: (i, 0))
    wblk = pl.BlockSpec((HID, HID), lambda i: (0, 0))
    bblk = pl.BlockSpec((1, HID), lambda i: (0, 0))
    if extra is None:
        return pl.pallas_call(
            _nup_body,
            grid=(R // blk,),
            in_specs=[nblk, nblk, wblk, wblk, bblk, wblk, bblk],
            out_specs=nblk,
            out_shape=jax.ShapeDtypeStruct((R, HID), _f32),
        )(node, agg, Wa, Wb, b1.reshape(1, -1), W2, b2.reshape(1, -1))
    return pl.pallas_call(
        _nup_extra_body,
        grid=(R // blk,),
        in_specs=[nblk, nblk, nblk, wblk, wblk, bblk, wblk, bblk],
        out_specs=nblk,
        out_shape=jax.ShapeDtypeStruct((R, HID), _f32),
    )(node, agg, extra, Wa, Wb, b1.reshape(1, -1), W2, b2.reshape(1, -1))



@functools.cache
def _sc_mesh():
    return plsc.VectorSubcoreMesh(core_axis_name="c", subcore_axis_name="s",
                                  num_cores=NC, num_subcores=NS)


NCHUNK = EPAD // NS // CH
GCH_S = 2 * EPAD // NS // CH
G_FAST = 70


@functools.cache
def _make_sc_gather():
    @functools.partial(
        pl.kernel,
        out_type=jax.ShapeDtypeStruct((2 * EPAD, HID // 2), jnp.int32),
        mesh=_sc_mesh(),
        scratch_types=[
            pltpu.VMEM((GCH_S, CH), jnp.int32),
            pltpu.VMEM((CH, HID // 2), jnp.int32),
            pltpu.VMEM((CH, HID // 2), jnp.int32),
            pltpu.SemaphoreType.DMA,
            pltpu.SemaphoreType.DMA,
        ],
    )
    def gather(p_hbm, idx_hbm, o_hbm, idxv, buf0, buf1, sem0, sem1):
        c = lax.axis_index("c")
        s = lax.axis_index("s")
        pltpu.sync_copy(idx_hbm.at[s], idxv)
        base = s * GCH_S * CH
        k0 = c * G_FAST
        npairs = (G_FAST // 2) - c * ((2 * G_FAST - GCH_S) // 2)

        def start(ck, buf, sem):
            return pltpu.async_copy(p_hbm.at[idxv.at[ck]], buf, sem)

        def wait(buf, sem):
            pltpu.make_async_copy(p_hbm.at[idxv.at[0]], buf, sem).wait()

        def flush(ck, buf):
            pltpu.sync_copy(buf, o_hbm.at[pl.ds(base + ck * CH, CH)])

        start(k0, buf0, sem0)
        start(k0 + 1, buf1, sem1)

        def body(k, carry):
            ck = k0 + 2 * k
            wait(buf0, sem0)
            flush(ck, buf0)
            start(ck + 2, buf0, sem0)
            wait(buf1, sem1)
            flush(ck + 1, buf1)
            start(ck + 3, buf1, sem1)
            return carry

        lax.fori_loop(0, npairs - 1, body, 0)
        last = k0 + 2 * (npairs - 1)
        wait(buf0, sem0)
        flush(last, buf0)
        wait(buf1, sem1)
        flush(last + 1, buf1)

    return gather


def _sc_gather(p_table, idx2d):
    return _make_sc_gather()(p_table, idx2d)


@functools.cache
def _make_sc_scatter_add():
    @functools.partial(
        pl.kernel,
        out_type=jax.ShapeDtypeStruct((NPAD, HID), _f32),
        mesh=_sc_mesh(),
        scratch_types=[
            pltpu.VMEM((NCHUNK, CH), jnp.int32),
            pltpu.VMEM((CH, HALF), _f32),
            pltpu.VMEM((CH, HALF), _f32),
            pltpu.VMEM_SHARED((NPAD, HALF), _f32),
            pltpu.SemaphoreType.DMA,
            pltpu.SemaphoreType.DMA,
        ],
    )
    def scatter_add(newe_hbm, dst_hbm, zeros_hbm, out_hbm,
                    idxv, buf0, buf1, acc, sem0, sem1):
        c = lax.axis_index("c")
        s = lax.axis_index("s")
        pltpu.sync_copy(zeros_hbm, acc.at[pl.ds(s * ROWS_PT, ROWS_PT)])
        pltpu.sync_copy(dst_hbm.at[s], idxv)
        plsc.subcore_barrier()

        base = s * NCHUNK * CH
        cols = pl.ds(c * HALF, HALF)

        def start(ck, buf, sem):
            pltpu.async_copy(
                newe_hbm.at[pl.ds(base + ck * CH, CH), cols], buf, sem)

        def wait(buf, sem):
            pltpu.make_async_copy(
                newe_hbm.at[pl.ds(0, CH), cols], buf, sem).wait()

        def scat(ck, buf):
            pltpu.sync_copy(buf, acc.at[idxv.at[ck]], add=True)

        start(0, buf0, sem0)
        start(1, buf1, sem1)

        def body(k, carry):
            wait(buf0, sem0)
            scat(2 * k, buf0)
            start(2 * k + 2, buf0, sem0)
            wait(buf1, sem1)
            scat(2 * k + 1, buf1)
            start(2 * k + 3, buf1, sem1)
            return carry

        lax.fori_loop(0, NCHUNK // 2 - 1, body, 0)
        wait(buf0, sem0)
        scat(NCHUNK - 2, buf0)
        wait(buf1, sem1)
        scat(NCHUNK - 1, buf1)

        plsc.subcore_barrier()
        pltpu.sync_copy(
            acc.at[pl.ds(s * ROWS_PT, ROWS_PT)],
            out_hbm.at[pl.ds(s * ROWS_PT, ROWS_PT), pl.ds(c * HALF, HALF)],
        )

    return scatter_add


def _sc_scatter_add(newe, dst2d, zeros_blk):
    return _make_sc_scatter_add()(newe, dst2d, zeros_blk)[:N_NODES]



def _interaction_step(node, eemb, eproj, idx2d, dst2d, zeros_blk, gnn_p,
                      extra=None):
    (W1, _b1), (W2e, b2e) = gnn_p['edge']
    (Wn1, bn1), (Wn2, bn2) = gnn_p['node']
    Wsd = jnp.stack([W1[HID:2 * HID][:, _PERM], W1[2 * HID:][:, _PERM]])
    ptab32 = _node_proj(node, Wsd, blk=1000)
    G = _sc_gather(ptab32, idx2d)
    newe = _edge_update(G, eproj, eemb, W2e[_PERM], b2e, blk=1024)
    agg = _sc_scatter_add(newe, dst2d, zeros_blk)
    return _node_update(node, agg, Wn1[:HID], Wn1[HID:], bn1, Wn2, bn2,
                        blk=1000, extra=extra)


def kernel(grid_feat, mesh_feat, gm_edge_feat, mm_edge_feat, mg_edge_feat,
           grid_index, mesh_index, gm_edge_index, mm_edge_index,
           mg_edge_index, params):
    p = params
    gf = grid_feat[0]
    mf = mesh_feat[0]

    ng = _mlp2(gf, p['emb_grid'][0][0], p['emb_grid'][0][1],
               p['emb_grid'][1][0], p['emb_grid'][1][1], blk=1000)
    nm = _mlp2(mf, p['emb_mesh0'][0][0], p['emb_mesh0'][0][1],
               p['emb_mesh0'][1][0], p['emb_mesh0'][1][1], blk=1000)
    node = jnp.concatenate([ng, nm], axis=0)

    resid = _mlp2(ng, p['res_grid'][0][0], p['res_grid'][0][1],
                  p['res_grid'][1][0], p['res_grid'][1][1], blk=1000)
    res_pad = jnp.concatenate([resid, jnp.zeros((N_MESH, HID), _f32)], axis=0)

    zeros_blk = jnp.zeros((ROWS_PT, HALF), _f32)

    steps = [
        ('g2m', gm_edge_feat, gm_edge_index, 'edge_grid_mesh'),
        ('m2m', mm_edge_feat, mm_edge_index, 'edge_mesh_mesh'),
        ('m2g', mg_edge_feat, mg_edge_index, 'edge_mesh_grid'),
    ]
    for name, efeat, eidx, emb_key in steps:
        gnn_p = p['gnn_' + name]
        W1e = gnn_p['edge'][0][0][:HID]
        b1 = gnn_p['edge'][0][1]
        x = jnp.pad(efeat[0].T, ((0, 8 - D_EDGE), (0, EPAD - E)))
        W1pad = jnp.pad(p[emb_key][0][0], ((0, 8 - D_EDGE), (0, 0)))
        eemb, eproj = _edge_embed_proj(
            x, W1pad, p[emb_key][0][1], p[emb_key][1][0], p[emb_key][1][1],
            W1e[:, _PERM], b1[_PERM], blk=1024)
        src_pad = jnp.pad(eidx[0], (0, EPAD - E))
        dst_pad = jnp.pad(eidx[1], (0, EPAD - E))
        idx2d = jnp.concatenate([src_pad, dst_pad + N_NODES]).reshape(
            NS, GCH_S, CH)
        dst2d = dst_pad.reshape(NS, NCHUNK, CH)
        extra = res_pad if name == 'm2m' else None
        node = _interaction_step(node, eemb, eproj, idx2d, dst2d,
                                 zeros_blk, gnn_p, extra=extra)

    out = _mlp2(node[:N_GRID], p['deembed_grid'][0][0],
                p['deembed_grid'][0][1], p['deembed_grid'][1][0],
                p['deembed_grid'][1][1], blk=1000)
    return out[None]

# --- scband reference (transcript-rebuilt; emitter-appended) ---
"""Pipeline reference for scband-sequential-gnnmodel-35570919146265 (READ-ONLY COPY).

The authoritative reference and input builder live on the scoring server;
editing this copy changes nothing except your own understanding.
"""

import jax, jax.numpy as jnp
import numpy as np

HID = 256
N_GRID = 8000
N_MESH = 2000
N_NODES = 10000
E = 100000
D_NODE = 128
D_EDGE = 4


def _init_mlp(key, dims):
    layers = []
    for i in range(len(dims) - 1):
        key, k1 = jax.random.split(key)
        W = jax.random.normal(k1, (dims[i], dims[i + 1]), jnp.float32) * (1.0 / np.sqrt(dims[i]))
        b = jnp.zeros((dims[i + 1],), jnp.float32)
        layers.append((W, b))
    return layers, key


def mlp_apply(layers, x):
    n = len(layers)
    for i, (W, b) in enumerate(layers):
        x = x @ W + b
        if i < n - 1:
            x = jax.nn.relu(x)
    return x


def interaction_net(p, node_emb, edge_emb, edge_index):
    src = edge_index[0]
    dst = edge_index[1]
    e_in = jnp.concatenate([edge_emb, node_emb[:, src, :], node_emb[:, dst, :]], axis=-1)
    new_e = edge_emb + mlp_apply(p['edge'], e_in)
    agg = jnp.zeros_like(node_emb).at[:, dst, :].add(new_e)
    n_in = jnp.concatenate([node_emb, agg], axis=-1)
    new_n = node_emb + mlp_apply(p['node'], n_in)
    return new_n, new_e


def _make_params():
    key = jax.random.key(1)
    params = {}
    params['emb_grid'], key = _init_mlp(key, [D_NODE, HID, HID])
    params['emb_mesh0'], key = _init_mlp(key, [D_NODE, HID, HID])
    params['edge_grid_mesh'], key = _init_mlp(key, [D_EDGE, HID, HID])
    params['edge_mesh_mesh'], key = _init_mlp(key, [D_EDGE, HID, HID])
    params['edge_mesh_grid'], key = _init_mlp(key, [D_EDGE, HID, HID])
    params['res_grid'], key = _init_mlp(key, [HID, HID, HID])
    params['deembed_grid'], key = _init_mlp(key, [HID, HID, D_NODE])
    for step in ['g2m', 'm2m', 'm2g']:
        e_mlp, key = _init_mlp(key, [3 * HID, HID, HID])
        n_mlp, key = _init_mlp(key, [2 * HID, HID, HID])
        params['gnn_' + step] = {'edge': e_mlp, 'node': n_mlp}
    return params


def setup_inputs(seed: int = 0):
    key = jax.random.key(seed)
    ks = jax.random.split(key, 10)
    inp = {
        'grid_feat': jax.random.normal(ks[0], (1, N_GRID, D_NODE), jnp.float32),
        'mesh_feat': jax.random.normal(ks[1], (1, N_MESH, D_NODE), jnp.float32),
        'gm_edge_feat': jax.random.normal(ks[2], (1, E, D_EDGE), jnp.float32),
        'mm_edge_feat': jax.random.normal(ks[3], (1, E, D_EDGE), jnp.float32),
        'mg_edge_feat': jax.random.normal(ks[4], (1, E, D_EDGE), jnp.float32),
        'grid_index': jnp.arange(N_GRID, dtype=jnp.int32),
        'mesh_index': jnp.arange(N_MESH, dtype=jnp.int32) + N_GRID,
        'gm_edge_index': jax.random.randint(ks[5], (2, E), 0, N_NODES, dtype=jnp.int32),
        'mm_edge_index': jax.random.randint(ks[6], (2, E), 0, N_NODES, dtype=jnp.int32),
        'mg_edge_index': jax.random.randint(ks[7], (2, E), 0, N_NODES, dtype=jnp.int32),
        'params': _make_params(),
    }
    return inp


def reference(grid_feat, mesh_feat, gm_edge_feat, mm_edge_feat, mg_edge_feat, grid_index, mesh_index, gm_edge_index, mm_edge_index, mg_edge_index, params):
    B = grid_feat.shape[0]
    node_emb = jnp.zeros((B, N_NODES, HID), jnp.float32)
    node_emb = node_emb.at[:, grid_index, :].set(mlp_apply(params['emb_grid'], grid_feat))
    node_emb = node_emb.at[:, mesh_index, :].set(mlp_apply(params['emb_mesh0'], mesh_feat))
    e_gm = mlp_apply(params['edge_grid_mesh'], gm_edge_feat)
    e_mm = mlp_apply(params['edge_mesh_mesh'], mm_edge_feat)
    e_mg = mlp_apply(params['edge_mesh_grid'], mg_edge_feat)
    residual = mlp_apply(params['res_grid'], node_emb[:, grid_index, :])
    node_emb, e_gm = interaction_net(params['gnn_g2m'], node_emb, e_gm, gm_edge_index)
    node_emb, e_mm = interaction_net(params['gnn_m2m'], node_emb, e_mm, mm_edge_index)
    node_emb = node_emb.at[:, grid_index, :].add(residual)
    node_emb, e_mg = interaction_net(params['gnn_m2g'], node_emb, e_mg, mg_edge_index)
    out = mlp_apply(params['deembed_grid'], node_emb[:, grid_index, :])
    return out

if __name__ == "__main__":
    import jax
    _d = setup_inputs()
    print(jax.jit(kernel)(*tuple(_d.values())))

</pallas_src>

<mosaic_0001>
#map = affine_map<(d0, d1) -> (0, 0)>
#map1 = affine_map<(d0, d1) -> (0, 0, 0)>
module attributes {stable_mosaic.version = 14 : i64} {
  func.func @gather(%arg0: i32, %arg1: i32, %arg2: memref<20000x128xi32, #tpu.memory_space<hbm>>, %arg3: memref<16x100x128xi32, #tpu.memory_space<hbm>>, %arg4: memref<204800x128xi32, #tpu.memory_space<hbm>>, %arg5: memref<100x128xi32, #tpu.memory_space<vmem>>, %arg6: memref<128x128xi32, #tpu.memory_space<vmem>>, %arg7: memref<128x128xi32, #tpu.memory_space<vmem>>, %arg8: memref<!tpu.dma_semaphore, #tpu.memory_space<semaphore_mem>>, %arg9: memref<!tpu.dma_semaphore, #tpu.memory_space<semaphore_mem>>) attributes {dimension_semantics = [#tpu.dimension_semantics<core_parallel>, #tpu.dimension_semantics<subcore_parallel>], iteration_bounds = array<i64: 2, 16>, scalar_prefetch = 0 : i64, scratch_operands = 5 : i64, tpu.core_type = #tpu.core_type<sc_vector_subcore>, window_params = [{transform_indices = #map}, {transform_indices = #map1}, {transform_indices = #map}]} {
    "tpu.region"() ({
      %run_scoped3A = tpu.sem_alloc : memref<!tpu.dma_semaphore, #tpu.memory_space<semaphore_mem>>
      %dma_start3A_57 = arith.constant 0 : i32
      %dma_start3A_58 = arith.constant 0 : i32
      %dma_start3A_59 = tpu.memref_slice %arg3[%arg1, %dma_start3A_57, %dma_start3A_58] : memref<16x100x128xi32, #tpu.memory_space<hbm>> -> memref<1x100x128xi32, #tpu.memory_space<hbm>>
      %dma_start3A_60 = tpu.memref_squeeze %dma_start3A_59 : memref<1x100x128xi32, #tpu.memory_space<hbm>> -> memref<100x128xi32, #tpu.memory_space<hbm>>
      %dma_start3A_61 = arith.constant 0 : i32
      %dma_start3A_62 = arith.constant 0 : i32
      %dma_start3A_63 = tpu.memref_slice %arg3[%arg1, %dma_start3A_61, %dma_start3A_62] : memref<16x100x128xi32, #tpu.memory_space<hbm>> -> memref<1x100x128xi32, #tpu.memory_space<hbm>>
      %dma_start3A_64 = tpu.memref_squeeze %dma_start3A_63 : memref<1x100x128xi32, #tpu.memory_space<hbm>> -> memref<100x128xi32, #tpu.memory_space<hbm>>
      tpu.enqueue_dma source(%dma_start3A_64 : memref<100x128xi32, #tpu.memory_space<hbm>>) target(%arg5 : memref<100x128xi32, #tpu.memory_space<vmem>>) target_semaphore(%run_scoped3A : memref<!tpu.dma_semaphore, #tpu.memory_space<semaphore_mem>>)
      %dma_wait3A_65 = arith.constant 0 : i32
      %dma_wait3A_66 = arith.constant 0 : i32
      %dma_wait3A_67 = tpu.memref_slice %arg3[%arg1, %dma_wait3A_65, %dma_wait3A_66] : memref<16x100x128xi32, #tpu.memory_space<hbm>> -> memref<1x100x128xi32, #tpu.memory_space<hbm>>
      %dma_wait3A_68 = tpu.memref_squeeze %dma_wait3A_67 : memref<1x100x128xi32, #tpu.memory_space<hbm>> -> memref<100x128xi32, #tpu.memory_space<hbm>>
      %dma_wait3A_69 = arith.constant 0 : i32
      %dma_wait3A_70 = arith.constant 0 : i32
      %dma_wait3A_71 = tpu.memref_slice %arg3[%arg1, %dma_wait3A_69, %dma_wait3A_70] : memref<16x100x128xi32, #tpu.memory_space<hbm>> -> memref<1x100x128xi32, #tpu.memory_space<hbm>>
      %dma_wait3A_72 = tpu.memref_squeeze %dma_wait3A_71 : memref<1x100x128xi32, #tpu.memory_space<hbm>> -> memref<100x128xi32, #tpu.memory_space<hbm>>
      tpu.wait_dma2 semaphore(%run_scoped3A : memref<!tpu.dma_semaphore, #tpu.memory_space<semaphore_mem>>) src(%dma_wait3A_72 : memref<100x128xi32, #tpu.memory_space<hbm>>) dst(%arg5 : memref<100x128xi32, #tpu.memory_space<vmem>>)
      tpu.yield
    }) : () -> ()
    %mul3A = arith.constant 100 : i32
    %mul3A_0 = arith.muli %arg1, %mul3A : i32
    %mul3A_1 = arith.constant 128 : i32
    %mul3A_2 = arith.muli %mul3A_0, %mul3A_1 : i32
    %mul3A_3 = arith.constant 70 : i32
    %mul3A_4 = arith.muli %arg0, %mul3A_3 : i32
    %mul3A_5 = arith.constant 20 : i32
    %mul3A_6 = arith.muli %arg0, %mul3A_5 : i32
    %sub3A = arith.constant 35 : i32
    %sub3A_7 = arith.subi %sub3A, %mul3A_6 : i32
    %dma_start3A = arith.constant 0 : i32
    %dma_start3A_8 = tpu.memref_slice %arg5[%mul3A_4, %dma_start3A] : memref<100x128xi32, #tpu.memory_space<vmem>> -> memref<1x128xi32, #tpu.memory_space<vmem>>
    %dma_start3A_9 = tpu.memref_squeeze %dma_start3A_8 : memref<1x128xi32, #tpu.memory_space<vmem>> -> memref<128xi32, #tpu.memory_space<vmem>>
    %dma_start3A_10 = arith.constant 0 : i32
    %dma_start3A_11 = arith.constant 0 : i32
    %dma_start3A_12 = tpu.memref_slice %arg2[%dma_start3A_10, %dma_start3A_11] : memref<20000x128xi32, #tpu.memory_space<hbm>> -> memref<20000x128xi32, #tpu.memory_space<hbm>>
    tpu.enqueue_indirect_dma source(%dma_start3A_12 : memref<20000x128xi32, #tpu.memory_space<hbm>>) target(%arg6 : memref<128x128xi32, #tpu.memory_space<vmem>>) offsets(%dma_start3A_9 : memref<128xi32, #tpu.memory_space<vmem>>) semaphore(%arg8 : memref<!tpu.dma_semaphore, #tpu.memory_space<semaphore_mem>>)
    %add3A = arith.constant 1 : i32
    %add3A_13 = arith.addi %mul3A_4, %add3A : i32
    %dma_start3A_14 = arith.constant 0 : i32
    %dma_start3A_15 = tpu.memref_slice %arg5[%add3A_13, %dma_start3A_14] : memref<100x128xi32, #tpu.memory_space<vmem>> -> memref<1x128xi32, #tpu.memory_space<vmem>>
    %dma_start3A_16 = tpu.memref_squeeze %dma_start3A_15 : memref<1x128xi32, #tpu.memory_space<vmem>> -> memref<128xi32, #tpu.memory_space<vmem>>
    %dma_start3A_17 = arith.constant 0 : i32
    %dma_start3A_18 = arith.constant 0 : i32
    %dma_start3A_19 = tpu.memref_slice %arg2[%dma_start3A_17, %dma_start3A_18] : memref<20000x128xi32, #tpu.memory_space<hbm>> -> memref<20000x128xi32, #tpu.memory_space<hbm>>
    tpu.enqueue_indirect_dma source(%dma_start3A_19 : memref<20000x128xi32, #tpu.memory_space<hbm>>) target(%arg7 : memref<128x128xi32, #tpu.memory_space<vmem>>) offsets(%dma_start3A_16 : memref<128xi32, #tpu.memory_space<vmem>>) semaphore(%arg9 : memref<!tpu.dma_semaphore, #tpu.memory_space<semaphore_mem>>)
    %sub3A_20 = arith.constant 1 : i32
    %sub3A_21 = arith.subi %sub3A_7, %sub3A_20 : i32
    %while3A = arith.constant 0 : i32
    %while3A_22 = arith.constant 0 : i32
    %while3A_23 = arith.subi %sub3A_21, %while3A_22 : i32
    %while3A_24 = arith.addi %while3A_22, %while3A_23 : i32
    %while3A_25 = arith.constant 1 : i32
    %while3A_26 = arith.divsi %while3A_23, %while3A_25 : i32
    %while3A_27 = arith.muli %while3A_26, %while3A_25 : i32
    %while3A_28 = arith.addi %while3A_22, %while3A_27 : i32
    %while3A_29 = arith.constant 1 : i32
    scf.for %while3A_57 = %while3A_22 to %while3A_28 step %while3A_29  : i32 {
      %mul3A_58 = arith.constant 2 : i32
      %mul3A_59 = arith.muli %mul3A_58, %while3A_57 : i32
      %add3A_60 = arith.addi %mul3A_4, %mul3A_59 : i32
      %dma_wait3A_61 = arith.constant 0 : i32
      %dma_wait3A_62 = arith.constant 0 : i32
      %dma_wait3A_63 = tpu.memref_slice %arg5[%dma_wait3A_61, %dma_wait3A_62] : memref<100x128xi32, #tpu.memory_space<vmem>> -> memref<1x128xi32, #tpu.memory_space<vmem>>
      %dma_wait3A_64 = tpu.memref_squeeze %dma_wait3A_63 : memref<1x128xi32, #tpu.memory_space<vmem>> -> memref<128xi32, #tpu.memory_space<vmem>>
      %dma_wait3A_65 = arith.constant 0 : i32
      %dma_wait3A_66 = arith.constant 0 : i32
      %dma_wait3A_67 = tpu.memref_slice %arg2[%dma_wait3A_65, %dma_wait3A_66] : memref<20000x128xi32, #tpu.memory_space<hbm>> -> memref<20000x128xi32, #tpu.memory_space<hbm>>
      tpu.wait_indirect_dma semaphore(%arg8 : memref<!tpu.dma_semaphore, #tpu.memory_space<semaphore_mem>>) src(%dma_wait3A_67 : memref<20000x128xi32, #tpu.memory_space<hbm>>) dst(%arg6 : memref<128x128xi32, #tpu.memory_space<vmem>>)
      %mul3A_68 = arith.constant 128 : i32
      %mul3A_69 = arith.muli %add3A_60, %mul3A_68 : i32
      %add3A_70 = arith.addi %mul3A_2, %mul3A_69 : i32
      "tpu.region"() ({
        %run_scoped3A = tpu.sem_alloc : memref<!tpu.dma_semaphore, #tpu.memory_space<semaphore_mem>>
        %dma_start3A_99 = arith.constant 0 : i32
        %dma_start3A_100 = tpu.memref_slice %arg4[%add3A_70, %dma_start3A_99] : memref<204800x128xi32, #tpu.memory_space<hbm>> -> memref<128x128xi32, #tpu.memory_space<hbm>>
        %dma_start3A_101 = arith.constant 0 : i32
        %dma_start3A_102 = tpu.memref_slice %arg4[%add3A_70, %dma_start3A_101] : memref<204800x128xi32, #tpu.memory_space<hbm>> -> memref<128x128xi32, #tpu.memory_space<hbm>>
        tpu.enqueue_dma source(%arg6 : memref<128x128xi32, #tpu.memory_space<vmem>>) target(%dma_start3A_102 : memref<128x128xi32, #tpu.memory_space<hbm>>) target_semaphore(%run_scoped3A : memref<!tpu.dma_semaphore, #tpu.memory_space<semaphore_mem>>)
        %dma_wait3A_103 = arith.constant 0 : i32
        %dma_wait3A_104 = tpu.memref_slice %arg4[%add3A_70, %dma_wait3A_103] : memref<204800x128xi32, #tpu.memory_space<hbm>> -> memref<128x128xi32, #tpu.memory_space<hbm>>
        %dma_wait3A_105 = arith.constant 0 : i32
        %dma_wait3A_106 = tpu.memref_slice %arg4[%add3A_70, %dma_wait3A_105] : memref<204800x128xi32, #tpu.memory_space<hbm>> -> memref<128x128xi32, #tpu.memory_space<hbm>>
        tpu.wait_dma2 semaphore(%run_scoped3A : memref<!tpu.dma_semaphore, #tpu.memory_space<semaphore_mem>>) src(%arg6 : memref<128x128xi32, #tpu.memory_space<vmem>>) dst(%dma_wait3A_106 : memref<128x128xi32, #tpu.memory_space<hbm>>)
        tpu.yield
      }) : () -> ()
      %add3A_71 = arith.constant 2 : i32
      %add3A_72 = arith.addi %add3A_60, %add3A_71 : i32
      %dma_start3A_73 = arith.constant 0 : i32
      %dma_start3A_74 = tpu.memref_slice %arg5[%add3A_72, %dma_start3A_73] : memref<100x128xi32, #tpu.memory_space<vmem>> -> memref<1x128xi32, #tpu.memory_space<vmem>>
      %dma_start3A_75 = tpu.memref_squeeze %dma_start3A_74 : memref<1x128xi32, #tpu.memory_space<vmem>> -> memref<128xi32, #tpu.memory_space<vmem>>
      %dma_start3A_76 = arith.constant 0 : i32
      %dma_start3A_77 = arith.constant 0 : i32
      %dma_start3A_78 = tpu.memref_slice %arg2[%dma_start3A_76, %dma_start3A_77] : memref<20000x128xi32, #tpu.memory_space<hbm>> -> memref<20000x128xi32, #tpu.memory_space<hbm>>
      tpu.enqueue_indirect_dma source(%dma_start3A_78 : memref<20000x128xi32, #tpu.memory_space<hbm>>) target(%arg6 : memref<128x128xi32, #tpu.memory_space<vmem>>) offsets(%dma_start3A_75 : memref<128xi32, #tpu.memory_space<vmem>>) semaphore(%arg8 : memref<!tpu.dma_semaphore, #tpu.memory_space<semaphore_mem>>)
      %dma_wait3A_79 = arith.constant 0 : i32
      %dma_wait3A_80 = arith.constant 0 : i32
      %dma_wait3A_81 = tpu.memref_slice %arg5[%dma_wait3A_79, %dma_wait3A_80] : memref<100x128xi32, #tpu.memory_space<vmem>> -> memref<1x128xi32, #tpu.memory_space<vmem>>
      %dma_wait3A_82 = tpu.memref_squeeze %dma_wait3A_81 : memref<1x128xi32, #tpu.memory_space<vmem>> -> memref<128xi32, #tpu.memory_space<vmem>>
      %dma_wait3A_83 = arith.constant 0 : i32
      %dma_wait3A_84 = arith.constant 0 : i32
      %dma_wait3A_85 = tpu.memref_slice %arg2[%dma_wait3A_83, %dma_wait3A_84] : memref<20000x128xi32, #tpu.memory_space<hbm>> -> memref<20000x128xi32, #tpu.memory_space<hbm>>
      tpu.wait_indirect_dma semaphore(%arg9 : memref<!tpu.dma_semaphore, #tpu.memory_space<semaphore_mem>>) src(%dma_wait3A_85 : memref<20000x128xi32, #tpu.memory_space<hbm>>) dst(%arg7 : memref<128x128xi32, #tpu.memory_space<vmem>>)
      %add3A_86 = arith.constant 1 : i32
      %add3A_87 = arith.addi %add3A_60, %add3A_86 : i32
      %mul3A_88 = arith.constant 128 : i32
      %mul3A_89 = arith.muli %add3A_87, %mul3A_88 : i32
      %add3A_90 = arith.addi %mul3A_2, %mul3A_89 : i32
      "tpu.region"() ({
        %run_scoped3A = tpu.sem_alloc : memref<!tpu.dma_semaphore, #tpu.memory_space<semaphore_mem>>
        %dma_start3A_99 = arith.constant 0 : i32
        %dma_start3A_100 = tpu.memref_slice %arg4[%add3A_90, %dma_start3A_99] : memref<204800x128xi32, #tpu.memory_space<hbm>> -> memref<128x128xi32, #tpu.memory_space<hbm>>
        %dma_start3A_101 = arith.constant 0 : i32
        %dma_start3A_102 = tpu.memref_slice %arg4[%add3A_90, %dma_start3A_101] : memref<204800x128xi32, #tpu.memory_space<hbm>> -> memref<128x128xi32, #tpu.memory_space<hbm>>
        tpu.enqueue_dma source(%arg7 : memref<128x128xi32, #tpu.memory_space<vmem>>) target(%dma_start3A_102 : memref<128x128xi32, #tpu.memory_space<hbm>>) target_semaphore(%run_scoped3A : memref<!tpu.dma_semaphore, #tpu.memory_space<semaphore_mem>>)
        %dma_wait3A_103 = arith.constant 0 : i32
        %dma_wait3A_104 = tpu.memref_slice %arg4[%add3A_90, %dma_wait3A_103] : memref<204800x128xi32, #tpu.memory_space<hbm>> -> memref<128x128xi32, #tpu.memory_space<hbm>>
        %dma_wait3A_105 = arith.constant 0 : i32
        %dma_wait3A_106 = tpu.memref_slice %arg4[%add3A_90, %dma_wait3A_105] : memref<204800x128xi32, #tpu.memory_space<hbm>> -> memref<128x128xi32, #tpu.memory_space<hbm>>
        tpu.wait_dma2 semaphore(%run_scoped3A : memref<!tpu.dma_semaphore, #tpu.memory_space<semaphore_mem>>) src(%arg7 : memref<128x128xi32, #tpu.memory_space<vmem>>) dst(%dma_wait3A_106 : memref<128x128xi32, #tpu.memory_space<hbm>>)
        tpu.yield
      }) : () -> ()
      %add3A_91 = arith.constant 3 : i32
      %add3A_92 = arith.addi %add3A_60, %add3A_91 : i32
      %dma_start3A_93 = arith.constant 0 : i32
      %dma_start3A_94 = tpu.memref_slice %arg5[%add3A_92, %dma_start3A_93] : memref<100x128xi32, #tpu.memory_space<vmem>> -> memref<1x128xi32, #tpu.memory_space<vmem>>
      %dma_start3A_95 = tpu.memref_squeeze %dma_start3A_94 : memref<1x128xi32, #tpu.memory_space<vmem>> -> memref<128xi32, #tpu.memory_space<vmem>>
      %dma_start3A_96 = arith.constant 0 : i32
      %dma_start3A_97 = arith.constant 0 : i32
      %dma_start3A_98 = tpu.memref_slice %arg2[%dma_start3A_96, %dma_start3A_97] : memref<20000x128xi32, #tpu.memory_space<hbm>> -> memref<20000x128xi32, #tpu.memory_space<hbm>>
      tpu.enqueue_indirect_dma source(%dma_start3A_98 : memref<20000x128xi32, #tpu.memory_space<hbm>>) target(%arg7 : memref<128x128xi32, #tpu.memory_space<vmem>>) offsets(%dma_start3A_95 : memref<128xi32, #tpu.memory_space<vmem>>) semaphore(%arg9 : memref<!tpu.dma_semaphore, #tpu.memory_space<semaphore_mem>>)
    }
    %while3A_30 = arith.constant 1 : i32
    scf.for %while3A_57 = %while3A_28 to %while3A_24 step %while3A_30  : i32 {
      %mul3A_58 = arith.constant 2 : i32
      %mul3A_59 = arith.muli %mul3A_58, %while3A_57 : i32
      %add3A_60 = arith.addi %mul3A_4, %mul3A_59 : i32
      %dma_wait3A_61 = arith.constant 0 : i32
      %dma_wait3A_62 = arith.constant 0 : i32
      %dma_wait3A_63 = tpu.memref_slice %arg5[%dma_wait3A_61, %dma_wait3A_62] : memref<100x128xi32, #tpu.memory_space<vmem>> -> memref<1x128xi32, #tpu.memory_space<vmem>>
      %dma_wait3A_64 = tpu.memref_squeeze %dma_wait3A_63 : memref<1x128xi32, #tpu.memory_space<vmem>> -> memref<128xi32, #tpu.memory_space<vmem>>
      %dma_wait3A_65 = arith.constant 0 : i32
      %dma_wait3A_66 = arith.constant 0 : i32
      %dma_wait3A_67 = tpu.memref_slice %arg2[%dma_wait3A_65, %dma_wait3A_66] : memref<20000x128xi32, #tpu.memory_space<hbm>> -> memref<20000x128xi32, #tpu.memory_space<hbm>>
      tpu.wait_indirect_dma semaphore(%arg8 : memref<!tpu.dma_semaphore, #tpu.memory_space<semaphore_mem>>) src(%dma_wait3A_67 : memref<20000x128xi32, #tpu.memory_space<hbm>>) dst(%arg6 : memref<128x128xi32, #tpu.memory_space<vmem>>)
      %mul3A_68 = arith.constant 128 : i32
      %mul3A_69 = arith.muli %add3A_60, %mul3A_68 : i32
      %add3A_70 = arith.addi %mul3A_2, %mul3A_69 : i32
      "tpu.region"() ({
        %run_scoped3A = tpu.sem_alloc : memref<!tpu.dma_semaphore, #tpu.memory_space<semaphore_mem>>
        %dma_start3A_99 = arith.constant 0 : i32
        %dma_start3A_100 = tpu.memref_slice %arg4[%add3A_70, %dma_start3A_99] : memref<204800x128xi32, #tpu.memory_space<hbm>> -> memref<128x128xi32, #tpu.memory_space<hbm>>
        %dma_start3A_101 = arith.constant 0 : i32
        %dma_start3A_102 = tpu.memref_slice %arg4[%add3A_70, %dma_start3A_101] : memref<204800x128xi32, #tpu.memory_space<hbm>> -> memref<128x128xi32, #tpu.memory_space<hbm>>
        tpu.enqueue_dma source(%arg6 : memref<128x128xi32, #tpu.memory_space<vmem>>) target(%dma_start3A_102 : memref<128x128xi32, #tpu.memory_space<hbm>>) target_semaphore(%run_scoped3A : memref<!tpu.dma_semaphore, #tpu.memory_space<semaphore_mem>>)
        %dma_wait3A_103 = arith.constant 0 : i32
        %dma_wait3A_104 = tpu.memref_slice %arg4[%add3A_70, %dma_wait3A_103] : memref<204800x128xi32, #tpu.memory_space<hbm>> -> memref<128x128xi32, #tpu.memory_space<hbm>>
        %dma_wait3A_105 = arith.constant 0 : i32
        %dma_wait3A_106 = tpu.memref_slice %arg4[%add3A_70, %dma_wait3A_105] : memref<204800x128xi32, #tpu.memory_space<hbm>> -> memref<128x128xi32, #tpu.memory_space<hbm>>
        tpu.wait_dma2 semaphore(%run_scoped3A : memref<!tpu.dma_semaphore, #tpu.memory_space<semaphore_mem>>) src(%arg6 : memref<128x128xi32, #tpu.memory_space<vmem>>) dst(%dma_wait3A_106 : memref<128x128xi32, #tpu.memory_space<hbm>>)
        tpu.yield
      }) : () -> ()
      %add3A_71 = arith.constant 2 : i32
      %add3A_72 = arith.addi %add3A_60, %add3A_71 : i32
      %dma_start3A_73 = arith.constant 0 : i32
      %dma_start3A_74 = tpu.memref_slice %arg5[%add3A_72, %dma_start3A_73] : memref<100x128xi32, #tpu.memory_space<vmem>> -> memref<1x128xi32, #tpu.memory_space<vmem>>
      %dma_start3A_75 = tpu.memref_squeeze %dma_start3A_74 : memref<1x128xi32, #tpu.memory_space<vmem>> -> memref<128xi32, #tpu.memory_space<vmem>>
      %dma_start3A_76 = arith.constant 0 : i32
      %dma_start3A_77 = arith.constant 0 : i32
      %dma_start3A_78 = tpu.memref_slice %arg2[%dma_start3A_76, %dma_start3A_77] : memref<20000x128xi32, #tpu.memory_space<hbm>> -> memref<20000x128xi32, #tpu.memory_space<hbm>>
      tpu.enqueue_indirect_dma source(%dma_start3A_78 : memref<20000x128xi32, #tpu.memory_space<hbm>>) target(%arg6 : memref<128x128xi32, #tpu.memory_space<vmem>>) offsets(%dma_start3A_75 : memref<128xi32, #tpu.memory_space<vmem>>) semaphore(%arg8 : memref<!tpu.dma_semaphore, #tpu.memory_space<semaphore_mem>>)
      %dma_wait3A_79 = arith.constant 0 : i32
      %dma_wait3A_80 = arith.constant 0 : i32
      %dma_wait3A_81 = tpu.memref_slice %arg5[%dma_wait3A_79, %dma_wait3A_80] : memref<100x128xi32, #tpu.memory_space<vmem>> -> memref<1x128xi32, #tpu.memory_space<vmem>>
      %dma_wait3A_82 = tpu.memref_squeeze %dma_wait3A_81 : memref<1x128xi32, #tpu.memory_space<vmem>> -> memref<128xi32, #tpu.memory_space<vmem>>
      %dma_wait3A_83 = arith.constant 0 : i32
      %dma_wait3A_84 = arith.constant 0 : i32
      %dma_wait3A_85 = tpu.memref_slice %arg2[%dma_wait3A_83, %dma_wait3A_84] : memref<20000x128xi32, #tpu.memory_space<hbm>> -> memref<20000x128xi32, #tpu.memory_space<hbm>>
      tpu.wait_indirect_dma semaphore(%arg9 : memref<!tpu.dma_semaphore, #tpu.memory_space<semaphore_mem>>) src(%dma_wait3A_85 : memref<20000x128xi32, #tpu.memory_space<hbm>>) dst(%arg7 : memref<128x128xi32, #tpu.memory_space<vmem>>)
      %add3A_86 = arith.constant 1 : i32
      %add3A_87 = arith.addi %add3A_60, %add3A_86 : i32
      %mul3A_88 = arith.constant 128 : i32
      %mul3A_89 = arith.muli %add3A_87, %mul3A_88 : i32
      %add3A_90 = arith.addi %mul3A_2, %mul3A_89 : i32
      "tpu.region"() ({
        %run_scoped3A = tpu.sem_alloc : memref<!tpu.dma_semaphore, #tpu.memory_space<semaphore_mem>>
        %dma_start3A_99 = arith.constant 0 : i32
        %dma_start3A_100 = tpu.memref_slice %arg4[%add3A_90, %dma_start3A_99] : memref<204800x128xi32, #tpu.memory_space<hbm>> -> memref<128x128xi32, #tpu.memory_space<hbm>>
        %dma_start3A_101 = arith.constant 0 : i32
        %dma_start3A_102 = tpu.memref_slice %arg4[%add3A_90, %dma_start3A_101] : memref<204800x128xi32, #tpu.memory_space<hbm>> -> memref<128x128xi32, #tpu.memory_space<hbm>>
        tpu.enqueue_dma source(%arg7 : memref<128x128xi32, #tpu.memory_space<vmem>>) target(%dma_start3A_102 : memref<128x128xi32, #tpu.memory_space<hbm>>) target_semaphore(%run_scoped3A : memref<!tpu.dma_semaphore, #tpu.memory_space<semaphore_mem>>)
        %dma_wait3A_103 = arith.constant 0 : i32
        %dma_wait3A_104 = tpu.memref_slice %arg4[%add3A_90, %dma_wait3A_103] : memref<204800x128xi32, #tpu.memory_space<hbm>> -> memref<128x128xi32, #tpu.memory_space<hbm>>
        %dma_wait3A_105 = arith.constant 0 : i32
        %dma_wait3A_106 = tpu.memref_slice %arg4[%add3A_90, %dma_wait3A_105] : memref<204800x128xi32, #tpu.memory_space<hbm>> -> memref<128x128xi32, #tpu.memory_space<hbm>>
        tpu.wait_dma2 semaphore(%run_scoped3A : memref<!tpu.dma_semaphore, #tpu.memory_space<semaphore_mem>>) src(%arg7 : memref<128x128xi32, #tpu.memory_space<vmem>>) dst(%dma_wait3A_106 : memref<128x128xi32, #tpu.memory_space<hbm>>)
        tpu.yield
      }) : () -> ()
      %add3A_91 = arith.constant 3 : i32
      %add3A_92 = arith.addi %add3A_60, %add3A_91 : i32
      %dma_start3A_93 = arith.constant 0 : i32
      %dma_start3A_94 = tpu.memref_slice %arg5[%add3A_92, %dma_start3A_93] : memref<100x128xi32, #tpu.memory_space<vmem>> -> memref<1x128xi32, #tpu.memory_space<vmem>>
      %dma_start3A_95 = tpu.memref_squeeze %dma_start3A_94 : memref<1x128xi32, #tpu.memory_space<vmem>> -> memref<128xi32, #tpu.memory_space<vmem>>
      %dma_start3A_96 = arith.constant 0 : i32
      %dma_start3A_97 = arith.constant 0 : i32
      %dma_start3A_98 = tpu.memref_slice %arg2[%dma_start3A_96, %dma_start3A_97] : memref<20000x128xi32, #tpu.memory_space<hbm>> -> memref<20000x128xi32, #tpu.memory_space<hbm>>
      tpu.enqueue_indirect_dma source(%dma_start3A_98 : memref<20000x128xi32, #tpu.memory_space<hbm>>) target(%arg7 : memref<128x128xi32, #tpu.memory_space<vmem>>) offsets(%dma_start3A_95 : memref<128xi32, #tpu.memory_space<vmem>>) semaphore(%arg9 : memref<!tpu.dma_semaphore, #tpu.memory_space<semaphore_mem>>)
    }
    %sub3A_31 = arith.constant 1 : i32
    %sub3A_32 = arith.subi %sub3A_7, %sub3A_31 : i32
    %mul3A_33 = arith.constant 2 : i32
    %mul3A_34 = arith.muli %mul3A_33, %sub3A_32 : i32
    %add3A_35 = arith.addi %mul3A_4, %mul3A_34 : i32
    %dma_wait3A = arith.constant 0 : i32
    %dma_wait3A_36 = arith.constant 0 : i32
    %dma_wait3A_37 = tpu.memref_slice %arg5[%dma_wait3A, %dma_wait3A_36] : memref<100x128xi32, #tpu.memory_space<vmem>> -> memref<1x128xi32, #tpu.memory_space<vmem>>
    %dma_wait3A_38 = tpu.memref_squeeze %dma_wait3A_37 : memref<1x128xi32, #tpu.memory_space<vmem>> -> memref<128xi32, #tpu.memory_space<vmem>>
    %dma_wait3A_39 = arith.constant 0 : i32
    %dma_wait3A_40 = arith.constant 0 : i32
    %dma_wait3A_41 = tpu.memref_slice %arg2[%dma_wait3A_39, %dma_wait3A_40] : memref<20000x128xi32, #tpu.memory_space<hbm>> -> memref<20000x128xi32, #tpu.memory_space<hbm>>
    tpu.wait_indirect_dma semaphore(%arg8 : memref<!tpu.dma_semaphore, #tpu.memory_space<semaphore_mem>>) src(%dma_wait3A_41 : memref<20000x128xi32, #tpu.memory_space<hbm>>) dst(%arg6 : memref<128x128xi32, #tpu.memory_space<vmem>>)
    %mul3A_42 = arith.constant 128 : i32
    %mul3A_43 = arith.muli %add3A_35, %mul3A_42 : i32
    %add3A_44 = arith.addi %mul3A_2, %mul3A_43 : i32
    "tpu.region"() ({
      %run_scoped3A = tpu.sem_alloc : memref<!tpu.dma_semaphore, #tpu.memory_space<semaphore_mem>>
      %dma_start3A_57 = arith.constant 0 : i32
      %dma_start3A_58 = tpu.memref_slice %arg4[%add3A_44, %dma_start3A_57] : memref<204800x128xi32, #tpu.memory_space<hbm>> -> memref<128x128xi32, #tpu.memory_space<hbm>>
      %dma_start3A_59 = arith.constant 0 : i32
      %dma_start3A_60 = tpu.memref_slice %arg4[%add3A_44, %dma_start3A_59] : memref<204800x128xi32, #tpu.memory_space<hbm>> -> memref<128x128xi32, #tpu.memory_space<hbm>>
      tpu.enqueue_dma source(%arg6 : memref<128x128xi32, #tpu.memory_space<vmem>>) target(%dma_start3A_60 : memref<128x128xi32, #tpu.memory_space<hbm>>) target_semaphore(%run_scoped3A : memref<!tpu.dma_semaphore, #tpu.memory_space<semaphore_mem>>)
      %dma_wait3A_61 = arith.constant 0 : i32
      %dma_wait3A_62 = tpu.memref_slice %arg4[%add3A_44, %dma_wait3A_61] : memref<204800x128xi32, #tpu.memory_space<hbm>> -> memref<128x128xi32, #tpu.memory_space<hbm>>
      %dma_wait3A_63 = arith.constant 0 : i32
      %dma_wait3A_64 = tpu.memref_slice %arg4[%add3A_44, %dma_wait3A_63] : memref<204800x128xi32, #tpu.memory_space<hbm>> -> memref<128x128xi32, #tpu.memory_space<hbm>>
      tpu.wait_dma2 semaphore(%run_scoped3A : memref<!tpu.dma_semaphore, #tpu.memory_space<semaphore_mem>>) src(%arg6 : memref<128x128xi32, #tpu.memory_space<vmem>>) dst(%dma_wait3A_64 : memref<128x128xi32, #tpu.memory_space<hbm>>)
      tpu.yield
    }) : () -> ()
    %dma_wait3A_45 = arith.constant 0 : i32
    %dma_wait3A_46 = arith.constant 0 : i32
    %dma_wait3A_47 = tpu.memref_slice %arg5[%dma_wait3A_45, %dma_wait3A_46] : memref<100x128xi32, #tpu.memory_space<vmem>> -> memref<1x128xi32, #tpu.memory_space<vmem>>
    %dma_wait3A_48 = tpu.memref_squeeze %dma_wait3A_47 : memref<1x128xi32, #tpu.memory_space<vmem>> -> memref<128xi32, #tpu.memory_space<vmem>>
    %dma_wait3A_49 = arith.constant 0 : i32
    %dma_wait3A_50 = arith.constant 0 : i32
    %dma_wait3A_51 = tpu.memref_slice %arg2[%dma_wait3A_49, %dma_wait3A_50] : memref<20000x128xi32, #tpu.memory_space<hbm>> -> memref<20000x128xi32, #tpu.memory_space<hbm>>
    tpu.wait_indirect_dma semaphore(%arg9 : memref<!tpu.dma_semaphore, #tpu.memory_space<semaphore_mem>>) src(%dma_wait3A_51 : memref<20000x128xi32, #tpu.memory_space<hbm>>) dst(%arg7 : memref<128x128xi32, #tpu.memory_space<vmem>>)
    %add3A_52 = arith.constant 1 : i32
    %add3A_53 = arith.addi %add3A_35, %add3A_52 : i32
    %mul3A_54 = arith.constant 128 : i32
    %mul3A_55 = arith.muli %add3A_53, %mul3A_54 : i32
    %add3A_56 = arith.addi %mul3A_2, %mul3A_55 : i32
    "tpu.region"() ({
      %run_scoped3A = tpu.sem_alloc : memref<!tpu.dma_semaphore, #tpu.memory_space<semaphore_mem>>
      %dma_start3A_57 = arith.constant 0 : i32
      %dma_start3A_58 = tpu.memref_slice %arg4[%add3A_56, %dma_start3A_57] : memref<204800x128xi32, #tpu.memory_space<hbm>> -> memref<128x128xi32, #tpu.memory_space<hbm>>
      %dma_start3A_59 = arith.constant 0 : i32
      %dma_start3A_60 = tpu.memref_slice %arg4[%add3A_56, %dma_start3A_59] : memref<204800x128xi32, #tpu.memory_space<hbm>> -> memref<128x128xi32, #tpu.memory_space<hbm>>
      tpu.enqueue_dma source(%arg7 : memref<128x128xi32, #tpu.memory_space<vmem>>) target(%dma_start3A_60 : memref<128x128xi32, #tpu.memory_space<hbm>>) target_semaphore(%run_scoped3A : memref<!tpu.dma_semaphore, #tpu.memory_space<semaphore_mem>>)
      %dma_wait3A_61 = arith.constant 0 : i32
      %dma_wait3A_62 = tpu.memref_slice %arg4[%add3A_56, %dma_wait3A_61] : memref<204800x128xi32, #tpu.memory_space<hbm>> -> memref<128x128xi32, #tpu.memory_space<hbm>>
      %dma_wait3A_63 = arith.constant 0 : i32
      %dma_wait3A_64 = tpu.memref_slice %arg4[%add3A_56, %dma_wait3A_63] : memref<204800x128xi32, #tpu.memory_space<hbm>> -> memref<128x128xi32, #tpu.memory_space<hbm>>
      tpu.wait_dma2 semaphore(%run_scoped3A : memref<!tpu.dma_semaphore, #tpu.memory_space<semaphore_mem>>) src(%arg7 : memref<128x128xi32, #tpu.memory_space<vmem>>) dst(%dma_wait3A_64 : memref<128x128xi32, #tpu.memory_space<hbm>>)
      tpu.yield
    }) : () -> ()
    return
  }
}

#map = affine_map<(d0, d1) -> (0, 0)>
#map1 = affine_map<(d0, d1) -> (0, 0, 0)>
module attributes {stable_mosaic.version = 14 : i64} {
  func.func @scatter_add(%arg0: i32, %arg1: i32, %arg2: memref<102400x256xf32, #tpu.memory_space<hbm>>, %arg3: memref<16x50x128xi32, #tpu.memory_space<hbm>>, %arg4: memref<640x128xf32, #tpu.memory_space<hbm>>, %arg5: memref<10240x256xf32, #tpu.memory_space<hbm>>, %arg6: memref<50x128xi32, #tpu.memory_space<vmem>>, %arg7: memref<128x128xf32, #tpu.memory_space<vmem>>, %arg8: memref<128x128xf32, #tpu.memory_space<vmem>>, %arg9: memref<10240x128xf32, #tpu.memory_space<vmem_shared>>, %arg10: memref<!tpu.dma_semaphore, #tpu.memory_space<semaphore_mem>>, %arg11: memref<!tpu.dma_semaphore, #tpu.memory_space<semaphore_mem>>) attributes {dimension_semantics = [#tpu.dimension_semantics<core_parallel>, #tpu.dimension_semantics<subcore_parallel>], iteration_bounds = array<i64: 2, 16>, scalar_prefetch = 0 : i64, scratch_operands = 6 : i64, tpu.core_type = #tpu.core_type<sc_vector_subcore>, window_params = [{transform_indices = #map}, {transform_indices = #map1}, {transform_indices = #map}, {transform_indices = #map}]} {
    %mul3A = arith.constant 640 : i32
    %mul3A_0 = arith.muli %arg1, %mul3A : i32
    "tpu.region"() ({
      %run_scoped3A_33 = tpu.sem_alloc : memref<!tpu.dma_semaphore, #tpu.memory_space<semaphore_mem>>
      %dma_start3A_34 = arith.constant 0 : i32
      %dma_start3A_35 = tpu.memref_slice %arg9[%mul3A_0, %dma_start3A_34] : memref<10240x128xf32, #tpu.memory_space<vmem_shared>> -> memref<640x128xf32, #tpu.memory_space<vmem_shared>>
      tpu.enqueue_dma source(%arg4 : memref<640x128xf32, #tpu.memory_space<hbm>>) target(%dma_start3A_35 : memref<640x128xf32, #tpu.memory_space<vmem_shared>>) target_semaphore(%run_scoped3A_33 : memref<!tpu.dma_semaphore, #tpu.memory_space<semaphore_mem>>)
      %dma_wait3A_36 = arith.constant 0 : i32
      %dma_wait3A_37 = tpu.memref_slice %arg9[%mul3A_0, %dma_wait3A_36] : memref<10240x128xf32, #tpu.memory_space<vmem_shared>> -> memref<640x128xf32, #tpu.memory_space<vmem_shared>>
      tpu.wait_dma2 semaphore(%run_scoped3A_33 : memref<!tpu.dma_semaphore, #tpu.memory_space<semaphore_mem>>) src(%arg4 : memref<640x128xf32, #tpu.memory_space<hbm>>) dst(%dma_wait3A_37 : memref<640x128xf32, #tpu.memory_space<vmem_shared>>)
      tpu.yield
    }) : () -> ()
    "tpu.region"() ({
      %run_scoped3A_33 = tpu.sem_alloc : memref<!tpu.dma_semaphore, #tpu.memory_space<semaphore_mem>>
      %dma_start3A_34 = arith.constant 0 : i32
      %dma_start3A_35 = arith.constant 0 : i32
      %dma_start3A_36 = tpu.memref_slice %arg3[%arg1, %dma_start3A_34, %dma_start3A_35] : memref<16x50x128xi32, #tpu.memory_space<hbm>> -> memref<1x50x128xi32, #tpu.memory_space<hbm>>
      %dma_start3A_37 = tpu.memref_squeeze %dma_start3A_36 : memref<1x50x128xi32, #tpu.memory_space<hbm>> -> memref<50x128xi32, #tpu.memory_space<hbm>>
      %dma_start3A_38 = arith.constant 0 : i32
      %dma_start3A_39 = arith.constant 0 : i32
      %dma_start3A_40 = tpu.memref_slice %arg3[%arg1, %dma_start3A_38, %dma_start3A_39] : memref<16x50x128xi32, #tpu.memory_space<hbm>> -> memref<1x50x128xi32, #tpu.memory_space<hbm>>
      %dma_start3A_41 = tpu.memref_squeeze %dma_start3A_40 : memref<1x50x128xi32, #tpu.memory_space<hbm>> -> memref<50x128xi32, #tpu.memory_space<hbm>>
      tpu.enqueue_dma source(%dma_start3A_41 : memref<50x128xi32, #tpu.memory_space<hbm>>) target(%arg6 : memref<50x128xi32, #tpu.memory_space<vmem>>) target_semaphore(%run_scoped3A_33 : memref<!tpu.dma_semaphore, #tpu.memory_space<semaphore_mem>>)
      %dma_wait3A_42 = arith.constant 0 : i32
      %dma_wait3A_43 = arith.constant 0 : i32
      %dma_wait3A_44 = tpu.memref_slice %arg3[%arg1, %dma_wait3A_42, %dma_wait3A_43] : memref<16x50x128xi32, #tpu.memory_space<hbm>> -> memref<1x50x128xi32, #tpu.memory_space<hbm>>
      %dma_wait3A_45 = tpu.memref_squeeze %dma_wait3A_44 : memref<1x50x128xi32, #tpu.memory_space<hbm>> -> memref<50x128xi32, #tpu.memory_space<hbm>>
      %dma_wait3A_46 = arith.constant 0 : i32
      %dma_wait3A_47 = arith.constant 0 : i32
      %dma_wait3A_48 = tpu.memref_slice %arg3[%arg1, %dma_wait3A_46, %dma_wait3A_47] : memref<16x50x128xi32, #tpu.memory_space<hbm>> -> memref<1x50x128xi32, #tpu.memory_space<hbm>>
      %dma_wait3A_49 = tpu.memref_squeeze %dma_wait3A_48 : memref<1x50x128xi32, #tpu.memory_space<hbm>> -> memref<50x128xi32, #tpu.memory_space<hbm>>
      tpu.wait_dma2 semaphore(%run_scoped3A_33 : memref<!tpu.dma_semaphore, #tpu.memory_space<semaphore_mem>>) src(%dma_wait3A_49 : memref<50x128xi32, #tpu.memory_space<hbm>>) dst(%arg6 : memref<50x128xi32, #tpu.memory_space<vmem>>)
      tpu.yield
    }) : () -> ()
    %barrier3A = arith.constant 0 : index
    tpu.barrier barrier_id(%barrier3A)
    %mul3A_1 = arith.constant 50 : i32
    %mul3A_2 = arith.muli %arg1, %mul3A_1 : i32
    %mul3A_3 = arith.constant 128 : i32
    %mul3A_4 = arith.muli %mul3A_2, %mul3A_3 : i32
    %mul3A_5 = arith.constant 128 : i32
    %mul3A_6 = arith.muli %arg0, %mul3A_5 : i32
    %add3A = arith.constant 0 : i32
    %add3A_7 = arith.addi %mul3A_4, %add3A : i32
    %dma_start3A = tpu.memref_slice %arg2[%add3A_7, %mul3A_6] : memref<102400x256xf32, #tpu.memory_space<hbm>> -> memref<128x128xf32, #tpu.memory_space<hbm>>
    %dma_start3A_8 = tpu.memref_slice %arg2[%add3A_7, %mul3A_6] : memref<102400x256xf32, #tpu.memory_space<hbm>> -> memref<128x128xf32, #tpu.memory_space<hbm>>
    tpu.enqueue_dma source(%dma_start3A_8 : memref<128x128xf32, #tpu.memory_space<hbm>>) target(%arg7 : memref<128x128xf32, #tpu.memory_space<vmem>>) target_semaphore(%arg10 : memref<!tpu.dma_semaphore, #tpu.memory_space<semaphore_mem>>)
    %add3A_9 = arith.constant 128 : i32
    %add3A_10 = arith.addi %mul3A_4, %add3A_9 : i32
    %dma_start3A_11 = tpu.memref_slice %arg2[%add3A_10, %mul3A_6] : memref<102400x256xf32, #tpu.memory_space<hbm>> -> memref<128x128xf32, #tpu.memory_space<hbm>>
    %dma_start3A_12 = tpu.memref_slice %arg2[%add3A_10, %mul3A_6] : memref<102400x256xf32, #tpu.memory_space<hbm>> -> memref<128x128xf32, #tpu.memory_space<hbm>>
    tpu.enqueue_dma source(%dma_start3A_12 : memref<128x128xf32, #tpu.memory_space<hbm>>) target(%arg8 : memref<128x128xf32, #tpu.memory_space<vmem>>) target_semaphore(%arg11 : memref<!tpu.dma_semaphore, #tpu.memory_space<semaphore_mem>>)
    %scan3A = arith.constant 0 : i32
    %scan3A_13 = arith.constant 0 : i32
    %scan3A_14 = arith.constant 24 : i32
    %scan3A_15 = arith.addi %scan3A_13, %scan3A_14 : i32
    %scan3A_16 = arith.constant 1 : i32
    scf.for %scan3A_33 = %scan3A_13 to %scan3A_15 step %scan3A_16  : i32 {
      %dma_wait3A_34 = arith.constant 0 : i32
      %dma_wait3A_35 = tpu.memref_slice %arg2[%dma_wait3A_34, %mul3A_6] : memref<102400x256xf32, #tpu.memory_space<hbm>> -> memref<128x128xf32, #tpu.memory_space<hbm>>
      %dma_wait3A_36 = arith.constant 0 : i32
      %dma_wait3A_37 = tpu.memref_slice %arg2[%dma_wait3A_36, %mul3A_6] : memref<102400x256xf32, #tpu.memory_space<hbm>> -> memref<128x128xf32, #tpu.memory_space<hbm>>
      tpu.wait_dma2 semaphore(%arg10 : memref<!tpu.dma_semaphore, #tpu.memory_space<semaphore_mem>>) src(%dma_wait3A_37 : memref<128x128xf32, #tpu.memory_space<hbm>>) dst(%arg7 : memref<128x128xf32, #tpu.memory_space<vmem>>)
      %mul3A_38 = arith.constant 2 : i32
      %mul3A_39 = arith.muli %mul3A_38, %scan3A_33 : i32
      "tpu.region"() ({
        %run_scoped3A_66 = tpu.sem_alloc : memref<!tpu.dma_semaphore, #tpu.memory_space<semaphore_mem>>
        %dma_start3A_67 = arith.constant 0 : i32
        %dma_start3A_68 = tpu.memref_slice %arg6[%mul3A_39, %dma_start3A_67] : memref<50x128xi32, #tpu.memory_space<vmem>> -> memref<1x128xi32, #tpu.memory_space<vmem>>
        %dma_start3A_69 = tpu.memref_squeeze %dma_start3A_68 : memref<1x128xi32, #tpu.memory_space<vmem>> -> memref<128xi32, #tpu.memory_space<vmem>>
        %dma_start3A_70 = arith.constant 0 : i32
        %dma_start3A_71 = arith.constant 0 : i32
        %dma_start3A_72 = tpu.memref_slice %arg9[%dma_start3A_70, %dma_start3A_71] : memref<10240x128xf32, #tpu.memory_space<vmem_shared>> -> memref<10240x128xf32, #tpu.memory_space<vmem_shared>>
        tpu.enqueue_indirect_dma source(%arg7 : memref<128x128xf32, #tpu.memory_space<vmem>>) target(%dma_start3A_72 : memref<10240x128xf32, #tpu.memory_space<vmem_shared>>) offsets(%dma_start3A_69 : memref<128xi32, #tpu.memory_space<vmem>>) semaphore(%run_scoped3A_66 : memref<!tpu.dma_semaphore, #tpu.memory_space<semaphore_mem>>) {add = true}
        %dma_wait3A_73 = arith.constant 0 : i32
        %dma_wait3A_74 = tpu.memref_slice %arg6[%mul3A_39, %dma_wait3A_73] : memref<50x128xi32, #tpu.memory_space<vmem>> -> memref<1x128xi32, #tpu.memory_space<vmem>>
        %dma_wait3A_75 = tpu.memref_squeeze %dma_wait3A_74 : memref<1x128xi32, #tpu.memory_space<vmem>> -> memref<128xi32, #tpu.memory_space<vmem>>
        %dma_wait3A_76 = arith.constant 0 : i32
        %dma_wait3A_77 = arith.constant 0 : i32
        %dma_wait3A_78 = tpu.memref_slice %arg9[%dma_wait3A_76, %dma_wait3A_77] : memref<10240x128xf32, #tpu.memory_space<vmem_shared>> -> memref<10240x128xf32, #tpu.memory_space<vmem_shared>>
        tpu.wait_indirect_dma semaphore(%run_scoped3A_66 : memref<!tpu.dma_semaphore, #tpu.memory_space<semaphore_mem>>) src(%arg7 : memref<128x128xf32, #tpu.memory_space<vmem>>) dst(%dma_wait3A_78 : memref<10240x128xf32, #tpu.memory_space<vmem_shared>>)
        tpu.yield
      }) : () -> ()
      %mul3A_40 = arith.constant 2 : i32
      %mul3A_41 = arith.muli %mul3A_40, %scan3A_33 : i32
      %add3A_42 = arith.constant 2 : i32
      %add3A_43 = arith.addi %mul3A_41, %add3A_42 : i32
      %mul3A_44 = arith.constant 128 : i32
      %mul3A_45 = arith.muli %add3A_43, %mul3A_44 : i32
      %add3A_46 = arith.addi %mul3A_4, %mul3A_45 : i32
      %dma_start3A_47 = tpu.memref_slice %arg2[%add3A_46, %mul3A_6] : memref<102400x256xf32, #tpu.memory_space<hbm>> -> memref<128x128xf32, #tpu.memory_space<hbm>>
      %dma_start3A_48 = tpu.memref_slice %arg2[%add3A_46, %mul3A_6] : memref<102400x256xf32, #tpu.memory_space<hbm>> -> memref<128x128xf32, #tpu.memory_space<hbm>>
      tpu.enqueue_dma source(%dma_start3A_48 : memref<128x128xf32, #tpu.memory_space<hbm>>) target(%arg7 : memref<128x128xf32, #tpu.memory_space<vmem>>) target_semaphore(%arg10 : memref<!tpu.dma_semaphore, #tpu.memory_space<semaphore_mem>>)
      %dma_wait3A_49 = arith.constant 0 : i32
      %dma_wait3A_50 = tpu.memref_slice %arg2[%dma_wait3A_49, %mul3A_6] : memref<102400x256xf32, #tpu.memory_space<hbm>> -> memref<128x128xf32, #tpu.memory_space<hbm>>
      %dma_wait3A_51 = arith.constant 0 : i32
      %dma_wait3A_52 = tpu.memref_slice %arg2[%dma_wait3A_51, %mul3A_6] : memref<102400x256xf32, #tpu.memory_space<hbm>> -> memref<128x128xf32, #tpu.memory_space<hbm>>
      tpu.wait_dma2 semaphore(%arg11 : memref<!tpu.dma_semaphore, #tpu.memory_space<semaphore_mem>>) src(%dma_wait3A_52 : memref<128x128xf32, #tpu.memory_space<hbm>>) dst(%arg8 : memref<128x128xf32, #tpu.memory_space<vmem>>)
      %mul3A_53 = arith.constant 2 : i32
      %mul3A_54 = arith.muli %mul3A_53, %scan3A_33 : i32
      %add3A_55 = arith.constant 1 : i32
      %add3A_56 = arith.addi %mul3A_54, %add3A_55 : i32
      "tpu.region"() ({
        %run_scoped3A_66 = tpu.sem_alloc : memref<!tpu.dma_semaphore, #tpu.memory_space<semaphore_mem>>
        %dma_start3A_67 = arith.constant 0 : i32
        %dma_start3A_68 = tpu.memref_slice %arg6[%add3A_56, %dma_start3A_67] : memref<50x128xi32, #tpu.memory_space<vmem>> -> memref<1x128xi32, #tpu.memory_space<vmem>>
        %dma_start3A_69 = tpu.memref_squeeze %dma_start3A_68 : memref<1x128xi32, #tpu.memory_space<vmem>> -> memref<128xi32, #tpu.memory_space<vmem>>
        %dma_start3A_70 = arith.constant 0 : i32
        %dma_start3A_71 = arith.constant 0 : i32
        %dma_start3A_72 = tpu.memref_slice %arg9[%dma_start3A_70, %dma_start3A_71] : memref<10240x128xf32, #tpu.memory_space<vmem_shared>> -> memref<10240x128xf32, #tpu.memory_space<vmem_shared>>
        tpu.enqueue_indirect_dma source(%arg8 : memref<128x128xf32, #tpu.memory_space<vmem>>) target(%dma_start3A_72 : memref<10240x128xf32, #tpu.memory_space<vmem_shared>>) offsets(%dma_start3A_69 : memref<128xi32, #tpu.memory_space<vmem>>) semaphore(%run_scoped3A_66 : memref<!tpu.dma_semaphore, #tpu.memory_space<semaphore_mem>>) {add = true}
        %dma_wait3A_73 = arith.constant 0 : i32
        %dma_wait3A_74 = tpu.memref_slice %arg6[%add3A_56, %dma_wait3A_73] : memref<50x128xi32, #tpu.memory_space<vmem>> -> memref<1x128xi32, #tpu.memory_space<vmem>>
        %dma_wait3A_75 = tpu.memref_squeeze %dma_wait3A_74 : memref<1x128xi32, #tpu.memory_space<vmem>> -> memref<128xi32, #tpu.memory_space<vmem>>
        %dma_wait3A_76 = arith.constant 0 : i32
        %dma_wait3A_77 = arith.constant 0 : i32
        %dma_wait3A_78 = tpu.memref_slice %arg9[%dma_wait3A_76, %dma_wait3A_77] : memref<10240x128xf32, #tpu.memory_space<vmem_shared>> -> memref<10240x128xf32, #tpu.memory_space<vmem_shared>>
        tpu.wait_indirect_dma semaphore(%run_scoped3A_66 : memref<!tpu.dma_semaphore, #tpu.memory_space<semaphore_mem>>) src(%arg8 : memref<128x128xf32, #tpu.memory_space<vmem>>) dst(%dma_wait3A_78 : memref<10240x128xf32, #tpu.memory_space<vmem_shared>>)
        tpu.yield
      }) : () -> ()
      %mul3A_57 = arith.constant 2 : i32
      %mul3A_58 = arith.muli %mul3A_57, %scan3A_33 : i32
      %add3A_59 = arith.constant 3 : i32
      %add3A_60 = arith.addi %mul3A_58, %add3A_59 : i32
      %mul3A_61 = arith.constant 128 : i32
      %mul3A_62 = arith.muli %add3A_60, %mul3A_61 : i32
      %add3A_63 = arith.addi %mul3A_4, %mul3A_62 : i32
      %dma_start3A_64 = tpu.memref_slice %arg2[%add3A_63, %mul3A_6] : memref<102400x256xf32, #tpu.memory_space<hbm>> -> memref<128x128xf32, #tpu.memory_space<hbm>>
      %dma_start3A_65 = tpu.memref_slice %arg2[%add3A_63, %mul3A_6] : memref<102400x256xf32, #tpu.memory_space<hbm>> -> memref<128x128xf32, #tpu.memory_space<hbm>>
      tpu.enqueue_dma source(%dma_start3A_65 : memref<128x128xf32, #tpu.memory_space<hbm>>) target(%arg8 : memref<128x128xf32, #tpu.memory_space<vmem>>) target_semaphore(%arg11 : memref<!tpu.dma_semaphore, #tpu.memory_space<semaphore_mem>>)
    }
    %scan3A_17 = arith.constant 24 : i32
    %dma_wait3A = arith.constant 0 : i32
    %dma_wait3A_18 = tpu.memref_slice %arg2[%dma_wait3A, %mul3A_6] : memref<102400x256xf32, #tpu.memory_space<hbm>> -> memref<128x128xf32, #tpu.memory_space<hbm>>
    %dma_wait3A_19 = arith.constant 0 : i32
    %dma_wait3A_20 = tpu.memref_slice %arg2[%dma_wait3A_19, %mul3A_6] : memref<102400x256xf32, #tpu.memory_space<hbm>> -> memref<128x128xf32, #tpu.memory_space<hbm>>
    tpu.wait_dma2 semaphore(%arg10 : memref<!tpu.dma_semaphore, #tpu.memory_space<semaphore_mem>>) src(%dma_wait3A_20 : memref<128x128xf32, #tpu.memory_space<hbm>>) dst(%arg7 : memref<128x128xf32, #tpu.memory_space<vmem>>)
    %run_scoped3A = arith.constant 48 : i32
    "tpu.region"() ({
      %run_scoped3A_33 = tpu.sem_alloc : memref<!tpu.dma_semaphore, #tpu.memory_space<semaphore_mem>>
      %dma_start3A_34 = arith.constant 0 : i32
      %dma_start3A_35 = tpu.memref_slice %arg6[%run_scoped3A, %dma_start3A_34] : memref<50x128xi32, #tpu.memory_space<vmem>> -> memref<1x128xi32, #tpu.memory_space<vmem>>
      %dma_start3A_36 = tpu.memref_squeeze %dma_start3A_35 : memref<1x128xi32, #tpu.memory_space<vmem>> -> memref<128xi32, #tpu.memory_space<vmem>>
      %dma_start3A_37 = arith.constant 0 : i32
      %dma_start3A_38 = arith.constant 0 : i32
      %dma_start3A_39 = tpu.memref_slice %arg9[%dma_start3A_37, %dma_start3A_38] : memref<10240x128xf32, #tpu.memory_space<vmem_shared>> -> memref<10240x128xf32, #tpu.memory_space<vmem_shared>>
      tpu.enqueue_indirect_dma source(%arg7 : memref<128x128xf32, #tpu.memory_space<vmem>>) target(%dma_start3A_39 : memref<10240x128xf32, #tpu.memory_space<vmem_shared>>) offsets(%dma_start3A_36 : memref<128xi32, #tpu.memory_space<vmem>>) semaphore(%run_scoped3A_33 : memref<!tpu.dma_semaphore, #tpu.memory_space<semaphore_mem>>) {add = true}
      %dma_wait3A_40 = arith.constant 0 : i32
      %dma_wait3A_41 = tpu.memref_slice %arg6[%run_scoped3A, %dma_wait3A_40] : memref<50x128xi32, #tpu.memory_space<vmem>> -> memref<1x128xi32, #tpu.memory_space<vmem>>
      %dma_wait3A_42 = tpu.memref_squeeze %dma_wait3A_41 : memref<1x128xi32, #tpu.memory_space<vmem>> -> memref<128xi32, #tpu.memory_space<vmem>>
      %dma_wait3A_43 = arith.constant 0 : i32
      %dma_wait3A_44 = arith.constant 0 : i32
      %dma_wait3A_45 = tpu.memref_slice %arg9[%dma_wait3A_43, %dma_wait3A_44] : memref<10240x128xf32, #tpu.memory_space<vmem_shared>> -> memref<10240x128xf32, #tpu.memory_space<vmem_shared>>
      tpu.wait_indirect_dma semaphore(%run_scoped3A_33 : memref<!tpu.dma_semaphore, #tpu.memory_space<semaphore_mem>>) src(%arg7 : memref<128x128xf32, #tpu.memory_space<vmem>>) dst(%dma_wait3A_45 : memref<10240x128xf32, #tpu.memory_space<vmem_shared>>)
      tpu.yield
    }) : () -> ()
    %dma_wait3A_21 = arith.constant 0 : i32
    %dma_wait3A_22 = tpu.memref_slice %arg2[%dma_wait3A_21, %mul3A_6] : memref<102400x256xf32, #tpu.memory_space<hbm>> -> memref<128x128xf32, #tpu.memory_space<hbm>>
    %dma_wait3A_23 = arith.constant 0 : i32
    %dma_wait3A_24 = tpu.memref_slice %arg2[%dma_wait3A_23, %mul3A_6] : memref<102400x256xf32, #tpu.memory_space<hbm>> -> memref<128x128xf32, #tpu.memory_space<hbm>>
    tpu.wait_dma2 semaphore(%arg11 : memref<!tpu.dma_semaphore, #tpu.memory_space<semaphore_mem>>) src(%dma_wait3A_24 : memref<128x128xf32, #tpu.memory_space<hbm>>) dst(%arg8 : memref<128x128xf32, #tpu.memory_space<vmem>>)
    %run_scoped3A_25 = arith.constant 49 : i32
    "tpu.region"() ({
      %run_scoped3A_33 = tpu.sem_alloc : memref<!tpu.dma_semaphore, #tpu.memory_space<semaphore_mem>>
      %dma_start3A_34 = arith.constant 0 : i32
      %dma_start3A_35 = tpu.memref_slice %arg6[%run_scoped3A_25, %dma_start3A_34] : memref<50x128xi32, #tpu.memory_space<vmem>> -> memref<1x128xi32, #tpu.memory_space<vmem>>
      %dma_start3A_36 = tpu.memref_squeeze %dma_start3A_35 : memref<1x128xi32, #tpu.memory_space<vmem>> -> memref<128xi32, #tpu.memory_space<vmem>>
      %dma_start3A_37 = arith.constant 0 : i32
      %dma_start3A_38 = arith.constant 0 : i32
      %dma_start3A_39 = tpu.memref_slice %arg9[%dma_start3A_37, %dma_start3A_38] : memref<10240x128xf32, #tpu.memory_space<vmem_shared>> -> memref<10240x128xf32, #tpu.memory_space<vmem_shared>>
      tpu.enqueue_indirect_dma source(%arg8 : memref<128x128xf32, #tpu.memory_space<vmem>>) target(%dma_start3A_39 : memref<10240x128xf32, #tpu.memory_space<vmem_shared>>) offsets(%dma_start3A_36 : memref<128xi32, #tpu.memory_space<vmem>>) semaphore(%run_scoped3A_33 : memref<!tpu.dma_semaphore, #tpu.memory_space<semaphore_mem>>) {add = true}
      %dma_wait3A_40 = arith.constant 0 : i32
      %dma_wait3A_41 = tpu.memref_slice %arg6[%run_scoped3A_25, %dma_wait3A_40] : memref<50x128xi32, #tpu.memory_space<vmem>> -> memref<1x128xi32, #tpu.memory_space<vmem>>
      %dma_wait3A_42 = tpu.memref_squeeze %dma_wait3A_41 : memref<1x128xi32, #tpu.memory_space<vmem>> -> memref<128xi32, #tpu.memory_space<vmem>>
      %dma_wait3A_43 = arith.constant 0 : i32
      %dma_wait3A_44 = arith.constant 0 : i32
      %dma_wait3A_45 = tpu.memref_slice %arg9[%dma_wait3A_43, %dma_wait3A_44] : memref<10240x128xf32, #tpu.memory_space<vmem_shared>> -> memref<10240x128xf32, #tpu.memory_space<vmem_shared>>
      tpu.wait_indirect_dma semaphore(%run_scoped3A_33 : memref<!tpu.dma_semaphore, #tpu.memory_space<semaphore_mem>>) src(%arg8 : memref<128x128xf32, #tpu.memory_space<vmem>>) dst(%dma_wait3A_45 : memref<10240x128xf32, #tpu.memory_space<vmem_shared>>)
      tpu.yield
    }) : () -> ()
    %barrier3A_26 = arith.constant 0 : index
    tpu.barrier barrier_id(%barrier3A_26)
    %mul3A_27 = arith.constant 640 : i32
    %mul3A_28 = arith.muli %arg1, %mul3A_27 : i32
    %mul3A_29 = arith.constant 640 : i32
    %mul3A_30 = arith.muli %arg1, %mul3A_29 : i32
    %mul3A_31 = arith.constant 128 : i32
    %mul3A_32 = arith.muli %arg0, %mul3A_31 : i32
    "tpu.region"() ({
      %run_scoped3A_33 = tpu.sem_alloc : memref<!tpu.dma_semaphore, #tpu.memory_space<semaphore_mem>>
      %dma_start3A_34 = tpu.memref_slice %arg5[%mul3A_30, %mul3A_32] : memref<10240x256xf32, #tpu.memory_space<hbm>> -> memref<640x128xf32, #tpu.memory_space<hbm>>
      %dma_start3A_35 = arith.constant 0 : i32
      %dma_start3A_36 = tpu.memref_slice %arg9[%mul3A_28, %dma_start3A_35] : memref<10240x128xf32, #tpu.memory_space<vmem_shared>> -> memref<640x128xf32, #tpu.memory_space<vmem_shared>>
      tpu.enqueue_dma source(%dma_start3A_36 : memref<640x128xf32, #tpu.memory_space<vmem_shared>>) target(%dma_start3A_34 : memref<640x128xf32, #tpu.memory_space<hbm>>) target_semaphore(%run_scoped3A_33 : memref<!tpu.dma_semaphore, #tpu.memory_space<semaphore_mem>>)
      %dma_wait3A_37 = tpu.memref_slice %arg5[%mul3A_30, %mul3A_32] : memref<10240x256xf32, #tpu.memory_space<hbm>> -> memref<640x128xf32, #tpu.memory_space<hbm>>
      %dma_wait3A_38 = arith.constant 0 : i32
      %dma_wait3A_39 = tpu.memref_slice %arg9[%mul3A_28, %dma_wait3A_38] : memref<10240x128xf32, #tpu.memory_space<vmem_shared>> -> memref<640x128xf32, #tpu.memory_space<vmem_shared>>
      tpu.wait_dma2 semaphore(%run_scoped3A_33 : memref<!tpu.dma_semaphore, #tpu.memory_space<semaphore_mem>>) src(%dma_wait3A_39 : memref<640x128xf32, #tpu.memory_space<vmem_shared>>) dst(%dma_wait3A_37 : memref<640x128xf32, #tpu.memory_space<hbm>>)
      tpu.yield
    }) : () -> ()
    return
  }
}

#map = affine_map<(d0, d1) -> (0, 0)>
#map1 = affine_map<(d0, d1) -> (0, 0, 0)>
module attributes {stable_mosaic.version = 14 : i64} {
  func.func @scatter_add(%arg0: i32, %arg1: i32, %arg2: memref<102400x256xf32, #tpu.memory_space<hbm>>, %arg3: memref<16x50x128xi32, #tpu.memory_space<hbm>>, %arg4: memref<640x128xf32, #tpu.memory_space<hbm>>, %arg5: memref<10240x256xf32, #tpu.memory_space<hbm>>, %arg6: memref<50x128xi32, #tpu.memory_space<vmem>>, %arg7: memref<128x128xf32, #tpu.memory_space<vmem>>, %arg8: memref<128x128xf32, #tpu.memory_space<vmem>>, %arg9: memref<10240x128xf32, #tpu.memory_space<vmem_shared>>, %arg10: memref<!tpu.dma_semaphore, #tpu.memory_space<semaphore_mem>>, %arg11: memref<!tpu.dma_semaphore, #tpu.memory_space<semaphore_mem>>) attributes {dimension_semantics = [#tpu.dimension_semantics<core_parallel>, #tpu.dimension_semantics<subcore_parallel>], iteration_bounds = array<i64: 2, 16>, scalar_prefetch = 0 : i64, scratch_operands = 6 : i64, tpu.core_type = #tpu.core_type<sc_vector_subcore>, window_params = [{transform_indices = #map}, {transform_indices = #map1}, {transform_indices = #map}, {transform_indices = #map}]} {
    %mul3A = arith.constant 640 : i32
    %mul3A_0 = arith.muli %arg1, %mul3A : i32
    "tpu.region"() ({
      %run_scoped3A_33 = tpu.sem_alloc : memref<!tpu.dma_semaphore, #tpu.memory_space<semaphore_mem>>
      %dma_start3A_34 = arith.constant 0 : i32
      %dma_start3A_35 = tpu.memref_slice %arg9[%mul3A_0, %dma_start3A_34] : memref<10240x128xf32, #tpu.memory_space<vmem_shared>> -> memref<640x128xf32, #tpu.memory_space<vmem_shared>>
      tpu.enqueue_dma source(%arg4 : memref<640x128xf32, #tpu.memory_space<hbm>>) target(%dma_start3A_35 : memref<640x128xf32, #tpu.memory_space<vmem_shared>>) target_semaphore(%run_scoped3A_33 : memref<!tpu.dma_semaphore, #tpu.memory_space<semaphore_mem>>)
      %dma_wait3A_36 = arith.constant 0 : i32
      %dma_wait3A_37 = tpu.memref_slice %arg9[%mul3A_0, %dma_wait3A_36] : memref<10240x128xf32, #tpu.memory_space<vmem_shared>> -> memref<640x128xf32, #tpu.memory_space<vmem_shared>>
      tpu.wait_dma2 semaphore(%run_scoped3A_33 : memref<!tpu.dma_semaphore, #tpu.memory_space<semaphore_mem>>) src(%arg4 : memref<640x128xf32, #tpu.memory_space<hbm>>) dst(%dma_wait3A_37 : memref<640x128xf32, #tpu.memory_space<vmem_shared>>)
      tpu.yield
    }) : () -> ()
    "tpu.region"() ({
      %run_scoped3A_33 = tpu.sem_alloc : memref<!tpu.dma_semaphore, #tpu.memory_space<semaphore_mem>>
      %dma_start3A_34 = arith.constant 0 : i32
      %dma_start3A_35 = arith.constant 0 : i32
      %dma_start3A_36 = tpu.memref_slice %arg3[%arg1, %dma_start3A_34, %dma_start3A_35] : memref<16x50x128xi32, #tpu.memory_space<hbm>> -> memref<1x50x128xi32, #tpu.memory_space<hbm>>
      %dma_start3A_37 = tpu.memref_squeeze %dma_start3A_36 : memref<1x50x128xi32, #tpu.memory_space<hbm>> -> memref<50x128xi32, #tpu.memory_space<hbm>>
      %dma_start3A_38 = arith.constant 0 : i32
      %dma_start3A_39 = arith.constant 0 : i32
      %dma_start3A_40 = tpu.memref_slice %arg3[%arg1, %dma_start3A_38, %dma_start3A_39] : memref<16x50x128xi32, #tpu.memory_space<hbm>> -> memref<1x50x128xi32, #tpu.memory_space<hbm>>
      %dma_start3A_41 = tpu.memref_squeeze %dma_start3A_40 : memref<1x50x128xi32, #tpu.memory_space<hbm>> -> memref<50x128xi32, #tpu.memory_space<hbm>>
      tpu.enqueue_dma source(%dma_start3A_41 : memref<50x128xi32, #tpu.memory_space<hbm>>) target(%arg6 : memref<50x128xi32, #tpu.memory_space<vmem>>) target_semaphore(%run_scoped3A_33 : memref<!tpu.dma_semaphore, #tpu.memory_space<semaphore_mem>>)
      %dma_wait3A_42 = arith.constant 0 : i32
      %dma_wait3A_43 = arith.constant 0 : i32
      %dma_wait3A_44 = tpu.memref_slice %arg3[%arg1, %dma_wait3A_42, %dma_wait3A_43] : memref<16x50x128xi32, #tpu.memory_space<hbm>> -> memref<1x50x128xi32, #tpu.memory_space<hbm>>
      %dma_wait3A_45 = tpu.memref_squeeze %dma_wait3A_44 : memref<1x50x128xi32, #tpu.memory_space<hbm>> -> memref<50x128xi32, #tpu.memory_space<hbm>>
      %dma_wait3A_46 = arith.constant 0 : i32
      %dma_wait3A_47 = arith.constant 0 : i32
      %dma_wait3A_48 = tpu.memref_slice %arg3[%arg1, %dma_wait3A_46, %dma_wait3A_47] : memref<16x50x128xi32, #tpu.memory_space<hbm>> -> memref<1x50x128xi32, #tpu.memory_space<hbm>>
      %dma_wait3A_49 = tpu.memref_squeeze %dma_wait3A_48 : memref<1x50x128xi32, #tpu.memory_space<hbm>> -> memref<50x128xi32, #tpu.memory_space<hbm>>
      tpu.wait_dma2 semaphore(%run_scoped3A_33 : memref<!tpu.dma_semaphore, #tpu.memory_space<semaphore_mem>>) src(%dma_wait3A_49 : memref<50x128xi32, #tpu.memory_space<hbm>>) dst(%arg6 : memref<50x128xi32, #tpu.memory_space<vmem>>)
      tpu.yield
    }) : () -> ()
    %barrier3A = arith.constant 0 : index
    tpu.barrier barrier_id(%barrier3A)
    %mul3A_1 = arith.constant 50 : i32
    %mul3A_2 = arith.muli %arg1, %mul3A_1 : i32
    %mul3A_3 = arith.constant 128 : i32
    %mul3A_4 = arith.muli %mul3A_2, %mul3A_3 : i32
    %mul3A_5 = arith.constant 128 : i32
    %mul3A_6 = arith.muli %arg0, %mul3A_5 : i32
    %add3A = arith.constant 0 : i32
    %add3A_7 = arith.addi %mul3A_4, %add3A : i32
    %dma_start3A = tpu.memref_slice %arg2[%add3A_7, %mul3A_6] : memref<102400x256xf32, #tpu.memory_space<hbm>> -> memref<128x128xf32, #tpu.memory_space<hbm>>
    %dma_start3A_8 = tpu.memref_slice %arg2[%add3A_7, %mul3A_6] : memref<102400x256xf32, #tpu.memory_space<hbm>> -> memref<128x128xf32, #tpu.memory_space<hbm>>
    tpu.enqueue_dma source(%dma_start3A_8 : memref<128x128xf32, #tpu.memory_space<hbm>>) target(%arg7 : memref<128x128xf32, #tpu.memory_space<vmem>>) target_semaphore(%arg10 : memref<!tpu.dma_semaphore, #tpu.memory_space<semaphore_mem>>)
    %add3A_9 = arith.constant 128 : i32
    %add3A_10 = arith.addi %mul3A_4, %add3A_9 : i32
    %dma_start3A_11 = tpu.memref_slice %arg2[%add3A_10, %mul3A_6] : memref<102400x256xf32, #tpu.memory_space<hbm>> -> memref<128x128xf32, #tpu.memory_space<hbm>>
    %dma_start3A_12 = tpu.memref_slice %arg2[%add3A_10, %mul3A_6] : memref<102400x256xf32, #tpu.memory_space<hbm>> -> memref<128x128xf32, #tpu.memory_space<hbm>>
    tpu.enqueue_dma source(%dma_start3A_12 : memref<128x128xf32, #tpu.memory_space<hbm>>) target(%arg8 : memref<128x128xf32, #tpu.memory_space<vmem>>) target_semaphore(%arg11 : memref<!tpu.dma_semaphore, #tpu.memory_space<semaphore_mem>>)
    %scan3A = arith.constant 0 : i32
    %scan3A_13 = arith.constant 0 : i32
    %scan3A_14 = arith.constant 24 : i32
    %scan3A_15 = arith.addi %scan3A_13, %scan3A_14 : i32
    %scan3A_16 = arith.constant 1 : i32
    scf.for %scan3A_33 = %scan3A_13 to %scan3A_15 step %scan3A_16  : i32 {
      %dma_wait3A_34 = arith.constant 0 : i32
      %dma_wait3A_35 = tpu.memref_slice %arg2[%dma_wait3A_34, %mul3A_6] : memref<102400x256xf32, #tpu.memory_space<hbm>> -> memref<128x128xf32, #tpu.memory_space<hbm>>
      %dma_wait3A_36 = arith.constant 0 : i32
      %dma_wait3A_37 = tpu.memref_slice %arg2[%dma_wait3A_36, %mul3A_6] : memref<102400x256xf32, #tpu.memory_space<hbm>> -> memref<128x128xf32, #tpu.memory_space<hbm>>
      tpu.wait_dma2 semaphore(%arg10 : memref<!tpu.dma_semaphore, #tpu.memory_space<semaphore_mem>>) src(%dma_wait3A_37 : memref<128x128xf32, #tpu.memory_space<hbm>>) dst(%arg7 : memref<128x128xf32, #tpu.memory_space<vmem>>)
      %mul3A_38 = arith.constant 2 : i32
      %mul3A_39 = arith.muli %mul3A_38, %scan3A_33 : i32
      "tpu.region"() ({
        %run_scoped3A_66 = tpu.sem_alloc : memref<!tpu.dma_semaphore, #tpu.memory_space<semaphore_mem>>
        %dma_start3A_67 = arith.constant 0 : i32
        %dma_start3A_68 = tpu.memref_slice %arg6[%mul3A_39, %dma_start3A_67] : memref<50x128xi32, #tpu.memory_space<vmem>> -> memref<1x128xi32, #tpu.memory_space<vmem>>
        %dma_start3A_69 = tpu.memref_squeeze %dma_start3A_68 : memref<1x128xi32, #tpu.memory_space<vmem>> -> memref<128xi32, #tpu.memory_space<vmem>>
        %dma_start3A_70 = arith.constant 0 : i32
        %dma_start3A_71 = arith.constant 0 : i32
        %dma_start3A_72 = tpu.memref_slice %arg9[%dma_start3A_70, %dma_start3A_71] : memref<10240x128xf32, #tpu.memory_space<vmem_shared>> -> memref<10240x128xf32, #tpu.memory_space<vmem_shared>>
        tpu.enqueue_indirect_dma source(%arg7 : memref<128x128xf32, #tpu.memory_space<vmem>>) target(%dma_start3A_72 : memref<10240x128xf32, #tpu.memory_space<vmem_shared>>) offsets(%dma_start3A_69 : memref<128xi32, #tpu.memory_space<vmem>>) semaphore(%run_scoped3A_66 : memref<!tpu.dma_semaphore, #tpu.memory_space<semaphore_mem>>) {add = true}
        %dma_wait3A_73 = arith.constant 0 : i32
        %dma_wait3A_74 = tpu.memref_slice %arg6[%mul3A_39, %dma_wait3A_73] : memref<50x128xi32, #tpu.memory_space<vmem>> -> memref<1x128xi32, #tpu.memory_space<vmem>>
        %dma_wait3A_75 = tpu.memref_squeeze %dma_wait3A_74 : memref<1x128xi32, #tpu.memory_space<vmem>> -> memref<128xi32, #tpu.memory_space<vmem>>
        %dma_wait3A_76 = arith.constant 0 : i32
        %dma_wait3A_77 = arith.constant 0 : i32
        %dma_wait3A_78 = tpu.memref_slice %arg9[%dma_wait3A_76, %dma_wait3A_77] : memref<10240x128xf32, #tpu.memory_space<vmem_shared>> -> memref<10240x128xf32, #tpu.memory_space<vmem_shared>>
        tpu.wait_indirect_dma semaphore(%run_scoped3A_66 : memref<!tpu.dma_semaphore, #tpu.memory_space<semaphore_mem>>) src(%arg7 : memref<128x128xf32, #tpu.memory_space<vmem>>) dst(%dma_wait3A_78 : memref<10240x128xf32, #tpu.memory_space<vmem_shared>>)
        tpu.yield
      }) : () -> ()
      %mul3A_40 = arith.constant 2 : i32
      %mul3A_41 = arith.muli %mul3A_40, %scan3A_33 : i32
      %add3A_42 = arith.constant 2 : i32
      %add3A_43 = arith.addi %mul3A_41, %add3A_42 : i32
      %mul3A_44 = arith.constant 128 : i32
      %mul3A_45 = arith.muli %add3A_43, %mul3A_44 : i32
      %add3A_46 = arith.addi %mul3A_4, %mul3A_45 : i32
      %dma_start3A_47 = tpu.memref_slice %arg2[%add3A_46, %mul3A_6] : memref<102400x256xf32, #tpu.memory_space<hbm>> -> memref<128x128xf32, #tpu.memory_space<hbm>>
      %dma_start3A_48 = tpu.memref_slice %arg2[%add3A_46, %mul3A_6] : memref<102400x256xf32, #tpu.memory_space<hbm>> -> memref<128x128xf32, #tpu.memory_space<hbm>>
      tpu.enqueue_dma source(%dma_start3A_48 : memref<128x128xf32, #tpu.memory_space<hbm>>) target(%arg7 : memref<128x128xf32, #tpu.memory_space<vmem>>) target_semaphore(%arg10 : memref<!tpu.dma_semaphore, #tpu.memory_space<semaphore_mem>>)
      %dma_wait3A_49 = arith.constant 0 : i32
      %dma_wait3A_50 = tpu.memref_slice %arg2[%dma_wait3A_49, %mul3A_6] : memref<102400x256xf32, #tpu.memory_space<hbm>> -> memref<128x128xf32, #tpu.memory_space<hbm>>
      %dma_wait3A_51 = arith.constant 0 : i32
      %dma_wait3A_52 = tpu.memref_slice %arg2[%dma_wait3A_51, %mul3A_6] : memref<102400x256xf32, #tpu.memory_space<hbm>> -> memref<128x128xf32, #tpu.memory_space<hbm>>
      tpu.wait_dma2 semaphore(%arg11 : memref<!tpu.dma_semaphore, #tpu.memory_space<semaphore_mem>>) src(%dma_wait3A_52 : memref<128x128xf32, #tpu.memory_space<hbm>>) dst(%arg8 : memref<128x128xf32, #tpu.memory_space<vmem>>)
      %mul3A_53 = arith.constant 2 : i32
      %mul3A_54 = arith.muli %mul3A_53, %scan3A_33 : i32
      %add3A_55 = arith.constant 1 : i32
      %add3A_56 = arith.addi %mul3A_54, %add3A_55 : i32
      "tpu.region"() ({
        %run_scoped3A_66 = tpu.sem_alloc : memref<!tpu.dma_semaphore, #tpu.memory_space<semaphore_mem>>
        %dma_start3A_67 = arith.constant 0 : i32
        %dma_start3A_68 = tpu.memref_slice %arg6[%add3A_56, %dma_start3A_67] : memref<50x128xi32, #tpu.memory_space<vmem>> -> memref<1x128xi32, #tpu.memory_space<vmem>>
        %dma_start3A_69 = tpu.memref_squeeze %dma_start3A_68 : memref<1x128xi32, #tpu.memory_space<vmem>> -> memref<128xi32, #tpu.memory_space<vmem>>
        %dma_start3A_70 = arith.constant 0 : i32
        %dma_start3A_71 = arith.constant 0 : i32
        %dma_start3A_72 = tpu.memref_slice %arg9[%dma_start3A_70, %dma_start3A_71] : memref<10240x128xf32, #tpu.memory_space<vmem_shared>> -> memref<10240x128xf32, #tpu.memory_space<vmem_shared>>
        tpu.enqueue_indirect_dma source(%arg8 : memref<128x128xf32, #tpu.memory_space<vmem>>) target(%dma_start3A_72 : memref<10240x128xf32, #tpu.memory_space<vmem_shared>>) offsets(%dma_start3A_69 : memref<128xi32, #tpu.memory_space<vmem>>) semaphore(%run_scoped3A_66 : memref<!tpu.dma_semaphore, #tpu.memory_space<semaphore_mem>>) {add = true}
        %dma_wait3A_73 = arith.constant 0 : i32
        %dma_wait3A_74 = tpu.memref_slice %arg6[%add3A_56, %dma_wait3A_73] : memref<50x128xi32, #tpu.memory_space<vmem>> -> memref<1x128xi32, #tpu.memory_space<vmem>>
        %dma_wait3A_75 = tpu.memref_squeeze %dma_wait3A_74 : memref<1x128xi32, #tpu.memory_space<vmem>> -> memref<128xi32, #tpu.memory_space<vmem>>
        %dma_wait3A_76 = arith.constant 0 : i32
        %dma_wait3A_77 = arith.constant 0 : i32
        %dma_wait3A_78 = tpu.memref_slice %arg9[%dma_wait3A_76, %dma_wait3A_77] : memref<10240x128xf32, #tpu.memory_space<vmem_shared>> -> memref<10240x128xf32, #tpu.memory_space<vmem_shared>>
        tpu.wait_indirect_dma semaphore(%run_scoped3A_66 : memref<!tpu.dma_semaphore, #tpu.memory_space<semaphore_mem>>) src(%arg8 : memref<128x128xf32, #tpu.memory_space<vmem>>) dst(%dma_wait3A_78 : memref<10240x128xf32, #tpu.memory_space<vmem_shared>>)
        tpu.yield
      }) : () -> ()
      %mul3A_57 = arith.constant 2 : i32
      %mul3A_58 = arith.muli %mul3A_57, %scan3A_33 : i32
      %add3A_59 = arith.constant 3 : i32
      %add3A_60 = arith.addi %mul3A_58, %add3A_59 : i32
      %mul3A_61 = arith.constant 128 : i32
      %mul3A_62 = arith.muli %add3A_60, %mul3A_61 : i32
      %add3A_63 = arith.addi %mul3A_4, %mul3A_62 : i32
      %dma_start3A_64 = tpu.memref_slice %arg2[%add3A_63, %mul3A_6] : memref<102400x256xf32, #tpu.memory_space<hbm>> -> memref<128x128xf32, #tpu.memory_space<hbm>>
      %dma_start3A_65 = tpu.memref_slice %arg2[%add3A_63, %mul3A_6] : memref<102400x256xf32, #tpu.memory_space<hbm>> -> memref<128x128xf32, #tpu.memory_space<hbm>>
      tpu.enqueue_dma source(%dma_start3A_65 : memref<128x128xf32, #tpu.memory_space<hbm>>) target(%arg8 : memref<128x128xf32, #tpu.memory_space<vmem>>) target_semaphore(%arg11 : memref<!tpu.dma_semaphore, #tpu.memory_space<semaphore_mem>>)
    }
    %scan3A_17 = arith.constant 24 : i32
    %dma_wait3A = arith.constant 0 : i32
    %dma_wait3A_18 = tpu.memref_slice %arg2[%dma_wait3A, %mul3A_6] : memref<102400x256xf32, #tpu.memory_space<hbm>> -> memref<128x128xf32, #tpu.memory_space<hbm>>
    %dma_wait3A_19 = arith.constant 0 : i32
    %dma_wait3A_20 = tpu.memref_slice %arg2[%dma_wait3A_19, %mul3A_6] : memref<102400x256xf32, #tpu.memory_space<hbm>> -> memref<128x128xf32, #tpu.memory_space<hbm>>
    tpu.wait_dma2 semaphore(%arg10 : memref<!tpu.dma_semaphore, #tpu.memory_space<semaphore_mem>>) src(%dma_wait3A_20 : memref<128x128xf32, #tpu.memory_space<hbm>>) dst(%arg7 : memref<128x128xf32, #tpu.memory_space<vmem>>)
    %run_scoped3A = arith.constant 48 : i32
    "tpu.region"() ({
      %run_scoped3A_33 = tpu.sem_alloc : memref<!tpu.dma_semaphore, #tpu.memory_space<semaphore_mem>>
      %dma_start3A_34 = arith.constant 0 : i32
      %dma_start3A_35 = tpu.memref_slice %arg6[%run_scoped3A, %dma_start3A_34] : memref<50x128xi32, #tpu.memory_space<vmem>> -> memref<1x128xi32, #tpu.memory_space<vmem>>
      %dma_start3A_36 = tpu.memref_squeeze %dma_start3A_35 : memref<1x128xi32, #tpu.memory_space<vmem>> -> memref<128xi32, #tpu.memory_space<vmem>>
      %dma_start3A_37 = arith.constant 0 : i32
      %dma_start3A_38 = arith.constant 0 : i32
      %dma_start3A_39 = tpu.memref_slice %arg9[%dma_start3A_37, %dma_start3A_38] : memref<10240x128xf32, #tpu.memory_space<vmem_shared>> -> memref<10240x128xf32, #tpu.memory_space<vmem_shared>>
      tpu.enqueue_indirect_dma source(%arg7 : memref<128x128xf32, #tpu.memory_space<vmem>>) target(%dma_start3A_39 : memref<10240x128xf32, #tpu.memory_space<vmem_shared>>) offsets(%dma_start3A_36 : memref<128xi32, #tpu.memory_space<vmem>>) semaphore(%run_scoped3A_33 : memref<!tpu.dma_semaphore, #tpu.memory_space<semaphore_mem>>) {add = true}
      %dma_wait3A_40 = arith.constant 0 : i32
      %dma_wait3A_41 = tpu.memref_slice %arg6[%run_scoped3A, %dma_wait3A_40] : memref<50x128xi32, #tpu.memory_space<vmem>> -> memref<1x128xi32, #tpu.memory_space<vmem>>
      %dma_wait3A_42 = tpu.memref_squeeze %dma_wait3A_41 : memref<1x128xi32, #tpu.memory_space<vmem>> -> memref<128xi32, #tpu.memory_space<vmem>>
      %dma_wait3A_43 = arith.constant 0 : i32
      %dma_wait3A_44 = arith.constant 0 : i32
      %dma_wait3A_45 = tpu.memref_slice %arg9[%dma_wait3A_43, %dma_wait3A_44] : memref<10240x128xf32, #tpu.memory_space<vmem_shared>> -> memref<10240x128xf32, #tpu.memory_space<vmem_shared>>
      tpu.wait_indirect_dma semaphore(%run_scoped3A_33 : memref<!tpu.dma_semaphore, #tpu.memory_space<semaphore_mem>>) src(%arg7 : memref<128x128xf32, #tpu.memory_space<vmem>>) dst(%dma_wait3A_45 : memref<10240x128xf32, #tpu.memory_space<vmem_shared>>)
      tpu.yield
    }) : () -> ()
    %dma_wait3A_21 = arith.constant 0 : i32
    %dma_wait3A_22 = tpu.memref_slice %arg2[%dma_wait3A_21, %mul3A_6] : memref<102400x256xf32, #tpu.memory_space<hbm>> -> memref<128x128xf32, #tpu.memory_space<hbm>>
    %dma_wait3A_23 = arith.constant 0 : i32
    %dma_wait3A_24 = tpu.memref_slice %arg2[%dma_wait3A_23, %mul3A_6] : memref<102400x256xf32, #tpu.memory_space<hbm>> -> memref<128x128xf32, #tpu.memory_space<hbm>>
    tpu.wait_dma2 semaphore(%arg11 : memref<!tpu.dma_semaphore, #tpu.memory_space<semaphore_mem>>) src(%dma_wait3A_24 : memref<128x128xf32, #tpu.memory_space<hbm>>) dst(%arg8 : memref<128x128xf32, #tpu.memory_space<vmem>>)
    %run_scoped3A_25 = arith.constant 49 : i32
    "tpu.region"() ({
      %run_scoped3A_33 = tpu.sem_alloc : memref<!tpu.dma_semaphore, #tpu.memory_space<semaphore_mem>>
      %dma_start3A_34 = arith.constant 0 : i32
      %dma_start3A_35 = tpu.memref_slice %arg6[%run_scoped3A_25, %dma_start3A_34] : memref<50x128xi32, #tpu.memory_space<vmem>> -> memref<1x128xi32, #tpu.memory_space<vmem>>
      %dma_start3A_36 = tpu.memref_squeeze %dma_start3A_35 : memref<1x128xi32, #tpu.memory_space<vmem>> -> memref<128xi32, #tpu.memory_space<vmem>>
      %dma_start3A_37 = arith.constant 0 : i32
      %dma_start3A_38 = arith.constant 0 : i32
      %dma_start3A_39 = tpu.memref_slice %arg9[%dma_start3A_37, %dma_start3A_38] : memref<10240x128xf32, #tpu.memory_space<vmem_shared>> -> memref<10240x128xf32, #tpu.memory_space<vmem_shared>>
      tpu.enqueue_indirect_dma source(%arg8 : memref<128x128xf32, #tpu.memory_space<vmem>>) target(%dma_start3A_39 : memref<10240x128xf32, #tpu.memory_space<vmem_shared>>) offsets(%dma_start3A_36 : memref<128xi32, #tpu.memory_space<vmem>>) semaphore(%run_scoped3A_33 : memref<!tpu.dma_semaphore, #tpu.memory_space<semaphore_mem>>) {add = true}
      %dma_wait3A_40 = arith.constant 0 : i32
      %dma_wait3A_41 = tpu.memref_slice %arg6[%run_scoped3A_25, %dma_wait3A_40] : memref<50x128xi32, #tpu.memory_space<vmem>> -> memref<1x128xi32, #tpu.memory_space<vmem>>
      %dma_wait3A_42 = tpu.memref_squeeze %dma_wait3A_41 : memref<1x128xi32, #tpu.memory_space<vmem>> -> memref<128xi32, #tpu.memory_space<vmem>>
      %dma_wait3A_43 = arith.constant 0 : i32
      %dma_wait3A_44 = arith.constant 0 : i32
      %dma_wait3A_45 = tpu.memref_slice %arg9[%dma_wait3A_43, %dma_wait3A_44] : memref<10240x128xf32, #tpu.memory_space<vmem_shared>> -> memref<10240x128xf32, #tpu.memory_space<vmem_shared>>
      tpu.wait_indirect_dma semaphore(%run_scoped3A_33 : memref<!tpu.dma_semaphore, #tpu.memory_space<semaphore_mem>>) src(%arg8 : memref<128x128xf32, #tpu.memory_space<vmem>>) dst(%dma_wait3A_45 : memref<10240x128xf32, #tpu.memory_space<vmem_shared>>)
      tpu.yield
    }) : () -> ()
    %barrier3A_26 = arith.constant 0 : index
    tpu.barrier barrier_id(%barrier3A_26)
    %mul3A_27 = arith.constant 640 : i32
    %mul3A_28 = arith.muli %arg1, %mul3A_27 : i32
    %mul3A_29 = arith.constant 640 : i32
    %mul3A_30 = arith.muli %arg1, %mul3A_29 : i32
    %mul3A_31 = arith.constant 128 : i32
    %mul3A_32 = arith.muli %arg0, %mul3A_31 : i32
    "tpu.region"() ({
      %run_scoped3A_33 = tpu.sem_alloc : memref<!tpu.dma_semaphore, #tpu.memory_space<semaphore_mem>>
      %dma_start3A_34 = tpu.memref_slice %arg5[%mul3A_30, %mul3A_32] : memref<10240x256xf32, #tpu.memory_space<hbm>> -> memref<640x128xf32, #tpu.memory_space<hbm>>
      %dma_start3A_35 = arith.constant 0 : i32
      %dma_start3A_36 = tpu.memref_slice %arg9[%mul3A_28, %dma_start3A_35] : memref<10240x128xf32, #tpu.memory_space<vmem_shared>> -> memref<640x128xf32, #tpu.memory_space<vmem_shared>>
      tpu.enqueue_dma source(%dma_start3A_36 : memref<640x128xf32, #tpu.memory_space<vmem_shared>>) target(%dma_start3A_34 : memref<640x128xf32, #tpu.memory_space<hbm>>) target_semaphore(%run_scoped3A_33 : memref<!tpu.dma_semaphore, #tpu.memory_space<semaphore_mem>>)
      %dma_wait3A_37 = tpu.memref_slice %arg5[%mul3A_30, %mul3A_32] : memref<10240x256xf32, #tpu.memory_space<hbm>> -> memref<640x128xf32, #tpu.memory_space<hbm>>
      %dma_wait3A_38 = arith.constant 0 : i32
      %dma_wait3A_39 = tpu.memref_slice %arg9[%mul3A_28, %dma_wait3A_38] : memref<10240x128xf32, #tpu.memory_space<vmem_shared>> -> memref<640x128xf32, #tpu.memory_space<vmem_shared>>
      tpu.wait_dma2 semaphore(%run_scoped3A_33 : memref<!tpu.dma_semaphore, #tpu.memory_space<semaphore_mem>>) src(%dma_wait3A_39 : memref<640x128xf32, #tpu.memory_space<vmem_shared>>) dst(%dma_wait3A_37 : memref<640x128xf32, #tpu.memory_space<hbm>>)
      tpu.yield
    }) : () -> ()
    return
  }
}

#map = affine_map<(d0, d1) -> (0, 0)>
#map1 = affine_map<(d0, d1) -> (0, 0, 0)>
module attributes {stable_mosaic.version = 14 : i64} {
  func.func @gather(%arg0: i32, %arg1: i32, %arg2: memref<20000x128xi32, #tpu.memory_space<hbm>>, %arg3: memref<16x100x128xi32, #tpu.memory_space<hbm>>, %arg4: memref<204800x128xi32, #tpu.memory_space<hbm>>, %arg5: memref<100x128xi32, #tpu.memory_space<vmem>>, %arg6: memref<128x128xi32, #tpu.memory_space<vmem>>, %arg7: memref<128x128xi32, #tpu.memory_space<vmem>>, %arg8: memref<!tpu.dma_semaphore, #tpu.memory_space<semaphore_mem>>, %arg9: memref<!tpu.dma_semaphore, #tpu.memory_space<semaphore_mem>>) attributes {dimension_semantics = [#tpu.dimension_semantics<core_parallel>, #tpu.dimension_semantics<subcore_parallel>], iteration_bounds = array<i64: 2, 16>, scalar_prefetch = 0 : i64, scratch_operands = 5 : i64, tpu.core_type = #tpu.core_type<sc_vector_subcore>, window_params = [{transform_indices = #map}, {transform_indices = #map1}, {transform_indices = #map}]} {
    "tpu.region"() ({
      %run_scoped3A = tpu.sem_alloc : memref<!tpu.dma_semaphore, #tpu.memory_space<semaphore_mem>>
      %dma_start3A_57 = arith.constant 0 : i32
      %dma_start3A_58 = arith.constant 0 : i32
      %dma_start3A_59 = tpu.memref_slice %arg3[%arg1, %dma_start3A_57, %dma_start3A_58] : memref<16x100x128xi32, #tpu.memory_space<hbm>> -> memref<1x100x128xi32, #tpu.memory_space<hbm>>
      %dma_start3A_60 = tpu.memref_squeeze %dma_start3A_59 : memref<1x100x128xi32, #tpu.memory_space<hbm>> -> memref<100x128xi32, #tpu.memory_space<hbm>>
      %dma_start3A_61 = arith.constant 0 : i32
      %dma_start3A_62 = arith.constant 0 : i32
      %dma_start3A_63 = tpu.memref_slice %arg3[%arg1, %dma_start3A_61, %dma_start3A_62] : memref<16x100x128xi32, #tpu.memory_space<hbm>> -> memref<1x100x128xi32, #tpu.memory_space<hbm>>
      %dma_start3A_64 = tpu.memref_squeeze %dma_start3A_63 : memref<1x100x128xi32, #tpu.memory_space<hbm>> -> memref<100x128xi32, #tpu.memory_space<hbm>>
      tpu.enqueue_dma source(%dma_start3A_64 : memref<100x128xi32, #tpu.memory_space<hbm>>) target(%arg5 : memref<100x128xi32, #tpu.memory_space<vmem>>) target_semaphore(%run_scoped3A : memref<!tpu.dma_semaphore, #tpu.memory_space<semaphore_mem>>)
      %dma_wait3A_65 = arith.constant 0 : i32
      %dma_wait3A_66 = arith.constant 0 : i32
      %dma_wait3A_67 = tpu.memref_slice %arg3[%arg1, %dma_wait3A_65, %dma_wait3A_66] : memref<16x100x128xi32, #tpu.memory_space<hbm>> -> memref<1x100x128xi32, #tpu.memory_space<hbm>>
      %dma_wait3A_68 = tpu.memref_squeeze %dma_wait3A_67 : memref<1x100x128xi32, #tpu.memory_space<hbm>> -> memref<100x128xi32, #tpu.memory_space<hbm>>
      %dma_wait3A_69 = arith.constant 0 : i32
      %dma_wait3A_70 = arith.constant 0 : i32
      %dma_wait3A_71 = tpu.memref_slice %arg3[%arg1, %dma_wait3A_69, %dma_wait3A_70] : memref<16x100x128xi32, #tpu.memory_space<hbm>> -> memref<1x100x128xi32, #tpu.memory_space<hbm>>
      %dma_wait3A_72 = tpu.memref_squeeze %dma_wait3A_71 : memref<1x100x128xi32, #tpu.memory_space<hbm>> -> memref<100x128xi32, #tpu.memory_space<hbm>>
      tpu.wait_dma2 semaphore(%run_scoped3A : memref<!tpu.dma_semaphore, #tpu.memory_space<semaphore_mem>>) src(%dma_wait3A_72 : memref<100x128xi32, #tpu.memory_space<hbm>>) dst(%arg5 : memref<100x128xi32, #tpu.memory_space<vmem>>)
      tpu.yield
    }) : () -> ()
    %mul3A = arith.constant 100 : i32
    %mul3A_0 = arith.muli %arg1, %mul3A : i32
    %mul3A_1 = arith.constant 128 : i32
    %mul3A_2 = arith.muli %mul3A_0, %mul3A_1 : i32
    %mul3A_3 = arith.constant 70 : i32
    %mul3A_4 = arith.muli %arg0, %mul3A_3 : i32
    %mul3A_5 = arith.constant 20 : i32
    %mul3A_6 = arith.muli %arg0, %mul3A_5 : i32
    %sub3A = arith.constant 35 : i32
    %sub3A_7 = arith.subi %sub3A, %mul3A_6 : i32
    %dma_start3A = arith.constant 0 : i32
    %dma_start3A_8 = tpu.memref_slice %arg5[%mul3A_4, %dma_start3A] : memref<100x128xi32, #tpu.memory_space<vmem>> -> memref<1x128xi32, #tpu.memory_space<vmem>>
    %dma_start3A_9 = tpu.memref_squeeze %dma_start3A_8 : memref<1x128xi32, #tpu.memory_space<vmem>> -> memref<128xi32, #tpu.memory_space<vmem>>
    %dma_start3A_10 = arith.constant 0 : i32
    %dma_start3A_11 = arith.constant 0 : i32
    %dma_start3A_12 = tpu.memref_slice %arg2[%dma_start3A_10, %dma_start3A_11] : memref<20000x128xi32, #tpu.memory_space<hbm>> -> memref<20000x128xi32, #tpu.memory_space<hbm>>
    tpu.enqueue_indirect_dma source(%dma_start3A_12 : memref<20000x128xi32, #tpu.memory_space<hbm>>) target(%arg6 : memref<128x128xi32, #tpu.memory_space<vmem>>) offsets(%dma_start3A_9 : memref<128xi32, #tpu.memory_space<vmem>>) semaphore(%arg8 : memref<!tpu.dma_semaphore, #tpu.memory_space<semaphore_mem>>)
    %add3A = arith.constant 1 : i32
    %add3A_13 = arith.addi %mul3A_4, %add3A : i32
    %dma_start3A_14 = arith.constant 0 : i32
    %dma_start3A_15 = tpu.memref_slice %arg5[%add3A_13, %dma_start3A_14] : memref<100x128xi32, #tpu.memory_space<vmem>> -> memref<1x128xi32, #tpu.memory_space<vmem>>
    %dma_start3A_16 = tpu.memref_squeeze %dma_start3A_15 : memref<1x128xi32, #tpu.memory_space<vmem>> -> memref<128xi32, #tpu.memory_space<vmem>>
    %dma_start3A_17 = arith.constant 0 : i32
    %dma_start3A_18 = arith.constant 0 : i32
    %dma_start3A_19 = tpu.memref_slice %arg2[%dma_start3A_17, %dma_start3A_18] : memref<20000x128xi32, #tpu.memory_space<hbm>> -> memref<20000x128xi32, #tpu.memory_space<hbm>>
    tpu.enqueue_indirect_dma source(%dma_start3A_19 : memref<20000x128xi32, #tpu.memory_space<hbm>>) target(%arg7 : memref<128x128xi32, #tpu.memory_space<vmem>>) offsets(%dma_start3A_16 : memref<128xi32, #tpu.memory_space<vmem>>) semaphore(%arg9 : memref<!tpu.dma_semaphore, #tpu.memory_space<semaphore_mem>>)
    %sub3A_20 = arith.constant 1 : i32
    %sub3A_21 = arith.subi %sub3A_7, %sub3A_20 : i32
    %while3A = arith.constant 0 : i32
    %while3A_22 = arith.constant 0 : i32
    %while3A_23 = arith.subi %sub3A_21, %while3A_22 : i32
    %while3A_24 = arith.addi %while3A_22, %while3A_23 : i32
    %while3A_25 = arith.constant 1 : i32
    %while3A_26 = arith.divsi %while3A_23, %while3A_25 : i32
    %while3A_27 = arith.muli %while3A_26, %while3A_25 : i32
    %while3A_28 = arith.addi %while3A_22, %while3A_27 : i32
    %while3A_29 = arith.constant 1 : i32
    scf.for %while3A_57 = %while3A_22 to %while3A_28 step %while3A_29  : i32 {
      %mul3A_58 = arith.constant 2 : i32
      %mul3A_59 = arith.muli %mul3A_58, %while3A_57 : i32
      %add3A_60 = arith.addi %mul3A_4, %mul3A_59 : i32
      %dma_wait3A_61 = arith.constant 0 : i32
      %dma_wait3A_62 = arith.constant 0 : i32
      %dma_wait3A_63 = tpu.memref_slice %arg5[%dma_wait3A_61, %dma_wait3A_62] : memref<100x128xi32, #tpu.memory_space<vmem>> -> memref<1x128xi32, #tpu.memory_space<vmem>>
      %dma_wait3A_64 = tpu.memref_squeeze %dma_wait3A_63 : memref<1x128xi32, #tpu.memory_space<vmem>> -> memref<128xi32, #tpu.memory_space<vmem>>
      %dma_wait3A_65 = arith.constant 0 : i32
      %dma_wait3A_66 = arith.constant 0 : i32
      %dma_wait3A_67 = tpu.memref_slice %arg2[%dma_wait3A_65, %dma_wait3A_66] : memref<20000x128xi32, #tpu.memory_space<hbm>> -> memref<20000x128xi32, #tpu.memory_space<hbm>>
      tpu.wait_indirect_dma semaphore(%arg8 : memref<!tpu.dma_semaphore, #tpu.memory_space<semaphore_mem>>) src(%dma_wait3A_67 : memref<20000x128xi32, #tpu.memory_space<hbm>>) dst(%arg6 : memref<128x128xi32, #tpu.memory_space<vmem>>)
      %mul3A_68 = arith.constant 128 : i32
      %mul3A_69 = arith.muli %add3A_60, %mul3A_68 : i32
      %add3A_70 = arith.addi %mul3A_2, %mul3A_69 : i32
      "tpu.region"() ({
        %run_scoped3A = tpu.sem_alloc : memref<!tpu.dma_semaphore, #tpu.memory_space<semaphore_mem>>
        %dma_start3A_99 = arith.constant 0 : i32
        %dma_start3A_100 = tpu.memref_slice %arg4[%add3A_70, %dma_start3A_99] : memref<204800x128xi32, #tpu.memory_space<hbm>> -> memref<128x128xi32, #tpu.memory_space<hbm>>
        %dma_start3A_101 = arith.constant 0 : i32
        %dma_start3A_102 = tpu.memref_slice %arg4[%add3A_70, %dma_start3A_101] : memref<204800x128xi32, #tpu.memory_space<hbm>> -> memref<128x128xi32, #tpu.memory_space<hbm>>
        tpu.enqueue_dma source(%arg6 : memref<128x128xi32, #tpu.memory_space<vmem>>) target(%dma_start3A_102 : memref<128x128xi32, #tpu.memory_space<hbm>>) target_semaphore(%run_scoped3A : memref<!tpu.dma_semaphore, #tpu.memory_space<semaphore_mem>>)
        %dma_wait3A_103 = arith.constant 0 : i32
        %dma_wait3A_104 = tpu.memref_slice %arg4[%add3A_70, %dma_wait3A_103] : memref<204800x128xi32, #tpu.memory_space<hbm>> -> memref<128x128xi32, #tpu.memory_space<hbm>>
        %dma_wait3A_105 = arith.constant 0 : i32
        %dma_wait3A_106 = tpu.memref_slice %arg4[%add3A_70, %dma_wait3A_105] : memref<204800x128xi32, #tpu.memory_space<hbm>> -> memref<128x128xi32, #tpu.memory_space<hbm>>
        tpu.wait_dma2 semaphore(%run_scoped3A : memref<!tpu.dma_semaphore, #tpu.memory_space<semaphore_mem>>) src(%arg6 : memref<128x128xi32, #tpu.memory_space<vmem>>) dst(%dma_wait3A_106 : memref<128x128xi32, #tpu.memory_space<hbm>>)
        tpu.yield
      }) : () -> ()
      %add3A_71 = arith.constant 2 : i32
      %add3A_72 = arith.addi %add3A_60, %add3A_71 : i32
      %dma_start3A_73 = arith.constant 0 : i32
      %dma_start3A_74 = tpu.memref_slice %arg5[%add3A_72, %dma_start3A_73] : memref<100x128xi32, #tpu.memory_space<vmem>> -> memref<1x128xi32, #tpu.memory_space<vmem>>
      %dma_start3A_75 = tpu.memref_squeeze %dma_start3A_74 : memref<1x128xi32, #tpu.memory_space<vmem>> -> memref<128xi32, #tpu.memory_space<vmem>>
      %dma_start3A_76 = arith.constant 0 : i32
      %dma_start3A_77 = arith.constant 0 : i32
      %dma_start3A_78 = tpu.memref_slice %arg2[%dma_start3A_76, %dma_start3A_77] : memref<20000x128xi32, #tpu.memory_space<hbm>> -> memref<20000x128xi32, #tpu.memory_space<hbm>>
      tpu.enqueue_indirect_dma source(%dma_start3A_78 : memref<20000x128xi32, #tpu.memory_space<hbm>>) target(%arg6 : memref<128x128xi32, #tpu.memory_space<vmem>>) offsets(%dma_start3A_75 : memref<128xi32, #tpu.memory_space<vmem>>) semaphore(%arg8 : memref<!tpu.dma_semaphore, #tpu.memory_space<semaphore_mem>>)
      %dma_wait3A_79 = arith.constant 0 : i32
      %dma_wait3A_80 = arith.constant 0 : i32
      %dma_wait3A_81 = tpu.memref_slice %arg5[%dma_wait3A_79, %dma_wait3A_80] : memref<100x128xi32, #tpu.memory_space<vmem>> -> memref<1x128xi32, #tpu.memory_space<vmem>>
      %dma_wait3A_82 = tpu.memref_squeeze %dma_wait3A_81 : memref<1x128xi32, #tpu.memory_space<vmem>> -> memref<128xi32, #tpu.memory_space<vmem>>
      %dma_wait3A_83 = arith.constant 0 : i32
      %dma_wait3A_84 = arith.constant 0 : i32
      %dma_wait3A_85 = tpu.memref_slice %arg2[%dma_wait3A_83, %dma_wait3A_84] : memref<20000x128xi32, #tpu.memory_space<hbm>> -> memref<20000x128xi32, #tpu.memory_space<hbm>>
      tpu.wait_indirect_dma semaphore(%arg9 : memref<!tpu.dma_semaphore, #tpu.memory_space<semaphore_mem>>) src(%dma_wait3A_85 : memref<20000x128xi32, #tpu.memory_space<hbm>>) dst(%arg7 : memref<128x128xi32, #tpu.memory_space<vmem>>)
      %add3A_86 = arith.constant 1 : i32
      %add3A_87 = arith.addi %add3A_60, %add3A_86 : i32
      %mul3A_88 = arith.constant 128 : i32
      %mul3A_89 = arith.muli %add3A_87, %mul3A_88 : i32
      %add3A_90 = arith.addi %mul3A_2, %mul3A_89 : i32
      "tpu.region"() ({
        %run_scoped3A = tpu.sem_alloc : memref<!tpu.dma_semaphore, #tpu.memory_space<semaphore_mem>>
        %dma_start3A_99 = arith.constant 0 : i32
        %dma_start3A_100 = tpu.memref_slice %arg4[%add3A_90, %dma_start3A_99] : memref<204800x128xi32, #tpu.memory_space<hbm>> -> memref<128x128xi32, #tpu.memory_space<hbm>>
        %dma_start3A_101 = arith.constant 0 : i32
        %dma_start3A_102 = tpu.memref_slice %arg4[%add3A_90, %dma_start3A_101] : memref<204800x128xi32, #tpu.memory_space<hbm>> -> memref<128x128xi32, #tpu.memory_space<hbm>>
        tpu.enqueue_dma source(%arg7 : memref<128x128xi32, #tpu.memory_space<vmem>>) target(%dma_start3A_102 : memref<128x128xi32, #tpu.memory_space<hbm>>) target_semaphore(%run_scoped3A : memref<!tpu.dma_semaphore, #tpu.memory_space<semaphore_mem>>)
        %dma_wait3A_103 = arith.constant 0 : i32
        %dma_wait3A_104 = tpu.memref_slice %arg4[%add3A_90, %dma_wait3A_103] : memref<204800x128xi32, #tpu.memory_space<hbm>> -> memref<128x128xi32, #tpu.memory_space<hbm>>
        %dma_wait3A_105 = arith.constant 0 : i32
        %dma_wait3A_106 = tpu.memref_slice %arg4[%add3A_90, %dma_wait3A_105] : memref<204800x128xi32, #tpu.memory_space<hbm>> -> memref<128x128xi32, #tpu.memory_space<hbm>>
        tpu.wait_dma2 semaphore(%run_scoped3A : memref<!tpu.dma_semaphore, #tpu.memory_space<semaphore_mem>>) src(%arg7 : memref<128x128xi32, #tpu.memory_space<vmem>>) dst(%dma_wait3A_106 : memref<128x128xi32, #tpu.memory_space<hbm>>)
        tpu.yield
      }) : () -> ()
      %add3A_91 = arith.constant 3 : i32
      %add3A_92 = arith.addi %add3A_60, %add3A_91 : i32
      %dma_start3A_93 = arith.constant 0 : i32
      %dma_start3A_94 = tpu.memref_slice %arg5[%add3A_92, %dma_start3A_93] : memref<100x128xi32, #tpu.memory_space<vmem>> -> memref<1x128xi32, #tpu.memory_space<vmem>>
      %dma_start3A_95 = tpu.memref_squeeze %dma_start3A_94 : memref<1x128xi32, #tpu.memory_space<vmem>> -> memref<128xi32, #tpu.memory_space<vmem>>
      %dma_start3A_96 = arith.constant 0 : i32
      %dma_start3A_97 = arith.constant 0 : i32
      %dma_start3A_98 = tpu.memref_slice %arg2[%dma_start3A_96, %dma_start3A_97] : memref<20000x128xi32, #tpu.memory_space<hbm>> -> memref<20000x128xi32, #tpu.memory_space<hbm>>
      tpu.enqueue_indirect_dma source(%dma_start3A_98 : memref<20000x128xi32, #tpu.memory_space<hbm>>) target(%arg7 : memref<128x128xi32, #tpu.memory_space<vmem>>) offsets(%dma_start3A_95 : memref<128xi32, #tpu.memory_space<vmem>>) semaphore(%arg9 : memref<!tpu.dma_semaphore, #tpu.memory_space<semaphore_mem>>)
    }
    %while3A_30 = arith.constant 1 : i32
    scf.for %while3A_57 = %while3A_28 to %while3A_24 step %while3A_30  : i32 {
      %mul3A_58 = arith.constant 2 : i32
      %mul3A_59 = arith.muli %mul3A_58, %while3A_57 : i32
      %add3A_60 = arith.addi %mul3A_4, %mul3A_59 : i32
      %dma_wait3A_61 = arith.constant 0 : i32
      %dma_wait3A_62 = arith.constant 0 : i32
      %dma_wait3A_63 = tpu.memref_slice %arg5[%dma_wait3A_61, %dma_wait3A_62] : memref<100x128xi32, #tpu.memory_space<vmem>> -> memref<1x128xi32, #tpu.memory_space<vmem>>
      %dma_wait3A_64 = tpu.memref_squeeze %dma_wait3A_63 : memref<1x128xi32, #tpu.memory_space<vmem>> -> memref<128xi32, #tpu.memory_space<vmem>>
      %dma_wait3A_65 = arith.constant 0 : i32
      %dma_wait3A_66 = arith.constant 0 : i32
      %dma_wait3A_67 = tpu.memref_slice %arg2[%dma_wait3A_65, %dma_wait3A_66] : memref<20000x128xi32, #tpu.memory_space<hbm>> -> memref<20000x128xi32, #tpu.memory_space<hbm>>
      tpu.wait_indirect_dma semaphore(%arg8 : memref<!tpu.dma_semaphore, #tpu.memory_space<semaphore_mem>>) src(%dma_wait3A_67 : memref<20000x128xi32, #tpu.memory_space<hbm>>) dst(%arg6 : memref<128x128xi32, #tpu.memory_space<vmem>>)
      %mul3A_68 = arith.constant 128 : i32
      %mul3A_69 = arith.muli %add3A_60, %mul3A_68 : i32
      %add3A_70 = arith.addi %mul3A_2, %mul3A_69 : i32
      "tpu.region"() ({
        %run_scoped3A = tpu.sem_alloc : memref<!tpu.dma_semaphore, #tpu.memory_space<semaphore_mem>>
        %dma_start3A_99 = arith.constant 0 : i32
        %dma_start3A_100 = tpu.memref_slice %arg4[%add3A_70, %dma_start3A_99] : memref<204800x128xi32, #tpu.memory_space<hbm>> -> memref<128x128xi32, #tpu.memory_space<hbm>>
        %dma_start3A_101 = arith.constant 0 : i32
        %dma_start3A_102 = tpu.memref_slice %arg4[%add3A_70, %dma_start3A_101] : memref<204800x128xi32, #tpu.memory_space<hbm>> -> memref<128x128xi32, #tpu.memory_space<hbm>>
        tpu.enqueue_dma source(%arg6 : memref<128x128xi32, #tpu.memory_space<vmem>>) target(%dma_start3A_102 : memref<128x128xi32, #tpu.memory_space<hbm>>) target_semaphore(%run_scoped3A : memref<!tpu.dma_semaphore, #tpu.memory_space<semaphore_mem>>)
        %dma_wait3A_103 = arith.constant 0 : i32
        %dma_wait3A_104 = tpu.memref_slice %arg4[%add3A_70, %dma_wait3A_103] : memref<204800x128xi32, #tpu.memory_space<hbm>> -> memref<128x128xi32, #tpu.memory_space<hbm>>
        %dma_wait3A_105 = arith.constant 0 : i32
        %dma_wait3A_106 = tpu.memref_slice %arg4[%add3A_70, %dma_wait3A_105] : memref<204800x128xi32, #tpu.memory_space<hbm>> -> memref<128x128xi32, #tpu.memory_space<hbm>>
        tpu.wait_dma2 semaphore(%run_scoped3A : memref<!tpu.dma_semaphore, #tpu.memory_space<semaphore_mem>>) src(%arg6 : memref<128x128xi32, #tpu.memory_space<vmem>>) dst(%dma_wait3A_106 : memref<128x128xi32, #tpu.memory_space<hbm>>)
        tpu.yield
      }) : () -> ()
      %add3A_71 = arith.constant 2 : i32
      %add3A_72 = arith.addi %add3A_60, %add3A_71 : i32
      %dma_start3A_73 = arith.constant 0 : i32
      %dma_start3A_74 = tpu.memref_slice %arg5[%add3A_72, %dma_start3A_73] : memref<100x128xi32, #tpu.memory_space<vmem>> -> memref<1x128xi32, #tpu.memory_space<vmem>>
      %dma_start3A_75 = tpu.memref_squeeze %dma_start3A_74 : memref<1x128xi32, #tpu.memory_space<vmem>> -> memref<128xi32, #tpu.memory_space<vmem>>
      %dma_start3A_76 = arith.constant 0 : i32
      %dma_start3A_77 = arith.constant 0 : i32
      %dma_start3A_78 = tpu.memref_slice %arg2[%dma_start3A_76, %dma_start3A_77] : memref<20000x128xi32, #tpu.memory_space<hbm>> -> memref<20000x128xi32, #tpu.memory_space<hbm>>
      tpu.enqueue_indirect_dma source(%dma_start3A_78 : memref<20000x128xi32, #tpu.memory_space<hbm>>) target(%arg6 : memref<128x128xi32, #tpu.memory_space<vmem>>) offsets(%dma_start3A_75 : memref<128xi32, #tpu.memory_space<vmem>>) semaphore(%arg8 : memref<!tpu.dma_semaphore, #tpu.memory_space<semaphore_mem>>)
      %dma_wait3A_79 = arith.constant 0 : i32
      %dma_wait3A_80 = arith.constant 0 : i32
      %dma_wait3A_81 = tpu.memref_slice %arg5[%dma_wait3A_79, %dma_wait3A_80] : memref<100x128xi32, #tpu.memory_space<vmem>> -> memref<1x128xi32, #tpu.memory_space<vmem>>
      %dma_wait3A_82 = tpu.memref_squeeze %dma_wait3A_81 : memref<1x128xi32, #tpu.memory_space<vmem>> -> memref<128xi32, #tpu.memory_space<vmem>>
      %dma_wait3A_83 = arith.constant 0 : i32
      %dma_wait3A_84 = arith.constant 0 : i32
      %dma_wait3A_85 = tpu.memref_slice %arg2[%dma_wait3A_83, %dma_wait3A_84] : memref<20000x128xi32, #tpu.memory_space<hbm>> -> memref<20000x128xi32, #tpu.memory_space<hbm>>
      tpu.wait_indirect_dma semaphore(%arg9 : memref<!tpu.dma_semaphore, #tpu.memory_space<semaphore_mem>>) src(%dma_wait3A_85 : memref<20000x128xi32, #tpu.memory_space<hbm>>) dst(%arg7 : memref<128x128xi32, #tpu.memory_space<vmem>>)
      %add3A_86 = arith.constant 1 : i32
      %add3A_87 = arith.addi %add3A_60, %add3A_86 : i32
      %mul3A_88 = arith.constant 128 : i32
      %mul3A_89 = arith.muli %add3A_87, %mul3A_88 : i32
      %add3A_90 = arith.addi %mul3A_2, %mul3A_89 : i32
      "tpu.region"() ({
        %run_scoped3A = tpu.sem_alloc : memref<!tpu.dma_semaphore, #tpu.memory_space<semaphore_mem>>
        %dma_start3A_99 = arith.constant 0 : i32
        %dma_start3A_100 = tpu.memref_slice %arg4[%add3A_90, %dma_start3A_99] : memref<204800x128xi32, #tpu.memory_space<hbm>> -> memref<128x128xi32, #tpu.memory_space<hbm>>
        %dma_start3A_101 = arith.constant 0 : i32
        %dma_start3A_102 = tpu.memref_slice %arg4[%add3A_90, %dma_start3A_101] : memref<204800x128xi32, #tpu.memory_space<hbm>> -> memref<128x128xi32, #tpu.memory_space<hbm>>
        tpu.enqueue_dma source(%arg7 : memref<128x128xi32, #tpu.memory_space<vmem>>) target(%dma_start3A_102 : memref<128x128xi32, #tpu.memory_space<hbm>>) target_semaphore(%run_scoped3A : memref<!tpu.dma_semaphore, #tpu.memory_space<semaphore_mem>>)
        %dma_wait3A_103 = arith.constant 0 : i32
        %dma_wait3A_104 = tpu.memref_slice %arg4[%add3A_90, %dma_wait3A_103] : memref<204800x128xi32, #tpu.memory_space<hbm>> -> memref<128x128xi32, #tpu.memory_space<hbm>>
        %dma_wait3A_105 = arith.constant 0 : i32
        %dma_wait3A_106 = tpu.memref_slice %arg4[%add3A_90, %dma_wait3A_105] : memref<204800x128xi32, #tpu.memory_space<hbm>> -> memref<128x128xi32, #tpu.memory_space<hbm>>
        tpu.wait_dma2 semaphore(%run_scoped3A : memref<!tpu.dma_semaphore, #tpu.memory_space<semaphore_mem>>) src(%arg7 : memref<128x128xi32, #tpu.memory_space<vmem>>) dst(%dma_wait3A_106 : memref<128x128xi32, #tpu.memory_space<hbm>>)
        tpu.yield
      }) : () -> ()
      %add3A_91 = arith.constant 3 : i32
      %add3A_92 = arith.addi %add3A_60, %add3A_91 : i32
      %dma_start3A_93 = arith.constant 0 : i32
      %dma_start3A_94 = tpu.memref_slice %arg5[%add3A_92, %dma_start3A_93] : memref<100x128xi32, #tpu.memory_space<vmem>> -> memref<1x128xi32, #tpu.memory_space<vmem>>
      %dma_start3A_95 = tpu.memref_squeeze %dma_start3A_94 : memref<1x128xi32, #tpu.memory_space<vmem>> -> memref<128xi32, #tpu.memory_space<vmem>>
      %dma_start3A_96 = arith.constant 0 : i32
      %dma_start3A_97 = arith.constant 0 : i32
      %dma_start3A_98 = tpu.memref_slice %arg2[%dma_start3A_96, %dma_start3A_97] : memref<20000x128xi32, #tpu.memory_space<hbm>> -> memref<20000x128xi32, #tpu.memory_space<hbm>>
      tpu.enqueue_indirect_dma source(%dma_start3A_98 : memref<20000x128xi32, #tpu.memory_space<hbm>>) target(%arg7 : memref<128x128xi32, #tpu.memory_space<vmem>>) offsets(%dma_start3A_95 : memref<128xi32, #tpu.memory_space<vmem>>) semaphore(%arg9 : memref<!tpu.dma_semaphore, #tpu.memory_space<semaphore_mem>>)
    }
    %sub3A_31 = arith.constant 1 : i32
    %sub3A_32 = arith.subi %sub3A_7, %sub3A_31 : i32
    %mul3A_33 = arith.constant 2 : i32
    %mul3A_34 = arith.muli %mul3A_33, %sub3A_32 : i32
    %add3A_35 = arith.addi %mul3A_4, %mul3A_34 : i32
    %dma_wait3A = arith.constant 0 : i32
    %dma_wait3A_36 = arith.constant 0 : i32
    %dma_wait3A_37 = tpu.memref_slice %arg5[%dma_wait3A, %dma_wait3A_36] : memref<100x128xi32, #tpu.memory_space<vmem>> -> memref<1x128xi32, #tpu.memory_space<vmem>>
    %dma_wait3A_38 = tpu.memref_squeeze %dma_wait3A_37 : memref<1x128xi32, #tpu.memory_space<vmem>> -> memref<128xi32, #tpu.memory_space<vmem>>
    %dma_wait3A_39 = arith.constant 0 : i32
    %dma_wait3A_40 = arith.constant 0 : i32
    %dma_wait3A_41 = tpu.memref_slice %arg2[%dma_wait3A_39, %dma_wait3A_40] : memref<20000x128xi32, #tpu.memory_space<hbm>> -> memref<20000x128xi32, #tpu.memory_space<hbm>>
    tpu.wait_indirect_dma semaphore(%arg8 : memref<!tpu.dma_semaphore, #tpu.memory_space<semaphore_mem>>) src(%dma_wait3A_41 : memref<20000x128xi32, #tpu.memory_space<hbm>>) dst(%arg6 : memref<128x128xi32, #tpu.memory_space<vmem>>)
    %mul3A_42 = arith.constant 128 : i32
    %mul3A_43 = arith.muli %add3A_35, %mul3A_42 : i32
    %add3A_44 = arith.addi %mul3A_2, %mul3A_43 : i32
    "tpu.region"() ({
      %run_scoped3A = tpu.sem_alloc : memref<!tpu.dma_semaphore, #tpu.memory_space<semaphore_mem>>
      %dma_start3A_57 = arith.constant 0 : i32
      %dma_start3A_58 = tpu.memref_slice %arg4[%add3A_44, %dma_start3A_57] : memref<204800x128xi32, #tpu.memory_space<hbm>> -> memref<128x128xi32, #tpu.memory_space<hbm>>
      %dma_start3A_59 = arith.constant 0 : i32
      %dma_start3A_60 = tpu.memref_slice %arg4[%add3A_44, %dma_start3A_59] : memref<204800x128xi32, #tpu.memory_space<hbm>> -> memref<128x128xi32, #tpu.memory_space<hbm>>
      tpu.enqueue_dma source(%arg6 : memref<128x128xi32, #tpu.memory_space<vmem>>) target(%dma_start3A_60 : memref<128x128xi32, #tpu.memory_space<hbm>>) target_semaphore(%run_scoped3A : memref<!tpu.dma_semaphore, #tpu.memory_space<semaphore_mem>>)
      %dma_wait3A_61 = arith.constant 0 : i32
      %dma_wait3A_62 = tpu.memref_slice %arg4[%add3A_44, %dma_wait3A_61] : memref<204800x128xi32, #tpu.memory_space<hbm>> -> memref<128x128xi32, #tpu.memory_space<hbm>>
      %dma_wait3A_63 = arith.constant 0 : i32
      %dma_wait3A_64 = tpu.memref_slice %arg4[%add3A_44, %dma_wait3A_63] : memref<204800x128xi32, #tpu.memory_space<hbm>> -> memref<128x128xi32, #tpu.memory_space<hbm>>
      tpu.wait_dma2 semaphore(%run_scoped3A : memref<!tpu.dma_semaphore, #tpu.memory_space<semaphore_mem>>) src(%arg6 : memref<128x128xi32, #tpu.memory_space<vmem>>) dst(%dma_wait3A_64 : memref<128x128xi32, #tpu.memory_space<hbm>>)
      tpu.yield
    }) : () -> ()
    %dma_wait3A_45 = arith.constant 0 : i32
    %dma_wait3A_46 = arith.constant 0 : i32
    %dma_wait3A_47 = tpu.memref_slice %arg5[%dma_wait3A_45, %dma_wait3A_46] : memref<100x128xi32, #tpu.memory_space<vmem>> -> memref<1x128xi32, #tpu.memory_space<vmem>>
    %dma_wait3A_48 = tpu.memref_squeeze %dma_wait3A_47 : memref<1x128xi32, #tpu.memory_space<vmem>> -> memref<128xi32, #tpu.memory_space<vmem>>
    %dma_wait3A_49 = arith.constant 0 : i32
    %dma_wait3A_50 = arith.constant 0 : i32
    %dma_wait3A_51 = tpu.memref_slice %arg2[%dma_wait3A_49, %dma_wait3A_50] : memref<20000x128xi32, #tpu.memory_space<hbm>> -> memref<20000x128xi32, #tpu.memory_space<hbm>>
    tpu.wait_indirect_dma semaphore(%arg9 : memref<!tpu.dma_semaphore, #tpu.memory_space<semaphore_mem>>) src(%dma_wait3A_51 : memref<20000x128xi32, #tpu.memory_space<hbm>>) dst(%arg7 : memref<128x128xi32, #tpu.memory_space<vmem>>)
    %add3A_52 = arith.constant 1 : i32
    %add3A_53 = arith.addi %add3A_35, %add3A_52 : i32
    %mul3A_54 = arith.constant 128 : i32
    %mul3A_55 = arith.muli %add3A_53, %mul3A_54 : i32
    %add3A_56 = arith.addi %mul3A_2, %mul3A_55 : i32
    "tpu.region"() ({
      %run_scoped3A = tpu.sem_alloc : memref<!tpu.dma_semaphore, #tpu.memory_space<semaphore_mem>>
      %dma_start3A_57 = arith.constant 0 : i32
      %dma_start3A_58 = tpu.memref_slice %arg4[%add3A_56, %dma_start3A_57] : memref<204800x128xi32, #tpu.memory_space<hbm>> -> memref<128x128xi32, #tpu.memory_space<hbm>>
      %dma_start3A_59 = arith.constant 0 : i32
      %dma_start3A_60 = tpu.memref_slice %arg4[%add3A_56, %dma_start3A_59] : memref<204800x128xi32, #tpu.memory_space<hbm>> -> memref<128x128xi32, #tpu.memory_space<hbm>>
      tpu.enqueue_dma source(%arg7 : memref<128x128xi32, #tpu.memory_space<vmem>>) target(%dma_start3A_60 : memref<128x128xi32, #tpu.memory_space<hbm>>) target_semaphore(%run_scoped3A : memref<!tpu.dma_semaphore, #tpu.memory_space<semaphore_mem>>)
      %dma_wait3A_61 = arith.constant 0 : i32
      %dma_wait3A_62 = tpu.memref_slice %arg4[%add3A_56, %dma_wait3A_61] : memref<204800x128xi32, #tpu.memory_space<hbm>> -> memref<128x128xi32, #tpu.memory_space<hbm>>
      %dma_wait3A_63 = arith.constant 0 : i32
      %dma_wait3A_64 = tpu.memref_slice %arg4[%add3A_56, %dma_wait3A_63] : memref<204800x128xi32, #tpu.memory_space<hbm>> -> memref<128x128xi32, #tpu.memory_space<hbm>>
      tpu.wait_dma2 semaphore(%run_scoped3A : memref<!tpu.dma_semaphore, #tpu.memory_space<semaphore_mem>>) src(%arg7 : memref<128x128xi32, #tpu.memory_space<vmem>>) dst(%dma_wait3A_64 : memref<128x128xi32, #tpu.memory_space<hbm>>)
      tpu.yield
    }) : () -> ()
    return
  }
}

#map = affine_map<(d0, d1) -> (0, 0)>
#map1 = affine_map<(d0, d1) -> (0, 0, 0)>
module attributes {stable_mosaic.version = 14 : i64} {
  func.func @gather(%arg0: i32, %arg1: i32, %arg2: memref<20000x128xi32, #tpu.memory_space<hbm>>, %arg3: memref<16x100x128xi32, #tpu.memory_space<hbm>>, %arg4: memref<204800x128xi32, #tpu.memory_space<hbm>>, %arg5: memref<100x128xi32, #tpu.memory_space<vmem>>, %arg6: memref<128x128xi32, #tpu.memory_space<vmem>>, %arg7: memref<128x128xi32, #tpu.memory_space<vmem>>, %arg8: memref<!tpu.dma_semaphore, #tpu.memory_space<semaphore_mem>>, %arg9: memref<!tpu.dma_semaphore, #tpu.memory_space<semaphore_mem>>) attributes {dimension_semantics = [#tpu.dimension_semantics<core_parallel>, #tpu.dimension_semantics<subcore_parallel>], iteration_bounds = array<i64: 2, 16>, scalar_prefetch = 0 : i64, scratch_operands = 5 : i64, tpu.core_type = #tpu.core_type<sc_vector_subcore>, window_params = [{transform_indices = #map}, {transform_indices = #map1}, {transform_indices = #map}]} {
    "tpu.region"() ({
      %run_scoped3A = tpu.sem_alloc : memref<!tpu.dma_semaphore, #tpu.memory_space<semaphore_mem>>
      %dma_start3A_57 = arith.constant 0 : i32
      %dma_start3A_58 = arith.constant 0 : i32
      %dma_start3A_59 = tpu.memref_slice %arg3[%arg1, %dma_start3A_57, %dma_start3A_58] : memref<16x100x128xi32, #tpu.memory_space<hbm>> -> memref<1x100x128xi32, #tpu.memory_space<hbm>>
      %dma_start3A_60 = tpu.memref_squeeze %dma_start3A_59 : memref<1x100x128xi32, #tpu.memory_space<hbm>> -> memref<100x128xi32, #tpu.memory_space<hbm>>
      %dma_start3A_61 = arith.constant 0 : i32
      %dma_start3A_62 = arith.constant 0 : i32
      %dma_start3A_63 = tpu.memref_slice %arg3[%arg1, %dma_start3A_61, %dma_start3A_62] : memref<16x100x128xi32, #tpu.memory_space<hbm>> -> memref<1x100x128xi32, #tpu.memory_space<hbm>>
      %dma_start3A_64 = tpu.memref_squeeze %dma_start3A_63 : memref<1x100x128xi32, #tpu.memory_space<hbm>> -> memref<100x128xi32, #tpu.memory_space<hbm>>
      tpu.enqueue_dma source(%dma_start3A_64 : memref<100x128xi32, #tpu.memory_space<hbm>>) target(%arg5 : memref<100x128xi32, #tpu.memory_space<vmem>>) target_semaphore(%run_scoped3A : memref<!tpu.dma_semaphore, #tpu.memory_space<semaphore_mem>>)
      %dma_wait3A_65 = arith.constant 0 : i32
      %dma_wait3A_66 = arith.constant 0 : i32
      %dma_wait3A_67 = tpu.memref_slice %arg3[%arg1, %dma_wait3A_65, %dma_wait3A_66] : memref<16x100x128xi32, #tpu.memory_space<hbm>> -> memref<1x100x128xi32, #tpu.memory_space<hbm>>
      %dma_wait3A_68 = tpu.memref_squeeze %dma_wait3A_67 : memref<1x100x128xi32, #tpu.memory_space<hbm>> -> memref<100x128xi32, #tpu.memory_space<hbm>>
      %dma_wait3A_69 = arith.constant 0 : i32
      %dma_wait3A_70 = arith.constant 0 : i32
      %dma_wait3A_71 = tpu.memref_slice %arg3[%arg1, %dma_wait3A_69, %dma_wait3A_70] : memref<16x100x128xi32, #tpu.memory_space<hbm>> -> memref<1x100x128xi32, #tpu.memory_space<hbm>>
      %dma_wait3A_72 = tpu.memref_squeeze %dma_wait3A_71 : memref<1x100x128xi32, #tpu.memory_space<hbm>> -> memref<100x128xi32, #tpu.memory_space<hbm>>
      tpu.wait_dma2 semaphore(%run_scoped3A : memref<!tpu.dma_semaphore, #tpu.memory_space<semaphore_mem>>) src(%dma_wait3A_72 : memref<100x128xi32, #tpu.memory_space<hbm>>) dst(%arg5 : memref<100x128xi32, #tpu.memory_space<vmem>>)
      tpu.yield
    }) : () -> ()
    %mul3A = arith.constant 100 : i32
    %mul3A_0 = arith.muli %arg1, %mul3A : i32
    %mul3A_1 = arith.constant 128 : i32
    %mul3A_2 = arith.muli %mul3A_0, %mul3A_1 : i32
    %mul3A_3 = arith.constant 70 : i32
    %mul3A_4 = arith.muli %arg0, %mul3A_3 : i32
    %mul3A_5 = arith.constant 20 : i32
    %mul3A_6 = arith.muli %arg0, %mul3A_5 : i32
    %sub3A = arith.constant 35 : i32
    %sub3A_7 = arith.subi %sub3A, %mul3A_6 : i32
    %dma_start3A = arith.constant 0 : i32
    %dma_start3A_8 = tpu.memref_slice %arg5[%mul3A_4, %dma_start3A] : memref<100x128xi32, #tpu.memory_space<vmem>> -> memref<1x128xi32, #tpu.memory_space<vmem>>
    %dma_start3A_9 = tpu.memref_squeeze %dma_start3A_8 : memref<1x128xi32, #tpu.memory_space<vmem>> -> memref<128xi32, #tpu.memory_space<vmem>>
    %dma_start3A_10 = arith.constant 0 : i32
    %dma_start3A_11 = arith.constant 0 : i32
    %dma_start3A_12 = tpu.memref_slice %arg2[%dma_start3A_10, %dma_start3A_11] : memref<20000x128xi32, #tpu.memory_space<hbm>> -> memref<20000x128xi32, #tpu.memory_space<hbm>>
    tpu.enqueue_indirect_dma source(%dma_start3A_12 : memref<20000x128xi32, #tpu.memory_space<hbm>>) target(%arg6 : memref<128x128xi32, #tpu.memory_space<vmem>>) offsets(%dma_start3A_9 : memref<128xi32, #tpu.memory_space<vmem>>) semaphore(%arg8 : memref<!tpu.dma_semaphore, #tpu.memory_space<semaphore_mem>>)
    %add3A = arith.constant 1 : i32
    %add3A_13 = arith.addi %mul3A_4, %add3A : i32
    %dma_start3A_14 = arith.constant 0 : i32
    %dma_start3A_15 = tpu.memref_slice %arg5[%add3A_13, %dma_start3A_14] : memref<100x128xi32, #tpu.memory_space<vmem>> -> memref<1x128xi32, #tpu.memory_space<vmem>>
    %dma_start3A_16 = tpu.memref_squeeze %dma_start3A_15 : memref<1x128xi32, #tpu.memory_space<vmem>> -> memref<128xi32, #tpu.memory_space<vmem>>
    %dma_start3A_17 = arith.constant 0 : i32
    %dma_start3A_18 = arith.constant 0 : i32
    %dma_start3A_19 = tpu.memref_slice %arg2[%dma_start3A_17, %dma_start3A_18] : memref<20000x128xi32, #tpu.memory_space<hbm>> -> memref<20000x128xi32, #tpu.memory_space<hbm>>
    tpu.enqueue_indirect_dma source(%dma_start3A_19 : memref<20000x128xi32, #tpu.memory_space<hbm>>) target(%arg7 : memref<128x128xi32, #tpu.memory_space<vmem>>) offsets(%dma_start3A_16 : memref<128xi32, #tpu.memory_space<vmem>>) semaphore(%arg9 : memref<!tpu.dma_semaphore, #tpu.memory_space<semaphore_mem>>)
    %sub3A_20 = arith.constant 1 : i32
    %sub3A_21 = arith.subi %sub3A_7, %sub3A_20 : i32
    %while3A = arith.constant 0 : i32
    %while3A_22 = arith.constant 0 : i32
    %while3A_23 = arith.subi %sub3A_21, %while3A_22 : i32
    %while3A_24 = arith.addi %while3A_22, %while3A_23 : i32
    %while3A_25 = arith.constant 1 : i32
    %while3A_26 = arith.divsi %while3A_23, %while3A_25 : i32
    %while3A_27 = arith.muli %while3A_26, %while3A_25 : i32
    %while3A_28 = arith.addi %while3A_22, %while3A_27 : i32
    %while3A_29 = arith.constant 1 : i32
    scf.for %while3A_57 = %while3A_22 to %while3A_28 step %while3A_29  : i32 {
      %mul3A_58 = arith.constant 2 : i32
      %mul3A_59 = arith.muli %mul3A_58, %while3A_57 : i32
      %add3A_60 = arith.addi %mul3A_4, %mul3A_59 : i32
      %dma_wait3A_61 = arith.constant 0 : i32
      %dma_wait3A_62 = arith.constant 0 : i32
      %dma_wait3A_63 = tpu.memref_slice %arg5[%dma_wait3A_61, %dma_wait3A_62] : memref<100x128xi32, #tpu.memory_space<vmem>> -> memref<1x128xi32, #tpu.memory_space<vmem>>
      %dma_wait3A_64 = tpu.memref_squeeze %dma_wait3A_63 : memref<1x128xi32, #tpu.memory_space<vmem>> -> memref<128xi32, #tpu.memory_space<vmem>>
      %dma_wait3A_65 = arith.constant 0 : i32
      %dma_wait3A_66 = arith.constant 0 : i32
      %dma_wait3A_67 = tpu.memref_slice %arg2[%dma_wait3A_65, %dma_wait3A_66] : memref<20000x128xi32, #tpu.memory_space<hbm>> -> memref<20000x128xi32, #tpu.memory_space<hbm>>
      tpu.wait_indirect_dma semaphore(%arg8 : memref<!tpu.dma_semaphore, #tpu.memory_space<semaphore_mem>>) src(%dma_wait3A_67 : memref<20000x128xi32, #tpu.memory_space<hbm>>) dst(%arg6 : memref<128x128xi32, #tpu.memory_space<vmem>>)
      %mul3A_68 = arith.constant 128 : i32
      %mul3A_69 = arith.muli %add3A_60, %mul3A_68 : i32
      %add3A_70 = arith.addi %mul3A_2, %mul3A_69 : i32
      "tpu.region"() ({
        %run_scoped3A = tpu.sem_alloc : memref<!tpu.dma_semaphore, #tpu.memory_space<semaphore_mem>>
        %dma_start3A_99 = arith.constant 0 : i32
        %dma_start3A_100 = tpu.memref_slice %arg4[%add3A_70, %dma_start3A_99] : memref<204800x128xi32, #tpu.memory_space<hbm>> -> memref<128x128xi32, #tpu.memory_space<hbm>>
        %dma_start3A_101 = arith.constant 0 : i32
        %dma_start3A_102 = tpu.memref_slice %arg4[%add3A_70, %dma_start3A_101] : memref<204800x128xi32, #tpu.memory_space<hbm>> -> memref<128x128xi32, #tpu.memory_space<hbm>>
        tpu.enqueue_dma source(%arg6 : memref<128x128xi32, #tpu.memory_space<vmem>>) target(%dma_start3A_102 : memref<128x128xi32, #tpu.memory_space<hbm>>) target_semaphore(%run_scoped3A : memref<!tpu.dma_semaphore, #tpu.memory_space<semaphore_mem>>)
        %dma_wait3A_103 = arith.constant 0 : i32
        %dma_wait3A_104 = tpu.memref_slice %arg4[%add3A_70, %dma_wait3A_103] : memref<204800x128xi32, #tpu.memory_space<hbm>> -> memref<128x128xi32, #tpu.memory_space<hbm>>
        %dma_wait3A_105 = arith.constant 0 : i32
        %dma_wait3A_106 = tpu.memref_slice %arg4[%add3A_70, %dma_wait3A_105] : memref<204800x128xi32, #tpu.memory_space<hbm>> -> memref<128x128xi32, #tpu.memory_space<hbm>>
        tpu.wait_dma2 semaphore(%run_scoped3A : memref<!tpu.dma_semaphore, #tpu.memory_space<semaphore_mem>>) src(%arg6 : memref<128x128xi32, #tpu.memory_space<vmem>>) dst(%dma_wait3A_106 : memref<128x128xi32, #tpu.memory_space<hbm>>)
        tpu.yield
      }) : () -> ()
      %add3A_71 = arith.constant 2 : i32
      %add3A_72 = arith.addi %add3A_60, %add3A_71 : i32
      %dma_start3A_73 = arith.constant 0 : i32
      %dma_start3A_74 = tpu.memref_slice %arg5[%add3A_72, %dma_start3A_73] : memref<100x128xi32, #tpu.memory_space<vmem>> -> memref<1x128xi32, #tpu.memory_space<vmem>>
      %dma_start3A_75 = tpu.memref_squeeze %dma_start3A_74 : memref<1x128xi32, #tpu.memory_space<vmem>> -> memref<128xi32, #tpu.memory_space<vmem>>
      %dma_start3A_76 = arith.constant 0 : i32
      %dma_start3A_77 = arith.constant 0 : i32
      %dma_start3A_78 = tpu.memref_slice %arg2[%dma_start3A_76, %dma_start3A_77] : memref<20000x128xi32, #tpu.memory_space<hbm>> -> memref<20000x128xi32, #tpu.memory_space<hbm>>
      tpu.enqueue_indirect_dma source(%dma_start3A_78 : memref<20000x128xi32, #tpu.memory_space<hbm>>) target(%arg6 : memref<128x128xi32, #tpu.memory_space<vmem>>) offsets(%dma_start3A_75 : memref<128xi32, #tpu.memory_space<vmem>>) semaphore(%arg8 : memref<!tpu.dma_semaphore, #tpu.memory_space<semaphore_mem>>)
      %dma_wait3A_79 = arith.constant 0 : i32
      %dma_wait3A_80 = arith.constant 0 : i32
      %dma_wait3A_81 = tpu.memref_slice %arg5[%dma_wait3A_79, %dma_wait3A_80] : memref<100x128xi32, #tpu.memory_space<vmem>> -> memref<1x128xi32, #tpu.memory_space<vmem>>
      %dma_wait3A_82 = tpu.memref_squeeze %dma_wait3A_81 : memref<1x128xi32, #tpu.memory_space<vmem>> -> memref<128xi32, #tpu.memory_space<vmem>>
      %dma_wait3A_83 = arith.constant 0 : i32
      %dma_wait3A_84 = arith.constant 0 : i32
      %dma_wait3A_85 = tpu.memref_slice %arg2[%dma_wait3A_83, %dma_wait3A_84] : memref<20000x128xi32, #tpu.memory_space<hbm>> -> memref<20000x128xi32, #tpu.memory_space<hbm>>
      tpu.wait_indirect_dma semaphore(%arg9 : memref<!tpu.dma_semaphore, #tpu.memory_space<semaphore_mem>>) src(%dma_wait3A_85 : memref<20000x128xi32, #tpu.memory_space<hbm>>) dst(%arg7 : memref<128x128xi32, #tpu.memory_space<vmem>>)
      %add3A_86 = arith.constant 1 : i32
      %add3A_87 = arith.addi %add3A_60, %add3A_86 : i32
      %mul3A_88 = arith.constant 128 : i32
      %mul3A_89 = arith.muli %add3A_87, %mul3A_88 : i32
      %add3A_90 = arith.addi %mul3A_2, %mul3A_89 : i32
      "tpu.region"() ({
        %run_scoped3A = tpu.sem_alloc : memref<!tpu.dma_semaphore, #tpu.memory_space<semaphore_mem>>
        %dma_start3A_99 = arith.constant 0 : i32
        %dma_start3A_100 = tpu.memref_slice %arg4[%add3A_90, %dma_start3A_99] : memref<204800x128xi32, #tpu.memory_space<hbm>> -> memref<128x128xi32, #tpu.memory_space<hbm>>
        %dma_start3A_101 = arith.constant 0 : i32
        %dma_start3A_102 = tpu.memref_slice %arg4[%add3A_90, %dma_start3A_101] : memref<204800x128xi32, #tpu.memory_space<hbm>> -> memref<128x128xi32, #tpu.memory_space<hbm>>
        tpu.enqueue_dma source(%arg7 : memref<128x128xi32, #tpu.memory_space<vmem>>) target(%dma_start3A_102 : memref<128x128xi32, #tpu.memory_space<hbm>>) target_semaphore(%run_scoped3A : memref<!tpu.dma_semaphore, #tpu.memory_space<semaphore_mem>>)
        %dma_wait3A_103 = arith.constant 0 : i32
        %dma_wait3A_104 = tpu.memref_slice %arg4[%add3A_90, %dma_wait3A_103] : memref<204800x128xi32, #tpu.memory_space<hbm>> -> memref<128x128xi32, #tpu.memory_space<hbm>>
        %dma_wait3A_105 = arith.constant 0 : i32
        %dma_wait3A_106 = tpu.memref_slice %arg4[%add3A_90, %dma_wait3A_105] : memref<204800x128xi32, #tpu.memory_space<hbm>> -> memref<128x128xi32, #tpu.memory_space<hbm>>
        tpu.wait_dma2 semaphore(%run_scoped3A : memref<!tpu.dma_semaphore, #tpu.memory_space<semaphore_mem>>) src(%arg7 : memref<128x128xi32, #tpu.memory_space<vmem>>) dst(%dma_wait3A_106 : memref<128x128xi32, #tpu.memory_space<hbm>>)
        tpu.yield
      }) : () -> ()
      %add3A_91 = arith.constant 3 : i32
      %add3A_92 = arith.addi %add3A_60, %add3A_91 : i32
      %dma_start3A_93 = arith.constant 0 : i32
      %dma_start3A_94 = tpu.memref_slice %arg5[%add3A_92, %dma_start3A_93] : memref<100x128xi32, #tpu.memory_space<vmem>> -> memref<1x128xi32, #tpu.memory_space<vmem>>
      %dma_start3A_95 = tpu.memref_squeeze %dma_start3A_94 : memref<1x128xi32, #tpu.memory_space<vmem>> -> memref<128xi32, #tpu.memory_space<vmem>>
      %dma_start3A_96 = arith.constant 0 : i32
      %dma_start3A_97 = arith.constant 0 : i32
      %dma_start3A_98 = tpu.memref_slice %arg2[%dma_start3A_96, %dma_start3A_97] : memref<20000x128xi32, #tpu.memory_space<hbm>> -> memref<20000x128xi32, #tpu.memory_space<hbm>>
      tpu.enqueue_indirect_dma source(%dma_start3A_98 : memref<20000x128xi32, #tpu.memory_space<hbm>>) target(%arg7 : memref<128x128xi32, #tpu.memory_space<vmem>>) offsets(%dma_start3A_95 : memref<128xi32, #tpu.memory_space<vmem>>) semaphore(%arg9 : memref<!tpu.dma_semaphore, #tpu.memory_space<semaphore_mem>>)
    }
    %while3A_30 = arith.constant 1 : i32
    scf.for %while3A_57 = %while3A_28 to %while3A_24 step %while3A_30  : i32 {
      %mul3A_58 = arith.constant 2 : i32
      %mul3A_59 = arith.muli %mul3A_58, %while3A_57 : i32
      %add3A_60 = arith.addi %mul3A_4, %mul3A_59 : i32
      %dma_wait3A_61 = arith.constant 0 : i32
      %dma_wait3A_62 = arith.constant 0 : i32
      %dma_wait3A_63 = tpu.memref_slice %arg5[%dma_wait3A_61, %dma_wait3A_62] : memref<100x128xi32, #tpu.memory_space<vmem>> -> memref<1x128xi32, #tpu.memory_space<vmem>>
      %dma_wait3A_64 = tpu.memref_squeeze %dma_wait3A_63 : memref<1x128xi32, #tpu.memory_space<vmem>> -> memref<128xi32, #tpu.memory_space<vmem>>
      %dma_wait3A_65 = arith.constant 0 : i32
      %dma_wait3A_66 = arith.constant 0 : i32
      %dma_wait3A_67 = tpu.memref_slice %arg2[%dma_wait3A_65, %dma_wait3A_66] : memref<20000x128xi32, #tpu.memory_space<hbm>> -> memref<20000x128xi32, #tpu.memory_space<hbm>>
      tpu.wait_indirect_dma semaphore(%arg8 : memref<!tpu.dma_semaphore, #tpu.memory_space<semaphore_mem>>) src(%dma_wait3A_67 : memref<20000x128xi32, #tpu.memory_space<hbm>>) dst(%arg6 : memref<128x128xi32, #tpu.memory_space<vmem>>)
      %mul3A_68 = arith.constant 128 : i32
      %mul3A_69 = arith.muli %add3A_60, %mul3A_68 : i32
      %add3A_70 = arith.addi %mul3A_2, %mul3A_69 : i32
      "tpu.region"() ({
        %run_scoped3A = tpu.sem_alloc : memref<!tpu.dma_semaphore, #tpu.memory_space<semaphore_mem>>
        %dma_start3A_99 = arith.constant 0 : i32
        %dma_start3A_100 = tpu.memref_slice %arg4[%add3A_70, %dma_start3A_99] : memref<204800x128xi32, #tpu.memory_space<hbm>> -> memref<128x128xi32, #tpu.memory_space<hbm>>
        %dma_start3A_101 = arith.constant 0 : i32
        %dma_start3A_102 = tpu.memref_slice %arg4[%add3A_70, %dma_start3A_101] : memref<204800x128xi32, #tpu.memory_space<hbm>> -> memref<128x128xi32, #tpu.memory_space<hbm>>
        tpu.enqueue_dma source(%arg6 : memref<128x128xi32, #tpu.memory_space<vmem>>) target(%dma_start3A_102 : memref<128x128xi32, #tpu.memory_space<hbm>>) target_semaphore(%run_scoped3A : memref<!tpu.dma_semaphore, #tpu.memory_space<semaphore_mem>>)
        %dma_wait3A_103 = arith.constant 0 : i32
        %dma_wait3A_104 = tpu.memref_slice %arg4[%add3A_70, %dma_wait3A_103] : memref<204800x128xi32, #tpu.memory_space<hbm>> -> memref<128x128xi32, #tpu.memory_space<hbm>>
        %dma_wait3A_105 = arith.constant 0 : i32
        %dma_wait3A_106 = tpu.memref_slice %arg4[%add3A_70, %dma_wait3A_105] : memref<204800x128xi32, #tpu.memory_space<hbm>> -> memref<128x128xi32, #tpu.memory_space<hbm>>
        tpu.wait_dma2 semaphore(%run_scoped3A : memref<!tpu.dma_semaphore, #tpu.memory_space<semaphore_mem>>) src(%arg6 : memref<128x128xi32, #tpu.memory_space<vmem>>) dst(%dma_wait3A_106 : memref<128x128xi32, #tpu.memory_space<hbm>>)
        tpu.yield
      }) : () -> ()
      %add3A_71 = arith.constant 2 : i32
      %add3A_72 = arith.addi %add3A_60, %add3A_71 : i32
      %dma_start3A_73 = arith.constant 0 : i32
      %dma_start3A_74 = tpu.memref_slice %arg5[%add3A_72, %dma_start3A_73] : memref<100x128xi32, #tpu.memory_space<vmem>> -> memref<1x128xi32, #tpu.memory_space<vmem>>
      %dma_start3A_75 = tpu.memref_squeeze %dma_start3A_74 : memref<1x128xi32, #tpu.memory_space<vmem>> -> memref<128xi32, #tpu.memory_space<vmem>>
      %dma_start3A_76 = arith.constant 0 : i32
      %dma_start3A_77 = arith.constant 0 : i32
      %dma_start3A_78 = tpu.memref_slice %arg2[%dma_start3A_76, %dma_start3A_77] : memref<20000x128xi32, #tpu.memory_space<hbm>> -> memref<20000x128xi32, #tpu.memory_space<hbm>>
      tpu.enqueue_indirect_dma source(%dma_start3A_78 : memref<20000x128xi32, #tpu.memory_space<hbm>>) target(%arg6 : memref<128x128xi32, #tpu.memory_space<vmem>>) offsets(%dma_start3A_75 : memref<128xi32, #tpu.memory_space<vmem>>) semaphore(%arg8 : memref<!tpu.dma_semaphore, #tpu.memory_space<semaphore_mem>>)
      %dma_wait3A_79 = arith.constant 0 : i32
      %dma_wait3A_80 = arith.constant 0 : i32
      %dma_wait3A_81 = tpu.memref_slice %arg5[%dma_wait3A_79, %dma_wait3A_80] : memref<100x128xi32, #tpu.memory_space<vmem>> -> memref<1x128xi32, #tpu.memory_space<vmem>>
      %dma_wait3A_82 = tpu.memref_squeeze %dma_wait3A_81 : memref<1x128xi32, #tpu.memory_space<vmem>> -> memref<128xi32, #tpu.memory_space<vmem>>
      %dma_wait3A_83 = arith.constant 0 : i32
      %dma_wait3A_84 = arith.constant 0 : i32
      %dma_wait3A_85 = tpu.memref_slice %arg2[%dma_wait3A_83, %dma_wait3A_84] : memref<20000x128xi32, #tpu.memory_space<hbm>> -> memref<20000x128xi32, #tpu.memory_space<hbm>>
      tpu.wait_indirect_dma semaphore(%arg9 : memref<!tpu.dma_semaphore, #tpu.memory_space<semaphore_mem>>) src(%dma_wait3A_85 : memref<20000x128xi32, #tpu.memory_space<hbm>>) dst(%arg7 : memref<128x128xi32, #tpu.memory_space<vmem>>)
      %add3A_86 = arith.constant 1 : i32
      %add3A_87 = arith.addi %add3A_60, %add3A_86 : i32
      %mul3A_88 = arith.constant 128 : i32
      %mul3A_89 = arith.muli %add3A_87, %mul3A_88 : i32
      %add3A_90 = arith.addi %mul3A_2, %mul3A_89 : i32
      "tpu.region"() ({
        %run_scoped3A = tpu.sem_alloc : memref<!tpu.dma_semaphore, #tpu.memory_space<semaphore_mem>>
        %dma_start3A_99 = arith.constant 0 : i32
        %dma_start3A_100 = tpu.memref_slice %arg4[%add3A_90, %dma_start3A_99] : memref<204800x128xi32, #tpu.memory_space<hbm>> -> memref<128x128xi32, #tpu.memory_space<hbm>>
        %dma_start3A_101 = arith.constant 0 : i32
        %dma_start3A_102 = tpu.memref_slice %arg4[%add3A_90, %dma_start3A_101] : memref<204800x128xi32, #tpu.memory_space<hbm>> -> memref<128x128xi32, #tpu.memory_space<hbm>>
        tpu.enqueue_dma source(%arg7 : memref<128x128xi32, #tpu.memory_space<vmem>>) target(%dma_start3A_102 : memref<128x128xi32, #tpu.memory_space<hbm>>) target_semaphore(%run_scoped3A : memref<!tpu.dma_semaphore, #tpu.memory_space<semaphore_mem>>)
        %dma_wait3A_103 = arith.constant 0 : i32
        %dma_wait3A_104 = tpu.memref_slice %arg4[%add3A_90, %dma_wait3A_103] : memref<204800x128xi32, #tpu.memory_space<hbm>> -> memref<128x128xi32, #tpu.memory_space<hbm>>
        %dma_wait3A_105 = arith.constant 0 : i32
        %dma_wait3A_106 = tpu.memref_slice %arg4[%add3A_90, %dma_wait3A_105] : memref<204800x128xi32, #tpu.memory_space<hbm>> -> memref<128x128xi32, #tpu.memory_space<hbm>>
        tpu.wait_dma2 semaphore(%run_scoped3A : memref<!tpu.dma_semaphore, #tpu.memory_space<semaphore_mem>>) src(%arg7 : memref<128x128xi32, #tpu.memory_space<vmem>>) dst(%dma_wait3A_106 : memref<128x128xi32, #tpu.memory_space<hbm>>)
        tpu.yield
      }) : () -> ()
      %add3A_91 = arith.constant 3 : i32
      %add3A_92 = arith.addi %add3A_60, %add3A_91 : i32
      %dma_start3A_93 = arith.constant 0 : i32
      %dma_start3A_94 = tpu.memref_slice %arg5[%add3A_92, %dma_start3A_93] : memref<100x128xi32, #tpu.memory_space<vmem>> -> memref<1x128xi32, #tpu.memory_space<vmem>>
      %dma_start3A_95 = tpu.memref_squeeze %dma_start3A_94 : memref<1x128xi32, #tpu.memory_space<vmem>> -> memref<128xi32, #tpu.memory_space<vmem>>
      %dma_start3A_96 = arith.constant 0 : i32
      %dma_start3A_97 = arith.constant 0 : i32
      %dma_start3A_98 = tpu.memref_slice %arg2[%dma_start3A_96, %dma_start3A_97] : memref<20000x128xi32, #tpu.memory_space<hbm>> -> memref<20000x128xi32, #tpu.memory_space<hbm>>
      tpu.enqueue_indirect_dma source(%dma_start3A_98 : memref<20000x128xi32, #tpu.memory_space<hbm>>) target(%arg7 : memref<128x128xi32, #tpu.memory_space<vmem>>) offsets(%dma_start3A_95 : memref<128xi32, #tpu.memory_space<vmem>>) semaphore(%arg9 : memref<!tpu.dma_semaphore, #tpu.memory_space<semaphore_mem>>)
    }
    %sub3A_31 = arith.constant 1 : i32
    %sub3A_32 = arith.subi %sub3A_7, %sub3A_31 : i32
    %mul3A_33 = arith.constant 2 : i32
    %mul3A_34 = arith.muli %mul3A_33, %sub3A_32 : i32
    %add3A_35 = arith.addi %mul3A_4, %mul3A_34 : i32
    %dma_wait3A = arith.constant 0 : i32
    %dma_wait3A_36 = arith.constant 0 : i32
    %dma_wait3A_37 = tpu.memref_slice %arg5[%dma_wait3A, %dma_wait3A_36] : memref<100x128xi32, #tpu.memory_space<vmem>> -> memref<1x128xi32, #tpu.memory_space<vmem>>
    %dma_wait3A_38 = tpu.memref_squeeze %dma_wait3A_37 : memref<1x128xi32, #tpu.memory_space<vmem>> -> memref<128xi32, #tpu.memory_space<vmem>>
    %dma_wait3A_39 = arith.constant 0 : i32
    %dma_wait3A_40 = arith.constant 0 : i32
    %dma_wait3A_41 = tpu.memref_slice %arg2[%dma_wait3A_39, %dma_wait3A_40] : memref<20000x128xi32, #tpu.memory_space<hbm>> -> memref<20000x128xi32, #tpu.memory_space<hbm>>
    tpu.wait_indirect_dma semaphore(%arg8 : memref<!tpu.dma_semaphore, #tpu.memory_space<semaphore_mem>>) src(%dma_wait3A_41 : memref<20000x128xi32, #tpu.memory_space<hbm>>) dst(%arg6 : memref<128x128xi32, #tpu.memory_space<vmem>>)
    %mul3A_42 = arith.constant 128 : i32
    %mul3A_43 = arith.muli %add3A_35, %mul3A_42 : i32
    %add3A_44 = arith.addi %mul3A_2, %mul3A_43 : i32
    "tpu.region"() ({
      %run_scoped3A = tpu.sem_alloc : memref<!tpu.dma_semaphore, #tpu.memory_space<semaphore_mem>>
      %dma_start3A_57 = arith.constant 0 : i32
      %dma_start3A_58 = tpu.memref_slice %arg4[%add3A_44, %dma_start3A_57] : memref<204800x128xi32, #tpu.memory_space<hbm>> -> memref<128x128xi32, #tpu.memory_space<hbm>>
      %dma_start3A_59 = arith.constant 0 : i32
      %dma_start3A_60 = tpu.memref_slice %arg4[%add3A_44, %dma_start3A_59] : memref<204800x128xi32, #tpu.memory_space<hbm>> -> memref<128x128xi32, #tpu.memory_space<hbm>>
      tpu.enqueue_dma source(%arg6 : memref<128x128xi32, #tpu.memory_space<vmem>>) target(%dma_start3A_60 : memref<128x128xi32, #tpu.memory_space<hbm>>) target_semaphore(%run_scoped3A : memref<!tpu.dma_semaphore, #tpu.memory_space<semaphore_mem>>)
      %dma_wait3A_61 = arith.constant 0 : i32
      %dma_wait3A_62 = tpu.memref_slice %arg4[%add3A_44, %dma_wait3A_61] : memref<204800x128xi32, #tpu.memory_space<hbm>> -> memref<128x128xi32, #tpu.memory_space<hbm>>
      %dma_wait3A_63 = arith.constant 0 : i32
      %dma_wait3A_64 = tpu.memref_slice %arg4[%add3A_44, %dma_wait3A_63] : memref<204800x128xi32, #tpu.memory_space<hbm>> -> memref<128x128xi32, #tpu.memory_space<hbm>>
      tpu.wait_dma2 semaphore(%run_scoped3A : memref<!tpu.dma_semaphore, #tpu.memory_space<semaphore_mem>>) src(%arg6 : memref<128x128xi32, #tpu.memory_space<vmem>>) dst(%dma_wait3A_64 : memref<128x128xi32, #tpu.memory_space<hbm>>)
      tpu.yield
    }) : () -> ()
    %dma_wait3A_45 = arith.constant 0 : i32
    %dma_wait3A_46 = arith.constant 0 : i32
    %dma_wait3A_47 = tpu.memref_slice %arg5[%dma_wait3A_45, %dma_wait3A_46] : memref<100x128xi32, #tpu.memory_space<vmem>> -> memref<1x128xi32, #tpu.memory_space<vmem>>
    %dma_wait3A_48 = tpu.memref_squeeze %dma_wait3A_47 : memref<1x128xi32, #tpu.memory_space<vmem>> -> memref<128xi32, #tpu.memory_space<vmem>>
    %dma_wait3A_49 = arith.constant 0 : i32
    %dma_wait3A_50 = arith.constant 0 : i32
    %dma_wait3A_51 = tpu.memref_slice %arg2[%dma_wait3A_49, %dma_wait3A_50] : memref<20000x128xi32, #tpu.memory_space<hbm>> -> memref<20000x128xi32, #tpu.memory_space<hbm>>
    tpu.wait_indirect_dma semaphore(%arg9 : memref<!tpu.dma_semaphore, #tpu.memory_space<semaphore_mem>>) src(%dma_wait3A_51 : memref<20000x128xi32, #tpu.memory_space<hbm>>) dst(%arg7 : memref<128x128xi32, #tpu.memory_space<vmem>>)
    %add3A_52 = arith.constant 1 : i32
    %add3A_53 = arith.addi %add3A_35, %add3A_52 : i32
    %mul3A_54 = arith.constant 128 : i32
    %mul3A_55 = arith.muli %add3A_53, %mul3A_54 : i32
    %add3A_56 = arith.addi %mul3A_2, %mul3A_55 : i32
    "tpu.region"() ({
      %run_scoped3A = tpu.sem_alloc : memref<!tpu.dma_semaphore, #tpu.memory_space<semaphore_mem>>
      %dma_start3A_57 = arith.constant 0 : i32
      %dma_start3A_58 = tpu.memref_slice %arg4[%add3A_56, %dma_start3A_57] : memref<204800x128xi32, #tpu.memory_space<hbm>> -> memref<128x128xi32, #tpu.memory_space<hbm>>
      %dma_start3A_59 = arith.constant 0 : i32
      %dma_start3A_60 = tpu.memref_slice %arg4[%add3A_56, %dma_start3A_59] : memref<204800x128xi32, #tpu.memory_space<hbm>> -> memref<128x128xi32, #tpu.memory_space<hbm>>
      tpu.enqueue_dma source(%arg7 : memref<128x128xi32, #tpu.memory_space<vmem>>) target(%dma_start3A_60 : memref<128x128xi32, #tpu.memory_space<hbm>>) target_semaphore(%run_scoped3A : memref<!tpu.dma_semaphore, #tpu.memory_space<semaphore_mem>>)
      %dma_wait3A_61 = arith.constant 0 : i32
      %dma_wait3A_62 = tpu.memref_slice %arg4[%add3A_56, %dma_wait3A_61] : memref<204800x128xi32, #tpu.memory_space<hbm>> -> memref<128x128xi32, #tpu.memory_space<hbm>>
      %dma_wait3A_63 = arith.constant 0 : i32
      %dma_wait3A_64 = tpu.memref_slice %arg4[%add3A_56, %dma_wait3A_63] : memref<204800x128xi32, #tpu.memory_space<hbm>> -> memref<128x128xi32, #tpu.memory_space<hbm>>
      tpu.wait_dma2 semaphore(%run_scoped3A : memref<!tpu.dma_semaphore, #tpu.memory_space<semaphore_mem>>) src(%arg7 : memref<128x128xi32, #tpu.memory_space<vmem>>) dst(%dma_wait3A_64 : memref<128x128xi32, #tpu.memory_space<hbm>>)
      tpu.yield
    }) : () -> ()
    return
  }
}

#map = affine_map<(d0, d1) -> (0, 0)>
#map1 = affine_map<(d0, d1) -> (0, 0, 0)>
module attributes {stable_mosaic.version = 14 : i64} {
  func.func @scatter_add(%arg0: i32, %arg1: i32, %arg2: memref<102400x256xf32, #tpu.memory_space<hbm>>, %arg3: memref<16x50x128xi32, #tpu.memory_space<hbm>>, %arg4: memref<640x128xf32, #tpu.memory_space<hbm>>, %arg5: memref<10240x256xf32, #tpu.memory_space<hbm>>, %arg6: memref<50x128xi32, #tpu.memory_space<vmem>>, %arg7: memref<128x128xf32, #tpu.memory_space<vmem>>, %arg8: memref<128x128xf32, #tpu.memory_space<vmem>>, %arg9: memref<10240x128xf32, #tpu.memory_space<vmem_shared>>, %arg10: memref<!tpu.dma_semaphore, #tpu.memory_space<semaphore_mem>>, %arg11: memref<!tpu.dma_semaphore, #tpu.memory_space<semaphore_mem>>) attributes {dimension_semantics = [#tpu.dimension_semantics<core_parallel>, #tpu.dimension_semantics<subcore_parallel>], iteration_bounds = array<i64: 2, 16>, scalar_prefetch = 0 : i64, scratch_operands = 6 : i64, tpu.core_type = #tpu.core_type<sc_vector_subcore>, window_params = [{transform_indices = #map}, {transform_indices = #map1}, {transform_indices = #map}, {transform_indices = #map}]} {
    %mul3A = arith.constant 640 : i32
    %mul3A_0 = arith.muli %arg1, %mul3A : i32
    "tpu.region"() ({
      %run_scoped3A_33 = tpu.sem_alloc : memref<!tpu.dma_semaphore, #tpu.memory_space<semaphore_mem>>
      %dma_start3A_34 = arith.constant 0 : i32
      %dma_start3A_35 = tpu.memref_slice %arg9[%mul3A_0, %dma_start3A_34] : memref<10240x128xf32, #tpu.memory_space<vmem_shared>> -> memref<640x128xf32, #tpu.memory_space<vmem_shared>>
      tpu.enqueue_dma source(%arg4 : memref<640x128xf32, #tpu.memory_space<hbm>>) target(%dma_start3A_35 : memref<640x128xf32, #tpu.memory_space<vmem_shared>>) target_semaphore(%run_scoped3A_33 : memref<!tpu.dma_semaphore, #tpu.memory_space<semaphore_mem>>)
      %dma_wait3A_36 = arith.constant 0 : i32
      %dma_wait3A_37 = tpu.memref_slice %arg9[%mul3A_0, %dma_wait3A_36] : memref<10240x128xf32, #tpu.memory_space<vmem_shared>> -> memref<640x128xf32, #tpu.memory_space<vmem_shared>>
      tpu.wait_dma2 semaphore(%run_scoped3A_33 : memref<!tpu.dma_semaphore, #tpu.memory_space<semaphore_mem>>) src(%arg4 : memref<640x128xf32, #tpu.memory_space<hbm>>) dst(%dma_wait3A_37 : memref<640x128xf32, #tpu.memory_space<vmem_shared>>)
      tpu.yield
    }) : () -> ()
    "tpu.region"() ({
      %run_scoped3A_33 = tpu.sem_alloc : memref<!tpu.dma_semaphore, #tpu.memory_space<semaphore_mem>>
      %dma_start3A_34 = arith.constant 0 : i32
      %dma_start3A_35 = arith.constant 0 : i32
      %dma_start3A_36 = tpu.memref_slice %arg3[%arg1, %dma_start3A_34, %dma_start3A_35] : memref<16x50x128xi32, #tpu.memory_space<hbm>> -> memref<1x50x128xi32, #tpu.memory_space<hbm>>
      %dma_start3A_37 = tpu.memref_squeeze %dma_start3A_36 : memref<1x50x128xi32, #tpu.memory_space<hbm>> -> memref<50x128xi32, #tpu.memory_space<hbm>>
      %dma_start3A_38 = arith.constant 0 : i32
      %dma_start3A_39 = arith.constant 0 : i32
      %dma_start3A_40 = tpu.memref_slice %arg3[%arg1, %dma_start3A_38, %dma_start3A_39] : memref<16x50x128xi32, #tpu.memory_space<hbm>> -> memref<1x50x128xi32, #tpu.memory_space<hbm>>
      %dma_start3A_41 = tpu.memref_squeeze %dma_start3A_40 : memref<1x50x128xi32, #tpu.memory_space<hbm>> -> memref<50x128xi32, #tpu.memory_space<hbm>>
      tpu.enqueue_dma source(%dma_start3A_41 : memref<50x128xi32, #tpu.memory_space<hbm>>) target(%arg6 : memref<50x128xi32, #tpu.memory_space<vmem>>) target_semaphore(%run_scoped3A_33 : memref<!tpu.dma_semaphore, #tpu.memory_space<semaphore_mem>>)
      %dma_wait3A_42 = arith.constant 0 : i32
      %dma_wait3A_43 = arith.constant 0 : i32
      %dma_wait3A_44 = tpu.memref_slice %arg3[%arg1, %dma_wait3A_42, %dma_wait3A_43] : memref<16x50x128xi32, #tpu.memory_space<hbm>> -> memref<1x50x128xi32, #tpu.memory_space<hbm>>
      %dma_wait3A_45 = tpu.memref_squeeze %dma_wait3A_44 : memref<1x50x128xi32, #tpu.memory_space<hbm>> -> memref<50x128xi32, #tpu.memory_space<hbm>>
      %dma_wait3A_46 = arith.constant 0 : i32
      %dma_wait3A_47 = arith.constant 0 : i32
      %dma_wait3A_48 = tpu.memref_slice %arg3[%arg1, %dma_wait3A_46, %dma_wait3A_47] : memref<16x50x128xi32, #tpu.memory_space<hbm>> -> memref<1x50x128xi32, #tpu.memory_space<hbm>>
      %dma_wait3A_49 = tpu.memref_squeeze %dma_wait3A_48 : memref<1x50x128xi32, #tpu.memory_space<hbm>> -> memref<50x128xi32, #tpu.memory_space<hbm>>
      tpu.wait_dma2 semaphore(%run_scoped3A_33 : memref<!tpu.dma_semaphore, #tpu.memory_space<semaphore_mem>>) src(%dma_wait3A_49 : memref<50x128xi32, #tpu.memory_space<hbm>>) dst(%arg6 : memref<50x128xi32, #tpu.memory_space<vmem>>)
      tpu.yield
    }) : () -> ()
    %barrier3A = arith.constant 0 : index
    tpu.barrier barrier_id(%barrier3A)
    %mul3A_1 = arith.constant 50 : i32
    %mul3A_2 = arith.muli %arg1, %mul3A_1 : i32
    %mul3A_3 = arith.constant 128 : i32
    %mul3A_4 = arith.muli %mul3A_2, %mul3A_3 : i32
    %mul3A_5 = arith.constant 128 : i32
    %mul3A_6 = arith.muli %arg0, %mul3A_5 : i32
    %add3A = arith.constant 0 : i32
    %add3A_7 = arith.addi %mul3A_4, %add3A : i32
    %dma_start3A = tpu.memref_slice %arg2[%add3A_7, %mul3A_6] : memref<102400x256xf32, #tpu.memory_space<hbm>> -> memref<128x128xf32, #tpu.memory_space<hbm>>
    %dma_start3A_8 = tpu.memref_slice %arg2[%add3A_7, %mul3A_6] : memref<102400x256xf32, #tpu.memory_space<hbm>> -> memref<128x128xf32, #tpu.memory_space<hbm>>
    tpu.enqueue_dma source(%dma_start3A_8 : memref<128x128xf32, #tpu.memory_space<hbm>>) target(%arg7 : memref<128x128xf32, #tpu.memory_space<vmem>>) target_semaphore(%arg10 : memref<!tpu.dma_semaphore, #tpu.memory_space<semaphore_mem>>)
    %add3A_9 = arith.constant 128 : i32
    %add3A_10 = arith.addi %mul3A_4, %add3A_9 : i32
    %dma_start3A_11 = tpu.memref_slice %arg2[%add3A_10, %mul3A_6] : memref<102400x256xf32, #tpu.memory_space<hbm>> -> memref<128x128xf32, #tpu.memory_space<hbm>>
    %dma_start3A_12 = tpu.memref_slice %arg2[%add3A_10, %mul3A_6] : memref<102400x256xf32, #tpu.memory_space<hbm>> -> memref<128x128xf32, #tpu.memory_space<hbm>>
    tpu.enqueue_dma source(%dma_start3A_12 : memref<128x128xf32, #tpu.memory_space<hbm>>) target(%arg8 : memref<128x128xf32, #tpu.memory_space<vmem>>) target_semaphore(%arg11 : memref<!tpu.dma_semaphore, #tpu.memory_space<semaphore_mem>>)
    %scan3A = arith.constant 0 : i32
    %scan3A_13 = arith.constant 0 : i32
    %scan3A_14 = arith.constant 24 : i32
    %scan3A_15 = arith.addi %scan3A_13, %scan3A_14 : i32
    %scan3A_16 = arith.constant 1 : i32
    scf.for %scan3A_33 = %scan3A_13 to %scan3A_15 step %scan3A_16  : i32 {
      %dma_wait3A_34 = arith.constant 0 : i32
      %dma_wait3A_35 = tpu.memref_slice %arg2[%dma_wait3A_34, %mul3A_6] : memref<102400x256xf32, #tpu.memory_space<hbm>> -> memref<128x128xf32, #tpu.memory_space<hbm>>
      %dma_wait3A_36 = arith.constant 0 : i32
      %dma_wait3A_37 = tpu.memref_slice %arg2[%dma_wait3A_36, %mul3A_6] : memref<102400x256xf32, #tpu.memory_space<hbm>> -> memref<128x128xf32, #tpu.memory_space<hbm>>
      tpu.wait_dma2 semaphore(%arg10 : memref<!tpu.dma_semaphore, #tpu.memory_space<semaphore_mem>>) src(%dma_wait3A_37 : memref<128x128xf32, #tpu.memory_space<hbm>>) dst(%arg7 : memref<128x128xf32, #tpu.memory_space<vmem>>)
      %mul3A_38 = arith.constant 2 : i32
      %mul3A_39 = arith.muli %mul3A_38, %scan3A_33 : i32
      "tpu.region"() ({
        %run_scoped3A_66 = tpu.sem_alloc : memref<!tpu.dma_semaphore, #tpu.memory_space<semaphore_mem>>
        %dma_start3A_67 = arith.constant 0 : i32
        %dma_start3A_68 = tpu.memref_slice %arg6[%mul3A_39, %dma_start3A_67] : memref<50x128xi32, #tpu.memory_space<vmem>> -> memref<1x128xi32, #tpu.memory_space<vmem>>
        %dma_start3A_69 = tpu.memref_squeeze %dma_start3A_68 : memref<1x128xi32, #tpu.memory_space<vmem>> -> memref<128xi32, #tpu.memory_space<vmem>>
        %dma_start3A_70 = arith.constant 0 : i32
        %dma_start3A_71 = arith.constant 0 : i32
        %dma_start3A_72 = tpu.memref_slice %arg9[%dma_start3A_70, %dma_start3A_71] : memref<10240x128xf32, #tpu.memory_space<vmem_shared>> -> memref<10240x128xf32, #tpu.memory_space<vmem_shared>>
        tpu.enqueue_indirect_dma source(%arg7 : memref<128x128xf32, #tpu.memory_space<vmem>>) target(%dma_start3A_72 : memref<10240x128xf32, #tpu.memory_space<vmem_shared>>) offsets(%dma_start3A_69 : memref<128xi32, #tpu.memory_space<vmem>>) semaphore(%run_scoped3A_66 : memref<!tpu.dma_semaphore, #tpu.memory_space<semaphore_mem>>) {add = true}
        %dma_wait3A_73 = arith.constant 0 : i32
        %dma_wait3A_74 = tpu.memref_slice %arg6[%mul3A_39, %dma_wait3A_73] : memref<50x128xi32, #tpu.memory_space<vmem>> -> memref<1x128xi32, #tpu.memory_space<vmem>>
        %dma_wait3A_75 = tpu.memref_squeeze %dma_wait3A_74 : memref<1x128xi32, #tpu.memory_space<vmem>> -> memref<128xi32, #tpu.memory_space<vmem>>
        %dma_wait3A_76 = arith.constant 0 : i32
        %dma_wait3A_77 = arith.constant 0 : i32
        %dma_wait3A_78 = tpu.memref_slice %arg9[%dma_wait3A_76, %dma_wait3A_77] : memref<10240x128xf32, #tpu.memory_space<vmem_shared>> -> memref<10240x128xf32, #tpu.memory_space<vmem_shared>>
        tpu.wait_indirect_dma semaphore(%run_scoped3A_66 : memref<!tpu.dma_semaphore, #tpu.memory_space<semaphore_mem>>) src(%arg7 : memref<128x128xf32, #tpu.memory_space<vmem>>) dst(%dma_wait3A_78 : memref<10240x128xf32, #tpu.memory_space<vmem_shared>>)
        tpu.yield
      }) : () -> ()
      %mul3A_40 = arith.constant 2 : i32
      %mul3A_41 = arith.muli %mul3A_40, %scan3A_33 : i32
      %add3A_42 = arith.constant 2 : i32
      %add3A_43 = arith.addi %mul3A_41, %add3A_42 : i32
      %mul3A_44 = arith.constant 128 : i32
      %mul3A_45 = arith.muli %add3A_43, %mul3A_44 : i32
      %add3A_46 = arith.addi %mul3A_4, %mul3A_45 : i32
      %dma_start3A_47 = tpu.memref_slice %arg2[%add3A_46, %mul3A_6] : memref<102400x256xf32, #tpu.memory_space<hbm>> -> memref<128x128xf32, #tpu.memory_space<hbm>>
      %dma_start3A_48 = tpu.memref_slice %arg2[%add3A_46, %mul3A_6] : memref<102400x256xf32, #tpu.memory_space<hbm>> -> memref<128x128xf32, #tpu.memory_space<hbm>>
      tpu.enqueue_dma source(%dma_start3A_48 : memref<128x128xf32, #tpu.memory_space<hbm>>) target(%arg7 : memref<128x128xf32, #tpu.memory_space<vmem>>) target_semaphore(%arg10 : memref<!tpu.dma_semaphore, #tpu.memory_space<semaphore_mem>>)
      %dma_wait3A_49 = arith.constant 0 : i32
      %dma_wait3A_50 = tpu.memref_slice %arg2[%dma_wait3A_49, %mul3A_6] : memref<102400x256xf32, #tpu.memory_space<hbm>> -> memref<128x128xf32, #tpu.memory_space<hbm>>
      %dma_wait3A_51 = arith.constant 0 : i32
      %dma_wait3A_52 = tpu.memref_slice %arg2[%dma_wait3A_51, %mul3A_6] : memref<102400x256xf32, #tpu.memory_space<hbm>> -> memref<128x128xf32, #tpu.memory_space<hbm>>
      tpu.wait_dma2 semaphore(%arg11 : memref<!tpu.dma_semaphore, #tpu.memory_space<semaphore_mem>>) src(%dma_wait3A_52 : memref<128x128xf32, #tpu.memory_space<hbm>>) dst(%arg8 : memref<128x128xf32, #tpu.memory_space<vmem>>)
      %mul3A_53 = arith.constant 2 : i32
      %mul3A_54 = arith.muli %mul3A_53, %scan3A_33 : i32
      %add3A_55 = arith.constant 1 : i32
      %add3A_56 = arith.addi %mul3A_54, %add3A_55 : i32
      "tpu.region"() ({
        %run_scoped3A_66 = tpu.sem_alloc : memref<!tpu.dma_semaphore, #tpu.memory_space<semaphore_mem>>
        %dma_start3A_67 = arith.constant 0 : i32
        %dma_start3A_68 = tpu.memref_slice %arg6[%add3A_56, %dma_start3A_67] : memref<50x128xi32, #tpu.memory_space<vmem>> -> memref<1x128xi32, #tpu.memory_space<vmem>>
        %dma_start3A_69 = tpu.memref_squeeze %dma_start3A_68 : memref<1x128xi32, #tpu.memory_space<vmem>> -> memref<128xi32, #tpu.memory_space<vmem>>
        %dma_start3A_70 = arith.constant 0 : i32
        %dma_start3A_71 = arith.constant 0 : i32
        %dma_start3A_72 = tpu.memref_slice %arg9[%dma_start3A_70, %dma_start3A_71] : memref<10240x128xf32, #tpu.memory_space<vmem_shared>> -> memref<10240x128xf32, #tpu.memory_space<vmem_shared>>
        tpu.enqueue_indirect_dma source(%arg8 : memref<128x128xf32, #tpu.memory_space<vmem>>) target(%dma_start3A_72 : memref<10240x128xf32, #tpu.memory_space<vmem_shared>>) offsets(%dma_start3A_69 : memref<128xi32, #tpu.memory_space<vmem>>) semaphore(%run_scoped3A_66 : memref<!tpu.dma_semaphore, #tpu.memory_space<semaphore_mem>>) {add = true}
        %dma_wait3A_73 = arith.constant 0 : i32
        %dma_wait3A_74 = tpu.memref_slice %arg6[%add3A_56, %dma_wait3A_73] : memref<50x128xi32, #tpu.memory_space<vmem>> -> memref<1x128xi32, #tpu.memory_space<vmem>>
        %dma_wait3A_75 = tpu.memref_squeeze %dma_wait3A_74 : memref<1x128xi32, #tpu.memory_space<vmem>> -> memref<128xi32, #tpu.memory_space<vmem>>
        %dma_wait3A_76 = arith.constant 0 : i32
        %dma_wait3A_77 = arith.constant 0 : i32
        %dma_wait3A_78 = tpu.memref_slice %arg9[%dma_wait3A_76, %dma_wait3A_77] : memref<10240x128xf32, #tpu.memory_space<vmem_shared>> -> memref<10240x128xf32, #tpu.memory_space<vmem_shared>>
        tpu.wait_indirect_dma semaphore(%run_scoped3A_66 : memref<!tpu.dma_semaphore, #tpu.memory_space<semaphore_mem>>) src(%arg8 : memref<128x128xf32, #tpu.memory_space<vmem>>) dst(%dma_wait3A_78 : memref<10240x128xf32, #tpu.memory_space<vmem_shared>>)
        tpu.yield
      }) : () -> ()
      %mul3A_57 = arith.constant 2 : i32
      %mul3A_58 = arith.muli %mul3A_57, %scan3A_33 : i32
      %add3A_59 = arith.constant 3 : i32
      %add3A_60 = arith.addi %mul3A_58, %add3A_59 : i32
      %mul3A_61 = arith.constant 128 : i32
      %mul3A_62 = arith.muli %add3A_60, %mul3A_61 : i32
      %add3A_63 = arith.addi %mul3A_4, %mul3A_62 : i32
      %dma_start3A_64 = tpu.memref_slice %arg2[%add3A_63, %mul3A_6] : memref<102400x256xf32, #tpu.memory_space<hbm>> -> memref<128x128xf32, #tpu.memory_space<hbm>>
      %dma_start3A_65 = tpu.memref_slice %arg2[%add3A_63, %mul3A_6] : memref<102400x256xf32, #tpu.memory_space<hbm>> -> memref<128x128xf32, #tpu.memory_space<hbm>>
      tpu.enqueue_dma source(%dma_start3A_65 : memref<128x128xf32, #tpu.memory_space<hbm>>) target(%arg8 : memref<128x128xf32, #tpu.memory_space<vmem>>) target_semaphore(%arg11 : memref<!tpu.dma_semaphore, #tpu.memory_space<semaphore_mem>>)
    }
    %scan3A_17 = arith.constant 24 : i32
    %dma_wait3A = arith.constant 0 : i32
    %dma_wait3A_18 = tpu.memref_slice %arg2[%dma_wait3A, %mul3A_6] : memref<102400x256xf32, #tpu.memory_space<hbm>> -> memref<128x128xf32, #tpu.memory_space<hbm>>
    %dma_wait3A_19 = arith.constant 0 : i32
    %dma_wait3A_20 = tpu.memref_slice %arg2[%dma_wait3A_19, %mul3A_6] : memref<102400x256xf32, #tpu.memory_space<hbm>> -> memref<128x128xf32, #tpu.memory_space<hbm>>
    tpu.wait_dma2 semaphore(%arg10 : memref<!tpu.dma_semaphore, #tpu.memory_space<semaphore_mem>>) src(%dma_wait3A_20 : memref<128x128xf32, #tpu.memory_space<hbm>>) dst(%arg7 : memref<128x128xf32, #tpu.memory_space<vmem>>)
    %run_scoped3A = arith.constant 48 : i32
    "tpu.region"() ({
      %run_scoped3A_33 = tpu.sem_alloc : memref<!tpu.dma_semaphore, #tpu.memory_space<semaphore_mem>>
      %dma_start3A_34 = arith.constant 0 : i32
      %dma_start3A_35 = tpu.memref_slice %arg6[%run_scoped3A, %dma_start3A_34] : memref<50x128xi32, #tpu.memory_space<vmem>> -> memref<1x128xi32, #tpu.memory_space<vmem>>
      %dma_start3A_36 = tpu.memref_squeeze %dma_start3A_35 : memref<1x128xi32, #tpu.memory_space<vmem>> -> memref<128xi32, #tpu.memory_space<vmem>>
      %dma_start3A_37 = arith.constant 0 : i32
      %dma_start3A_38 = arith.constant 0 : i32
      %dma_start3A_39 = tpu.memref_slice %arg9[%dma_start3A_37, %dma_start3A_38] : memref<10240x128xf32, #tpu.memory_space<vmem_shared>> -> memref<10240x128xf32, #tpu.memory_space<vmem_shared>>
      tpu.enqueue_indirect_dma source(%arg7 : memref<128x128xf32, #tpu.memory_space<vmem>>) target(%dma_start3A_39 : memref<10240x128xf32, #tpu.memory_space<vmem_shared>>) offsets(%dma_start3A_36 : memref<128xi32, #tpu.memory_space<vmem>>) semaphore(%run_scoped3A_33 : memref<!tpu.dma_semaphore, #tpu.memory_space<semaphore_mem>>) {add = true}
      %dma_wait3A_40 = arith.constant 0 : i32
      %dma_wait3A_41 = tpu.memref_slice %arg6[%run_scoped3A, %dma_wait3A_40] : memref<50x128xi32, #tpu.memory_space<vmem>> -> memref<1x128xi32, #tpu.memory_space<vmem>>
      %dma_wait3A_42 = tpu.memref_squeeze %dma_wait3A_41 : memref<1x128xi32, #tpu.memory_space<vmem>> -> memref<128xi32, #tpu.memory_space<vmem>>
      %dma_wait3A_43 = arith.constant 0 : i32
      %dma_wait3A_44 = arith.constant 0 : i32
      %dma_wait3A_45 = tpu.memref_slice %arg9[%dma_wait3A_43, %dma_wait3A_44] : memref<10240x128xf32, #tpu.memory_space<vmem_shared>> -> memref<10240x128xf32, #tpu.memory_space<vmem_shared>>
      tpu.wait_indirect_dma semaphore(%run_scoped3A_33 : memref<!tpu.dma_semaphore, #tpu.memory_space<semaphore_mem>>) src(%arg7 : memref<128x128xf32, #tpu.memory_space<vmem>>) dst(%dma_wait3A_45 : memref<10240x128xf32, #tpu.memory_space<vmem_shared>>)
      tpu.yield
    }) : () -> ()
    %dma_wait3A_21 = arith.constant 0 : i32
    %dma_wait3A_22 = tpu.memref_slice %arg2[%dma_wait3A_21, %mul3A_6] : memref<102400x256xf32, #tpu.memory_space<hbm>> -> memref<128x128xf32, #tpu.memory_space<hbm>>
    %dma_wait3A_23 = arith.constant 0 : i32
    %dma_wait3A_24 = tpu.memref_slice %arg2[%dma_wait3A_23, %mul3A_6] : memref<102400x256xf32, #tpu.memory_space<hbm>> -> memref<128x128xf32, #tpu.memory_space<hbm>>
    tpu.wait_dma2 semaphore(%arg11 : memref<!tpu.dma_semaphore, #tpu.memory_space<semaphore_mem>>) src(%dma_wait3A_24 : memref<128x128xf32, #tpu.memory_space<hbm>>) dst(%arg8 : memref<128x128xf32, #tpu.memory_space<vmem>>)
    %run_scoped3A_25 = arith.constant 49 : i32
    "tpu.region"() ({
      %run_scoped3A_33 = tpu.sem_alloc : memref<!tpu.dma_semaphore, #tpu.memory_space<semaphore_mem>>
      %dma_start3A_34 = arith.constant 0 : i32
      %dma_start3A_35 = tpu.memref_slice %arg6[%run_scoped3A_25, %dma_start3A_34] : memref<50x128xi32, #tpu.memory_space<vmem>> -> memref<1x128xi32, #tpu.memory_space<vmem>>
      %dma_start3A_36 = tpu.memref_squeeze %dma_start3A_35 : memref<1x128xi32, #tpu.memory_space<vmem>> -> memref<128xi32, #tpu.memory_space<vmem>>
      %dma_start3A_37 = arith.constant 0 : i32
      %dma_start3A_38 = arith.constant 0 : i32
      %dma_start3A_39 = tpu.memref_slice %arg9[%dma_start3A_37, %dma_start3A_38] : memref<10240x128xf32, #tpu.memory_space<vmem_shared>> -> memref<10240x128xf32, #tpu.memory_space<vmem_shared>>
      tpu.enqueue_indirect_dma source(%arg8 : memref<128x128xf32, #tpu.memory_space<vmem>>) target(%dma_start3A_39 : memref<10240x128xf32, #tpu.memory_space<vmem_shared>>) offsets(%dma_start3A_36 : memref<128xi32, #tpu.memory_space<vmem>>) semaphore(%run_scoped3A_33 : memref<!tpu.dma_semaphore, #tpu.memory_space<semaphore_mem>>) {add = true}
      %dma_wait3A_40 = arith.constant 0 : i32
      %dma_wait3A_41 = tpu.memref_slice %arg6[%run_scoped3A_25, %dma_wait3A_40] : memref<50x128xi32, #tpu.memory_space<vmem>> -> memref<1x128xi32, #tpu.memory_space<vmem>>
      %dma_wait3A_42 = tpu.memref_squeeze %dma_wait3A_41 : memref<1x128xi32, #tpu.memory_space<vmem>> -> memref<128xi32, #tpu.memory_space<vmem>>
      %dma_wait3A_43 = arith.constant 0 : i32
      %dma_wait3A_44 = arith.constant 0 : i32
      %dma_wait3A_45 = tpu.memref_slice %arg9[%dma_wait3A_43, %dma_wait3A_44] : memref<10240x128xf32, #tpu.memory_space<vmem_shared>> -> memref<10240x128xf32, #tpu.memory_space<vmem_shared>>
      tpu.wait_indirect_dma semaphore(%run_scoped3A_33 : memref<!tpu.dma_semaphore, #tpu.memory_space<semaphore_mem>>) src(%arg8 : memref<128x128xf32, #tpu.memory_space<vmem>>) dst(%dma_wait3A_45 : memref<10240x128xf32, #tpu.memory_space<vmem_shared>>)
      tpu.yield
    }) : () -> ()
    %barrier3A_26 = arith.constant 0 : index
    tpu.barrier barrier_id(%barrier3A_26)
    %mul3A_27 = arith.constant 640 : i32
    %mul3A_28 = arith.muli %arg1, %mul3A_27 : i32
    %mul3A_29 = arith.constant 640 : i32
    %mul3A_30 = arith.muli %arg1, %mul3A_29 : i32
    %mul3A_31 = arith.constant 128 : i32
    %mul3A_32 = arith.muli %arg0, %mul3A_31 : i32
    "tpu.region"() ({
      %run_scoped3A_33 = tpu.sem_alloc : memref<!tpu.dma_semaphore, #tpu.memory_space<semaphore_mem>>
      %dma_start3A_34 = tpu.memref_slice %arg5[%mul3A_30, %mul3A_32] : memref<10240x256xf32, #tpu.memory_space<hbm>> -> memref<640x128xf32, #tpu.memory_space<hbm>>
      %dma_start3A_35 = arith.constant 0 : i32
      %dma_start3A_36 = tpu.memref_slice %arg9[%mul3A_28, %dma_start3A_35] : memref<10240x128xf32, #tpu.memory_space<vmem_shared>> -> memref<640x128xf32, #tpu.memory_space<vmem_shared>>
      tpu.enqueue_dma source(%dma_start3A_36 : memref<640x128xf32, #tpu.memory_space<vmem_shared>>) target(%dma_start3A_34 : memref<640x128xf32, #tpu.memory_space<hbm>>) target_semaphore(%run_scoped3A_33 : memref<!tpu.dma_semaphore, #tpu.memory_space<semaphore_mem>>)
      %dma_wait3A_37 = tpu.memref_slice %arg5[%mul3A_30, %mul3A_32] : memref<10240x256xf32, #tpu.memory_space<hbm>> -> memref<640x128xf32, #tpu.memory_space<hbm>>
      %dma_wait3A_38 = arith.constant 0 : i32
      %dma_wait3A_39 = tpu.memref_slice %arg9[%mul3A_28, %dma_wait3A_38] : memref<10240x128xf32, #tpu.memory_space<vmem_shared>> -> memref<640x128xf32, #tpu.memory_space<vmem_shared>>
      tpu.wait_dma2 semaphore(%run_scoped3A_33 : memref<!tpu.dma_semaphore, #tpu.memory_space<semaphore_mem>>) src(%dma_wait3A_39 : memref<640x128xf32, #tpu.memory_space<vmem_shared>>) dst(%dma_wait3A_37 : memref<640x128xf32, #tpu.memory_space<hbm>>)
      tpu.yield
    }) : () -> ()
    return
  }
}

module attributes {stable_mosaic.version = 14 : i64} {
  func.func @_mlp2_body(%arg0: i32, %arg1: memref<1000x128xf32, #tpu.memory_space<vmem>>, %arg2: memref<128x256xf32, #tpu.memory_space<vmem>>, %arg3: memref<1x256xf32, #tpu.memory_space<vmem>>, %arg4: memref<256x256xf32, #tpu.memory_space<vmem>>, %arg5: memref<1x256xf32, #tpu.memory_space<vmem>>, %arg6: memref<1000x256xf32, #tpu.memory_space<vmem>>) attributes {dimension_semantics = [#tpu.dimension_semantics<arbitrary>], iteration_bounds = array<i64: 2>, scalar_prefetch = 0 : i64, scratch_operands = 0 : i64, tpu.core_type = #tpu.core_type<tc>, window_params = [{transform_indices = @transform_0, window_bounds = array<i64: 1000, 128>}, {pipeline_mode = #tpu.pipeline_mode<synchronous>, transform_indices = @transform_1, window_bounds = array<i64: 128, 256>}, {pipeline_mode = #tpu.pipeline_mode<synchronous>, transform_indices = @transform_2, window_bounds = array<i64: 1, 256>}, {pipeline_mode = #tpu.pipeline_mode<synchronous>, transform_indices = @transform_3, window_bounds = array<i64: 256, 256>}, {pipeline_mode = #tpu.pipeline_mode<synchronous>, transform_indices = @transform_4, window_bounds = array<i64: 1, 256>}, {transform_indices = @transform_5, window_bounds = array<i64: 1000, 256>}]} {
    %get3A = arith.constant 0 : index
    %get3A_0 = arith.constant 0 : index
    %get3A_1 = vector.load %arg1[%get3A, %get3A_0] : memref<1000x128xf32, #tpu.memory_space<vmem>>, vector<1000x128xf32>
    %get3A_2 = arith.constant 0 : index
    %get3A_3 = arith.constant 0 : index
    %get3A_4 = vector.load %arg2[%get3A_2, %get3A_3] : memref<128x256xf32, #tpu.memory_space<vmem>>, vector<128x256xf32>
    %dot_general3A = arith.constant dense<0.000000e+00> : vector<1000x256xf32>
    %dot_general3A_5 = tpu.matmul %get3A_1, %get3A_4, %dot_general3A {dimension_numbers = #tpu.dot_dimension_numbers<[1], [0], [0], [1], [0, 0, 1, 1], [], []>, transpose_lhs_hint = false} : vector<1000x128xf32>, vector<128x256xf32>, vector<1000x256xf32> -> vector<1000x256xf32>
    %get3A_6 = arith.constant 0 : index
    %get3A_7 = arith.constant 0 : index
    %get3A_8 = vector.load %arg3[%get3A_6, %get3A_7] : memref<1x256xf32, #tpu.memory_space<vmem>>, vector<1x256xf32>
    %add3A = vector.broadcast %get3A_8 : vector<1x256xf32> to vector<1000x256xf32>
    %add3A_9 = arith.addf %dot_general3A_5, %add3A : vector<1000x256xf32>
    %max3A = arith.constant 0.000000e+00 : f32
    %max3A_10 = vector.broadcast %max3A : f32 to vector<1000x256xf32>
    %max3A_11 = arith.maximumf %add3A_9, %max3A_10 : vector<1000x256xf32>
    %get3A_12 = arith.constant 0 : index
    %get3A_13 = arith.constant 0 : index
    %get3A_14 = vector.load %arg4[%get3A_12, %get3A_13] : memref<256x256xf32, #tpu.memory_space<vmem>>, vector<256x256xf32>
    %dot_general3A_15 = arith.constant dense<0.000000e+00> : vector<1000x256xf32>
    %dot_general3A_16 = tpu.matmul %max3A_11, %get3A_14, %dot_general3A_15 {dimension_numbers = #tpu.dot_dimension_numbers<[1], [0], [0], [1], [0, 0, 1, 1], [], []>, transpose_lhs_hint = false} : vector<1000x256xf32>, vector<256x256xf32>, vector<1000x256xf32> -> vector<1000x256xf32>
    %get3A_17 = arith.constant 0 : index
    %get3A_18 = arith.constant 0 : index
    %get3A_19 = vector.load %arg5[%get3A_17, %get3A_18] : memref<1x256xf32, #tpu.memory_space<vmem>>, vector<1x256xf32>
    %add3A_20 = vector.broadcast %get3A_19 : vector<1x256xf32> to vector<1000x256xf32>
    %add3A_21 = arith.addf %dot_general3A_16, %add3A_20 : vector<1000x256xf32>
    %swap3A = arith.constant 0 : index
    %swap3A_22 = arith.constant 0 : index
    %swap3A_23 = vector.load %arg6[%swap3A, %swap3A_22] : memref<1000x256xf32, #tpu.memory_space<vmem>>, vector<1000x256xf32>
    tpu.vector_store %arg6[%swap3A, %swap3A_22], %add3A_21 {strides = array<i32>} : memref<1000x256xf32, #tpu.memory_space<vmem>>, vector<1000x256xf32>,
    return
  }
  func.func @transform_0(%arg0: i32) -> (i32, i32) {
    %c0_i32 = arith.constant 0 : i32
    %c0_i32_0 = arith.constant 0 : i32
    return %arg0, %c0_i32 : i32, i32
  }
  func.func @transform_1(%arg0: i32) -> (i32, i32) {
    %c0_i32 = arith.constant 0 : i32
    %c0_i32_0 = arith.constant 0 : i32
    %c0_i32_1 = arith.constant 0 : i32
    return %c0_i32, %c0_i32_0 : i32, i32
  }
  func.func @transform_2(%arg0: i32) -> (i32, i32) {
    %c0_i32 = arith.constant 0 : i32
    %c0_i32_0 = arith.constant 0 : i32
    %c0_i32_1 = arith.constant 0 : i32
    return %c0_i32, %c0_i32_0 : i32, i32
  }
  func.func @transform_3(%arg0: i32) -> (i32, i32) {
    %c0_i32 = arith.constant 0 : i32
    %c0_i32_0 = arith.constant 0 : i32
    %c0_i32_1 = arith.constant 0 : i32
    return %c0_i32, %c0_i32_0 : i32, i32
  }
  func.func @transform_4(%arg0: i32) -> (i32, i32) {
    %c0_i32 = arith.constant 0 : i32
    %c0_i32_0 = arith.constant 0 : i32
    %c0_i32_1 = arith.constant 0 : i32
    return %c0_i32, %c0_i32_0 : i32, i32
  }
  func.func @transform_5(%arg0: i32) -> (i32, i32) {
    %c0_i32 = arith.constant 0 : i32
    %c0_i32_0 = arith.constant 0 : i32
    return %arg0, %c0_i32 : i32, i32
  }
}

module attributes {stable_mosaic.version = 14 : i64} {
  func.func @_mlp2_body(%arg0: i32, %arg1: memref<1000x128xf32, #tpu.memory_space<vmem>>, %arg2: memref<128x256xf32, #tpu.memory_space<vmem>>, %arg3: memref<1x256xf32, #tpu.memory_space<vmem>>, %arg4: memref<256x256xf32, #tpu.memory_space<vmem>>, %arg5: memref<1x256xf32, #tpu.memory_space<vmem>>, %arg6: memref<1000x256xf32, #tpu.memory_space<vmem>>) attributes {dimension_semantics = [#tpu.dimension_semantics<arbitrary>], iteration_bounds = array<i64: 8>, scalar_prefetch = 0 : i64, scratch_operands = 0 : i64, tpu.core_type = #tpu.core_type<tc>, window_params = [{transform_indices = @transform_0, window_bounds = array<i64: 1000, 128>}, {pipeline_mode = #tpu.pipeline_mode<synchronous>, transform_indices = @transform_1, window_bounds = array<i64: 128, 256>}, {pipeline_mode = #tpu.pipeline_mode<synchronous>, transform_indices = @transform_2, window_bounds = array<i64: 1, 256>}, {pipeline_mode = #tpu.pipeline_mode<synchronous>, transform_indices = @transform_3, window_bounds = array<i64: 256, 256>}, {pipeline_mode = #tpu.pipeline_mode<synchronous>, transform_indices = @transform_4, window_bounds = array<i64: 1, 256>}, {transform_indices = @transform_5, window_bounds = array<i64: 1000, 256>}]} {
    %get3A = arith.constant 0 : index
    %get3A_0 = arith.constant 0 : index
    %get3A_1 = vector.load %arg1[%get3A, %get3A_0] : memref<1000x128xf32, #tpu.memory_space<vmem>>, vector<1000x128xf32>
    %get3A_2 = arith.constant 0 : index
    %get3A_3 = arith.constant 0 : index
    %get3A_4 = vector.load %arg2[%get3A_2, %get3A_3] : memref<128x256xf32, #tpu.memory_space<vmem>>, vector<128x256xf32>
    %dot_general3A = arith.constant dense<0.000000e+00> : vector<1000x256xf32>
    %dot_general3A_5 = tpu.matmul %get3A_1, %get3A_4, %dot_general3A {dimension_numbers = #tpu.dot_dimension_numbers<[1], [0], [0], [1], [0, 0, 1, 1], [], []>, transpose_lhs_hint = false} : vector<1000x128xf32>, vector<128x256xf32>, vector<1000x256xf32> -> vector<1000x256xf32>
    %get3A_6 = arith.constant 0 : index
    %get3A_7 = arith.constant 0 : index
    %get3A_8 = vector.load %arg3[%get3A_6, %get3A_7] : memref<1x256xf32, #tpu.memory_space<vmem>>, vector<1x256xf32>
    %add3A = vector.broadcast %get3A_8 : vector<1x256xf32> to vector<1000x256xf32>
    %add3A_9 = arith.addf %dot_general3A_5, %add3A : vector<1000x256xf32>
    %max3A = arith.constant 0.000000e+00 : f32
    %max3A_10 = vector.broadcast %max3A : f32 to vector<1000x256xf32>
    %max3A_11 = arith.maximumf %add3A_9, %max3A_10 : vector<1000x256xf32>
    %get3A_12 = arith.constant 0 : index
    %get3A_13 = arith.constant 0 : index
    %get3A_14 = vector.load %arg4[%get3A_12, %get3A_13] : memref<256x256xf32, #tpu.memory_space<vmem>>, vector<256x256xf32>
    %dot_general3A_15 = arith.constant dense<0.000000e+00> : vector<1000x256xf32>
    %dot_general3A_16 = tpu.matmul %max3A_11, %get3A_14, %dot_general3A_15 {dimension_numbers = #tpu.dot_dimension_numbers<[1], [0], [0], [1], [0, 0, 1, 1], [], []>, transpose_lhs_hint = false} : vector<1000x256xf32>, vector<256x256xf32>, vector<1000x256xf32> -> vector<1000x256xf32>
    %get3A_17 = arith.constant 0 : index
    %get3A_18 = arith.constant 0 : index
    %get3A_19 = vector.load %arg5[%get3A_17, %get3A_18] : memref<1x256xf32, #tpu.memory_space<vmem>>, vector<1x256xf32>
    %add3A_20 = vector.broadcast %get3A_19 : vector<1x256xf32> to vector<1000x256xf32>
    %add3A_21 = arith.addf %dot_general3A_16, %add3A_20 : vector<1000x256xf32>
    %swap3A = arith.constant 0 : index
    %swap3A_22 = arith.constant 0 : index
    %swap3A_23 = vector.load %arg6[%swap3A, %swap3A_22] : memref<1000x256xf32, #tpu.memory_space<vmem>>, vector<1000x256xf32>
    tpu.vector_store %arg6[%swap3A, %swap3A_22], %add3A_21 {strides = array<i32>} : memref<1000x256xf32, #tpu.memory_space<vmem>>, vector<1000x256xf32>,
    return
  }
  func.func @transform_0(%arg0: i32) -> (i32, i32) {
    %c0_i32 = arith.constant 0 : i32
    %c0_i32_0 = arith.constant 0 : i32
    return %arg0, %c0_i32 : i32, i32
  }
  func.func @transform_1(%arg0: i32) -> (i32, i32) {
    %c0_i32 = arith.constant 0 : i32
    %c0_i32_0 = arith.constant 0 : i32
    %c0_i32_1 = arith.constant 0 : i32
    return %c0_i32, %c0_i32_0 : i32, i32
  }
  func.func @transform_2(%arg0: i32) -> (i32, i32) {
    %c0_i32 = arith.constant 0 : i32
    %c0_i32_0 = arith.constant 0 : i32
    %c0_i32_1 = arith.constant 0 : i32
    return %c0_i32, %c0_i32_0 : i32, i32
  }
  func.func @transform_3(%arg0: i32) -> (i32, i32) {
    %c0_i32 = arith.constant 0 : i32
    %c0_i32_0 = arith.constant 0 : i32
    %c0_i32_1 = arith.constant 0 : i32
    return %c0_i32, %c0_i32_0 : i32, i32
  }
  func.func @transform_4(%arg0: i32) -> (i32, i32) {
    %c0_i32 = arith.constant 0 : i32
    %c0_i32_0 = arith.constant 0 : i32
    %c0_i32_1 = arith.constant 0 : i32
    return %c0_i32, %c0_i32_0 : i32, i32
  }
  func.func @transform_5(%arg0: i32) -> (i32, i32) {
    %c0_i32 = arith.constant 0 : i32
    %c0_i32_0 = arith.constant 0 : i32
    return %arg0, %c0_i32 : i32, i32
  }
}

module attributes {stable_mosaic.version = 14 : i64} {
  func.func @_nodeproj_body(%arg0: i32, %arg1: i32, %arg2: memref<1000x256xf32, #tpu.memory_space<vmem>>, %arg3: memref<1x256x256xf32, #tpu.memory_space<vmem>>, %arg4: memref<1000x128xi32, #tpu.memory_space<vmem>>) attributes {dimension_semantics = [#tpu.dimension_semantics<arbitrary>, #tpu.dimension_semantics<arbitrary>], iteration_bounds = array<i64: 2, 10>, scalar_prefetch = 0 : i64, scratch_operands = 0 : i64, tpu.core_type = #tpu.core_type<tc>, window_params = [{transform_indices = @transform_0, window_bounds = array<i64: 1000, 256>}, {transform_indices = @transform_1, window_bounds = array<i64: 1, 256, 256>}, {transform_indices = @transform_2, window_bounds = array<i64: 1000, 128>}]} {
    %get3A = arith.constant 0 : index
    %get3A_0 = arith.constant 0 : index
    %get3A_1 = vector.load %arg2[%get3A, %get3A_0] : memref<1000x256xf32, #tpu.memory_space<vmem>>, vector<1000x256xf32>
    %get3A_2 = arith.constant 0 : index
    %get3A_3 = arith.constant 0 : index
    %get3A_4 = arith.constant 0 : index
    %get3A_5 = vector.load %arg3[%get3A_2, %get3A_3, %get3A_4] : memref<1x256x256xf32, #tpu.memory_space<vmem>>, vector<1x256x256xf32>
    %get3A_6 = vector.shape_cast %get3A_5 : vector<1x256x256xf32> to vector<256x256xf32>
    %dot_general3A = arith.constant dense<0.000000e+00> : vector<1000x256xf32>
    %dot_general3A_7 = tpu.matmul %get3A_1, %get3A_6, %dot_general3A {dimension_numbers = #tpu.dot_dimension_numbers<[1], [0], [0], [1], [0, 0, 1, 1], [], []>, transpose_lhs_hint = false} : vector<1000x256xf32>, vector<256x256xf32>, vector<1000x256xf32> -> vector<1000x256xf32>
    %slice3A = vector.extract_strided_slice %dot_general3A_7 {offsets = [0, 0], sizes = [1000, 128], strides = [1, 1]} : vector<1000x256xf32> to vector<1000x128xf32>
    %convert_element_type3A = arith.truncf %slice3A : vector<1000x128xf32> to vector<1000x128xbf16>
    %bitcast_convert_type3A = tpu.bitcast %convert_element_type3A : vector<1000x128xbf16> -> vector<1000x128xi16>
    %convert_element_type3A_8 = arith.extui %bitcast_convert_type3A : vector<1000x128xi16> to vector<1000x128xi32>
    %slice3A_9 = vector.extract_strided_slice %dot_general3A_7 {offsets = [0, 128], sizes = [1000, 128], strides = [1, 1]} : vector<1000x256xf32> to vector<1000x128xf32>
    %convert_element_type3A_10 = arith.truncf %slice3A_9 : vector<1000x128xf32> to vector<1000x128xbf16>
    %bitcast_convert_type3A_11 = tpu.bitcast %convert_element_type3A_10 : vector<1000x128xbf16> -> vector<1000x128xi16>
    %convert_element_type3A_12 = arith.extui %bitcast_convert_type3A_11 : vector<1000x128xi16> to vector<1000x128xi32>
    %shift_left3A = arith.constant 16 : i32
    %shift_left3A_13 = vector.broadcast %shift_left3A : i32 to vector<1000x128xi32>
    %shift_left3A_14 = arith.shli %convert_element_type3A_12, %shift_left3A_13 : vector<1000x128xi32>
    %or3A = arith.ori %shift_left3A_14, %convert_element_type3A_8 : vector<1000x128xi32>
    %bitcast_convert_type3A_15 = tpu.bitcast %or3A : vector<1000x128xi32> -> vector<1000x128xi32>
    %swap3A = arith.constant 0 : index
    %swap3A_16 = arith.constant 0 : index
    %swap3A_17 = vector.load %arg4[%swap3A, %swap3A_16] : memref<1000x128xi32, #tpu.memory_space<vmem>>, vector<1000x128xi32>
    tpu.vector_store %arg4[%swap3A, %swap3A_16], %bitcast_convert_type3A_15 {strides = array<i32>} : memref<1000x128xi32, #tpu.memory_space<vmem>>, vector<1000x128xi32>,
    return
  }
  func.func @transform_0(%arg0: i32, %arg1: i32) -> (i32, i32) {
    %c0_i32 = arith.constant 0 : i32
    %c0_i32_0 = arith.constant 0 : i32
    return %arg1, %c0_i32 : i32, i32
  }
  func.func @transform_1(%arg0: i32, %arg1: i32) -> (i32, i32, i32) {
    %c0_i32 = arith.constant 0 : i32
    %c0_i32_0 = arith.constant 0 : i32
    %c0_i32_1 = arith.constant 0 : i32
    return %arg0, %c0_i32, %c0_i32_0 : i32, i32, i32
  }
  func.func @transform_2(%arg0: i32, %arg1: i32) -> (i32, i32) {
    %mul3A = arith.constant 10 : i32
    %mul3A_0 = arith.muli %arg0, %mul3A : i32
    %add3A = arith.addi %mul3A_0, %arg1 : i32
    %c0_i32 = arith.constant 0 : i32
    %c0_i32_1 = arith.constant 0 : i32
    return %add3A, %c0_i32 : i32, i32
  }
}

module attributes {stable_mosaic.version = 14 : i64} {
  func.func @_embproj_body(%arg0: i32, %arg1: memref<8x1024xf32, #tpu.memory_space<vmem>>, %arg2: memref<8x256xf32, #tpu.memory_space<vmem>>, %arg3: memref<1x256xf32, #tpu.memory_space<vmem>>, %arg4: memref<256x256xf32, #tpu.memory_space<vmem>>, %arg5: memref<1x256xf32, #tpu.memory_space<vmem>>, %arg6: memref<256x256xf32, #tpu.memory_space<vmem>>, %arg7: memref<1x256xf32, #tpu.memory_space<vmem>>, %arg8: memref<1024x256xbf16, #tpu.memory_space<vmem>>, %arg9: memref<1024x256xbf16, #tpu.memory_space<vmem>>) attributes {dimension_semantics = [#tpu.dimension_semantics<arbitrary>], iteration_bounds = array<i64: 100>, scalar_prefetch = 0 : i64, scratch_operands = 0 : i64, tpu.core_type = #tpu.core_type<tc>, window_params = [{transform_indices = @transform_0, window_bounds = array<i64: 8, 1024>}, {pipeline_mode = #tpu.pipeline_mode<synchronous>, transform_indices = @transform_1, window_bounds = array<i64: 8, 256>}, {pipeline_mode = #tpu.pipeline_mode<synchronous>, transform_indices = @transform_2, window_bounds = array<i64: 1, 256>}, {pipeline_mode = #tpu.pipeline_mode<synchronous>, transform_indices = @transform_3, window_bounds = array<i64: 256, 256>}, {pipeline_mode = #tpu.pipeline_mode<synchronous>, transform_indices = @transform_4, window_bounds = array<i64: 1, 256>}, {pipeline_mode = #tpu.pipeline_mode<synchronous>, transform_indices = @transform_5, window_bounds = array<i64: 256, 256>}, {pipeline_mode = #tpu.pipeline_mode<synchronous>, transform_indices = @transform_6, window_bounds = array<i64: 1, 256>}, {transform_indices = @transform_7, window_bounds = array<i64: 1024, 256>}, {transform_indices = @transform_8, window_bounds = array<i64: 1024, 256>}]} {
    %get3A = arith.constant 0 : index
    %get3A_0 = arith.constant 0 : index
    %get3A_1 = vector.load %arg1[%get3A, %get3A_0] : memref<8x1024xf32, #tpu.memory_space<vmem>>, vector<8x1024xf32>
    %get3A_2 = arith.constant 0 : index
    %get3A_3 = arith.constant 0 : index
    %get3A_4 = vector.load %arg2[%get3A_2, %get3A_3] : memref<8x256xf32, #tpu.memory_space<vmem>>, vector<8x256xf32>
    %dot_general3A = arith.constant dense<0.000000e+00> : vector<1024x256xf32>
    %dot_general3A_5 = tpu.matmul %get3A_1, %get3A_4, %dot_general3A {dimension_numbers = #tpu.dot_dimension_numbers<[0], [0], [1], [1], [0, 1, 1, 1], [], []>, transpose_lhs_hint = false} : vector<8x1024xf32>, vector<8x256xf32>, vector<1024x256xf32> -> vector<1024x256xf32>
    %get3A_6 = arith.constant 0 : index
    %get3A_7 = arith.constant 0 : index
    %get3A_8 = vector.load %arg3[%get3A_6, %get3A_7] : memref<1x256xf32, #tpu.memory_space<vmem>>, vector<1x256xf32>
    %add3A = vector.broadcast %get3A_8 : vector<1x256xf32> to vector<1024x256xf32>
    %add3A_9 = arith.addf %dot_general3A_5, %add3A : vector<1024x256xf32>
    %max3A = arith.constant 0.000000e+00 : f32
    %max3A_10 = vector.broadcast %max3A : f32 to vector<1024x256xf32>
    %max3A_11 = arith.maximumf %add3A_9, %max3A_10 : vector<1024x256xf32>
    %get3A_12 = arith.constant 0 : index
    %get3A_13 = arith.constant 0 : index
    %get3A_14 = vector.load %arg4[%get3A_12, %get3A_13] : memref<256x256xf32, #tpu.memory_space<vmem>>, vector<256x256xf32>
    %dot_general3A_15 = arith.constant dense<0.000000e+00> : vector<1024x256xf32>
    %dot_general3A_16 = tpu.matmul %max3A_11, %get3A_14, %dot_general3A_15 {dimension_numbers = #tpu.dot_dimension_numbers<[1], [0], [0], [1], [0, 0, 1, 1], [], []>, transpose_lhs_hint = false} : vector<1024x256xf32>, vector<256x256xf32>, vector<1024x256xf32> -> vector<1024x256xf32>
    %get3A_17 = arith.constant 0 : index
    %get3A_18 = arith.constant 0 : index
    %get3A_19 = vector.load %arg5[%get3A_17, %get3A_18] : memref<1x256xf32, #tpu.memory_space<vmem>>, vector<1x256xf32>
    %add3A_20 = vector.broadcast %get3A_19 : vector<1x256xf32> to vector<1024x256xf32>
    %add3A_21 = arith.addf %dot_general3A_16, %add3A_20 : vector<1024x256xf32>
    %convert_element_type3A = arith.truncf %add3A_21 : vector<1024x256xf32> to vector<1024x256xbf16>
    %swap3A = arith.constant 0 : index
    %swap3A_22 = arith.constant 0 : index
    %swap3A_23 = vector.load %arg8[%swap3A, %swap3A_22] : memref<1024x256xbf16, #tpu.memory_space<vmem>>, vector<1024x256xbf16>
    tpu.vector_store %arg8[%swap3A, %swap3A_22], %convert_element_type3A {strides = array<i32>} : memref<1024x256xbf16, #tpu.memory_space<vmem>>, vector<1024x256xbf16>,
    %get3A_24 = arith.constant 0 : index
    %get3A_25 = arith.constant 0 : index
    %get3A_26 = vector.load %arg6[%get3A_24, %get3A_25] : memref<256x256xf32, #tpu.memory_space<vmem>>, vector<256x256xf32>
    %dot_general3A_27 = arith.constant dense<0.000000e+00> : vector<1024x256xf32>
    %dot_general3A_28 = tpu.matmul %add3A_21, %get3A_26, %dot_general3A_27 {dimension_numbers = #tpu.dot_dimension_numbers<[1], [0], [0], [1], [0, 0, 1, 1], [], []>, transpose_lhs_hint = false} : vector<1024x256xf32>, vector<256x256xf32>, vector<1024x256xf32> -> vector<1024x256xf32>
    %get3A_29 = arith.constant 0 : index
    %get3A_30 = arith.constant 0 : index
    %get3A_31 = vector.load %arg7[%get3A_29, %get3A_30] : memref<1x256xf32, #tpu.memory_space<vmem>>, vector<1x256xf32>
    %add3A_32 = vector.broadcast %get3A_31 : vector<1x256xf32> to vector<1024x256xf32>
    %add3A_33 = arith.addf %dot_general3A_28, %add3A_32 : vector<1024x256xf32>
    %convert_element_type3A_34 = arith.truncf %add3A_33 : vector<1024x256xf32> to vector<1024x256xbf16>
    %swap3A_35 = arith.constant 0 : index
    %swap3A_36 = arith.constant 0 : index
    %swap3A_37 = vector.load %arg9[%swap3A_35, %swap3A_36] : memref<1024x256xbf16, #tpu.memory_space<vmem>>, vector<1024x256xbf16>
    tpu.vector_store %arg9[%swap3A_35, %swap3A_36], %convert_element_type3A_34 {strides = array<i32>} : memref<1024x256xbf16, #tpu.memory_space<vmem>>, vector<1024x256xbf16>,
    return
  }
  func.func @transform_0(%arg0: i32) -> (i32, i32) {
    %c0_i32 = arith.constant 0 : i32
    %c0_i32_0 = arith.constant 0 : i32
    return %c0_i32, %arg0 : i32, i32
  }
  func.func @transform_1(%arg0: i32) -> (i32, i32) {
    %c0_i32 = arith.constant 0 : i32
    %c0_i32_0 = arith.constant 0 : i32
    %c0_i32_1 = arith.constant 0 : i32
    return %c0_i32, %c0_i32_0 : i32, i32
  }
  func.func @transform_2(%arg0: i32) -> (i32, i32) {
    %c0_i32 = arith.constant 0 : i32
    %c0_i32_0 = arith.constant 0 : i32
    %c0_i32_1 = arith.constant 0 : i32
    return %c0_i32, %c0_i32_0 : i32, i32
  }
  func.func @transform_3(%arg0: i32) -> (i32, i32) {
    %c0_i32 = arith.constant 0 : i32
    %c0_i32_0 = arith.constant 0 : i32
    %c0_i32_1 = arith.constant 0 : i32
    return %c0_i32, %c0_i32_0 : i32, i32
  }
  func.func @transform_4(%arg0: i32) -> (i32, i32) {
    %c0_i32 = arith.constant 0 : i32
    %c0_i32_0 = arith.constant 0 : i32
    %c0_i32_1 = arith.constant 0 : i32
    return %c0_i32, %c0_i32_0 : i32, i32
  }
  func.func @transform_5(%arg0: i32) -> (i32, i32) {
    %c0_i32 = arith.constant 0 : i32
    %c0_i32_0 = arith.constant 0 : i32
    %c0_i32_1 = arith.constant 0 : i32
    return %c0_i32, %c0_i32_0 : i32, i32
  }
  func.func @transform_6(%arg0: i32) -> (i32, i32) {
    %c0_i32 = arith.constant 0 : i32
    %c0_i32_0 = arith.constant 0 : i32
    %c0_i32_1 = arith.constant 0 : i32
    return %c0_i32, %c0_i32_0 : i32, i32
  }
  func.func @transform_7(%arg0: i32) -> (i32, i32) {
    %c0_i32 = arith.constant 0 : i32
    %c0_i32_0 = arith.constant 0 : i32
    return %arg0, %c0_i32 : i32, i32
  }
  func.func @transform_8(%arg0: i32) -> (i32, i32) {
    %c0_i32 = arith.constant 0 : i32
    %c0_i32_0 = arith.constant 0 : i32
    return %arg0, %c0_i32 : i32, i32
  }
}

module attributes {stable_mosaic.version = 14 : i64} {
  func.func @_eup_body(%arg0: i32, %arg1: memref<1024x128xi32, #tpu.memory_space<vmem>>, %arg2: memref<1024x128xi32, #tpu.memory_space<vmem>>, %arg3: memref<1024x256xbf16, #tpu.memory_space<vmem>>, %arg4: memref<1024x256xbf16, #tpu.memory_space<vmem>>, %arg5: memref<256x256xf32, #tpu.memory_space<vmem>>, %arg6: memref<1x256xf32, #tpu.memory_space<vmem>>, %arg7: memref<1024x256xf32, #tpu.memory_space<vmem>>) attributes {dimension_semantics = [#tpu.dimension_semantics<arbitrary>], iteration_bounds = array<i64: 100>, scalar_prefetch = 0 : i64, scratch_operands = 0 : i64, tpu.core_type = #tpu.core_type<tc>, window_params = [{transform_indices = @transform_0, window_bounds = array<i64: 1024, 128>}, {transform_indices = @transform_1, window_bounds = array<i64: 1024, 128>}, {transform_indices = @transform_2, window_bounds = array<i64: 1024, 256>}, {transform_indices = @transform_3, window_bounds = array<i64: 1024, 256>}, {pipeline_mode = #tpu.pipeline_mode<synchronous>, transform_indices = @transform_4, window_bounds = array<i64: 256, 256>}, {pipeline_mode = #tpu.pipeline_mode<synchronous>, transform_indices = @transform_5, window_bounds = array<i64: 1, 256>}, {transform_indices = @transform_6, window_bounds = array<i64: 1024, 256>}]} {
    %get3A = arith.constant 0 : index
    %get3A_0 = arith.constant 0 : index
    %get3A_1 = vector.load %arg1[%get3A, %get3A_0] : memref<1024x128xi32, #tpu.memory_space<vmem>>, vector<1024x128xi32>
    %shift_left3A = arith.constant 16 : i32
    %shift_left3A_2 = vector.broadcast %shift_left3A : i32 to vector<1024x128xi32>
    %shift_left3A_3 = arith.shli %get3A_1, %shift_left3A_2 : vector<1024x128xi32>
    %bitcast_convert_type3A = tpu.bitcast %shift_left3A_3 : vector<1024x128xi32> -> vector<1024x128xf32>
    %and3A = arith.constant -65536 : i32
    %and3A_4 = vector.broadcast %and3A : i32 to vector<1024x128xi32>
    %and3A_5 = arith.andi %get3A_1, %and3A_4 : vector<1024x128xi32>
    %bitcast_convert_type3A_6 = tpu.bitcast %and3A_5 : vector<1024x128xi32> -> vector<1024x128xf32>
    %get3A_7 = arith.constant 0 : index
    %get3A_8 = arith.constant 0 : index
    %get3A_9 = vector.load %arg2[%get3A_7, %get3A_8] : memref<1024x128xi32, #tpu.memory_space<vmem>>, vector<1024x128xi32>
    %shift_left3A_10 = arith.constant 16 : i32
    %shift_left3A_11 = vector.broadcast %shift_left3A_10 : i32 to vector<1024x128xi32>
    %shift_left3A_12 = arith.shli %get3A_9, %shift_left3A_11 : vector<1024x128xi32>
    %bitcast_convert_type3A_13 = tpu.bitcast %shift_left3A_12 : vector<1024x128xi32> -> vector<1024x128xf32>
    %and3A_14 = arith.constant -65536 : i32
    %and3A_15 = vector.broadcast %and3A_14 : i32 to vector<1024x128xi32>
    %and3A_16 = arith.andi %get3A_9, %and3A_15 : vector<1024x128xi32>
    %bitcast_convert_type3A_17 = tpu.bitcast %and3A_16 : vector<1024x128xi32> -> vector<1024x128xf32>
    %get3A_18 = arith.constant 0 : index
    %get3A_19 = arith.constant 0 : index
    %get3A_20 = vector.load %arg3[%get3A_18, %get3A_19] : memref<1024x256xbf16, #tpu.memory_space<vmem>>, vector<1024x256xbf16>
    %convert_element_type3A = arith.extf %get3A_20 : vector<1024x256xbf16> to vector<1024x256xf32>
    %add3A = arith.addf %bitcast_convert_type3A, %bitcast_convert_type3A_13 : vector<1024x128xf32>
    %slice3A = vector.extract_strided_slice %convert_element_type3A {offsets = [0, 0], sizes = [1024, 128], strides = [1, 1]} : vector<1024x256xf32> to vector<1024x128xf32>
    %add3A_21 = arith.addf %add3A, %slice3A : vector<1024x128xf32>
    %add3A_22 = arith.addf %bitcast_convert_type3A_6, %bitcast_convert_type3A_17 : vector<1024x128xf32>
    %slice3A_23 = vector.extract_strided_slice %convert_element_type3A {offsets = [0, 128], sizes = [1024, 128], strides = [1, 1]} : vector<1024x256xf32> to vector<1024x128xf32>
    %add3A_24 = arith.addf %add3A_22, %slice3A_23 : vector<1024x128xf32>
    %concatenate3A = tpu.concatenate %add3A_21, %add3A_24 in 1 : vector<1024x128xf32>, vector<1024x128xf32> -> vector<1024x256xf32>
    %max3A = arith.constant 0.000000e+00 : f32
    %max3A_25 = vector.broadcast %max3A : f32 to vector<1024x256xf32>
    %max3A_26 = arith.maximumf %concatenate3A, %max3A_25 : vector<1024x256xf32>
    %get3A_27 = arith.constant 0 : index
    %get3A_28 = arith.constant 0 : index
    %get3A_29 = vector.load %arg4[%get3A_27, %get3A_28] : memref<1024x256xbf16, #tpu.memory_space<vmem>>, vector<1024x256xbf16>
    %convert_element_type3A_30 = arith.extf %get3A_29 : vector<1024x256xbf16> to vector<1024x256xf32>
    %get3A_31 = arith.constant 0 : index
    %get3A_32 = arith.constant 0 : index
    %get3A_33 = vector.load %arg5[%get3A_31, %get3A_32] : memref<256x256xf32, #tpu.memory_space<vmem>>, vector<256x256xf32>
    %dot_general3A = arith.constant dense<0.000000e+00> : vector<1024x256xf32>
    %dot_general3A_34 = tpu.matmul %max3A_26, %get3A_33, %dot_general3A {dimension_numbers = #tpu.dot_dimension_numbers<[1], [0], [0], [1], [0, 0, 1, 1], [], []>, transpose_lhs_hint = false} : vector<1024x256xf32>, vector<256x256xf32>, vector<1024x256xf32> -> vector<1024x256xf32>
    %add3A_35 = arith.addf %convert_element_type3A_30, %dot_general3A_34 : vector<1024x256xf32>
    %get3A_36 = arith.constant 0 : index
    %get3A_37 = arith.constant 0 : index
    %get3A_38 = vector.load %arg6[%get3A_36, %get3A_37] : memref<1x256xf32, #tpu.memory_space<vmem>>, vector<1x256xf32>
    %add3A_39 = vector.broadcast %get3A_38 : vector<1x256xf32> to vector<1024x256xf32>
    %add3A_40 = arith.addf %add3A_35, %add3A_39 : vector<1024x256xf32>
    %mul3A = arith.constant 1024 : i32
    %mul3A_41 = arith.muli %arg0, %mul3A : i32
    %iota3A = tpu.iota {dimensions = array<i32: 0>} : vector<1024x1xi32>
    %add3A_42 = vector.broadcast %mul3A_41 : i32 to vector<1024x1xi32>
    %add3A_43 = arith.addi %add3A_42, %iota3A : vector<1024x1xi32>
    %lt3A = arith.constant 100000 : i32
    %lt3A_44 = vector.broadcast %lt3A : i32 to vector<1024x1xi32>
    %lt3A_45 = arith.cmpi slt, %add3A_43, %lt3A_44 : vector<1024x1xi32>
    %jit3A = arith.constant 0.000000e+00 : f32
    %broadcast_in_dim3A = vector.shape_cast %lt3A_45 : vector<1024x1xi1> to vector<1024x1xi1>
    %broadcast_in_dim3A_46 = vector.broadcast %broadcast_in_dim3A : vector<1024x1xi1> to vector<1024x256xi1>
    %broadcast_in_dim3A_47 = vector.broadcast %jit3A : f32 to vector<1024x256xf32>
    %select_n3A = arith.select %broadcast_in_dim3A_46, %add3A_40, %broadcast_in_dim3A_47 : vector<1024x256xi1>, vector<1024x256xf32>
    %swap3A = arith.constant 0 : index
    %swap3A_48 = arith.constant 0 : index
    %swap3A_49 = vector.load %arg7[%swap3A, %swap3A_48] : memref<1024x256xf32, #tpu.memory_space<vmem>>, vector<1024x256xf32>
    tpu.vector_store %arg7[%swap3A, %swap3A_48], %select_n3A {strides = array<i32>} : memref<1024x256xf32, #tpu.memory_space<vmem>>, vector<1024x256xf32>,
    return
  }
  func.func @transform_0(%arg0: i32) -> (i32, i32) {
    %c0_i32 = arith.constant 0 : i32
    %c0_i32_0 = arith.constant 0 : i32
    return %arg0, %c0_i32 : i32, i32
  }
  func.func @transform_1(%arg0: i32) -> (i32, i32) {
    %add3A = arith.constant 100 : i32
    %add3A_0 = arith.addi %arg0, %add3A : i32
    %c0_i32 = arith.constant 0 : i32
    %c0_i32_1 = arith.constant 0 : i32
    return %add3A_0, %c0_i32 : i32, i32
  }
  func.func @transform_2(%arg0: i32) -> (i32, i32) {
    %c0_i32 = arith.constant 0 : i32
    %c0_i32_0 = arith.constant 0 : i32
    return %arg0, %c0_i32 : i32, i32
  }
  func.func @transform_3(%arg0: i32) -> (i32, i32) {
    %c0_i32 = arith.constant 0 : i32
    %c0_i32_0 = arith.constant 0 : i32
    return %arg0, %c0_i32 : i32, i32
  }
  func.func @transform_4(%arg0: i32) -> (i32, i32) {
    %c0_i32 = arith.constant 0 : i32
    %c0_i32_0 = arith.constant 0 : i32
    %c0_i32_1 = arith.constant 0 : i32
    return %c0_i32, %c0_i32_0 : i32, i32
  }
  func.func @transform_5(%arg0: i32) -> (i32, i32) {
    %c0_i32 = arith.constant 0 : i32
    %c0_i32_0 = arith.constant 0 : i32
    %c0_i32_1 = arith.constant 0 : i32
    return %c0_i32, %c0_i32_0 : i32, i32
  }
  func.func @transform_6(%arg0: i32) -> (i32, i32) {
    %c0_i32 = arith.constant 0 : i32
    %c0_i32_0 = arith.constant 0 : i32
    return %arg0, %c0_i32 : i32, i32
  }
}

module attributes {stable_mosaic.version = 14 : i64} {
  func.func @_nup_body(%arg0: i32, %arg1: memref<1000x256xf32, #tpu.memory_space<vmem>>, %arg2: memref<1000x256xf32, #tpu.memory_space<vmem>>, %arg3: memref<256x256xf32, #tpu.memory_space<vmem>>, %arg4: memref<256x256xf32, #tpu.memory_space<vmem>>, %arg5: memref<1x256xf32, #tpu.memory_space<vmem>>, %arg6: memref<256x256xf32, #tpu.memory_space<vmem>>, %arg7: memref<1x256xf32, #tpu.memory_space<vmem>>, %arg8: memref<1000x256xf32, #tpu.memory_space<vmem>>) attributes {dimension_semantics = [#tpu.dimension_semantics<arbitrary>], iteration_bounds = array<i64: 10>, scalar_prefetch = 0 : i64, scratch_operands = 0 : i64, tpu.core_type = #tpu.core_type<tc>, window_params = [{transform_indices = @transform_0, window_bounds = array<i64: 1000, 256>}, {transform_indices = @transform_1, window_bounds = array<i64: 1000, 256>}, {pipeline_mode = #tpu.pipeline_mode<synchronous>, transform_indices = @transform_2, window_bounds = array<i64: 256, 256>}, {pipeline_mode = #tpu.pipeline_mode<synchronous>, transform_indices = @transform_3, window_bounds = array<i64: 256, 256>}, {pipeline_mode = #tpu.pipeline_mode<synchronous>, transform_indices = @transform_4, window_bounds = array<i64: 1, 256>}, {pipeline_mode = #tpu.pipeline_mode<synchronous>, transform_indices = @transform_5, window_bounds = array<i64: 256, 256>}, {pipeline_mode = #tpu.pipeline_mode<synchronous>, transform_indices = @transform_6, window_bounds = array<i64: 1, 256>}, {transform_indices = @transform_7, window_bounds = array<i64: 1000, 256>}]} {
    %get3A = arith.constant 0 : index
    %get3A_0 = arith.constant 0 : index
    %get3A_1 = vector.load %arg1[%get3A, %get3A_0] : memref<1000x256xf32, #tpu.memory_space<vmem>>, vector<1000x256xf32>
    %get3A_2 = arith.constant 0 : index
    %get3A_3 = arith.constant 0 : index
    %get3A_4 = vector.load %arg3[%get3A_2, %get3A_3] : memref<256x256xf32, #tpu.memory_space<vmem>>, vector<256x256xf32>
    %dot_general3A = arith.constant dense<0.000000e+00> : vector<1000x256xf32>
    %dot_general3A_5 = tpu.matmul %get3A_1, %get3A_4, %dot_general3A {dimension_numbers = #tpu.dot_dimension_numbers<[1], [0], [0], [1], [0, 0, 1, 1], [], []>, transpose_lhs_hint = false} : vector<1000x256xf32>, vector<256x256xf32>, vector<1000x256xf32> -> vector<1000x256xf32>
    %get3A_6 = arith.constant 0 : index
    %get3A_7 = arith.constant 0 : index
    %get3A_8 = vector.load %arg2[%get3A_6, %get3A_7] : memref<1000x256xf32, #tpu.memory_space<vmem>>, vector<1000x256xf32>
    %get3A_9 = arith.constant 0 : index
    %get3A_10 = arith.constant 0 : index
    %get3A_11 = vector.load %arg4[%get3A_9, %get3A_10] : memref<256x256xf32, #tpu.memory_space<vmem>>, vector<256x256xf32>
    %dot_general3A_12 = arith.constant dense<0.000000e+00> : vector<1000x256xf32>
    %dot_general3A_13 = tpu.matmul %get3A_8, %get3A_11, %dot_general3A_12 {dimension_numbers = #tpu.dot_dimension_numbers<[1], [0], [0], [1], [0, 0, 1, 1], [], []>, transpose_lhs_hint = false} : vector<1000x256xf32>, vector<256x256xf32>, vector<1000x256xf32> -> vector<1000x256xf32>
    %add3A = arith.addf %dot_general3A_5, %dot_general3A_13 : vector<1000x256xf32>
    %get3A_14 = arith.constant 0 : index
    %get3A_15 = arith.constant 0 : index
    %get3A_16 = vector.load %arg5[%get3A_14, %get3A_15] : memref<1x256xf32, #tpu.memory_space<vmem>>, vector<1x256xf32>
    %add3A_17 = vector.broadcast %get3A_16 : vector<1x256xf32> to vector<1000x256xf32>
    %add3A_18 = arith.addf %add3A, %add3A_17 : vector<1000x256xf32>
    %max3A = arith.constant 0.000000e+00 : f32
    %max3A_19 = vector.broadcast %max3A : f32 to vector<1000x256xf32>
    %max3A_20 = arith.maximumf %add3A_18, %max3A_19 : vector<1000x256xf32>
    %get3A_21 = arith.constant 0 : index
    %get3A_22 = arith.constant 0 : index
    %get3A_23 = vector.load %arg6[%get3A_21, %get3A_22] : memref<256x256xf32, #tpu.memory_space<vmem>>, vector<256x256xf32>
    %dot_general3A_24 = arith.constant dense<0.000000e+00> : vector<1000x256xf32>
    %dot_general3A_25 = tpu.matmul %max3A_20, %get3A_23, %dot_general3A_24 {dimension_numbers = #tpu.dot_dimension_numbers<[1], [0], [0], [1], [0, 0, 1, 1], [], []>, transpose_lhs_hint = false} : vector<1000x256xf32>, vector<256x256xf32>, vector<1000x256xf32> -> vector<1000x256xf32>
    %add3A_26 = arith.addf %get3A_1, %dot_general3A_25 : vector<1000x256xf32>
    %get3A_27 = arith.constant 0 : index
    %get3A_28 = arith.constant 0 : index
    %get3A_29 = vector.load %arg7[%get3A_27, %get3A_28] : memref<1x256xf32, #tpu.memory_space<vmem>>, vector<1x256xf32>
    %add3A_30 = vector.broadcast %get3A_29 : vector<1x256xf32> to vector<1000x256xf32>
    %add3A_31 = arith.addf %add3A_26, %add3A_30 : vector<1000x256xf32>
    %swap3A = arith.constant 0 : index
    %swap3A_32 = arith.constant 0 : index
    %swap3A_33 = vector.load %arg8[%swap3A, %swap3A_32] : memref<1000x256xf32, #tpu.memory_space<vmem>>, vector<1000x256xf32>
    tpu.vector_store %arg8[%swap3A, %swap3A_32], %add3A_31 {strides = array<i32>} : memref<1000x256xf32, #tpu.memory_space<vmem>>, vector<1000x256xf32>,
    return
  }
  func.func @transform_0(%arg0: i32) -> (i32, i32) {
    %c0_i32 = arith.constant 0 : i32
    %c0_i32_0 = arith.constant 0 : i32
    return %arg0, %c0_i32 : i32, i32
  }
  func.func @transform_1(%arg0: i32) -> (i32, i32) {
    %c0_i32 = arith.constant 0 : i32
    %c0_i32_0 = arith.constant 0 : i32
    return %arg0, %c0_i32 : i32, i32
  }
  func.func @transform_2(%arg0: i32) -> (i32, i32) {
    %c0_i32 = arith.constant 0 : i32
    %c0_i32_0 = arith.constant 0 : i32
    %c0_i32_1 = arith.constant 0 : i32
    return %c0_i32, %c0_i32_0 : i32, i32
  }
  func.func @transform_3(%arg0: i32) -> (i32, i32) {
    %c0_i32 = arith.constant 0 : i32
    %c0_i32_0 = arith.constant 0 : i32
    %c0_i32_1 = arith.constant 0 : i32
    return %c0_i32, %c0_i32_0 : i32, i32
  }
  func.func @transform_4(%arg0: i32) -> (i32, i32) {
    %c0_i32 = arith.constant 0 : i32
    %c0_i32_0 = arith.constant 0 : i32
    %c0_i32_1 = arith.constant 0 : i32
    return %c0_i32, %c0_i32_0 : i32, i32
  }
  func.func @transform_5(%arg0: i32) -> (i32, i32) {
    %c0_i32 = arith.constant 0 : i32
    %c0_i32_0 = arith.constant 0 : i32
    %c0_i32_1 = arith.constant 0 : i32
    return %c0_i32, %c0_i32_0 : i32, i32
  }
  func.func @transform_6(%arg0: i32) -> (i32, i32) {
    %c0_i32 = arith.constant 0 : i32
    %c0_i32_0 = arith.constant 0 : i32
    %c0_i32_1 = arith.constant 0 : i32
    return %c0_i32, %c0_i32_0 : i32, i32
  }
  func.func @transform_7(%arg0: i32) -> (i32, i32) {
    %c0_i32 = arith.constant 0 : i32
    %c0_i32_0 = arith.constant 0 : i32
    return %arg0, %c0_i32 : i32, i32
  }
}

module attributes {stable_mosaic.version = 14 : i64} {
  func.func @_mlp2_body(%arg0: i32, %arg1: memref<1000x256xf32, #tpu.memory_space<vmem>>, %arg2: memref<256x256xf32, #tpu.memory_space<vmem>>, %arg3: memref<1x256xf32, #tpu.memory_space<vmem>>, %arg4: memref<256x256xf32, #tpu.memory_space<vmem>>, %arg5: memref<1x256xf32, #tpu.memory_space<vmem>>, %arg6: memref<1000x256xf32, #tpu.memory_space<vmem>>) attributes {dimension_semantics = [#tpu.dimension_semantics<arbitrary>], iteration_bounds = array<i64: 8>, scalar_prefetch = 0 : i64, scratch_operands = 0 : i64, tpu.core_type = #tpu.core_type<tc>, window_params = [{transform_indices = @transform_0, window_bounds = array<i64: 1000, 256>}, {pipeline_mode = #tpu.pipeline_mode<synchronous>, transform_indices = @transform_1, window_bounds = array<i64: 256, 256>}, {pipeline_mode = #tpu.pipeline_mode<synchronous>, transform_indices = @transform_2, window_bounds = array<i64: 1, 256>}, {pipeline_mode = #tpu.pipeline_mode<synchronous>, transform_indices = @transform_3, window_bounds = array<i64: 256, 256>}, {pipeline_mode = #tpu.pipeline_mode<synchronous>, transform_indices = @transform_4, window_bounds = array<i64: 1, 256>}, {transform_indices = @transform_5, window_bounds = array<i64: 1000, 256>}]} {
    %get3A = arith.constant 0 : index
    %get3A_0 = arith.constant 0 : index
    %get3A_1 = vector.load %arg1[%get3A, %get3A_0] : memref<1000x256xf32, #tpu.memory_space<vmem>>, vector<1000x256xf32>
    %get3A_2 = arith.constant 0 : index
    %get3A_3 = arith.constant 0 : index
    %get3A_4 = vector.load %arg2[%get3A_2, %get3A_3] : memref<256x256xf32, #tpu.memory_space<vmem>>, vector<256x256xf32>
    %dot_general3A = arith.constant dense<0.000000e+00> : vector<1000x256xf32>
    %dot_general3A_5 = tpu.matmul %get3A_1, %get3A_4, %dot_general3A {dimension_numbers = #tpu.dot_dimension_numbers<[1], [0], [0], [1], [0, 0, 1, 1], [], []>, transpose_lhs_hint = false} : vector<1000x256xf32>, vector<256x256xf32>, vector<1000x256xf32> -> vector<1000x256xf32>
    %get3A_6 = arith.constant 0 : index
    %get3A_7 = arith.constant 0 : index
    %get3A_8 = vector.load %arg3[%get3A_6, %get3A_7] : memref<1x256xf32, #tpu.memory_space<vmem>>, vector<1x256xf32>
    %add3A = vector.broadcast %get3A_8 : vector<1x256xf32> to vector<1000x256xf32>
    %add3A_9 = arith.addf %dot_general3A_5, %add3A : vector<1000x256xf32>
    %max3A = arith.constant 0.000000e+00 : f32
    %max3A_10 = vector.broadcast %max3A : f32 to vector<1000x256xf32>
    %max3A_11 = arith.maximumf %add3A_9, %max3A_10 : vector<1000x256xf32>
    %get3A_12 = arith.constant 0 : index
    %get3A_13 = arith.constant 0 : index
    %get3A_14 = vector.load %arg4[%get3A_12, %get3A_13] : memref<256x256xf32, #tpu.memory_space<vmem>>, vector<256x256xf32>
    %dot_general3A_15 = arith.constant dense<0.000000e+00> : vector<1000x256xf32>
    %dot_general3A_16 = tpu.matmul %max3A_11, %get3A_14, %dot_general3A_15 {dimension_numbers = #tpu.dot_dimension_numbers<[1], [0], [0], [1], [0, 0, 1, 1], [], []>, transpose_lhs_hint = false} : vector<1000x256xf32>, vector<256x256xf32>, vector<1000x256xf32> -> vector<1000x256xf32>
    %get3A_17 = arith.constant 0 : index
    %get3A_18 = arith.constant 0 : index
    %get3A_19 = vector.load %arg5[%get3A_17, %get3A_18] : memref<1x256xf32, #tpu.memory_space<vmem>>, vector<1x256xf32>
    %add3A_20 = vector.broadcast %get3A_19 : vector<1x256xf32> to vector<1000x256xf32>
    %add3A_21 = arith.addf %dot_general3A_16, %add3A_20 : vector<1000x256xf32>
    %swap3A = arith.constant 0 : index
    %swap3A_22 = arith.constant 0 : index
    %swap3A_23 = vector.load %arg6[%swap3A, %swap3A_22] : memref<1000x256xf32, #tpu.memory_space<vmem>>, vector<1000x256xf32>
    tpu.vector_store %arg6[%swap3A, %swap3A_22], %add3A_21 {strides = array<i32>} : memref<1000x256xf32, #tpu.memory_space<vmem>>, vector<1000x256xf32>,
    return
  }
  func.func @transform_0(%arg0: i32) -> (i32, i32) {
    %c0_i32 = arith.constant 0 : i32
    %c0_i32_0 = arith.constant 0 : i32
    return %arg0, %c0_i32 : i32, i32
  }
  func.func @transform_1(%arg0: i32) -> (i32, i32) {
    %c0_i32 = arith.constant 0 : i32
    %c0_i32_0 = arith.constant 0 : i32
    %c0_i32_1 = arith.constant 0 : i32
    return %c0_i32, %c0_i32_0 : i32, i32
  }
  func.func @transform_2(%arg0: i32) -> (i32, i32) {
    %c0_i32 = arith.constant 0 : i32
    %c0_i32_0 = arith.constant 0 : i32
    %c0_i32_1 = arith.constant 0 : i32
    return %c0_i32, %c0_i32_0 : i32, i32
  }
  func.func @transform_3(%arg0: i32) -> (i32, i32) {
    %c0_i32 = arith.constant 0 : i32
    %c0_i32_0 = arith.constant 0 : i32
    %c0_i32_1 = arith.constant 0 : i32
    return %c0_i32, %c0_i32_0 : i32, i32
  }
  func.func @transform_4(%arg0: i32) -> (i32, i32) {
    %c0_i32 = arith.constant 0 : i32
    %c0_i32_0 = arith.constant 0 : i32
    %c0_i32_1 = arith.constant 0 : i32
    return %c0_i32, %c0_i32_0 : i32, i32
  }
  func.func @transform_5(%arg0: i32) -> (i32, i32) {
    %c0_i32 = arith.constant 0 : i32
    %c0_i32_0 = arith.constant 0 : i32
    return %arg0, %c0_i32 : i32, i32
  }
}

module attributes {stable_mosaic.version = 14 : i64} {
  func.func @_nup_extra_body(%arg0: i32, %arg1: memref<1000x256xf32, #tpu.memory_space<vmem>>, %arg2: memref<1000x256xf32, #tpu.memory_space<vmem>>, %arg3: memref<1000x256xf32, #tpu.memory_space<vmem>>, %arg4: memref<256x256xf32, #tpu.memory_space<vmem>>, %arg5: memref<256x256xf32, #tpu.memory_space<vmem>>, %arg6: memref<1x256xf32, #tpu.memory_space<vmem>>, %arg7: memref<256x256xf32, #tpu.memory_space<vmem>>, %arg8: memref<1x256xf32, #tpu.memory_space<vmem>>, %arg9: memref<1000x256xf32, #tpu.memory_space<vmem>>) attributes {dimension_semantics = [#tpu.dimension_semantics<arbitrary>], iteration_bounds = array<i64: 10>, scalar_prefetch = 0 : i64, scratch_operands = 0 : i64, tpu.core_type = #tpu.core_type<tc>, window_params = [{transform_indices = @transform_0, window_bounds = array<i64: 1000, 256>}, {transform_indices = @transform_1, window_bounds = array<i64: 1000, 256>}, {transform_indices = @transform_2, window_bounds = array<i64: 1000, 256>}, {pipeline_mode = #tpu.pipeline_mode<synchronous>, transform_indices = @transform_3, window_bounds = array<i64: 256, 256>}, {pipeline_mode = #tpu.pipeline_mode<synchronous>, transform_indices = @transform_4, window_bounds = array<i64: 256, 256>}, {pipeline_mode = #tpu.pipeline_mode<synchronous>, transform_indices = @transform_5, window_bounds = array<i64: 1, 256>}, {pipeline_mode = #tpu.pipeline_mode<synchronous>, transform_indices = @transform_6, window_bounds = array<i64: 256, 256>}, {pipeline_mode = #tpu.pipeline_mode<synchronous>, transform_indices = @transform_7, window_bounds = array<i64: 1, 256>}, {transform_indices = @transform_8, window_bounds = array<i64: 1000, 256>}]} {
    %get3A = arith.constant 0 : index
    %get3A_0 = arith.constant 0 : index
    %get3A_1 = vector.load %arg1[%get3A, %get3A_0] : memref<1000x256xf32, #tpu.memory_space<vmem>>, vector<1000x256xf32>
    %get3A_2 = arith.constant 0 : index
    %get3A_3 = arith.constant 0 : index
    %get3A_4 = vector.load %arg4[%get3A_2, %get3A_3] : memref<256x256xf32, #tpu.memory_space<vmem>>, vector<256x256xf32>
    %dot_general3A = arith.constant dense<0.000000e+00> : vector<1000x256xf32>
    %dot_general3A_5 = tpu.matmul %get3A_1, %get3A_4, %dot_general3A {dimension_numbers = #tpu.dot_dimension_numbers<[1], [0], [0], [1], [0, 0, 1, 1], [], []>, transpose_lhs_hint = false} : vector<1000x256xf32>, vector<256x256xf32>, vector<1000x256xf32> -> vector<1000x256xf32>
    %get3A_6 = arith.constant 0 : index
    %get3A_7 = arith.constant 0 : index
    %get3A_8 = vector.load %arg2[%get3A_6, %get3A_7] : memref<1000x256xf32, #tpu.memory_space<vmem>>, vector<1000x256xf32>
    %get3A_9 = arith.constant 0 : index
    %get3A_10 = arith.constant 0 : index
    %get3A_11 = vector.load %arg5[%get3A_9, %get3A_10] : memref<256x256xf32, #tpu.memory_space<vmem>>, vector<256x256xf32>
    %dot_general3A_12 = arith.constant dense<0.000000e+00> : vector<1000x256xf32>
    %dot_general3A_13 = tpu.matmul %get3A_8, %get3A_11, %dot_general3A_12 {dimension_numbers = #tpu.dot_dimension_numbers<[1], [0], [0], [1], [0, 0, 1, 1], [], []>, transpose_lhs_hint = false} : vector<1000x256xf32>, vector<256x256xf32>, vector<1000x256xf32> -> vector<1000x256xf32>
    %add3A = arith.addf %dot_general3A_5, %dot_general3A_13 : vector<1000x256xf32>
    %get3A_14 = arith.constant 0 : index
    %get3A_15 = arith.constant 0 : index
    %get3A_16 = vector.load %arg6[%get3A_14, %get3A_15] : memref<1x256xf32, #tpu.memory_space<vmem>>, vector<1x256xf32>
    %add3A_17 = vector.broadcast %get3A_16 : vector<1x256xf32> to vector<1000x256xf32>
    %add3A_18 = arith.addf %add3A, %add3A_17 : vector<1000x256xf32>
    %max3A = arith.constant 0.000000e+00 : f32
    %max3A_19 = vector.broadcast %max3A : f32 to vector<1000x256xf32>
    %max3A_20 = arith.maximumf %add3A_18, %max3A_19 : vector<1000x256xf32>
    %get3A_21 = arith.constant 0 : index
    %get3A_22 = arith.constant 0 : index
    %get3A_23 = vector.load %arg7[%get3A_21, %get3A_22] : memref<256x256xf32, #tpu.memory_space<vmem>>, vector<256x256xf32>
    %dot_general3A_24 = arith.constant dense<0.000000e+00> : vector<1000x256xf32>
    %dot_general3A_25 = tpu.matmul %max3A_20, %get3A_23, %dot_general3A_24 {dimension_numbers = #tpu.dot_dimension_numbers<[1], [0], [0], [1], [0, 0, 1, 1], [], []>, transpose_lhs_hint = false} : vector<1000x256xf32>, vector<256x256xf32>, vector<1000x256xf32> -> vector<1000x256xf32>
    %add3A_26 = arith.addf %get3A_1, %dot_general3A_25 : vector<1000x256xf32>
    %get3A_27 = arith.constant 0 : index
    %get3A_28 = arith.constant 0 : index
    %get3A_29 = vector.load %arg8[%get3A_27, %get3A_28] : memref<1x256xf32, #tpu.memory_space<vmem>>, vector<1x256xf32>
    %add3A_30 = vector.broadcast %get3A_29 : vector<1x256xf32> to vector<1000x256xf32>
    %add3A_31 = arith.addf %add3A_26, %add3A_30 : vector<1000x256xf32>
    %get3A_32 = arith.constant 0 : index
    %get3A_33 = arith.constant 0 : index
    %get3A_34 = vector.load %arg3[%get3A_32, %get3A_33] : memref<1000x256xf32, #tpu.memory_space<vmem>>, vector<1000x256xf32>
    %add3A_35 = arith.addf %add3A_31, %get3A_34 : vector<1000x256xf32>
    %swap3A = arith.constant 0 : index
    %swap3A_36 = arith.constant 0 : index
    %swap3A_37 = vector.load %arg9[%swap3A, %swap3A_36] : memref<1000x256xf32, #tpu.memory_space<vmem>>, vector<1000x256xf32>
    tpu.vector_store %arg9[%swap3A, %swap3A_36], %add3A_35 {strides = array<i32>} : memref<1000x256xf32, #tpu.memory_space<vmem>>, vector<1000x256xf32>,
    return
  }
  func.func @transform_0(%arg0: i32) -> (i32, i32) {
    %c0_i32 = arith.constant 0 : i32
    %c0_i32_0 = arith.constant 0 : i32
    return %arg0, %c0_i32 : i32, i32
  }
  func.func @transform_1(%arg0: i32) -> (i32, i32) {
    %c0_i32 = arith.constant 0 : i32
    %c0_i32_0 = arith.constant 0 : i32
    return %arg0, %c0_i32 : i32, i32
  }
  func.func @transform_2(%arg0: i32) -> (i32, i32) {
    %c0_i32 = arith.constant 0 : i32
    %c0_i32_0 = arith.constant 0 : i32
    return %arg0, %c0_i32 : i32, i32
  }
  func.func @transform_3(%arg0: i32) -> (i32, i32) {
    %c0_i32 = arith.constant 0 : i32
    %c0_i32_0 = arith.constant 0 : i32
    %c0_i32_1 = arith.constant 0 : i32
    return %c0_i32, %c0_i32_0 : i32, i32
  }
  func.func @transform_4(%arg0: i32) -> (i32, i32) {
    %c0_i32 = arith.constant 0 : i32
    %c0_i32_0 = arith.constant 0 : i32
    %c0_i32_1 = arith.constant 0 : i32
    return %c0_i32, %c0_i32_0 : i32, i32
  }
  func.func @transform_5(%arg0: i32) -> (i32, i32) {
    %c0_i32 = arith.constant 0 : i32
    %c0_i32_0 = arith.constant 0 : i32
    %c0_i32_1 = arith.constant 0 : i32
    return %c0_i32, %c0_i32_0 : i32, i32
  }
  func.func @transform_6(%arg0: i32) -> (i32, i32) {
    %c0_i32 = arith.constant 0 : i32
    %c0_i32_0 = arith.constant 0 : i32
    %c0_i32_1 = arith.constant 0 : i32
    return %c0_i32, %c0_i32_0 : i32, i32
  }
  func.func @transform_7(%arg0: i32) -> (i32, i32) {
    %c0_i32 = arith.constant 0 : i32
    %c0_i32_0 = arith.constant 0 : i32
    %c0_i32_1 = arith.constant 0 : i32
    return %c0_i32, %c0_i32_0 : i32, i32
  }
  func.func @transform_8(%arg0: i32) -> (i32, i32) {
    %c0_i32 = arith.constant 0 : i32
    %c0_i32_0 = arith.constant 0 : i32
    return %arg0, %c0_i32 : i32, i32
  }
}

module attributes {stable_mosaic.version = 14 : i64} {
  func.func @_mlp2_body(%arg0: i32, %arg1: memref<1000x256xf32, #tpu.memory_space<vmem>>, %arg2: memref<256x256xf32, #tpu.memory_space<vmem>>, %arg3: memref<1x256xf32, #tpu.memory_space<vmem>>, %arg4: memref<256x128xf32, #tpu.memory_space<vmem>>, %arg5: memref<1x128xf32, #tpu.memory_space<vmem>>, %arg6: memref<1000x128xf32, #tpu.memory_space<vmem>>) attributes {dimension_semantics = [#tpu.dimension_semantics<arbitrary>], iteration_bounds = array<i64: 8>, scalar_prefetch = 0 : i64, scratch_operands = 0 : i64, tpu.core_type = #tpu.core_type<tc>, window_params = [{transform_indices = @transform_0, window_bounds = array<i64: 1000, 256>}, {pipeline_mode = #tpu.pipeline_mode<synchronous>, transform_indices = @transform_1, window_bounds = array<i64: 256, 256>}, {pipeline_mode = #tpu.pipeline_mode<synchronous>, transform_indices = @transform_2, window_bounds = array<i64: 1, 256>}, {pipeline_mode = #tpu.pipeline_mode<synchronous>, transform_indices = @transform_3, window_bounds = array<i64: 256, 128>}, {pipeline_mode = #tpu.pipeline_mode<synchronous>, transform_indices = @transform_4, window_bounds = array<i64: 1, 128>}, {transform_indices = @transform_5, window_bounds = array<i64: 1000, 128>}]} {
    %get3A = arith.constant 0 : index
    %get3A_0 = arith.constant 0 : index
    %get3A_1 = vector.load %arg1[%get3A, %get3A_0] : memref<1000x256xf32, #tpu.memory_space<vmem>>, vector<1000x256xf32>
    %get3A_2 = arith.constant 0 : index
    %get3A_3 = arith.constant 0 : index
    %get3A_4 = vector.load %arg2[%get3A_2, %get3A_3] : memref<256x256xf32, #tpu.memory_space<vmem>>, vector<256x256xf32>
    %dot_general3A = arith.constant dense<0.000000e+00> : vector<1000x256xf32>
    %dot_general3A_5 = tpu.matmul %get3A_1, %get3A_4, %dot_general3A {dimension_numbers = #tpu.dot_dimension_numbers<[1], [0], [0], [1], [0, 0, 1, 1], [], []>, transpose_lhs_hint = false} : vector<1000x256xf32>, vector<256x256xf32>, vector<1000x256xf32> -> vector<1000x256xf32>
    %get3A_6 = arith.constant 0 : index
    %get3A_7 = arith.constant 0 : index
    %get3A_8 = vector.load %arg3[%get3A_6, %get3A_7] : memref<1x256xf32, #tpu.memory_space<vmem>>, vector<1x256xf32>
    %add3A = vector.broadcast %get3A_8 : vector<1x256xf32> to vector<1000x256xf32>
    %add3A_9 = arith.addf %dot_general3A_5, %add3A : vector<1000x256xf32>
    %max3A = arith.constant 0.000000e+00 : f32
    %max3A_10 = vector.broadcast %max3A : f32 to vector<1000x256xf32>
    %max3A_11 = arith.maximumf %add3A_9, %max3A_10 : vector<1000x256xf32>
    %get3A_12 = arith.constant 0 : index
    %get3A_13 = arith.constant 0 : index
    %get3A_14 = vector.load %arg4[%get3A_12, %get3A_13] : memref<256x128xf32, #tpu.memory_space<vmem>>, vector<256x128xf32>
    %dot_general3A_15 = arith.constant dense<0.000000e+00> : vector<1000x128xf32>
    %dot_general3A_16 = tpu.matmul %max3A_11, %get3A_14, %dot_general3A_15 {dimension_numbers = #tpu.dot_dimension_numbers<[1], [0], [0], [1], [0, 0, 1, 1], [], []>, transpose_lhs_hint = false} : vector<1000x256xf32>, vector<256x128xf32>, vector<1000x128xf32> -> vector<1000x128xf32>
    %get3A_17 = arith.constant 0 : index
    %get3A_18 = arith.constant 0 : index
    %get3A_19 = vector.load %arg5[%get3A_17, %get3A_18] : memref<1x128xf32, #tpu.memory_space<vmem>>, vector<1x128xf32>
    %add3A_20 = vector.broadcast %get3A_19 : vector<1x128xf32> to vector<1000x128xf32>
    %add3A_21 = arith.addf %dot_general3A_16, %add3A_20 : vector<1000x128xf32>
    %swap3A = arith.constant 0 : index
    %swap3A_22 = arith.constant 0 : index
    %swap3A_23 = vector.load %arg6[%swap3A, %swap3A_22] : memref<1000x128xf32, #tpu.memory_space<vmem>>, vector<1000x128xf32>
    tpu.vector_store %arg6[%swap3A, %swap3A_22], %add3A_21 {strides = array<i32>} : memref<1000x128xf32, #tpu.memory_space<vmem>>, vector<1000x128xf32>,
    return
  }
  func.func @transform_0(%arg0: i32) -> (i32, i32) {
    %c0_i32 = arith.constant 0 : i32
    %c0_i32_0 = arith.constant 0 : i32
    return %arg0, %c0_i32 : i32, i32
  }
  func.func @transform_1(%arg0: i32) -> (i32, i32) {
    %c0_i32 = arith.constant 0 : i32
    %c0_i32_0 = arith.constant 0 : i32
    %c0_i32_1 = arith.constant 0 : i32
    return %c0_i32, %c0_i32_0 : i32, i32
  }
  func.func @transform_2(%arg0: i32) -> (i32, i32) {
    %c0_i32 = arith.constant 0 : i32
    %c0_i32_0 = arith.constant 0 : i32
    %c0_i32_1 = arith.constant 0 : i32
    return %c0_i32, %c0_i32_0 : i32, i32
  }
  func.func @transform_3(%arg0: i32) -> (i32, i32) {
    %c0_i32 = arith.constant 0 : i32
    %c0_i32_0 = arith.constant 0 : i32
    %c0_i32_1 = arith.constant 0 : i32
    return %c0_i32, %c0_i32_0 : i32, i32
  }
  func.func @transform_4(%arg0: i32) -> (i32, i32) {
    %c0_i32 = arith.constant 0 : i32
    %c0_i32_0 = arith.constant 0 : i32
    %c0_i32_1 = arith.constant 0 : i32
    return %c0_i32, %c0_i32_0 : i32, i32
  }
  func.func @transform_5(%arg0: i32) -> (i32, i32) {
    %c0_i32 = arith.constant 0 : i32
    %c0_i32_0 = arith.constant 0 : i32
    return %arg0, %c0_i32 : i32, i32
  }
}

</mosaic_0001>

<sc_bundles>
// kernel: kernel.24.cloned.1.call-start
scs
__scs_entry_jumppad:
0x0: {  	(pc) =	sbr.rel $0x88, $3  }
0x1: {  	(tag) =	ssettag $0x0;
	lr =	simm.s32 $0x1  }
0x2: {  	[smem:$0x3F65] =	sst lr;
	_ =	strace $0xD0000000  }
0x3: {  	_ = 	snop  }
0x4: {  	_ = 	snop  }
0x5: {  	_ = 	snop  }
0x6: {  	_ = 	snop  }
0x7: {  	_ = 	snop  }
__scs_overlays_trampoline_lowered:
0x8: {  	[smem:$0x3F74] =	sst s0  }
0x9: {  	[smem:$0x3F75] =	sst s1  }
0xa: {  	[smem:$0x3F76] =	sst s2  }
0xb: {  	[smem:$0x3F77] =	sst s3  }
0xc: {  	[smem:$0x3F78] =	sst s4  }
0xd: {  	[smem:$0x3F79] =	sst s5  }
0xe: {  	[smem:$0x3F7A] =	sst s6  }
0xf: {  	[smem:$0x3F7B] =	sst s7  }
0x10: {  	[smem:$0x3F7C] =	sst s8  }
0x11: {  	[smem:$0x3F7D] =	sst s9;
	s0 =	simm.s32 @!p0 $0x0  }
0x12: {  	s1 =	sld [smem:$0x3F63];
	s0 =	simm.s32 @p0 $0x1  }
0x13: {  	[smem:$0x3F7E] =	sst s0;
	s0 =	simm.s32 @!p1 $0x0  }
0x14: {  	s2 =	sld [smem:$0x3F62];
	s0 =	simm.s32 @p1 $0x1  }
0x15: {  	[smem:$0x3F7F] =	sst s0;
	s0 =	simm.s32 @!p2 $0x0  }
0x16: {  	s3 =	sld [smem:$0x3FDB];
	s0 =	simm.s32 @p2 $0x1  }
0x17: {  	s4 =	simm.s32 $0x1BF5;
	[smem:$0x3F81] =	sst s0  }
0x18: {  	s0 =	sld [smem:$0x3F64];
	_ =	swait.ge [sflag:s4], $0x0  }
0x19: {  	s7 =	sld [smem:$0x3F65]  }
0x1a: {  	s8 =	sadd.s32 $0xFFFFE003, lr  }
0x1b: {  	s9 =	sadd.s32 $0xFFFFFEF7, lr;
	s5 =	simm.s32 $0xFFFFFFFF;
	p2 =	slt.u32 s8, $0xFFFFF086  }
0x1c: {  	p1 =	slt.u32 s9, $0xF7A;
	s5 =	simm.s32 @!p2 $0x0  }
0x1d: {  	s5 =	simm.s32 @p1 $0x1;
	p0 =	seq.s32 s7, s2  }
0x1e: {  	s7 =	smul.u32 @!p0 $0xF7A, s2;
	p2 =	seq.s32 @!p0 s5, $0x0  }
0x1f: {  	s9 =	smul.u32 $0xF7A, s1;
	s8 =	simm.s32 @!p0 $0x1BF5;
	p2 =	por !p2, p0  }
0x20: {  	[sflag:s8] =	ssyncset.s32 @!p0 $0xFFFFF086;
	s6 =	sadd.s32 @!p0 s3, s7;
	s7 =	simm.s32 @!p0 $0x108  }
0x21: {  	s3 =	sadd.s32 s3, s9;
	s6 =	sadd.s32 @!p0 $0x88, s6;
	s7 =	simm.s32 @p2 $0x1082  }
0x22: {  	[simem:s7], [sflag:s8] =	dma.local @!p0 [hbm:s6], $0xF7A  }
0x23: {  	s9 =	sor.u32 $0xD0000000, s2;
	s6 =	simm.s32 $0x108;
	_ =	swait.ge @!p0 [sflag:s8], $0x0  }
0x24: {  	s3 =	sadd.s32 $0x88, s3;
	s6 =	simm.s32 @!p1 $0x1082;
	[sflag:s4] =	ssyncset.s32 $0xFFFFF086  }
0x25: {  	[simem:s6], [sflag:s4] =	dma.local [hbm:s3], $0xF7A  }
0x26: {  	[smem:$0x3F65] =	sst s1;
	(tag) =	ssettag s2;
	_ =	strace s9  }
0x27: {  	s1 =	sld [smem:$0x3F75]  }
0x28: {  	s2 =	sld [smem:$0x3F76]  }
0x29: {  	s4 =	sld [smem:$0x3F78]  }
0x2a: {  	p0 =	seq.s32 s5, $0x0;
	s5 =	sld [smem:$0x3F79]  }
0x2b: {  	s6 =	sld [smem:$0x3F7A]  }
0x2c: {  	s7 =	sld [smem:$0x3F7B]  }
0x2d: {  	s3 =	simm.s32 $0x108;
	s8 =	sld [smem:$0x3F7C]  }
0x2e: {  	s3 =	simm.s32 @!p0 $0x1082;
	s9 =	sld [smem:$0x3F7D]  }
0x2f: {  	lr =	sadd.s32 s0, s3;
	s0 =	sld [smem:$0x3F74]  }
0x30: {  	s3 =	sld [smem:$0x3F77]  }
0x31: {  	[smem:$0x3F80] =	sst s10  }
0x32: {  	s10 =	sld [smem:$0x3F7E];
	_ =	sdelay $0x3  }
0x33: {  	p0 =	seq.s32 s10, $0x1;
	s10 =	sld [smem:$0x3F80];
	_ =	sdelay $0x3  }
0x34: {  	[smem:$0x3F80] =	sst s10  }
0x35: {  	s10 =	sld [smem:$0x3F7F];
	_ =	sdelay $0x3  }
0x36: {  	p1 =	seq.s32 s10, $0x1;
	s10 =	sld [smem:$0x3F80];
	_ =	sdelay $0x3  }
0x37: {  	[smem:$0x3F80] =	sst s10  }
0x38: {  	s10 =	sld [smem:$0x3F81]  }
0x39: {  	_ = 	snop;
	(pc) =	sbr.ind lr, $3  }
0x3a: {  	_ = 	snop  }
0x3b: {  	_ = 	snop  }
0x3c: {  	p2 =	seq.s32 s10, $0x1;
	s10 =	sld [smem:$0x3F80]  }
0x3d: {  	_ =	shalt  }
0x3e: {  	_ =	shalt  }
0x3f: {  	_ =	shalt  }
0x40: {  	_ =	shalt  }
0x41: {  	_ =	shalt  }
0x42: {  	_ =	shalt  }
0x43: {  	_ =	shalt  }
0x44: {  	_ =	shalt  }
0x45: {  	_ =	shalt  }
0x46: {  	_ =	shalt  }
0x47: {  	_ =	shalt  }
0x48: {  	_ =	shalt  }
0x49: {  	_ =	shalt  }
0x4a: {  	_ =	shalt  }
0x4b: {  	_ =	shalt  }
0x4c: {  	_ =	shalt  }
0x4d: {  	_ =	shalt  }
0x4e: {  	_ =	shalt  }
0x4f: {  	_ =	shalt  }
0x50: {  	_ =	shalt  }
0x51: {  	_ =	shalt  }
0x52: {  	_ =	shalt  }
0x53: {  	_ =	shalt  }
0x54: {  	_ =	shalt  }
0x55: {  	_ =	shalt  }
0x56: {  	_ =	shalt  }
0x57: {  	_ =	shalt  }
0x58: {  	_ =	shalt  }
0x59: {  	_ =	shalt  }
0x5a: {  	_ =	shalt  }
0x5b: {  	_ =	shalt  }
0x5c: {  	_ =	shalt  }
0x5d: {  	_ =	shalt  }
0x5e: {  	_ =	shalt  }
0x5f: {  	_ =	shalt  }
0x60: {  	_ =	shalt  }
0x61: {  	_ =	shalt  }
0x62: {  	_ =	shalt  }
0x63: {  	_ =	shalt  }
0x64: {  	_ =	shalt  }
0x65: {  	_ =	shalt  }
0x66: {  	_ =	shalt  }
0x67: {  	_ =	shalt  }
0x68: {  	_ =	shalt  }
0x69: {  	_ =	shalt  }
0x6a: {  	_ =	shalt  }
0x6b: {  	_ =	shalt  }
0x6c: {  	_ =	shalt  }
0x6d: {  	_ =	shalt  }
0x6e: {  	_ =	shalt  }
0x6f: {  	_ =	shalt  }
0x70: {  	_ =	shalt  }
0x71: {  	_ =	shalt  }
0x72: {  	_ =	shalt  }
0x73: {  	_ =	shalt  }
0x74: {  	_ =	shalt  }
0x75: {  	_ =	shalt  }
0x76: {  	_ =	shalt  }
0x77: {  	_ =	shalt  }
0x78: {  	_ =	shalt  }
0x79: {  	_ =	shalt  }
0x7a: {  	_ =	shalt  }
0x7b: {  	_ =	shalt  }
0x7c: {  	_ =	shalt  }
0x7d: {  	_ =	shalt  }
0x7e: {  	_ =	shalt  }
0x7f: {  	_ =	shalt  }
0x80: {  	_ =	shalt  }
0x81: {  	_ =	shalt  }
0x82: {  	_ =	shalt  }
0x83: {  	_ =	shalt  }
0x84: {  	_ =	shalt  }
0x85: {  	_ =	shalt  }
0x86: {  	_ =	shalt  }
0x87: {  	_ =	shalt  }
.Lfunc_end0:
.L_simem_size_0:
called_computation_lowered:
.L_overlay_start_0:
0x88: {  	s2 =	sld [smem:$0x3FD9]  }
0x89: {  	s3 =	sld [smem:$0x3FFE];
	_ =	sdelay $0x1  }
0x8a: {  	s1 =	srdreg.scid  }
0x8b: {  	s0 =	sand.u32 $0x1, s1  }
0x8c: {  	s17 =	sshll.u32 s0, $0xA;
	s2 =	sadd.s32 s3, s2  }
0x8d: {  	s2 =	sadd.s32 s2, s17  }
0x8e: {  	[smem:$0x3F8C] =	sst s2  }
0x8f: {  	_ = 	snop  }
0x90: {  	s2 =	sld [smem:$0x3FD0];
	(tm) =	ssettm $0x1  }
0x91: {  	s18 =	sld [smem:$0x3FFB];
	_ =	sdelay $0x3  }
0x92: {  	_ =	strace s18  }
0x93: {  	s3 =	sld [smem:$0x3FFC];
	_ =	sdelay $0x3  }
0x94: {  	_ =	strace s3  }
0x95: {  	s3 =	sld [smem:$0x3FFD];
	_ =	sdelay $0x3  }
0x96: {  	_ =	strace s3  }
0x97: {  	_ =	strace $0x8FFFFFFF  }
0x98: {  	s19 =	sld [smem:$0x3FDB];
	_ =	sdelay $0x1  }
0x99: {  	s4 =	simm.s32 $_scs_section_size  }
0x9a: {  	s5 =	simm.s32 $_size__tile_overlayer_lowered;
	s6 =	simm.s32 $_tile_overlayer_lowered  }
0x9b: {  	s22 =	simm.s32 $0x1BFF;
	s21 =	sshll.u32 s6, $0x1;
	s3 =	sadd.s32 s4, s19  }
0x9c: {  	s7 =	simm.s32 $0x0;
	s20 =	sshll.u32 s5, $0x1;
	s5 =	sadd.s32 s21, s3  }
0x9d: {  	[timem:s7], [sflag:s22] =	dma.local [hbm:s5], s20  }
0x9e: {  	_ =	swait.ge [sflag:s22], s20  }
0x9f: {  	s4 =	ssub.s32 $0x0, s20;
	[sflag:s22] =	ssyncset.done $0x0  }
0xa0: {  	[sflag:s22] =	ssyncadd.s32 s4;
	_ =	sdelay $0x1  }
0xa1: {  	s23 =	simm.s32 $0x1B8B  }
0xa2: {  	_ =	swait.ge [sflag:s23], $0x1  }
0xa3: {  	[sflag:s23] =	ssyncset.done $0x0  }
0xa4: {  	s25 =	simm.s32 $0x1B8E;
	s24 =	sld [smem:$0x3FFE];
	[sflag:s23] =	ssyncadd.s32 $0xFFFFFFFF  }
0xa5: {  	s26 =	simm.s32 $execute0_lowered;
	[smem:$0x3FD2] =	sst s25  }
0xa6: {  	s5 =	sshll.u32 s26, $0x1;
	_ =	strace $0x80000046;
	[dreg:$0x1] =	wrdreg $0xFFFFFFFF  }
0xa7: {  	s28 =	simm.s32 $_size_execute0_lowered;
	s3 =	sadd.s32 s3, s5;
	[dreg:$0x0] =	wrdreg $0x0  }
0xa8: {  	s5 =	sshll.u32 s28, $0x1;
	[dreg:$0x2] =	wrdreg s3  }
0xa9: {  	[dreg:$0x3] =	wrdreg s5  }
0xaa: {  	[dreg:$0x4] =	wrdreg $0xC0  }
0xab: {  	_ =	task [dreg:s7], $0x5FFFF  }
0xac: {  	[dreg:$0x1] =	wrdreg $0xFFFFFFFF  }
0xad: {  	[dreg:$0x0] =	wrdreg $0x60  }
0xae: {  	[dreg:$0x2] =	wrdreg s24  }
0xaf: {  	[dreg:$0x3] =	wrdreg s2  }
0xb0: {  	[dreg:$0x4] =	wrdreg $0x9  }
0xb1: {  	_ =	task.clear_ibuf [dreg:s7], $0x5FFFF;
	_ =	strace $0x90000046  }
0xb2: {  	s29 =	simm.s32 $0x9;
	_ =	strace $0x80000048  }
0xb3: {  	_ =	swait.ge [sflag:s29], $0x1  }
0xb4: {  	[sflag:s29] =	ssyncadd.s32 $0xFFFFFFFF  }
0xb5: {  	_ =	strace $0x90000048  }
0xb6: {  	_ =	sfence  }
0xb7: {  	s30 =	sld [smem:$0x0];
	_ =	sdelay $0x2  }
0xb8: {  	s31 =	sshll.u32 s1, $0xD;
	s1 =	sshrl.u32 s1, $0x2  }
0xb9: {  	s3 =	sand.u32 $0x4000, s31;
	s1 =	sadd.s32 s1, s30  }
0xba: {  	s0 =	sor.u32 s3, s0;
	s1 =	sshll.u32 s1, $0x11  }
0xbb: {  	s0 =	sor.u32 s1, s0  }
0xbc: {  	s0 =	sadd.s32 $0x8F2B, s0  }
0xbd: {  	[sflag:s0] =	ssyncadd.remote.s32 $0x1  }
0xbe: {  	_ =	sfence.sel $0xFFFF  }
0xbf: {  	[dreg:$0x0] =	wrdreg $0xFFFFFFFF;
	(pc) =	sbr.abs _section_cstart, $3  }
0xc0: {  	[dreg:$0x1] =	wrdreg $0xFFFFFFFF  }
0xc1: {  	_ =	task.clear_ibuf [dreg:s7], $0x2FFFF;
	_ =	strace $0x9FFFFFFF  }
0xc2: {  	(tm) =	ssettm $0x7FFFFFFF  }
0xc3: {  	_ =	shalt  }
tec
execute0_lowered:
.L_overlay_start_1:
0x0: {  	(tag) =	ssettag $0x1  }
0x1: {  	s4 =	rddreg [dreg:$0x0]  }
0x2: {  	s6 =	rddreg [dreg:$0x1];
	s2 =	srdreg.scid  }
0x3: {  	s0 =	rddreg [dreg:$0x2];
	s10 =	sand.u32 $0x1, s2  }
0x4: {  	s2 =	stileid.u32;
	s5 =	smul.u32 $0xFFFFFFEC, s10  }
0x5: {  	s1 =	simm.s32 $0x0;
	s17 =	simm.s32 $0x3400;
	s7 =	smul.u32 $0x680, s2  }
0x6: {  	s18 =	simm.s32 $0x7400;
	s19 =	simm.s32 $0x1;
	s9 =	smul.u32 $0x46, s10  }
0x7: {  	s20 =	simm.s32 $0x2;
	s21 =	simm.s32 $0x0;
	s12 =	smul.u32 $0x8C00, s10  }
0x8: {  	[smem:$0x7FF] =	sst s1;
	s3 =	sadd.s32 $0x99E00, s4;
	s14 =	smul.u32 $0x190000, s2  }
0x9: {  	s4 =	sadd.s32 $0xE8000, s4;
	_ =	strace $0x80000047;
	s29 =	smul.u32 $0x32000, s2  }
0xa: {  	s8 =	ssub.s32 $0x2, s10;
	s16 =	smul.u32 $0x23000, s10;
	s5 =	sadd.s32 $0x22, s5  }
0xb: {  	s31 =	smul.u32 $0x118000, s10;
	s11 =	sshrl.u32 s8, $0x1;
	s13 =	sshll.u32 s5, $0x1  }
0xc: {  	s6 =	sadd.s32 s6, s7;
	s7 =	sshrl.u32 s12, $0x2;
	s9 =	sadd.s32 s9, s13  }
0xd: {  	s11 =	ssub.s32 s8, s11;
	s8 =	sor.u32 $0x80, s7;
	s28 =	sshll.u32 s9, $0xE  }
0xe: {  	s11 =	smax.u32 s11, $0x1;
	s15 =	sshll.u32 s9, $0xB;
	s12 =	sadd.s32 s14, s28  }
0xf: {  	s13 =	sadd.s32 s29, s4;
	s30 =	sadd.s32 s29, s15;
	s12 =	sshrl.u32 s12, $0x3  }
0x10: {  	s13 =	sadd.s32 s16, s13;
	s9 =	sadd.s32 s4, s12;
	s12 =	sadd.s32 s30, s4  }
0x11: {  	s16 =	simm.s32 $0x80;
	s15 =	simm.s32 $0x3;
	s10 =	sadd.s32 $0x800, s12  }
0x12: {  	s12 =	sadd.s32 $0x800, s13;
	s13 =	sadd.s32 s31, s14;
	s14 =	sadd.s32 $0x180, s7  }
.LBB2_1:
0x13: {  	[tilespmem:s1], [sflag:$0x3] =	stream.linear.gather [hbm4b:s6+s1], $0x3200, $0x38;
	[tilespmem:$0xB400] =	vst v63  }
0x14: {  	_ =	swait.ge [sflag:s15], $0x3200  }
0x15: {  	[sflag:s15] =	ssyncset.done $0x0  }
0x16: {  	[sflag:s15] =	ssyncadd.s32 $0xFFFFCE00  }
0x17: {  	[tilespmem:s17], [sflag:$0x1] =	stream.indirect.gather [hbm4b:s3+s16], $0x80, s7, s16, $0xb8;
	[tilespmem:$0xB400] =	vst v63  }
0x18: {  	_ = 	snop  }
0x19: {  	[tilespmem:s18], [sflag:$0x2] =	stream.indirect.gather [hbm4b:s3+s16], $0x80, s8, s16, $0xb8;
	[tilespmem:$0xB400] =	vst v63  }
0x1a: {  	_ =	swait.ge [sflag:s19], $0x4000  }
0x1b: {  	s22 =	sshrl.u32 s13, $0x3;
	[sflag:s19] =	ssyncset.done $0x0  }
0x1c: {  	s22 =	sadd.s32 s4, s22;
	[sflag:s19] =	ssyncadd.s32 $0xFFFFC000  }
0x1d: {  	[hbm4b:s22+s1] =	stream.linear.scatter [tilespmem:s17], [sflag:$0x3], $0x4000, $0x38;
	[tilespmem:$0xB400] =	vst v63  }
0x1e: {  	_ =	swait.ge [sflag:s15], $0x4000  }
0x1f: {  	[sflag:s15] =	ssyncset.done $0x0  }
0x20: {  	s31 =	sadd.s32 $0xFFFFFF80, s14;
	[sflag:s15] =	ssyncadd.s32 $0xFFFFC000  }
0x21: {  	[tilespmem:s17], [sflag:$0x1] =	stream.indirect.gather [hbm4b:s3+s16], $0x80, s31, s16, $0xb8;
	[tilespmem:$0xB400] =	vst v63  }
0x22: {  	_ =	swait.ge [sflag:s20], $0x4000  }
0x23: {  	p0 =	sne.s32 s5, $0x1;
	[sflag:s20] =	ssyncset.done $0x0  }
.Ltmp0:
0x24: {  	[sflag:s20] =	ssyncadd.s32 $0xFFFFC000;
	(pc) =	sbr.rel @!p0 .LBB2_3-.Ltmp0, $4  }
0x25: {  	[hbm4b:s12+s1] =	stream.linear.scatter [tilespmem:s18], [sflag:$0x3], $0x4000, $0x38;
	[tilespmem:$0xB400] =	vst v63  }
0x26: {  	s23 =	sadd.s32 $0x100, s14;
	_ =	swait.ge [sflag:s15], $0x4000  }
0x27: {  	s24 =	sadd.s32 $0x1000, s12;
	s25 =	sadd.s32 $0x8000, s13;
	[sflag:s15] =	ssyncset.done $0x0  }
0x28: {  	s26 =	smov.u32 s14;
	s22 =	sadd.s32 $0xFFFFFFFF, s5;
	[sflag:s15] =	ssyncadd.s32 $0xFFFFC000  }
.LBB2_2:
0x29: {  	[tilespmem:s18], [sflag:$0x2] =	stream.indirect.gather [hbm4b:s3+s16], $0x80, s26, s16, $0xb8;
	[tilespmem:$0xB400] =	vst v63  }
0x2a: {  	p0 =	sne.s32 s22, $0x1;
	s22 =	sadd.s32 $0xFFFFFFFF, s22;
	_ =	swait.ge [sflag:s19], $0x4000  }
0x2b: {  	s28 =	sshrl.u32 s25, $0x3;
	s26 =	smov.u32 s23;
	[sflag:s19] =	ssyncset.done $0x0  }
0x2c: {  	s28 =	sadd.s32 s4, s28;
	[sflag:s19] =	ssyncadd.s32 $0xFFFFC000  }
0x2d: {  	[hbm4b:s28+s1] =	stream.linear.scatter [tilespmem:s17], [sflag:$0x3], $0x4000, $0x38;
	[tilespmem:$0xB400] =	vst v63  }
0x2e: {  	_ =	swait.ge [sflag:s15], $0x4000  }
0x2f: {  	[sflag:s15] =	ssyncset.done $0x0  }
0x30: {  	s28 =	sadd.s32 $0xFFFFFF80, s23;
	[sflag:s15] =	ssyncadd.s32 $0xFFFFC000  }
0x31: {  	[tilespmem:s17], [sflag:$0x1] =	stream.indirect.gather [hbm4b:s3+s16], $0x80, s28, s16, $0xb8;
	[tilespmem:$0xB400] =	vst v63  }
0x32: {  	_ =	swait.ge [sflag:s20], $0x4000  }
0x33: {  	[sflag:s20] =	ssyncset.done $0x0  }
.Ltmp1:
0x34: {  	[sflag:s20] =	ssyncadd.s32 $0xFFFFC000;
	(pc) =	sbr.rel @p0 .LBB2_2-.Ltmp1, $4  }
0x35: {  	[hbm4b:s24+s1] =	stream.linear.scatter [tilespmem:s18], [sflag:$0x3], $0x4000, $0x38;
	[tilespmem:$0xB400] =	vst v63  }
0x36: {  	_ =	swait.ge [sflag:s15], $0x4000  }
0x37: {  	s23 =	sadd.s32 $0x100, s23;
	[sflag:s15] =	ssyncset.done $0x0  }
0x38: {  	s25 =	sadd.s32 $0x8000, s25;
	s24 =	sadd.s32 $0x1000, s24;
	[sflag:s15] =	ssyncadd.s32 $0xFFFFC000  }
.LBB2_3:
0x39: {  	[tilespmem:s18], [sflag:$0x2] =	stream.indirect.gather [hbm4b:s3+s16], $0x80, s26, s16, $0xb8;
	[tilespmem:$0xB400] =	vst v63  }
0x3a: {  	_ =	swait.ge [sflag:s19], $0x4000  }
0x3b: {  	[sflag:s19] =	ssyncset.done $0x0  }
0x3c: {  	[sflag:s19] =	ssyncadd.s32 $0xFFFFC000  }
0x3d: {  	[hbm4b:s9+s1] =	stream.linear.scatter [tilespmem:s17], [sflag:$0x3], $0x4000, $0x38;
	[tilespmem:$0xB400] =	vst v63  }
0x3e: {  	_ =	swait.ge [sflag:s15], $0x4000  }
0x3f: {  	[sflag:s15] =	ssyncset.done $0x0  }
0x40: {  	[sflag:s15] =	ssyncadd.s32 $0xFFFFC000  }
0x41: {  	s21 =	sadd.s32 $0x1, s21;
	_ =	swait.ge [sflag:s20], $0x4000  }
0x42: {  	p0 =	sne.s32 s21, s11;
	[sflag:s20] =	ssyncset.done $0x0  }
.Ltmp2:
0x43: {  	[sflag:s20] =	ssyncadd.s32 $0xFFFFC000;
	(pc) =	sbr.rel @p0 .LBB2_1-.Ltmp2, $4  }
0x44: {  	[hbm4b:s10+s1] =	stream.linear.scatter [tilespmem:s18], [sflag:$0x3], $0x4000, $0x38;
	[tilespmem:$0xB400] =	vst v63  }
0x45: {  	_ =	swait.ge [sflag:s15], $0x4000  }
0x46: {  	[sflag:s15] =	ssyncset.done $0x0  }
0x47: {  	[sflag:s15] =	ssyncadd.s32 $0xFFFFC000  }
0x48: {  	_ =	sfence.sel $0x180000  }
0x49: {  	[bflag:$0x0] =	sbarrier.arrive $0xFFFF  }
0x4a: {  	p0 =	sne.s32 s2, $0x0;
	_ =	strace $0x90000047  }
0x4b: {  	s0 =	sadd.s32 @!p0 $0x100000, s0;
	[bflag:$0x2] =	sbarrier.arrive $0xFFFF  }
0x4c: {  	[sflag:s0] =	ssyncadd.tile.s32 @!p0 $0x1;
	_ =	shalt  }
.Lfunc_end2:
_tile_overlayer_lowered:
.L_overlay_start_2:
0x4d: {  	(tag) =	ssettag $0x2  }
0x4e: {  	s0 =	rddreg [dreg:$0x0];
	s2 =	stileid.u32  }
0x4f: {  	s1 =	rddreg [dreg:$0x1];
	p0 =	sne.s32 s2, $0x0  }
0x50: {  	s3 =	rddreg [dreg:$0x2];
	[bflag:$0x3] =	sbarrier.arrive $0xFFFF;
	s2 =	simm.s32 @!p0 $0x1C03  }
0x51: {  	[timem:s3], [sflag:s2] =	dma.local @!p0 [hbm:s0], s1  }
0x52: {  	s0 =	simm.s32 @!p0 $0x3  }
0x53: {  	_ =	swait.ge @!p0 [sflag:s0], s1  }
0x54: {  	s1 =	ssub.s32 @!p0 $0x0, s1;
	[sflag:s0] =	ssyncset.done @!p0 $0x0  }
0x55: {  	[sflag:s0] =	ssyncadd.s32 @!p0 s1  }
0x56: {  	[bflag:$0x3] =	sbarrier.arrive $0xFFFF  }
0x57: {  	_ =	shalt  }

// kernel: kernel.27.cloned.1.call-start
scs
__scs_entry_jumppad:
0x0: {  	(pc) =	sbr.rel $0x88, $3  }
0x1: {  	(tag) =	ssettag $0x0;
	lr =	simm.s32 $0x1  }
0x2: {  	[smem:$0x3F65] =	sst lr;
	_ =	strace $0xD0000000  }
0x3: {  	_ = 	snop  }
0x4: {  	_ = 	snop  }
0x5: {  	_ = 	snop  }
0x6: {  	_ = 	snop  }
0x7: {  	_ = 	snop  }
__scs_overlays_trampoline_lowered:
0x8: {  	[smem:$0x3F74] =	sst s0  }
0x9: {  	[smem:$0x3F75] =	sst s1  }
0xa: {  	[smem:$0x3F76] =	sst s2  }
0xb: {  	[smem:$0x3F77] =	sst s3  }
0xc: {  	[smem:$0x3F78] =	sst s4  }
0xd: {  	[smem:$0x3F79] =	sst s5  }
0xe: {  	[smem:$0x3F7A] =	sst s6  }
0xf: {  	[smem:$0x3F7B] =	sst s7  }
0x10: {  	[smem:$0x3F7C] =	sst s8  }
0x11: {  	[smem:$0x3F7D] =	sst s9;
	s0 =	simm.s32 @!p0 $0x0  }
0x12: {  	s1 =	sld [smem:$0x3F63];
	s0 =	simm.s32 @p0 $0x1  }
0x13: {  	[smem:$0x3F7E] =	sst s0;
	s0 =	simm.s32 @!p1 $0x0  }
0x14: {  	s2 =	sld [smem:$0x3F62];
	s0 =	simm.s32 @p1 $0x1  }
0x15: {  	[smem:$0x3F7F] =	sst s0;
	s0 =	simm.s32 @!p2 $0x0  }
0x16: {  	s3 =	sld [smem:$0x3FDB];
	s0 =	simm.s32 @p2 $0x1  }
0x17: {  	s4 =	simm.s32 $0x1BF5;
	[smem:$0x3F81] =	sst s0  }
0x18: {  	s0 =	sld [smem:$0x3F64];
	_ =	swait.ge [sflag:s4], $0x0  }
0x19: {  	s7 =	sld [smem:$0x3F65]  }
0x1a: {  	s8 =	sadd.s32 $0xFFFFE003, lr  }
0x1b: {  	s9 =	sadd.s32 $0xFFFFFEF7, lr;
	s5 =	simm.s32 $0xFFFFFFFF;
	p2 =	slt.u32 s8, $0xFFFFF086  }
0x1c: {  	p1 =	slt.u32 s9, $0xF7A;
	s5 =	simm.s32 @!p2 $0x0  }
0x1d: {  	s5 =	simm.s32 @p1 $0x1;
	p0 =	seq.s32 s7, s2  }
0x1e: {  	s7 =	smul.u32 @!p0 $0xF7A, s2;
	p2 =	seq.s32 @!p0 s5, $0x0  }
0x1f: {  	s9 =	smul.u32 $0xF7A, s1;
	s8 =	simm.s32 @!p0 $0x1BF5;
	p2 =	por !p2, p0  }
0x20: {  	[sflag:s8] =	ssyncset.s32 @!p0 $0xFFFFF086;
	s6 =	sadd.s32 @!p0 s3, s7;
	s7 =	simm.s32 @!p0 $0x108  }
0x21: {  	s3 =	sadd.s32 s3, s9;
	s6 =	sadd.s32 @!p0 $0x88, s6;
	s7 =	simm.s32 @p2 $0x1082  }
0x22: {  	[simem:s7], [sflag:s8] =	dma.local @!p0 [hbm:s6], $0xF7A  }
0x23: {  	s9 =	sor.u32 $0xD0000000, s2;
	s6 =	simm.s32 $0x108;
	_ =	swait.ge @!p0 [sflag:s8], $0x0  }
0x24: {  	s3 =	sadd.s32 $0x88, s3;
	s6 =	simm.s32 @!p1 $0x1082;
	[sflag:s4] =	ssyncset.s32 $0xFFFFF086  }
0x25: {  	[simem:s6], [sflag:s4] =	dma.local [hbm:s3], $0xF7A  }
0x26: {  	[smem:$0x3F65] =	sst s1;
	(tag) =	ssettag s2;
	_ =	strace s9  }
0x27: {  	s1 =	sld [smem:$0x3F75]  }
0x28: {  	s2 =	sld [smem:$0x3F76]  }
0x29: {  	s4 =	sld [smem:$0x3F78]  }
0x2a: {  	p0 =	seq.s32 s5, $0x0;
	s5 =	sld [smem:$0x3F79]  }
0x2b: {  	s6 =	sld [smem:$0x3F7A]  }
0x2c: {  	s7 =	sld [smem:$0x3F7B]  }
0x2d: {  	s3 =	simm.s32 $0x108;
	s8 =	sld [smem:$0x3F7C]  }
0x2e: {  	s3 =	simm.s32 @!p0 $0x1082;
	s9 =	sld [smem:$0x3F7D]  }
0x2f: {  	lr =	sadd.s32 s0, s3;
	s0 =	sld [smem:$0x3F74]  }
0x30: {  	s3 =	sld [smem:$0x3F77]  }
0x31: {  	[smem:$0x3F80] =	sst s10  }
0x32: {  	s10 =	sld [smem:$0x3F7E];
	_ =	sdelay $0x3  }
0x33: {  	p0 =	seq.s32 s10, $0x1;
	s10 =	sld [smem:$0x3F80];
	_ =	sdelay $0x3  }
0x34: {  	[smem:$0x3F80] =	sst s10  }
0x35: {  	s10 =	sld [smem:$0x3F7F];
	_ =	sdelay $0x3  }
0x36: {  	p1 =	seq.s32 s10, $0x1;
	s10 =	sld [smem:$0x3F80];
	_ =	sdelay $0x3  }
0x37: {  	[smem:$0x3F80] =	sst s10  }
0x38: {  	s10 =	sld [smem:$0x3F81]  }
0x39: {  	_ = 	snop;
	(pc) =	sbr.ind lr, $3  }
0x3a: {  	_ = 	snop  }
0x3b: {  	_ = 	snop  }
0x3c: {  	p2 =	seq.s32 s10, $0x1;
	s10 =	sld [smem:$0x3F80]  }
0x3d: {  	_ =	shalt  }
0x3e: {  	_ =	shalt  }
0x3f: {  	_ =	shalt  }
0x40: {  	_ =	shalt  }
0x41: {  	_ =	shalt  }
0x42: {  	_ =	shalt  }
0x43: {  	_ =	shalt  }
0x44: {  	_ =	shalt  }
0x45: {  	_ =	shalt  }
0x46: {  	_ =	shalt  }
0x47: {  	_ =	shalt  }
0x48: {  	_ =	shalt  }
0x49: {  	_ =	shalt  }
0x4a: {  	_ =	shalt  }
0x4b: {  	_ =	shalt  }
0x4c: {  	_ =	shalt  }
0x4d: {  	_ =	shalt  }
0x4e: {  	_ =	shalt  }
0x4f: {  	_ =	shalt  }
0x50: {  	_ =	shalt  }
0x51: {  	_ =	shalt  }
0x52: {  	_ =	shalt  }
0x53: {  	_ =	shalt  }
0x54: {  	_ =	shalt  }
0x55: {  	_ =	shalt  }
0x56: {  	_ =	shalt  }
0x57: {  	_ =	shalt  }
0x58: {  	_ =	shalt  }
0x59: {  	_ =	shalt  }
0x5a: {  	_ =	shalt  }
0x5b: {  	_ =	shalt  }
0x5c: {  	_ =	shalt  }
0x5d: {  	_ =	shalt  }
0x5e: {  	_ =	shalt  }
0x5f: {  	_ =	shalt  }
0x60: {  	_ =	shalt  }
0x61: {  	_ =	shalt  }
0x62: {  	_ =	shalt  }
0x63: {  	_ =	shalt  }
0x64: {  	_ =	shalt  }
0x65: {  	_ =	shalt  }
0x66: {  	_ =	shalt  }
0x67: {  	_ =	shalt  }
0x68: {  	_ =	shalt  }
0x69: {  	_ =	shalt  }
0x6a: {  	_ =	shalt  }
0x6b: {  	_ =	shalt  }
0x6c: {  	_ =	shalt  }
0x6d: {  	_ =	shalt  }
0x6e: {  	_ =	shalt  }
0x6f: {  	_ =	shalt  }
0x70: {  	_ =	shalt  }
0x71: {  	_ =	shalt  }
0x72: {  	_ =	shalt  }
0x73: {  	_ =	shalt  }
0x74: {  	_ =	shalt  }
0x75: {  	_ =	shalt  }
0x76: {  	_ =	shalt  }
0x77: {  	_ =	shalt  }
0x78: {  	_ =	shalt  }
0x79: {  	_ =	shalt  }
0x7a: {  	_ =	shalt  }
0x7b: {  	_ =	shalt  }
0x7c: {  	_ =	shalt  }
0x7d: {  	_ =	shalt  }
0x7e: {  	_ =	shalt  }
0x7f: {  	_ =	shalt  }
0x80: {  	_ =	shalt  }
0x81: {  	_ =	shalt  }
0x82: {  	_ =	shalt  }
0x83: {  	_ =	shalt  }
0x84: {  	_ =	shalt  }
0x85: {  	_ =	shalt  }
0x86: {  	_ =	shalt  }
0x87: {  	_ =	shalt  }
.Lfunc_end0:
.L_simem_size_0:
called_computation.1_lowered:
.L_overlay_start_0:
0x88: {  	s2 =	sld [smem:$0x3FD9]  }
0x89: {  	s3 =	sld [smem:$0x3FFE];
	_ =	sdelay $0x1  }
0x8a: {  	s1 =	srdreg.scid  }
0x8b: {  	s0 =	sand.u32 $0x1, s1  }
0x8c: {  	s16 =	sshll.u32 s0, $0xA;
	s2 =	sadd.s32 s3, s2  }
0x8d: {  	s2 =	sadd.s32 s2, s16  }
0x8e: {  	[smem:$0x3F8C] =	sst s2  }
0x8f: {  	_ = 	snop  }
0x90: {  	(tm) =	ssettm $0x1  }
0x91: {  	s17 =	sld [smem:$0x3FFB];
	_ =	sdelay $0x3  }
0x92: {  	_ =	strace s17  }
0x93: {  	s2 =	sld [smem:$0x3FFC];
	_ =	sdelay $0x3  }
0x94: {  	_ =	strace s2  }
0x95: {  	s2 =	sld [smem:$0x3FFD];
	_ =	sdelay $0x3  }
0x96: {  	_ =	strace s2  }
0x97: {  	_ =	strace $0x8FFFFFFF  }
0x98: {  	s18 =	sld [smem:$0x3FDB];
	_ =	sdelay $0x1  }
0x99: {  	s19 =	simm.s32 $_scs_section_size  }
0x9a: {  	s4 =	simm.s32 $_size__tile_overlayer_lowered;
	s5 =	simm.s32 $_tile_overlayer_lowered  }
0x9b: {  	s22 =	simm.s32 $0x1BFF;
	s21 =	sshll.u32 s5, $0x1;
	s2 =	sadd.s32 s19, s18  }
0x9c: {  	s6 =	simm.s32 $0x0;
	s20 =	sshll.u32 s4, $0x1;
	s4 =	sadd.s32 s21, s2  }
0x9d: {  	[timem:s6], [sflag:s22] =	dma.local [hbm:s4], s20  }
0x9e: {  	_ =	swait.ge [sflag:s22], s20  }
0x9f: {  	s3 =	ssub.s32 $0x0, s20;
	[sflag:s22] =	ssyncset.done $0x0  }
0xa0: {  	[sflag:s22] =	ssyncadd.s32 s3;
	_ =	sdelay $0x1  }
0xa1: {  	s23 =	simm.s32 $0x1B8B  }
0xa2: {  	_ =	swait.ge [sflag:s23], $0x1  }
0xa3: {  	[sflag:s23] =	ssyncset.done $0x0  }
0xa4: {  	s25 =	simm.s32 $0x1B8E;
	s24 =	sld [smem:$0x3FFE];
	[sflag:s23] =	ssyncadd.s32 $0xFFFFFFFF  }
0xa5: {  	s26 =	simm.s32 $execute0_lowered;
	[smem:$0x3FD2] =	sst s25  }
0xa6: {  	s4 =	sshll.u32 s26, $0x1;
	_ =	strace $0x80000049;
	[dreg:$0x1] =	wrdreg $0xFFFFFFFF  }
0xa7: {  	s28 =	simm.s32 $_size_execute0_lowered;
	s2 =	sadd.s32 s2, s4;
	[dreg:$0x0] =	wrdreg $0x0  }
0xa8: {  	s4 =	sshll.u32 s28, $0x1;
	[dreg:$0x2] =	wrdreg s2  }
0xa9: {  	[dreg:$0x3] =	wrdreg s4  }
0xaa: {  	[dreg:$0x4] =	wrdreg $0xC0  }
0xab: {  	_ =	task [dreg:s6], $0x5FFFF  }
0xac: {  	[dreg:$0x1] =	wrdreg $0xFFFFFFFF  }
0xad: {  	[dreg:$0x0] =	wrdreg $0x60  }
0xae: {  	[dreg:$0x2] =	wrdreg s24  }
0xaf: {  	[dreg:$0x3] =	wrdreg $0x9C000  }
0xb0: {  	[dreg:$0x4] =	wrdreg $0x9  }
0xb1: {  	_ =	task.clear_ibuf [dreg:s6], $0x5FFFF;
	_ =	strace $0x90000049  }
0xb2: {  	s29 =	simm.s32 $0x9;
	_ =	strace $0x8000004B  }
0xb3: {  	_ =	swait.ge [sflag:s29], $0x1  }
0xb4: {  	[sflag:s29] =	ssyncadd.s32 $0xFFFFFFFF  }
0xb5: {  	_ =	strace $0x9000004B  }
0xb6: {  	_ =	sfence  }
0xb7: {  	s30 =	sld [smem:$0x0];
	_ =	sdelay $0x2  }
0xb8: {  	s31 =	sshll.u32 s1, $0xD;
	s1 =	sshrl.u32 s1, $0x2  }
0xb9: {  	s3 =	sand.u32 $0x4000, s31;
	s1 =	sadd.s32 s1, s30  }
0xba: {  	s0 =	sor.u32 s3, s0;
	s1 =	sshll.u32 s1, $0x11  }
0xbb: {  	s0 =	sor.u32 s1, s0  }
0xbc: {  	s0 =	sadd.s32 $0x8F2B, s0  }
0xbd: {  	[sflag:s0] =	ssyncadd.remote.s32 $0x1  }
0xbe: {  	_ =	sfence.sel $0xFFFF  }
0xbf: {  	[dreg:$0x0] =	wrdreg $0xFFFFFFFF;
	(pc) =	sbr.abs _section_cstart, $3  }
0xc0: {  	[dreg:$0x1] =	wrdreg $0xFFFFFFFF  }
0xc1: {  	_ =	task.clear_ibuf [dreg:s6], $0x2FFFF;
	_ =	strace $0x9FFFFFFF  }
0xc2: {  	(tm) =	ssettm $0x7FFFFFFF  }
0xc3: {  	_ =	shalt  }
tec
execute0_lowered:
.L_overlay_start_1:
0x0: {  	(tag) =	ssettag $0x1  }
0x1: {  	s0 =	rddreg [dreg:$0x0]  }
0x2: {  	s2 =	rddreg [dreg:$0x1];
	s3 =	simm.s32 $0x0  }
0x3: {  	s1 =	stileid.u32;
	s4 =	srdreg.scid;
	s16 =	simm.s32 $0x400  }
0x4: {  	s17 =	simm.s32 $0x800;
	s18 =	simm.s32 $0x1C00;
	s19 =	simm.s32 $0x5C00  }
0x5: {  	s20 =	simm.s32 $0x1;
	s21 =	simm.s32 $0x80;
	s5 =	smul.u32 $0x380, s1  }
0x6: {  	s22 =	simm.s32 $0x2;
	s28 =	simm.s32 $0x0;
	s7 =	smul.u32 $0x28000, s1  }
0x7: {  	[smem:$0x7FF] =	sst s3;
	s6 =	sand.u32 $0x1, s4;
	s24 =	smul.u32 $0x50000, s1  }
0x8: {  	s4 =	sadd.s32 $0x72B800, s0;
	s11 =	smul.u32 $0x190000, s1;
	s29 =	sshll.u32 s1, $0x6  }
0x9: {  	_ =	strace $0x8000004A;
	s8 =	sshll.u32 s6, $0xA;
	s6 =	ssub.s32 $0x2, s6  }
0xa: {  	s9 =	sadd.s32 s5, s0;
	s23 =	sor.u32 s8, s7;
	s5 =	sadd.s32 $0x40B800, s0  }
0xb: {  	s25 =	sshrl.u32 s6, $0x1;
	s26 =	sshrl.u32 s24, $0x2;
	s13 =	sor.u32 s8, s11  }
0xc: {  	s24 =	simm.s32 $0x1880;
	s10 =	sshrl.u32 s23, $0x3;
	s12 =	ssub.s32 s6, s25  }
0xd: {  	s14 =	sadd.s32 s26, s2;
	s30 =	sshrl.u32 s13, $0x3;
	s6 =	sor.u32 $0x1C03, s29  }
0xe: {  	s31 =	sadd.s32 $0x18000, s13;
	s8 =	sadd.s32 $0x408000, s9;
	s13 =	sadd.s32 $0x10000, s13  }
0xf: {  	s23 =	simm.s32 $0x1800;
	s25 =	simm.s32 $0x8;
	s26 =	simm.s32 $0x100  }
0x10: {  	s0 =	sadd.s32 s10, s0;
	s7 =	sadd.s32 s4, s30;
	s15 =	sshrl.u32 s31, $0x3  }
0x11: {  	s11 =	smax.u32 s12, $0x1;
	s14 =	sshrl.u32 s14, $0x3;
	s9 =	sadd.s32 $0x1000, s7  }
0x12: {  	s10 =	sadd.s32 $0x40E000, s0;
	s12 =	sadd.s32 s15, s4;
	s15 =	simm.s32 $0x3  }
.LBB2_1:
0x13: {  	[spmem:s14], [sflag:s6] =	dma.local [hbm:s5], $0x2800  }
0x14: {  	_ =	swait.ge [sflag:s15], $0x2800  }
0x15: {  	[sflag:s15] =	ssyncset.done $0x0  }
0x16: {  	[sflag:s15] =	ssyncadd.s32 $0xFFFFD800  }
0x17: {  	[tilespmem:s3], [sflag:$0x3] =	stream.linear.gather [hbm4b:s8+s3], $0x1900, $0x38;
	[tilespmem:$0x1DC00] =	vst v63  }
0x18: {  	_ =	swait.ge [sflag:s15], $0x1900  }
0x19: {  	[sflag:s15] =	ssyncset.done $0x0  }
0x1a: {  	[sflag:s15] =	ssyncadd.s32 $0xFFFFE700  }
0x1b: {  	[bflag:$0x0] =	sbarrier.arrive $0xFFFF  }
0x1c: {  	[tilespmem:s18], [sflag:$0x1] =	stream.strided.gather [hbm4b:s7+s16], $0x4000, s17, s16, $0x38;
	[tilespmem:$0x1DC00] =	vst v63  }
0x1d: {  	_ = 	snop  }
0x1e: {  	[tilespmem:s19], [sflag:$0x2] =	stream.strided.gather [hbm4b:s9+s16], $0x4000, s17, s16, $0x38;
	[tilespmem:$0x1DC00] =	vst v63  }
0x1f: {  	_ =	swait.ge [sflag:s20], $0x4000  }
0x20: {  	[sflag:s20] =	ssyncset.done $0x0  }
0x21: {  	s0 =	simm.s32 $0x0;
	[sflag:s20] =	ssyncadd.s32 $0xFFFFC000  }
0x22: {  	[spmem:s2] =	stream.indirect.scatter.add.f32 [tilespmem:s18], [sflag:$0x3], $0x80, s0, s21, $0xb8;
	[tilespmem:$0x1DC00] =	vst v63  }
0x23: {  	_ =	swait.ge [sflag:s15], $0x4000  }
0x24: {  	s1 =	sshrl.u32 s13, $0x3;
	[sflag:s15] =	ssyncset.done $0x0  }
0x25: {  	s0 =	sadd.s32 s4, s1;
	[sflag:s15] =	ssyncadd.s32 $0xFFFFC000  }
0x26: {  	[tilespmem:s18], [sflag:$0x1] =	stream.strided.gather [hbm4b:s0+s16], $0x4000, s17, s16, $0x38;
	[tilespmem:$0x1DC00] =	vst v63  }
0x27: {  	_ =	swait.ge [sflag:s22], $0x4000  }
0x28: {  	[sflag:s22] =	ssyncset.done $0x0  }
0x29: {  	[sflag:s22] =	ssyncadd.s32 $0xFFFFC000  }
0x2a: {  	[spmem:s2] =	stream.indirect.scatter.add.f32 [tilespmem:s19], [sflag:$0x3], $0x80, s21, s21, $0xb8;
	[tilespmem:$0x1DC00] =	vst v63  }
0x2b: {  	_ =	swait.ge [sflag:s15], $0x4000  }
0x2c: {  	s29 =	simm.s32 $0x2000;
	s30 =	simm.s32 $0x180;
	[sflag:s15] =	ssyncset.done $0x0  }
0x2d: {  	s31 =	sadd.s32 $0x10000, s13;
	s0 =	sadd.s32 $0x0, s12;
	[sflag:s15] =	ssyncadd.s32 $0xFFFFC000  }
.LBB2_2:
0x2e: {  	[tilespmem:s19], [sflag:$0x2] =	stream.strided.gather [hbm4b:s0+s16], $0x4000, s17, s16, $0x38;
	[tilespmem:$0x1DC00] =	vst v63  }
0x2f: {  	s0 =	smov.u32 s29  }
0x30: {  	p0 =	sne.s32 s29, $0x2E000;
	s29 =	sadd.s32 $0x2000, s29;
	_ =	swait.ge [sflag:s20], $0x4000  }
0x31: {  	[sflag:s20] =	ssyncset.done $0x0  }
0x32: {  	s1 =	sadd.s32 $0xFFFFFF80, s30;
	[sflag:s20] =	ssyncadd.s32 $0xFFFFC000  }
0x33: {  	[spmem:s2] =	stream.indirect.scatter.add.f32 [tilespmem:s18], [sflag:$0x3], $0x80, s1, s21, $0xb8;
	[tilespmem:$0x1DC00] =	vst v63  }
0x34: {  	_ =	swait.ge [sflag:s15], $0x4000  }
0x35: {  	s1 =	sshrl.u32 s31, $0x3;
	[sflag:s15] =	ssyncset.done $0x0  }
0x36: {  	s1 =	sadd.s32 s4, s1;
	[sflag:s15] =	ssyncadd.s32 $0xFFFFC000  }
0x37: {  	[tilespmem:s18], [sflag:$0x1] =	stream.strided.gather [hbm4b:s1+s16], $0x4000, s17, s16, $0x38;
	[tilespmem:$0x1DC00] =	vst v63  }
0x38: {  	_ =	swait.ge [sflag:s22], $0x4000  }
0x39: {  	[sflag:s22] =	ssyncset.done $0x0  }
.Ltmp0:
0x3a: {  	[sflag:s22] =	ssyncadd.s32 $0xFFFFC000;
	(pc) =	sbr.rel @p0 .LBB2_2-.Ltmp0, $4  }
0x3b: {  	[spmem:s2] =	stream.indirect.scatter.add.f32 [tilespmem:s19], [sflag:$0x3], $0x80, s30, s21, $0xb8;
	[tilespmem:$0x1DC00] =	vst v63  }
0x3c: {  	_ =	swait.ge [sflag:s15], $0x4000  }
0x3d: {  	s30 =	sadd.s32 $0x100, s30;
	[sflag:s15] =	ssyncset.done $0x0  }
0x3e: {  	s0 =	sadd.s32 s0, s12;
	s31 =	sadd.s32 $0x10000, s31;
	[sflag:s15] =	ssyncadd.s32 $0xFFFFC000  }
0x3f: {  	[tilespmem:s19], [sflag:$0x2] =	stream.strided.gather [hbm4b:s0+s16], $0x4000, s17, s16, $0x38;
	[tilespmem:$0x1DC00] =	vst v63  }
0x40: {  	_ =	swait.ge [sflag:s20], $0x4000  }
0x41: {  	[sflag:s20] =	ssyncset.done $0x0  }
0x42: {  	[sflag:s20] =	ssyncadd.s32 $0xFFFFC000  }
0x43: {  	[spmem:s2] =	stream.indirect.scatter.add.f32 [tilespmem:s18], [sflag:$0x3], $0x80, s23, s21, $0xb8;
	[tilespmem:$0x1DC00] =	vst v63  }
0x44: {  	_ =	swait.ge [sflag:s15], $0x4000  }
0x45: {  	[sflag:s15] =	ssyncset.done $0x0  }
0x46: {  	[sflag:s15] =	ssyncadd.s32 $0xFFFFC000  }
0x47: {  	_ =	swait.ge [sflag:s22], $0x4000  }
0x48: {  	[sflag:s22] =	ssyncset.done $0x0  }
0x49: {  	[sflag:s22] =	ssyncadd.s32 $0xFFFFC000  }
0x4a: {  	[spmem:s2] =	stream.indirect.scatter.add.f32 [tilespmem:s19], [sflag:$0x3], $0x80, s24, s21, $0xb8;
	[tilespmem:$0x1DC00] =	vst v63  }
0x4b: {  	_ =	swait.ge [sflag:s15], $0x4000  }
0x4c: {  	s28 =	sadd.s32 $0x1, s28;
	[sflag:s15] =	ssyncset.done $0x0  }
0x4d: {  	p0 =	sne.s32 s28, s11;
	[sflag:s15] =	ssyncadd.s32 $0xFFFFC000  }
.Ltmp1:
0x4e: {  	[bflag:$0x0] =	sbarrier.arrive $0xFFFF;
	(pc) =	sbr.rel @p0 .LBB2_1-.Ltmp1, $4  }
0x4f: {  	[hbm:s10@s26], [sflag:s6] =	dma.strided [spmem:s14@s21], $0x2800, s25, $0x10   }
0x50: {  	_ =	swait.ge [sflag:s15], $0x2800  }
0x51: {  	[sflag:s15] =	ssyncset.done $0x0  }
0x52: {  	[sflag:s15] =	ssyncadd.s32 $0xFFFFD800  }
0x53: {  	_ =	sfence.sel $0x180000  }
0x54: {  	[bflag:$0x0] =	sbarrier.arrive $0xFFFF  }
0x55: {  	_ =	strace $0x9000004A  }
0x56: {  	s0 =	stileid.u32;
	[bflag:$0x2] =	sbarrier.arrive $0xFFFF  }
0x57: {  	p0 =	sne.s32 s0, $0x0;
	s0 =	rddreg [dreg:$0x2]  }
0x58: {  	s0 =	sadd.s32 @!p0 $0x100000, s0  }
0x59: {  	[sflag:s0] =	ssyncadd.tile.s32 @!p0 $0x1;
	_ =	shalt  }
.Lfunc_end2:
_tile_overlayer_lowered:
.L_overlay_start_2:
0x5a: {  	(tag) =	ssettag $0x2  }
0x5b: {  	s0 =	rddreg [dreg:$0x0];
	s2 =	stileid.u32  }
0x5c: {  	s1 =	rddreg [dreg:$0x1];
	p0 =	sne.s32 s2, $0x0  }
0x5d: {  	s3 =	rddreg [dreg:$0x2];
	[bflag:$0x3] =	sbarrier.arrive $0xFFFF;
	s2 =	simm.s32 @!p0 $0x1C03  }
0x5e: {  	[timem:s3], [sflag:s2] =	dma.local @!p0 [hbm:s0], s1  }
0x5f: {  	s0 =	simm.s32 @!p0 $0x3  }
0x60: {  	_ =	swait.ge @!p0 [sflag:s0], s1  }
0x61: {  	s1 =	ssub.s32 @!p0 $0x0, s1;
	[sflag:s0] =	ssyncset.done @!p0 $0x0  }
0x62: {  	[sflag:s0] =	ssyncadd.s32 @!p0 s1  }
0x63: {  	[bflag:$0x3] =	sbarrier.arrive $0xFFFF  }
0x64: {  	_ =	shalt  }

// kernel: kernel.30.cloned.1.call-start
scs
__scs_entry_jumppad:
0x0: {  	(pc) =	sbr.rel $0x88, $3  }
0x1: {  	(tag) =	ssettag $0x0;
	lr =	simm.s32 $0x1  }
0x2: {  	[smem:$0x3F65] =	sst lr;
	_ =	strace $0xD0000000  }
0x3: {  	_ = 	snop  }
0x4: {  	_ = 	snop  }
0x5: {  	_ = 	snop  }
0x6: {  	_ = 	snop  }
0x7: {  	_ = 	snop  }
__scs_overlays_trampoline_lowered:
0x8: {  	[smem:$0x3F74] =	sst s0  }
0x9: {  	[smem:$0x3F75] =	sst s1  }
0xa: {  	[smem:$0x3F76] =	sst s2  }
0xb: {  	[smem:$0x3F77] =	sst s3  }
0xc: {  	[smem:$0x3F78] =	sst s4  }
0xd: {  	[smem:$0x3F79] =	sst s5  }
0xe: {  	[smem:$0x3F7A] =	sst s6  }
0xf: {  	[smem:$0x3F7B] =	sst s7  }
0x10: {  	[smem:$0x3F7C] =	sst s8  }
0x11: {  	[smem:$0x3F7D] =	sst s9;
	s0 =	simm.s32 @!p0 $0x0  }
0x12: {  	s1 =	sld [smem:$0x3F63];
	s0 =	simm.s32 @p0 $0x1  }
0x13: {  	[smem:$0x3F7E] =	sst s0;
	s0 =	simm.s32 @!p1 $0x0  }
0x14: {  	s2 =	sld [smem:$0x3F62];
	s0 =	simm.s32 @p1 $0x1  }
0x15: {  	[smem:$0x3F7F] =	sst s0;
	s0 =	simm.s32 @!p2 $0x0  }
0x16: {  	s3 =	sld [smem:$0x3FDB];
	s0 =	simm.s32 @p2 $0x1  }
0x17: {  	s4 =	simm.s32 $0x1BF5;
	[smem:$0x3F81] =	sst s0  }
0x18: {  	s0 =	sld [smem:$0x3F64];
	_ =	swait.ge [sflag:s4], $0x0  }
0x19: {  	s7 =	sld [smem:$0x3F65]  }
0x1a: {  	s8 =	sadd.s32 $0xFFFFE003, lr  }
0x1b: {  	s9 =	sadd.s32 $0xFFFFFEF7, lr;
	s5 =	simm.s32 $0xFFFFFFFF;
	p2 =	slt.u32 s8, $0xFFFFF086  }
0x1c: {  	p1 =	slt.u32 s9, $0xF7A;
	s5 =	simm.s32 @!p2 $0x0  }
0x1d: {  	s5 =	simm.s32 @p1 $0x1;
	p0 =	seq.s32 s7, s2  }
0x1e: {  	s7 =	smul.u32 @!p0 $0xF7A, s2;
	p2 =	seq.s32 @!p0 s5, $0x0  }
0x1f: {  	s9 =	smul.u32 $0xF7A, s1;
	s8 =	simm.s32 @!p0 $0x1BF5;
	p2 =	por !p2, p0  }
0x20: {  	[sflag:s8] =	ssyncset.s32 @!p0 $0xFFFFF086;
	s6 =	sadd.s32 @!p0 s3, s7;
	s7 =	simm.s32 @!p0 $0x108  }
0x21: {  	s3 =	sadd.s32 s3, s9;
	s6 =	sadd.s32 @!p0 $0x88, s6;
	s7 =	simm.s32 @p2 $0x1082  }
0x22: {  	[simem:s7], [sflag:s8] =	dma.local @!p0 [hbm:s6], $0xF7A  }
0x23: {  	s9 =	sor.u32 $0xD0000000, s2;
	s6 =	simm.s32 $0x108;
	_ =	swait.ge @!p0 [sflag:s8], $0x0  }
0x24: {  	s3 =	sadd.s32 $0x88, s3;
	s6 =	simm.s32 @!p1 $0x1082;
	[sflag:s4] =	ssyncset.s32 $0xFFFFF086  }
0x25: {  	[simem:s6], [sflag:s4] =	dma.local [hbm:s3], $0xF7A  }
0x26: {  	[smem:$0x3F65] =	sst s1;
	(tag) =	ssettag s2;
	_ =	strace s9  }
0x27: {  	s1 =	sld [smem:$0x3F75]  }
0x28: {  	s2 =	sld [smem:$0x3F76]  }
0x29: {  	s4 =	sld [smem:$0x3F78]  }
0x2a: {  	p0 =	seq.s32 s5, $0x0;
	s5 =	sld [smem:$0x3F79]  }
0x2b: {  	s6 =	sld [smem:$0x3F7A]  }
0x2c: {  	s7 =	sld [smem:$0x3F7B]  }
0x2d: {  	s3 =	simm.s32 $0x108;
	s8 =	sld [smem:$0x3F7C]  }
0x2e: {  	s3 =	simm.s32 @!p0 $0x1082;
	s9 =	sld [smem:$0x3F7D]  }
0x2f: {  	lr =	sadd.s32 s0, s3;
	s0 =	sld [smem:$0x3F74]  }
0x30: {  	s3 =	sld [smem:$0x3F77]  }
0x31: {  	[smem:$0x3F80] =	sst s10  }
0x32: {  	s10 =	sld [smem:$0x3F7E];
	_ =	sdelay $0x3  }
0x33: {  	p0 =	seq.s32 s10, $0x1;
	s10 =	sld [smem:$0x3F80];
	_ =	sdelay $0x3  }
0x34: {  	[smem:$0x3F80] =	sst s10  }
0x35: {  	s10 =	sld [smem:$0x3F7F];
	_ =	sdelay $0x3  }
0x36: {  	p1 =	seq.s32 s10, $0x1;
	s10 =	sld [smem:$0x3F80];
	_ =	sdelay $0x3  }
0x37: {  	[smem:$0x3F80] =	sst s10  }
0x38: {  	s10 =	sld [smem:$0x3F81]  }
0x39: {  	_ = 	snop;
	(pc) =	sbr.ind lr, $3  }
0x3a: {  	_ = 	snop  }
0x3b: {  	_ = 	snop  }
0x3c: {  	p2 =	seq.s32 s10, $0x1;
	s10 =	sld [smem:$0x3F80]  }
0x3d: {  	_ =	shalt  }
0x3e: {  	_ =	shalt  }
0x3f: {  	_ =	shalt  }
0x40: {  	_ =	shalt  }
0x41: {  	_ =	shalt  }
0x42: {  	_ =	shalt  }
0x43: {  	_ =	shalt  }
0x44: {  	_ =	shalt  }
0x45: {  	_ =	shalt  }
0x46: {  	_ =	shalt  }
0x47: {  	_ =	shalt  }
0x48: {  	_ =	shalt  }
0x49: {  	_ =	shalt  }
0x4a: {  	_ =	shalt  }
0x4b: {  	_ =	shalt  }
0x4c: {  	_ =	shalt  }
0x4d: {  	_ =	shalt  }
0x4e: {  	_ =	shalt  }
0x4f: {  	_ =	shalt  }
0x50: {  	_ =	shalt  }
0x51: {  	_ =	shalt  }
0x52: {  	_ =	shalt  }
0x53: {  	_ =	shalt  }
0x54: {  	_ =	shalt  }
0x55: {  	_ =	shalt  }
0x56: {  	_ =	shalt  }
0x57: {  	_ =	shalt  }
0x58: {  	_ =	shalt  }
0x59: {  	_ =	shalt  }
0x5a: {  	_ =	shalt  }
0x5b: {  	_ =	shalt  }
0x5c: {  	_ =	shalt  }
0x5d: {  	_ =	shalt  }
0x5e: {  	_ =	shalt  }
0x5f: {  	_ =	shalt  }
0x60: {  	_ =	shalt  }
0x61: {  	_ =	shalt  }
0x62: {  	_ =	shalt  }
0x63: {  	_ =	shalt  }
0x64: {  	_ =	shalt  }
0x65: {  	_ =	shalt  }
0x66: {  	_ =	shalt  }
0x67: {  	_ =	shalt  }
0x68: {  	_ =	shalt  }
0x69: {  	_ =	shalt  }
0x6a: {  	_ =	shalt  }
0x6b: {  	_ =	shalt  }
0x6c: {  	_ =	shalt  }
0x6d: {  	_ =	shalt  }
0x6e: {  	_ =	shalt  }
0x6f: {  	_ =	shalt  }
0x70: {  	_ =	shalt  }
0x71: {  	_ =	shalt  }
0x72: {  	_ =	shalt  }
0x73: {  	_ =	shalt  }
0x74: {  	_ =	shalt  }
0x75: {  	_ =	shalt  }
0x76: {  	_ =	shalt  }
0x77: {  	_ =	shalt  }
0x78: {  	_ =	shalt  }
0x79: {  	_ =	shalt  }
0x7a: {  	_ =	shalt  }
0x7b: {  	_ =	shalt  }
0x7c: {  	_ =	shalt  }
0x7d: {  	_ =	shalt  }
0x7e: {  	_ =	shalt  }
0x7f: {  	_ =	shalt  }
0x80: {  	_ =	shalt  }
0x81: {  	_ =	shalt  }
0x82: {  	_ =	shalt  }
0x83: {  	_ =	shalt  }
0x84: {  	_ =	shalt  }
0x85: {  	_ =	shalt  }
0x86: {  	_ =	shalt  }
0x87: {  	_ =	shalt  }
.Lfunc_end0:
.L_simem_size_0:
called_computation.2_lowered:
.L_overlay_start_0:
0x88: {  	s2 =	sld [smem:$0x3FD9]  }
0x89: {  	s3 =	sld [smem:$0x3FFE];
	_ =	sdelay $0x1  }
0x8a: {  	s1 =	srdreg.scid  }
0x8b: {  	s0 =	sand.u32 $0x1, s1  }
0x8c: {  	s17 =	sshll.u32 s0, $0xA;
	s2 =	sadd.s32 s3, s2  }
0x8d: {  	s2 =	sadd.s32 s2, s17  }
0x8e: {  	[smem:$0x3F8C] =	sst s2  }
0x8f: {  	_ = 	snop  }
0x90: {  	s2 =	sld [smem:$0x3FD0];
	(tm) =	ssettm $0x1  }
0x91: {  	s18 =	sld [smem:$0x3FFB];
	_ =	sdelay $0x3  }
0x92: {  	_ =	strace s18  }
0x93: {  	s3 =	sld [smem:$0x3FFC];
	_ =	sdelay $0x3  }
0x94: {  	_ =	strace s3  }
0x95: {  	s3 =	sld [smem:$0x3FFD];
	_ =	sdelay $0x3  }
0x96: {  	_ =	strace s3  }
0x97: {  	_ =	strace $0x8FFFFFFF  }
0x98: {  	s19 =	sld [smem:$0x3FDB];
	_ =	sdelay $0x1  }
0x99: {  	s4 =	simm.s32 $_scs_section_size  }
0x9a: {  	s5 =	simm.s32 $_size__tile_overlayer_lowered;
	s6 =	simm.s32 $_tile_overlayer_lowered  }
0x9b: {  	s22 =	simm.s32 $0x1BFF;
	s21 =	sshll.u32 s6, $0x1;
	s3 =	sadd.s32 s4, s19  }
0x9c: {  	s7 =	simm.s32 $0x0;
	s20 =	sshll.u32 s5, $0x1;
	s5 =	sadd.s32 s21, s3  }
0x9d: {  	[timem:s7], [sflag:s22] =	dma.local [hbm:s5], s20  }
0x9e: {  	_ =	swait.ge [sflag:s22], s20  }
0x9f: {  	s4 =	ssub.s32 $0x0, s20;
	[sflag:s22] =	ssyncset.done $0x0  }
0xa0: {  	[sflag:s22] =	ssyncadd.s32 s4;
	_ =	sdelay $0x1  }
0xa1: {  	s23 =	simm.s32 $0x1B8B  }
0xa2: {  	_ =	swait.ge [sflag:s23], $0x1  }
0xa3: {  	[sflag:s23] =	ssyncset.done $0x0  }
0xa4: {  	s25 =	simm.s32 $0x1B8E;
	s24 =	sld [smem:$0x3FFE];
	[sflag:s23] =	ssyncadd.s32 $0xFFFFFFFF  }
0xa5: {  	s26 =	simm.s32 $execute0_lowered;
	[smem:$0x3FD2] =	sst s25  }
0xa6: {  	s5 =	sshll.u32 s26, $0x1;
	_ =	strace $0x8000004C;
	[dreg:$0x1] =	wrdreg $0xFFFFFFFF  }
0xa7: {  	s28 =	simm.s32 $_size_execute0_lowered;
	s3 =	sadd.s32 s3, s5;
	[dreg:$0x0] =	wrdreg $0x0  }
0xa8: {  	s5 =	sshll.u32 s28, $0x1;
	[dreg:$0x2] =	wrdreg s3  }
0xa9: {  	[dreg:$0x3] =	wrdreg s5  }
0xaa: {  	[dreg:$0x4] =	wrdreg $0xC0  }
0xab: {  	_ =	task [dreg:s7], $0x5FFFF  }
0xac: {  	[dreg:$0x1] =	wrdreg $0xFFFFFFFF  }
0xad: {  	[dreg:$0x0] =	wrdreg $0x60  }
0xae: {  	[dreg:$0x2] =	wrdreg s24  }
0xaf: {  	[dreg:$0x3] =	wrdreg s2  }
0xb0: {  	[dreg:$0x4] =	wrdreg $0x9  }
0xb1: {  	_ =	task.clear_ibuf [dreg:s7], $0x5FFFF;
	_ =	strace $0x9000004C  }
0xb2: {  	s29 =	simm.s32 $0x9;
	_ =	strace $0x8000004E  }
0xb3: {  	_ =	swait.ge [sflag:s29], $0x1  }
0xb4: {  	[sflag:s29] =	ssyncadd.s32 $0xFFFFFFFF  }
0xb5: {  	_ =	strace $0x9000004E  }
0xb6: {  	_ =	sfence  }
0xb7: {  	s30 =	sld [smem:$0x0];
	_ =	sdelay $0x2  }
0xb8: {  	s31 =	sshll.u32 s1, $0xD;
	s1 =	sshrl.u32 s1, $0x2  }
0xb9: {  	s3 =	sand.u32 $0x4000, s31;
	s1 =	sadd.s32 s1, s30  }
0xba: {  	s0 =	sor.u32 s3, s0;
	s1 =	sshll.u32 s1, $0x11  }
0xbb: {  	s0 =	sor.u32 s1, s0  }
0xbc: {  	s0 =	sadd.s32 $0x8F2B, s0  }
0xbd: {  	[sflag:s0] =	ssyncadd.remote.s32 $0x1  }
0xbe: {  	_ =	sfence.sel $0xFFFF  }
0xbf: {  	[dreg:$0x0] =	wrdreg $0xFFFFFFFF;
	(pc) =	sbr.abs _section_cstart, $3  }
0xc0: {  	[dreg:$0x1] =	wrdreg $0xFFFFFFFF  }
0xc1: {  	_ =	task.clear_ibuf [dreg:s7], $0x2FFFF;
	_ =	strace $0x9FFFFFFF  }
0xc2: {  	(tm) =	ssettm $0x7FFFFFFF  }
0xc3: {  	_ =	shalt  }
tec
execute0_lowered:
.L_overlay_start_1:
0x0: {  	(tag) =	ssettag $0x1  }
0x1: {  	s4 =	rddreg [dreg:$0x0]  }
0x2: {  	s6 =	rddreg [dreg:$0x1];
	s2 =	srdreg.scid  }
0x3: {  	s0 =	rddreg [dreg:$0x2];
	s10 =	sand.u32 $0x1, s2  }
0x4: {  	s2 =	stileid.u32;
	s5 =	smul.u32 $0xFFFFFFEC, s10  }
0x5: {  	s1 =	simm.s32 $0x0;
	s17 =	simm.s32 $0x3400;
	s7 =	smul.u32 $0x680, s2  }
0x6: {  	s18 =	simm.s32 $0x7400;
	s19 =	simm.s32 $0x1;
	s9 =	smul.u32 $0x46, s10  }
0x7: {  	s20 =	simm.s32 $0x2;
	s21 =	simm.s32 $0x0;
	s12 =	smul.u32 $0x8C00, s10  }
0x8: {  	[smem:$0x7FF] =	sst s1;
	s3 =	sadd.s32 $0x4BC00, s4;
	s14 =	smul.u32 $0x190000, s2  }
0x9: {  	s4 =	sadd.s32 $0x99E00, s4;
	_ =	strace $0x8000004D;
	s29 =	smul.u32 $0x32000, s2  }
0xa: {  	s8 =	ssub.s32 $0x2, s10;
	s16 =	smul.u32 $0x23000, s10;
	s5 =	sadd.s32 $0x22, s5  }
0xb: {  	s31 =	smul.u32 $0x118000, s10;
	s11 =	sshrl.u32 s8, $0x1;
	s13 =	sshll.u32 s5, $0x1  }
0xc: {  	s6 =	sadd.s32 s6, s7;
	s7 =	sshrl.u32 s12, $0x2;
	s9 =	sadd.s32 s9, s13  }
0xd: {  	s11 =	ssub.s32 s8, s11;
	s8 =	sor.u32 $0x80, s7;
	s28 =	sshll.u32 s9, $0xE  }
0xe: {  	s11 =	smax.u32 s11, $0x1;
	s15 =	sshll.u32 s9, $0xB;
	s12 =	sadd.s32 s14, s28  }
0xf: {  	s13 =	sadd.s32 s29, s4;
	s30 =	sadd.s32 s29, s15;
	s12 =	sshrl.u32 s12, $0x3  }
0x10: {  	s13 =	sadd.s32 s16, s13;
	s9 =	sadd.s32 s4, s12;
	s12 =	sadd.s32 s30, s4  }
0x11: {  	s16 =	simm.s32 $0x80;
	s15 =	simm.s32 $0x3;
	s10 =	sadd.s32 $0x800, s12  }
0x12: {  	s12 =	sadd.s32 $0x800, s13;
	s13 =	sadd.s32 s31, s14;
	s14 =	sadd.s32 $0x180, s7  }
.LBB2_1:
0x13: {  	[tilespmem:s1], [sflag:$0x3] =	stream.linear.gather [hbm4b:s6+s1], $0x3200, $0x38;
	[tilespmem:$0xB400] =	vst v63  }
0x14: {  	_ =	swait.ge [sflag:s15], $0x3200  }
0x15: {  	[sflag:s15] =	ssyncset.done $0x0  }
0x16: {  	[sflag:s15] =	ssyncadd.s32 $0xFFFFCE00  }
0x17: {  	[tilespmem:s17], [sflag:$0x1] =	stream.indirect.gather [hbm4b:s3+s16], $0x80, s7, s16, $0xb8;
	[tilespmem:$0xB400] =	vst v63  }
0x18: {  	_ = 	snop  }
0x19: {  	[tilespmem:s18], [sflag:$0x2] =	stream.indirect.gather [hbm4b:s3+s16], $0x80, s8, s16, $0xb8;
	[tilespmem:$0xB400] =	vst v63  }
0x1a: {  	_ =	swait.ge [sflag:s19], $0x4000  }
0x1b: {  	s22 =	sshrl.u32 s13, $0x3;
	[sflag:s19] =	ssyncset.done $0x0  }
0x1c: {  	s22 =	sadd.s32 s4, s22;
	[sflag:s19] =	ssyncadd.s32 $0xFFFFC000  }
0x1d: {  	[hbm4b:s22+s1] =	stream.linear.scatter [tilespmem:s17], [sflag:$0x3], $0x4000, $0x38;
	[tilespmem:$0xB400] =	vst v63  }
0x1e: {  	_ =	swait.ge [sflag:s15], $0x4000  }
0x1f: {  	[sflag:s15] =	ssyncset.done $0x0  }
0x20: {  	s31 =	sadd.s32 $0xFFFFFF80, s14;
	[sflag:s15] =	ssyncadd.s32 $0xFFFFC000  }
0x21: {  	[tilespmem:s17], [sflag:$0x1] =	stream.indirect.gather [hbm4b:s3+s16], $0x80, s31, s16, $0xb8;
	[tilespmem:$0xB400] =	vst v63  }
0x22: {  	_ =	swait.ge [sflag:s20], $0x4000  }
0x23: {  	p0 =	sne.s32 s5, $0x1;
	[sflag:s20] =	ssyncset.done $0x0  }
.Ltmp0:
0x24: {  	[sflag:s20] =	ssyncadd.s32 $0xFFFFC000;
	(pc) =	sbr.rel @!p0 .LBB2_3-.Ltmp0, $4  }
0x25: {  	[hbm4b:s12+s1] =	stream.linear.scatter [tilespmem:s18], [sflag:$0x3], $0x4000, $0x38;
	[tilespmem:$0xB400] =	vst v63  }
0x26: {  	s23 =	sadd.s32 $0x100, s14;
	_ =	swait.ge [sflag:s15], $0x4000  }
0x27: {  	s24 =	sadd.s32 $0x1000, s12;
	s25 =	sadd.s32 $0x8000, s13;
	[sflag:s15] =	ssyncset.done $0x0  }
0x28: {  	s26 =	smov.u32 s14;
	s22 =	sadd.s32 $0xFFFFFFFF, s5;
	[sflag:s15] =	ssyncadd.s32 $0xFFFFC000  }
.LBB2_2:
0x29: {  	[tilespmem:s18], [sflag:$0x2] =	stream.indirect.gather [hbm4b:s3+s16], $0x80, s26, s16, $0xb8;
	[tilespmem:$0xB400] =	vst v63  }
0x2a: {  	p0 =	sne.s32 s22, $0x1;
	s22 =	sadd.s32 $0xFFFFFFFF, s22;
	_ =	swait.ge [sflag:s19], $0x4000  }
0x2b: {  	s28 =	sshrl.u32 s25, $0x3;
	s26 =	smov.u32 s23;
	[sflag:s19] =	ssyncset.done $0x0  }
0x2c: {  	s28 =	sadd.s32 s4, s28;
	[sflag:s19] =	ssyncadd.s32 $0xFFFFC000  }
0x2d: {  	[hbm4b:s28+s1] =	stream.linear.scatter [tilespmem:s17], [sflag:$0x3], $0x4000, $0x38;
	[tilespmem:$0xB400] =	vst v63  }
0x2e: {  	_ =	swait.ge [sflag:s15], $0x4000  }
0x2f: {  	[sflag:s15] =	ssyncset.done $0x0  }
0x30: {  	s28 =	sadd.s32 $0xFFFFFF80, s23;
	[sflag:s15] =	ssyncadd.s32 $0xFFFFC000  }
0x31: {  	[tilespmem:s17], [sflag:$0x1] =	stream.indirect.gather [hbm4b:s3+s16], $0x80, s28, s16, $0xb8;
	[tilespmem:$0xB400] =	vst v63  }
0x32: {  	_ =	swait.ge [sflag:s20], $0x4000  }
0x33: {  	[sflag:s20] =	ssyncset.done $0x0  }
.Ltmp1:
0x34: {  	[sflag:s20] =	ssyncadd.s32 $0xFFFFC000;
	(pc) =	sbr.rel @p0 .LBB2_2-.Ltmp1, $4  }
0x35: {  	[hbm4b:s24+s1] =	stream.linear.scatter [tilespmem:s18], [sflag:$0x3], $0x4000, $0x38;
	[tilespmem:$0xB400] =	vst v63  }
0x36: {  	_ =	swait.ge [sflag:s15], $0x4000  }
0x37: {  	s23 =	sadd.s32 $0x100, s23;
	[sflag:s15] =	ssyncset.done $0x0  }
0x38: {  	s25 =	sadd.s32 $0x8000, s25;
	s24 =	sadd.s32 $0x1000, s24;
	[sflag:s15] =	ssyncadd.s32 $0xFFFFC000  }
.LBB2_3:
0x39: {  	[tilespmem:s18], [sflag:$0x2] =	stream.indirect.gather [hbm4b:s3+s16], $0x80, s26, s16, $0xb8;
	[tilespmem:$0xB400] =	vst v63  }
0x3a: {  	_ =	swait.ge [sflag:s19], $0x4000  }
0x3b: {  	[sflag:s19] =	ssyncset.done $0x0  }
0x3c: {  	[sflag:s19] =	ssyncadd.s32 $0xFFFFC000  }
0x3d: {  	[hbm4b:s9+s1] =	stream.linear.scatter [tilespmem:s17], [sflag:$0x3], $0x4000, $0x38;
	[tilespmem:$0xB400] =	vst v63  }
0x3e: {  	_ =	swait.ge [sflag:s15], $0x4000  }
0x3f: {  	[sflag:s15] =	ssyncset.done $0x0  }
0x40: {  	[sflag:s15] =	ssyncadd.s32 $0xFFFFC000  }
0x41: {  	s21 =	sadd.s32 $0x1, s21;
	_ =	swait.ge [sflag:s20], $0x4000  }
0x42: {  	p0 =	sne.s32 s21, s11;
	[sflag:s20] =	ssyncset.done $0x0  }
.Ltmp2:
0x43: {  	[sflag:s20] =	ssyncadd.s32 $0xFFFFC000;
	(pc) =	sbr.rel @p0 .LBB2_1-.Ltmp2, $4  }
0x44: {  	[hbm4b:s10+s1] =	stream.linear.scatter [tilespmem:s18], [sflag:$0x3], $0x4000, $0x38;
	[tilespmem:$0xB400] =	vst v63  }
0x45: {  	_ =	swait.ge [sflag:s15], $0x4000  }
0x46: {  	[sflag:s15] =	ssyncset.done $0x0  }
0x47: {  	[sflag:s15] =	ssyncadd.s32 $0xFFFFC000  }
0x48: {  	_ =	sfence.sel $0x180000  }
0x49: {  	[bflag:$0x0] =	sbarrier.arrive $0xFFFF  }
0x4a: {  	p0 =	sne.s32 s2, $0x0;
	_ =	strace $0x9000004D  }
0x4b: {  	s0 =	sadd.s32 @!p0 $0x100000, s0;
	[bflag:$0x2] =	sbarrier.arrive $0xFFFF  }
0x4c: {  	[sflag:s0] =	ssyncadd.tile.s32 @!p0 $0x1;
	_ =	shalt  }
.Lfunc_end2:
_tile_overlayer_lowered:
.L_overlay_start_2:
0x4d: {  	(tag) =	ssettag $0x2  }
0x4e: {  	s0 =	rddreg [dreg:$0x0];
	s2 =	stileid.u32  }
0x4f: {  	s1 =	rddreg [dreg:$0x1];
	p0 =	sne.s32 s2, $0x0  }
0x50: {  	s3 =	rddreg [dreg:$0x2];
	[bflag:$0x3] =	sbarrier.arrive $0xFFFF;
	s2 =	simm.s32 @!p0 $0x1C03  }
0x51: {  	[timem:s3], [sflag:s2] =	dma.local @!p0 [hbm:s0], s1  }
0x52: {  	s0 =	simm.s32 @!p0 $0x3  }
0x53: {  	_ =	swait.ge @!p0 [sflag:s0], s1  }
0x54: {  	s1 =	ssub.s32 @!p0 $0x0, s1;
	[sflag:s0] =	ssyncset.done @!p0 $0x0  }
0x55: {  	[sflag:s0] =	ssyncadd.s32 @!p0 s1  }
0x56: {  	[bflag:$0x3] =	sbarrier.arrive $0xFFFF  }
0x57: {  	_ =	shalt  }

// kernel: kernel.33.cloned.1.call-start
scs
__scs_entry_jumppad:
0x0: {  	(pc) =	sbr.rel $0x88, $3  }
0x1: {  	(tag) =	ssettag $0x0;
	lr =	simm.s32 $0x1  }
0x2: {  	[smem:$0x3F65] =	sst lr;
	_ =	strace $0xD0000000  }
0x3: {  	_ = 	snop  }
0x4: {  	_ = 	snop  }
0x5: {  	_ = 	snop  }
0x6: {  	_ = 	snop  }
0x7: {  	_ = 	snop  }
__scs_overlays_trampoline_lowered:
0x8: {  	[smem:$0x3F74] =	sst s0  }
0x9: {  	[smem:$0x3F75] =	sst s1  }
0xa: {  	[smem:$0x3F76] =	sst s2  }
0xb: {  	[smem:$0x3F77] =	sst s3  }
0xc: {  	[smem:$0x3F78] =	sst s4  }
0xd: {  	[smem:$0x3F79] =	sst s5  }
0xe: {  	[smem:$0x3F7A] =	sst s6  }
0xf: {  	[smem:$0x3F7B] =	sst s7  }
0x10: {  	[smem:$0x3F7C] =	sst s8  }
0x11: {  	[smem:$0x3F7D] =	sst s9;
	s0 =	simm.s32 @!p0 $0x0  }
0x12: {  	s1 =	sld [smem:$0x3F63];
	s0 =	simm.s32 @p0 $0x1  }
0x13: {  	[smem:$0x3F7E] =	sst s0;
	s0 =	simm.s32 @!p1 $0x0  }
0x14: {  	s2 =	sld [smem:$0x3F62];
	s0 =	simm.s32 @p1 $0x1  }
0x15: {  	[smem:$0x3F7F] =	sst s0;
	s0 =	simm.s32 @!p2 $0x0  }
0x16: {  	s3 =	sld [smem:$0x3FDB];
	s0 =	simm.s32 @p2 $0x1  }
0x17: {  	s4 =	simm.s32 $0x1BF5;
	[smem:$0x3F81] =	sst s0  }
0x18: {  	s0 =	sld [smem:$0x3F64];
	_ =	swait.ge [sflag:s4], $0x0  }
0x19: {  	s7 =	sld [smem:$0x3F65]  }
0x1a: {  	s8 =	sadd.s32 $0xFFFFE003, lr  }
0x1b: {  	s9 =	sadd.s32 $0xFFFFFEF7, lr;
	s5 =	simm.s32 $0xFFFFFFFF;
	p2 =	slt.u32 s8, $0xFFFFF086  }
0x1c: {  	p1 =	slt.u32 s9, $0xF7A;
	s5 =	simm.s32 @!p2 $0x0  }
0x1d: {  	s5 =	simm.s32 @p1 $0x1;
	p0 =	seq.s32 s7, s2  }
0x1e: {  	s7 =	smul.u32 @!p0 $0xF7A, s2;
	p2 =	seq.s32 @!p0 s5, $0x0  }
0x1f: {  	s9 =	smul.u32 $0xF7A, s1;
	s8 =	simm.s32 @!p0 $0x1BF5;
	p2 =	por !p2, p0  }
0x20: {  	[sflag:s8] =	ssyncset.s32 @!p0 $0xFFFFF086;
	s6 =	sadd.s32 @!p0 s3, s7;
	s7 =	simm.s32 @!p0 $0x108  }
0x21: {  	s3 =	sadd.s32 s3, s9;
	s6 =	sadd.s32 @!p0 $0x88, s6;
	s7 =	simm.s32 @p2 $0x1082  }
0x22: {  	[simem:s7], [sflag:s8] =	dma.local @!p0 [hbm:s6], $0xF7A  }
0x23: {  	s9 =	sor.u32 $0xD0000000, s2;
	s6 =	simm.s32 $0x108;
	_ =	swait.ge @!p0 [sflag:s8], $0x0  }
0x24: {  	s3 =	sadd.s32 $0x88, s3;
	s6 =	simm.s32 @!p1 $0x1082;
	[sflag:s4] =	ssyncset.s32 $0xFFFFF086  }
0x25: {  	[simem:s6], [sflag:s4] =	dma.local [hbm:s3], $0xF7A  }
0x26: {  	[smem:$0x3F65] =	sst s1;
	(tag) =	ssettag s2;
	_ =	strace s9  }
0x27: {  	s1 =	sld [smem:$0x3F75]  }
0x28: {  	s2 =	sld [smem:$0x3F76]  }
0x29: {  	s4 =	sld [smem:$0x3F78]  }
0x2a: {  	p0 =	seq.s32 s5, $0x0;
	s5 =	sld [smem:$0x3F79]  }
0x2b: {  	s6 =	sld [smem:$0x3F7A]  }
0x2c: {  	s7 =	sld [smem:$0x3F7B]  }
0x2d: {  	s3 =	simm.s32 $0x108;
	s8 =	sld [smem:$0x3F7C]  }
0x2e: {  	s3 =	simm.s32 @!p0 $0x1082;
	s9 =	sld [smem:$0x3F7D]  }
0x2f: {  	lr =	sadd.s32 s0, s3;
	s0 =	sld [smem:$0x3F74]  }
0x30: {  	s3 =	sld [smem:$0x3F77]  }
0x31: {  	[smem:$0x3F80] =	sst s10  }
0x32: {  	s10 =	sld [smem:$0x3F7E];
	_ =	sdelay $0x3  }
0x33: {  	p0 =	seq.s32 s10, $0x1;
	s10 =	sld [smem:$0x3F80];
	_ =	sdelay $0x3  }
0x34: {  	[smem:$0x3F80] =	sst s10  }
0x35: {  	s10 =	sld [smem:$0x3F7F];
	_ =	sdelay $0x3  }
0x36: {  	p1 =	seq.s32 s10, $0x1;
	s10 =	sld [smem:$0x3F80];
	_ =	sdelay $0x3  }
0x37: {  	[smem:$0x3F80] =	sst s10  }
0x38: {  	s10 =	sld [smem:$0x3F81]  }
0x39: {  	_ = 	snop;
	(pc) =	sbr.ind lr, $3  }
0x3a: {  	_ = 	snop  }
0x3b: {  	_ = 	snop  }
0x3c: {  	p2 =	seq.s32 s10, $0x1;
	s10 =	sld [smem:$0x3F80]  }
0x3d: {  	_ =	shalt  }
0x3e: {  	_ =	shalt  }
0x3f: {  	_ =	shalt  }
0x40: {  	_ =	shalt  }
0x41: {  	_ =	shalt  }
0x42: {  	_ =	shalt  }
0x43: {  	_ =	shalt  }
0x44: {  	_ =	shalt  }
0x45: {  	_ =	shalt  }
0x46: {  	_ =	shalt  }
0x47: {  	_ =	shalt  }
0x48: {  	_ =	shalt  }
0x49: {  	_ =	shalt  }
0x4a: {  	_ =	shalt  }
0x4b: {  	_ =	shalt  }
0x4c: {  	_ =	shalt  }
0x4d: {  	_ =	shalt  }
0x4e: {  	_ =	shalt  }
0x4f: {  	_ =	shalt  }
0x50: {  	_ =	shalt  }
0x51: {  	_ =	shalt  }
0x52: {  	_ =	shalt  }
0x53: {  	_ =	shalt  }
0x54: {  	_ =	shalt  }
0x55: {  	_ =	shalt  }
0x56: {  	_ =	shalt  }
0x57: {  	_ =	shalt  }
0x58: {  	_ =	shalt  }
0x59: {  	_ =	shalt  }
0x5a: {  	_ =	shalt  }
0x5b: {  	_ =	shalt  }
0x5c: {  	_ =	shalt  }
0x5d: {  	_ =	shalt  }
0x5e: {  	_ =	shalt  }
0x5f: {  	_ =	shalt  }
0x60: {  	_ =	shalt  }
0x61: {  	_ =	shalt  }
0x62: {  	_ =	shalt  }
0x63: {  	_ =	shalt  }
0x64: {  	_ =	shalt  }
0x65: {  	_ =	shalt  }
0x66: {  	_ =	shalt  }
0x67: {  	_ =	shalt  }
0x68: {  	_ =	shalt  }
0x69: {  	_ =	shalt  }
0x6a: {  	_ =	shalt  }
0x6b: {  	_ =	shalt  }
0x6c: {  	_ =	shalt  }
0x6d: {  	_ =	shalt  }
0x6e: {  	_ =	shalt  }
0x6f: {  	_ =	shalt  }
0x70: {  	_ =	shalt  }
0x71: {  	_ =	shalt  }
0x72: {  	_ =	shalt  }
0x73: {  	_ =	shalt  }
0x74: {  	_ =	shalt  }
0x75: {  	_ =	shalt  }
0x76: {  	_ =	shalt  }
0x77: {  	_ =	shalt  }
0x78: {  	_ =	shalt  }
0x79: {  	_ =	shalt  }
0x7a: {  	_ =	shalt  }
0x7b: {  	_ =	shalt  }
0x7c: {  	_ =	shalt  }
0x7d: {  	_ =	shalt  }
0x7e: {  	_ =	shalt  }
0x7f: {  	_ =	shalt  }
0x80: {  	_ =	shalt  }
0x81: {  	_ =	shalt  }
0x82: {  	_ =	shalt  }
0x83: {  	_ =	shalt  }
0x84: {  	_ =	shalt  }
0x85: {  	_ =	shalt  }
0x86: {  	_ =	shalt  }
0x87: {  	_ =	shalt  }
.Lfunc_end0:
.L_simem_size_0:
called_computation.3_lowered:
.L_overlay_start_0:
0x88: {  	s2 =	sld [smem:$0x3FD9]  }
0x89: {  	s3 =	sld [smem:$0x3FFE];
	_ =	sdelay $0x1  }
0x8a: {  	s1 =	srdreg.scid  }
0x8b: {  	s0 =	sand.u32 $0x1, s1  }
0x8c: {  	s16 =	sshll.u32 s0, $0xA;
	s2 =	sadd.s32 s3, s2  }
0x8d: {  	s2 =	sadd.s32 s2, s16  }
0x8e: {  	[smem:$0x3F8C] =	sst s2  }
0x8f: {  	_ = 	snop  }
0x90: {  	(tm) =	ssettm $0x1  }
0x91: {  	s17 =	sld [smem:$0x3FFB];
	_ =	sdelay $0x3  }
0x92: {  	_ =	strace s17  }
0x93: {  	s2 =	sld [smem:$0x3FFC];
	_ =	sdelay $0x3  }
0x94: {  	_ =	strace s2  }
0x95: {  	s2 =	sld [smem:$0x3FFD];
	_ =	sdelay $0x3  }
0x96: {  	_ =	strace s2  }
0x97: {  	_ =	strace $0x8FFFFFFF  }
0x98: {  	s18 =	sld [smem:$0x3FDB];
	_ =	sdelay $0x1  }
0x99: {  	s19 =	simm.s32 $_scs_section_size  }
0x9a: {  	s4 =	simm.s32 $_size__tile_overlayer_lowered;
	s5 =	simm.s32 $_tile_overlayer_lowered  }
0x9b: {  	s22 =	simm.s32 $0x1BFF;
	s21 =	sshll.u32 s5, $0x1;
	s2 =	sadd.s32 s19, s18  }
0x9c: {  	s6 =	simm.s32 $0x0;
	s20 =	sshll.u32 s4, $0x1;
	s4 =	sadd.s32 s21, s2  }
0x9d: {  	[timem:s6], [sflag:s22] =	dma.local [hbm:s4], s20  }
0x9e: {  	_ =	swait.ge [sflag:s22], s20  }
0x9f: {  	s3 =	ssub.s32 $0x0, s20;
	[sflag:s22] =	ssyncset.done $0x0  }
0xa0: {  	[sflag:s22] =	ssyncadd.s32 s3;
	_ =	sdelay $0x1  }
0xa1: {  	s23 =	simm.s32 $0x1B8B  }
0xa2: {  	_ =	swait.ge [sflag:s23], $0x1  }
0xa3: {  	[sflag:s23] =	ssyncset.done $0x0  }
0xa4: {  	s25 =	simm.s32 $0x1B8E;
	s24 =	sld [smem:$0x3FFE];
	[sflag:s23] =	ssyncadd.s32 $0xFFFFFFFF  }
0xa5: {  	s26 =	simm.s32 $execute0_lowered;
	[smem:$0x3FD2] =	sst s25  }
0xa6: {  	s4 =	sshll.u32 s26, $0x1;
	_ =	strace $0x8000004F;
	[dreg:$0x1] =	wrdreg $0xFFFFFFFF  }
0xa7: {  	s28 =	simm.s32 $_size_execute0_lowered;
	s2 =	sadd.s32 s2, s4;
	[dreg:$0x0] =	wrdreg $0x0  }
0xa8: {  	s4 =	sshll.u32 s28, $0x1;
	[dreg:$0x2] =	wrdreg s2  }
0xa9: {  	[dreg:$0x3] =	wrdreg s4  }
0xaa: {  	[dreg:$0x4] =	wrdreg $0xC0  }
0xab: {  	_ =	task [dreg:s6], $0x5FFFF  }
0xac: {  	[dreg:$0x1] =	wrdreg $0xFFFFFFFF  }
0xad: {  	[dreg:$0x0] =	wrdreg $0x60  }
0xae: {  	[dreg:$0x2] =	wrdreg s24  }
0xaf: {  	[dreg:$0x3] =	wrdreg $0x9C000  }
0xb0: {  	[dreg:$0x4] =	wrdreg $0x9  }
0xb1: {  	_ =	task.clear_ibuf [dreg:s6], $0x5FFFF;
	_ =	strace $0x9000004F  }
0xb2: {  	s29 =	simm.s32 $0x9;
	_ =	strace $0x80000051  }
0xb3: {  	_ =	swait.ge [sflag:s29], $0x1  }
0xb4: {  	[sflag:s29] =	ssyncadd.s32 $0xFFFFFFFF  }
0xb5: {  	_ =	strace $0x90000051  }
0xb6: {  	_ =	sfence  }
0xb7: {  	s30 =	sld [smem:$0x0];
	_ =	sdelay $0x2  }
0xb8: {  	s31 =	sshll.u32 s1, $0xD;
	s1 =	sshrl.u32 s1, $0x2  }
0xb9: {  	s3 =	sand.u32 $0x4000, s31;
	s1 =	sadd.s32 s1, s30  }
0xba: {  	s0 =	sor.u32 s3, s0;
	s1 =	sshll.u32 s1, $0x11  }
0xbb: {  	s0 =	sor.u32 s1, s0  }
0xbc: {  	s0 =	sadd.s32 $0x8F2B, s0  }
0xbd: {  	[sflag:s0] =	ssyncadd.remote.s32 $0x1  }
0xbe: {  	_ =	sfence.sel $0xFFFF  }
0xbf: {  	[dreg:$0x0] =	wrdreg $0xFFFFFFFF;
	(pc) =	sbr.abs _section_cstart, $3  }
0xc0: {  	[dreg:$0x1] =	wrdreg $0xFFFFFFFF  }
0xc1: {  	_ =	task.clear_ibuf [dreg:s6], $0x2FFFF;
	_ =	strace $0x9FFFFFFF  }
0xc2: {  	(tm) =	ssettm $0x7FFFFFFF  }
0xc3: {  	_ =	shalt  }
tec
execute0_lowered:
.L_overlay_start_1:
0x0: {  	(tag) =	ssettag $0x1  }
0x1: {  	s0 =	rddreg [dreg:$0x0]  }
0x2: {  	s2 =	rddreg [dreg:$0x1];
	s3 =	simm.s32 $0x0  }
0x3: {  	s1 =	stileid.u32;
	s4 =	srdreg.scid;
	s16 =	simm.s32 $0x400  }
0x4: {  	s17 =	simm.s32 $0x800;
	s18 =	simm.s32 $0x1C00;
	s19 =	simm.s32 $0x5C00  }
0x5: {  	s20 =	simm.s32 $0x1;
	s21 =	simm.s32 $0x80;
	s5 =	smul.u32 $0x380, s1  }
0x6: {  	s22 =	simm.s32 $0x2;
	s28 =	simm.s32 $0x0;
	s7 =	smul.u32 $0x28000, s1  }
0x7: {  	[smem:$0x7FF] =	sst s3;
	s6 =	sand.u32 $0x1, s4;
	s24 =	smul.u32 $0x50000, s1  }
0x8: {  	s4 =	sadd.s32 $0x78C800, s0;
	s11 =	smul.u32 $0x190000, s1;
	s29 =	sshll.u32 s1, $0x6  }
0x9: {  	_ =	strace $0x80000050;
	s8 =	sshll.u32 s6, $0xA;
	s6 =	ssub.s32 $0x2, s6  }
0xa: {  	s9 =	sadd.s32 s5, s0;
	s23 =	sor.u32 s8, s7;
	s5 =	sadd.s32 $0x40B800, s0  }
0xb: {  	s25 =	sshrl.u32 s6, $0x1;
	s26 =	sshrl.u32 s24, $0x2;
	s13 =	sor.u32 s8, s11  }
0xc: {  	s24 =	simm.s32 $0x1880;
	s10 =	sshrl.u32 s23, $0x3;
	s12 =	ssub.s32 s6, s25  }
0xd: {  	s14 =	sadd.s32 s26, s2;
	s30 =	sshrl.u32 s13, $0x3;
	s6 =	sor.u32 $0x1C03, s29  }
0xe: {  	s31 =	sadd.s32 $0x18000, s13;
	s8 =	sadd.s32 $0x45C200, s9;
	s13 =	sadd.s32 $0x10000, s13  }
0xf: {  	s23 =	simm.s32 $0x1800;
	s25 =	simm.s32 $0x8;
	s26 =	simm.s32 $0x100  }
0x10: {  	s0 =	sadd.s32 s10, s0;
	s7 =	sadd.s32 s4, s30;
	s15 =	sshrl.u32 s31, $0x3  }
0x11: {  	s11 =	smax.u32 s12, $0x1;
	s14 =	sshrl.u32 s14, $0x3;
	s9 =	sadd.s32 $0x1000, s7  }
0x12: {  	s10 =	sadd.s32 $0x46C800, s0;
	s12 =	sadd.s32 s15, s4;
	s15 =	simm.s32 $0x3  }
.LBB2_1:
0x13: {  	[spmem:s14], [sflag:s6] =	dma.local [hbm:s5], $0x2800  }
0x14: {  	_ =	swait.ge [sflag:s15], $0x2800  }
0x15: {  	[sflag:s15] =	ssyncset.done $0x0  }
0x16: {  	[sflag:s15] =	ssyncadd.s32 $0xFFFFD800  }
0x17: {  	[tilespmem:s3], [sflag:$0x3] =	stream.linear.gather [hbm4b:s8+s3], $0x1900, $0x38;
	[tilespmem:$0x1DC00] =	vst v63  }
0x18: {  	_ =	swait.ge [sflag:s15], $0x1900  }
0x19: {  	[sflag:s15] =	ssyncset.done $0x0  }
0x1a: {  	[sflag:s15] =	ssyncadd.s32 $0xFFFFE700  }
0x1b: {  	[bflag:$0x0] =	sbarrier.arrive $0xFFFF  }
0x1c: {  	[tilespmem:s18], [sflag:$0x1] =	stream.strided.gather [hbm4b:s7+s16], $0x4000, s17, s16, $0x38;
	[tilespmem:$0x1DC00] =	vst v63  }
0x1d: {  	_ = 	snop  }
0x1e: {  	[tilespmem:s19], [sflag:$0x2] =	stream.strided.gather [hbm4b:s9+s16], $0x4000, s17, s16, $0x38;
	[tilespmem:$0x1DC00] =	vst v63  }
0x1f: {  	_ =	swait.ge [sflag:s20], $0x4000  }
0x20: {  	[sflag:s20] =	ssyncset.done $0x0  }
0x21: {  	s0 =	simm.s32 $0x0;
	[sflag:s20] =	ssyncadd.s32 $0xFFFFC000  }
0x22: {  	[spmem:s2] =	stream.indirect.scatter.add.f32 [tilespmem:s18], [sflag:$0x3], $0x80, s0, s21, $0xb8;
	[tilespmem:$0x1DC00] =	vst v63  }
0x23: {  	_ =	swait.ge [sflag:s15], $0x4000  }
0x24: {  	s1 =	sshrl.u32 s13, $0x3;
	[sflag:s15] =	ssyncset.done $0x0  }
0x25: {  	s0 =	sadd.s32 s4, s1;
	[sflag:s15] =	ssyncadd.s32 $0xFFFFC000  }
0x26: {  	[tilespmem:s18], [sflag:$0x1] =	stream.strided.gather [hbm4b:s0+s16], $0x4000, s17, s16, $0x38;
	[tilespmem:$0x1DC00] =	vst v63  }
0x27: {  	_ =	swait.ge [sflag:s22], $0x4000  }
0x28: {  	[sflag:s22] =	ssyncset.done $0x0  }
0x29: {  	[sflag:s22] =	ssyncadd.s32 $0xFFFFC000  }
0x2a: {  	[spmem:s2] =	stream.indirect.scatter.add.f32 [tilespmem:s19], [sflag:$0x3], $0x80, s21, s21, $0xb8;
	[tilespmem:$0x1DC00] =	vst v63  }
0x2b: {  	_ =	swait.ge [sflag:s15], $0x4000  }
0x2c: {  	s29 =	simm.s32 $0x2000;
	s30 =	simm.s32 $0x180;
	[sflag:s15] =	ssyncset.done $0x0  }
0x2d: {  	s31 =	sadd.s32 $0x10000, s13;
	s0 =	sadd.s32 $0x0, s12;
	[sflag:s15] =	ssyncadd.s32 $0xFFFFC000  }
.LBB2_2:
0x2e: {  	[tilespmem:s19], [sflag:$0x2] =	stream.strided.gather [hbm4b:s0+s16], $0x4000, s17, s16, $0x38;
	[tilespmem:$0x1DC00] =	vst v63  }
0x2f: {  	s0 =	smov.u32 s29  }
0x30: {  	p0 =	sne.s32 s29, $0x2E000;
	s29 =	sadd.s32 $0x2000, s29;
	_ =	swait.ge [sflag:s20], $0x4000  }
0x31: {  	[sflag:s20] =	ssyncset.done $0x0  }
0x32: {  	s1 =	sadd.s32 $0xFFFFFF80, s30;
	[sflag:s20] =	ssyncadd.s32 $0xFFFFC000  }
0x33: {  	[spmem:s2] =	stream.indirect.scatter.add.f32 [tilespmem:s18], [sflag:$0x3], $0x80, s1, s21, $0xb8;
	[tilespmem:$0x1DC00] =	vst v63  }
0x34: {  	_ =	swait.ge [sflag:s15], $0x4000  }
0x35: {  	s1 =	sshrl.u32 s31, $0x3;
	[sflag:s15] =	ssyncset.done $0x0  }
0x36: {  	s1 =	sadd.s32 s4, s1;
	[sflag:s15] =	ssyncadd.s32 $0xFFFFC000  }
0x37: {  	[tilespmem:s18], [sflag:$0x1] =	stream.strided.gather [hbm4b:s1+s16], $0x4000, s17, s16, $0x38;
	[tilespmem:$0x1DC00] =	vst v63  }
0x38: {  	_ =	swait.ge [sflag:s22], $0x4000  }
0x39: {  	[sflag:s22] =	ssyncset.done $0x0  }
.Ltmp0:
0x3a: {  	[sflag:s22] =	ssyncadd.s32 $0xFFFFC000;
	(pc) =	sbr.rel @p0 .LBB2_2-.Ltmp0, $4  }
0x3b: {  	[spmem:s2] =	stream.indirect.scatter.add.f32 [tilespmem:s19], [sflag:$0x3], $0x80, s30, s21, $0xb8;
	[tilespmem:$0x1DC00] =	vst v63  }
0x3c: {  	_ =	swait.ge [sflag:s15], $0x4000  }
0x3d: {  	s30 =	sadd.s32 $0x100, s30;
	[sflag:s15] =	ssyncset.done $0x0  }
0x3e: {  	s0 =	sadd.s32 s0, s12;
	s31 =	sadd.s32 $0x10000, s31;
	[sflag:s15] =	ssyncadd.s32 $0xFFFFC000  }
0x3f: {  	[tilespmem:s19], [sflag:$0x2] =	stream.strided.gather [hbm4b:s0+s16], $0x4000, s17, s16, $0x38;
	[tilespmem:$0x1DC00] =	vst v63  }
0x40: {  	_ =	swait.ge [sflag:s20], $0x4000  }
0x41: {  	[sflag:s20] =	ssyncset.done $0x0  }
0x42: {  	[sflag:s20] =	ssyncadd.s32 $0xFFFFC000  }
0x43: {  	[spmem:s2] =	stream.indirect.scatter.add.f32 [tilespmem:s18], [sflag:$0x3], $0x80, s23, s21, $0xb8;
	[tilespmem:$0x1DC00] =	vst v63  }
0x44: {  	_ =	swait.ge [sflag:s15], $0x4000  }
0x45: {  	[sflag:s15] =	ssyncset.done $0x0  }
0x46: {  	[sflag:s15] =	ssyncadd.s32 $0xFFFFC000  }
0x47: {  	_ =	swait.ge [sflag:s22], $0x4000  }
0x48: {  	[sflag:s22] =	ssyncset.done $0x0  }
0x49: {  	[sflag:s22] =	ssyncadd.s32 $0xFFFFC000  }
0x4a: {  	[spmem:s2] =	stream.indirect.scatter.add.f32 [tilespmem:s19], [sflag:$0x3], $0x80, s24, s21, $0xb8;
	[tilespmem:$0x1DC00] =	vst v63  }
0x4b: {  	_ =	swait.ge [sflag:s15], $0x4000  }
0x4c: {  	s28 =	sadd.s32 $0x1, s28;
	[sflag:s15] =	ssyncset.done $0x0  }
0x4d: {  	p0 =	sne.s32 s28, s11;
	[sflag:s15] =	ssyncadd.s32 $0xFFFFC000  }
.Ltmp1:
0x4e: {  	[bflag:$0x0] =	sbarrier.arrive $0xFFFF;
	(pc) =	sbr.rel @p0 .LBB2_1-.Ltmp1, $4  }
0x4f: {  	[hbm:s10@s26], [sflag:s6] =	dma.strided [spmem:s14@s21], $0x2800, s25, $0x10   }
0x50: {  	_ =	swait.ge [sflag:s15], $0x2800  }
0x51: {  	[sflag:s15] =	ssyncset.done $0x0  }
0x52: {  	[sflag:s15] =	ssyncadd.s32 $0xFFFFD800  }
0x53: {  	_ =	sfence.sel $0x180000  }
0x54: {  	[bflag:$0x0] =	sbarrier.arrive $0xFFFF  }
0x55: {  	_ =	strace $0x90000050  }
0x56: {  	s0 =	stileid.u32;
	[bflag:$0x2] =	sbarrier.arrive $0xFFFF  }
0x57: {  	p0 =	sne.s32 s0, $0x0;
	s0 =	rddreg [dreg:$0x2]  }
0x58: {  	s0 =	sadd.s32 @!p0 $0x100000, s0  }
0x59: {  	[sflag:s0] =	ssyncadd.tile.s32 @!p0 $0x1;
	_ =	shalt  }
.Lfunc_end2:
_tile_overlayer_lowered:
.L_overlay_start_2:
0x5a: {  	(tag) =	ssettag $0x2  }
0x5b: {  	s0 =	rddreg [dreg:$0x0];
	s2 =	stileid.u32  }
0x5c: {  	s1 =	rddreg [dreg:$0x1];
	p0 =	sne.s32 s2, $0x0  }
0x5d: {  	s3 =	rddreg [dreg:$0x2];
	[bflag:$0x3] =	sbarrier.arrive $0xFFFF;
	s2 =	simm.s32 @!p0 $0x1C03  }
0x5e: {  	[timem:s3], [sflag:s2] =	dma.local @!p0 [hbm:s0], s1  }
0x5f: {  	s0 =	simm.s32 @!p0 $0x3  }
0x60: {  	_ =	swait.ge @!p0 [sflag:s0], s1  }
0x61: {  	s1 =	ssub.s32 @!p0 $0x0, s1;
	[sflag:s0] =	ssyncset.done @!p0 $0x0  }
0x62: {  	[sflag:s0] =	ssyncadd.s32 @!p0 s1  }
0x63: {  	[bflag:$0x3] =	sbarrier.arrive $0xFFFF  }
0x64: {  	_ =	shalt  }

// kernel: kernel.36.cloned.1.call-start
scs
__scs_entry_jumppad:
0x0: {  	(pc) =	sbr.rel $0x88, $3  }
0x1: {  	(tag) =	ssettag $0x0;
	lr =	simm.s32 $0x1  }
0x2: {  	[smem:$0x3F65] =	sst lr;
	_ =	strace $0xD0000000  }
0x3: {  	_ = 	snop  }
0x4: {  	_ = 	snop  }
0x5: {  	_ = 	snop  }
0x6: {  	_ = 	snop  }
0x7: {  	_ = 	snop  }
__scs_overlays_trampoline_lowered:
0x8: {  	[smem:$0x3F74] =	sst s0  }
0x9: {  	[smem:$0x3F75] =	sst s1  }
0xa: {  	[smem:$0x3F76] =	sst s2  }
0xb: {  	[smem:$0x3F77] =	sst s3  }
0xc: {  	[smem:$0x3F78] =	sst s4  }
0xd: {  	[smem:$0x3F79] =	sst s5  }
0xe: {  	[smem:$0x3F7A] =	sst s6  }
0xf: {  	[smem:$0x3F7B] =	sst s7  }
0x10: {  	[smem:$0x3F7C] =	sst s8  }
0x11: {  	[smem:$0x3F7D] =	sst s9;
	s0 =	simm.s32 @!p0 $0x0  }
0x12: {  	s1 =	sld [smem:$0x3F63];
	s0 =	simm.s32 @p0 $0x1  }
0x13: {  	[smem:$0x3F7E] =	sst s0;
	s0 =	simm.s32 @!p1 $0x0  }
0x14: {  	s2 =	sld [smem:$0x3F62];
	s0 =	simm.s32 @p1 $0x1  }
0x15: {  	[smem:$0x3F7F] =	sst s0;
	s0 =	simm.s32 @!p2 $0x0  }
0x16: {  	s3 =	sld [smem:$0x3FDB];
	s0 =	simm.s32 @p2 $0x1  }
0x17: {  	s4 =	simm.s32 $0x1BF5;
	[smem:$0x3F81] =	sst s0  }
0x18: {  	s0 =	sld [smem:$0x3F64];
	_ =	swait.ge [sflag:s4], $0x0  }
0x19: {  	s7 =	sld [smem:$0x3F65]  }
0x1a: {  	s8 =	sadd.s32 $0xFFFFE003, lr  }
0x1b: {  	s9 =	sadd.s32 $0xFFFFFEF7, lr;
	s5 =	simm.s32 $0xFFFFFFFF;
	p2 =	slt.u32 s8, $0xFFFFF086  }
0x1c: {  	p1 =	slt.u32 s9, $0xF7A;
	s5 =	simm.s32 @!p2 $0x0  }
0x1d: {  	s5 =	simm.s32 @p1 $0x1;
	p0 =	seq.s32 s7, s2  }
0x1e: {  	s7 =	smul.u32 @!p0 $0xF7A, s2;
	p2 =	seq.s32 @!p0 s5, $0x0  }
0x1f: {  	s9 =	smul.u32 $0xF7A, s1;
	s8 =	simm.s32 @!p0 $0x1BF5;
	p2 =	por !p2, p0  }
0x20: {  	[sflag:s8] =	ssyncset.s32 @!p0 $0xFFFFF086;
	s6 =	sadd.s32 @!p0 s3, s7;
	s7 =	simm.s32 @!p0 $0x108  }
0x21: {  	s3 =	sadd.s32 s3, s9;
	s6 =	sadd.s32 @!p0 $0x88, s6;
	s7 =	simm.s32 @p2 $0x1082  }
0x22: {  	[simem:s7], [sflag:s8] =	dma.local @!p0 [hbm:s6], $0xF7A  }
0x23: {  	s9 =	sor.u32 $0xD0000000, s2;
	s6 =	simm.s32 $0x108;
	_ =	swait.ge @!p0 [sflag:s8], $0x0  }
0x24: {  	s3 =	sadd.s32 $0x88, s3;
	s6 =	simm.s32 @!p1 $0x1082;
	[sflag:s4] =	ssyncset.s32 $0xFFFFF086  }
0x25: {  	[simem:s6], [sflag:s4] =	dma.local [hbm:s3], $0xF7A  }
0x26: {  	[smem:$0x3F65] =	sst s1;
	(tag) =	ssettag s2;
	_ =	strace s9  }
0x27: {  	s1 =	sld [smem:$0x3F75]  }
0x28: {  	s2 =	sld [smem:$0x3F76]  }
0x29: {  	s4 =	sld [smem:$0x3F78]  }
0x2a: {  	p0 =	seq.s32 s5, $0x0;
	s5 =	sld [smem:$0x3F79]  }
0x2b: {  	s6 =	sld [smem:$0x3F7A]  }
0x2c: {  	s7 =	sld [smem:$0x3F7B]  }
0x2d: {  	s3 =	simm.s32 $0x108;
	s8 =	sld [smem:$0x3F7C]  }
0x2e: {  	s3 =	simm.s32 @!p0 $0x1082;
	s9 =	sld [smem:$0x3F7D]  }
0x2f: {  	lr =	sadd.s32 s0, s3;
	s0 =	sld [smem:$0x3F74]  }
0x30: {  	s3 =	sld [smem:$0x3F77]  }
0x31: {  	[smem:$0x3F80] =	sst s10  }
0x32: {  	s10 =	sld [smem:$0x3F7E];
	_ =	sdelay $0x3  }
0x33: {  	p0 =	seq.s32 s10, $0x1;
	s10 =	sld [smem:$0x3F80];
	_ =	sdelay $0x3  }
0x34: {  	[smem:$0x3F80] =	sst s10  }
0x35: {  	s10 =	sld [smem:$0x3F7F];
	_ =	sdelay $0x3  }
0x36: {  	p1 =	seq.s32 s10, $0x1;
	s10 =	sld [smem:$0x3F80];
	_ =	sdelay $0x3  }
0x37: {  	[smem:$0x3F80] =	sst s10  }
0x38: {  	s10 =	sld [smem:$0x3F81]  }
0x39: {  	_ = 	snop;
	(pc) =	sbr.ind lr, $3  }
0x3a: {  	_ = 	snop  }
0x3b: {  	_ = 	snop  }
0x3c: {  	p2 =	seq.s32 s10, $0x1;
	s10 =	sld [smem:$0x3F80]  }
0x3d: {  	_ =	shalt  }
0x3e: {  	_ =	shalt  }
0x3f: {  	_ =	shalt  }
0x40: {  	_ =	shalt  }
0x41: {  	_ =	shalt  }
0x42: {  	_ =	shalt  }
0x43: {  	_ =	shalt  }
0x44: {  	_ =	shalt  }
0x45: {  	_ =	shalt  }
0x46: {  	_ =	shalt  }
0x47: {  	_ =	shalt  }
0x48: {  	_ =	shalt  }
0x49: {  	_ =	shalt  }
0x4a: {  	_ =	shalt  }
0x4b: {  	_ =	shalt  }
0x4c: {  	_ =	shalt  }
0x4d: {  	_ =	shalt  }
0x4e: {  	_ =	shalt  }
0x4f: {  	_ =	shalt  }
0x50: {  	_ =	shalt  }
0x51: {  	_ =	shalt  }
0x52: {  	_ =	shalt  }
0x53: {  	_ =	shalt  }
0x54: {  	_ =	shalt  }
0x55: {  	_ =	shalt  }
0x56: {  	_ =	shalt  }
0x57: {  	_ =	shalt  }
0x58: {  	_ =	shalt  }
0x59: {  	_ =	shalt  }
0x5a: {  	_ =	shalt  }
0x5b: {  	_ =	shalt  }
0x5c: {  	_ =	shalt  }
0x5d: {  	_ =	shalt  }
0x5e: {  	_ =	shalt  }
0x5f: {  	_ =	shalt  }
0x60: {  	_ =	shalt  }
0x61: {  	_ =	shalt  }
0x62: {  	_ =	shalt  }
0x63: {  	_ =	shalt  }
0x64: {  	_ =	shalt  }
0x65: {  	_ =	shalt  }
0x66: {  	_ =	shalt  }
0x67: {  	_ =	shalt  }
0x68: {  	_ =	shalt  }
0x69: {  	_ =	shalt  }
0x6a: {  	_ =	shalt  }
0x6b: {  	_ =	shalt  }
0x6c: {  	_ =	shalt  }
0x6d: {  	_ =	shalt  }
0x6e: {  	_ =	shalt  }
0x6f: {  	_ =	shalt  }
0x70: {  	_ =	shalt  }
0x71: {  	_ =	shalt  }
0x72: {  	_ =	shalt  }
0x73: {  	_ =	shalt  }
0x74: {  	_ =	shalt  }
0x75: {  	_ =	shalt  }
0x76: {  	_ =	shalt  }
0x77: {  	_ =	shalt  }
0x78: {  	_ =	shalt  }
0x79: {  	_ =	shalt  }
0x7a: {  	_ =	shalt  }
0x7b: {  	_ =	shalt  }
0x7c: {  	_ =	shalt  }
0x7d: {  	_ =	shalt  }
0x7e: {  	_ =	shalt  }
0x7f: {  	_ =	shalt  }
0x80: {  	_ =	shalt  }
0x81: {  	_ =	shalt  }
0x82: {  	_ =	shalt  }
0x83: {  	_ =	shalt  }
0x84: {  	_ =	shalt  }
0x85: {  	_ =	shalt  }
0x86: {  	_ =	shalt  }
0x87: {  	_ =	shalt  }
.Lfunc_end0:
.L_simem_size_0:
called_computation.4_lowered:
.L_overlay_start_0:
0x88: {  	s2 =	sld [smem:$0x3FD9]  }
0x89: {  	s3 =	sld [smem:$0x3FFE];
	_ =	sdelay $0x1  }
0x8a: {  	s1 =	srdreg.scid  }
0x8b: {  	s0 =	sand.u32 $0x1, s1  }
0x8c: {  	s17 =	sshll.u32 s0, $0xA;
	s2 =	sadd.s32 s3, s2  }
0x8d: {  	s2 =	sadd.s32 s2, s17  }
0x8e: {  	[smem:$0x3F8C] =	sst s2  }
0x8f: {  	_ = 	snop  }
0x90: {  	s2 =	sld [smem:$0x3FD0];
	(tm) =	ssettm $0x1  }
0x91: {  	s18 =	sld [smem:$0x3FFB];
	_ =	sdelay $0x3  }
0x92: {  	_ =	strace s18  }
0x93: {  	s3 =	sld [smem:$0x3FFC];
	_ =	sdelay $0x3  }
0x94: {  	_ =	strace s3  }
0x95: {  	s3 =	sld [smem:$0x3FFD];
	_ =	sdelay $0x3  }
0x96: {  	_ =	strace s3  }
0x97: {  	_ =	strace $0x8FFFFFFF  }
0x98: {  	s19 =	sld [smem:$0x3FDB];
	_ =	sdelay $0x1  }
0x99: {  	s4 =	simm.s32 $_scs_section_size  }
0x9a: {  	s5 =	simm.s32 $_size__tile_overlayer_lowered;
	s6 =	simm.s32 $_tile_overlayer_lowered  }
0x9b: {  	s22 =	simm.s32 $0x1BFF;
	s21 =	sshll.u32 s6, $0x1;
	s3 =	sadd.s32 s4, s19  }
0x9c: {  	s7 =	simm.s32 $0x0;
	s20 =	sshll.u32 s5, $0x1;
	s5 =	sadd.s32 s21, s3  }
0x9d: {  	[timem:s7], [sflag:s22] =	dma.local [hbm:s5], s20  }
0x9e: {  	_ =	swait.ge [sflag:s22], s20  }
0x9f: {  	s4 =	ssub.s32 $0x0, s20;
	[sflag:s22] =	ssyncset.done $0x0  }
0xa0: {  	[sflag:s22] =	ssyncadd.s32 s4;
	_ =	sdelay $0x1  }
0xa1: {  	s23 =	simm.s32 $0x1B8B  }
0xa2: {  	_ =	swait.ge [sflag:s23], $0x1  }
0xa3: {  	[sflag:s23] =	ssyncset.done $0x0  }
0xa4: {  	s25 =	simm.s32 $0x1B8E;
	s24 =	sld [smem:$0x3FFE];
	[sflag:s23] =	ssyncadd.s32 $0xFFFFFFFF  }
0xa5: {  	s26 =	simm.s32 $execute0_lowered;
	[smem:$0x3FD2] =	sst s25  }
0xa6: {  	s5 =	sshll.u32 s26, $0x1;
	_ =	strace $0x80000052;
	[dreg:$0x1] =	wrdreg $0xFFFFFFFF  }
0xa7: {  	s28 =	simm.s32 $_size_execute0_lowered;
	s3 =	sadd.s32 s3, s5;
	[dreg:$0x0] =	wrdreg $0x0  }
0xa8: {  	s5 =	sshll.u32 s28, $0x1;
	[dreg:$0x2] =	wrdreg s3  }
0xa9: {  	[dreg:$0x3] =	wrdreg s5  }
0xaa: {  	[dreg:$0x4] =	wrdreg $0xC0  }
0xab: {  	_ =	task [dreg:s7], $0x5FFFF  }
0xac: {  	[dreg:$0x1] =	wrdreg $0xFFFFFFFF  }
0xad: {  	[dreg:$0x0] =	wrdreg $0x60  }
0xae: {  	[dreg:$0x2] =	wrdreg s24  }
0xaf: {  	[dreg:$0x3] =	wrdreg s2  }
0xb0: {  	[dreg:$0x4] =	wrdreg $0x9  }
0xb1: {  	_ =	task.clear_ibuf [dreg:s7], $0x5FFFF;
	_ =	strace $0x90000052  }
0xb2: {  	s29 =	simm.s32 $0x9;
	_ =	strace $0x80000054  }
0xb3: {  	_ =	swait.ge [sflag:s29], $0x1  }
0xb4: {  	[sflag:s29] =	ssyncadd.s32 $0xFFFFFFFF  }
0xb5: {  	_ =	strace $0x90000054  }
0xb6: {  	_ =	sfence  }
0xb7: {  	s30 =	sld [smem:$0x0];
	_ =	sdelay $0x2  }
0xb8: {  	s31 =	sshll.u32 s1, $0xD;
	s1 =	sshrl.u32 s1, $0x2  }
0xb9: {  	s3 =	sand.u32 $0x4000, s31;
	s1 =	sadd.s32 s1, s30  }
0xba: {  	s0 =	sor.u32 s3, s0;
	s1 =	sshll.u32 s1, $0x11  }
0xbb: {  	s0 =	sor.u32 s1, s0  }
0xbc: {  	s0 =	sadd.s32 $0x8F2B, s0  }
0xbd: {  	[sflag:s0] =	ssyncadd.remote.s32 $0x1  }
0xbe: {  	_ =	sfence.sel $0xFFFF  }
0xbf: {  	[dreg:$0x0] =	wrdreg $0xFFFFFFFF;
	(pc) =	sbr.abs _section_cstart, $3  }
0xc0: {  	[dreg:$0x1] =	wrdreg $0xFFFFFFFF  }
0xc1: {  	_ =	task.clear_ibuf [dreg:s7], $0x2FFFF;
	_ =	strace $0x9FFFFFFF  }
0xc2: {  	(tm) =	ssettm $0x7FFFFFFF  }
0xc3: {  	_ =	shalt  }
tec
execute0_lowered:
.L_overlay_start_1:
0x0: {  	(tag) =	ssettag $0x1  }
0x1: {  	s4 =	rddreg [dreg:$0x0]  }
0x2: {  	s6 =	rddreg [dreg:$0x1];
	s2 =	srdreg.scid  }
0x3: {  	s0 =	rddreg [dreg:$0x2];
	s10 =	sand.u32 $0x1, s2  }
0x4: {  	s2 =	stileid.u32;
	s5 =	smul.u32 $0xFFFFFFEC, s10  }
0x5: {  	s1 =	simm.s32 $0x0;
	s17 =	simm.s32 $0x3400;
	s7 =	smul.u32 $0x680, s2  }
0x6: {  	s18 =	simm.s32 $0x7400;
	s19 =	simm.s32 $0x1;
	s9 =	smul.u32 $0x46, s10  }
0x7: {  	s20 =	simm.s32 $0x2;
	s21 =	simm.s32 $0x0;
	s12 =	smul.u32 $0x8C00, s10  }
0x8: {  	[smem:$0x7FF] =	sst s1;
	s3 =	sadd.s32 $0xD400, s4;
	s14 =	smul.u32 $0x190000, s2  }
0x9: {  	s4 =	sadd.s32 $0x5B600, s4;
	_ =	strace $0x80000053;
	s29 =	smul.u32 $0x32000, s2  }
0xa: {  	s8 =	ssub.s32 $0x2, s10;
	s16 =	smul.u32 $0x23000, s10;
	s5 =	sadd.s32 $0x22, s5  }
0xb: {  	s31 =	smul.u32 $0x118000, s10;
	s11 =	sshrl.u32 s8, $0x1;
	s13 =	sshll.u32 s5, $0x1  }
0xc: {  	s6 =	sadd.s32 s6, s7;
	s7 =	sshrl.u32 s12, $0x2;
	s9 =	sadd.s32 s9, s13  }
0xd: {  	s11 =	ssub.s32 s8, s11;
	s8 =	sor.u32 $0x80, s7;
	s28 =	sshll.u32 s9, $0xE  }
0xe: {  	s11 =	smax.u32 s11, $0x1;
	s15 =	sshll.u32 s9, $0xB;
	s12 =	sadd.s32 s14, s28  }
0xf: {  	s13 =	sadd.s32 s29, s4;
	s30 =	sadd.s32 s29, s15;
	s12 =	sshrl.u32 s12, $0x3  }
0x10: {  	s13 =	sadd.s32 s16, s13;
	s9 =	sadd.s32 s4, s12;
	s12 =	sadd.s32 s30, s4  }
0x11: {  	s16 =	simm.s32 $0x80;
	s15 =	simm.s32 $0x3;
	s10 =	sadd.s32 $0x800, s12  }
0x12: {  	s12 =	sadd.s32 $0x800, s13;
	s13 =	sadd.s32 s31, s14;
	s14 =	sadd.s32 $0x180, s7  }
.LBB2_1:
0x13: {  	[tilespmem:s1], [sflag:$0x3] =	stream.linear.gather [hbm4b:s6+s1], $0x3200, $0x38;
	[tilespmem:$0xB400] =	vst v63  }
0x14: {  	_ =	swait.ge [sflag:s15], $0x3200  }
0x15: {  	[sflag:s15] =	ssyncset.done $0x0  }
0x16: {  	[sflag:s15] =	ssyncadd.s32 $0xFFFFCE00  }
0x17: {  	[tilespmem:s17], [sflag:$0x1] =	stream.indirect.gather [hbm4b:s3+s16], $0x80, s7, s16, $0xb8;
	[tilespmem:$0xB400] =	vst v63  }
0x18: {  	_ = 	snop  }
0x19: {  	[tilespmem:s18], [sflag:$0x2] =	stream.indirect.gather [hbm4b:s3+s16], $0x80, s8, s16, $0xb8;
	[tilespmem:$0xB400] =	vst v63  }
0x1a: {  	_ =	swait.ge [sflag:s19], $0x4000  }
0x1b: {  	s22 =	sshrl.u32 s13, $0x3;
	[sflag:s19] =	ssyncset.done $0x0  }
0x1c: {  	s22 =	sadd.s32 s4, s22;
	[sflag:s19] =	ssyncadd.s32 $0xFFFFC000  }
0x1d: {  	[hbm4b:s22+s1] =	stream.linear.scatter [tilespmem:s17], [sflag:$0x3], $0x4000, $0x38;
	[tilespmem:$0xB400] =	vst v63  }
0x1e: {  	_ =	swait.ge [sflag:s15], $0x4000  }
0x1f: {  	[sflag:s15] =	ssyncset.done $0x0  }
0x20: {  	s31 =	sadd.s32 $0xFFFFFF80, s14;
	[sflag:s15] =	ssyncadd.s32 $0xFFFFC000  }
0x21: {  	[tilespmem:s17], [sflag:$0x1] =	stream.indirect.gather [hbm4b:s3+s16], $0x80, s31, s16, $0xb8;
	[tilespmem:$0xB400] =	vst v63  }
0x22: {  	_ =	swait.ge [sflag:s20], $0x4000  }
0x23: {  	p0 =	sne.s32 s5, $0x1;
	[sflag:s20] =	ssyncset.done $0x0  }
.Ltmp0:
0x24: {  	[sflag:s20] =	ssyncadd.s32 $0xFFFFC000;
	(pc) =	sbr.rel @!p0 .LBB2_3-.Ltmp0, $4  }
0x25: {  	[hbm4b:s12+s1] =	stream.linear.scatter [tilespmem:s18], [sflag:$0x3], $0x4000, $0x38;
	[tilespmem:$0xB400] =	vst v63  }
0x26: {  	s23 =	sadd.s32 $0x100, s14;
	_ =	swait.ge [sflag:s15], $0x4000  }
0x27: {  	s24 =	sadd.s32 $0x1000, s12;
	s25 =	sadd.s32 $0x8000, s13;
	[sflag:s15] =	ssyncset.done $0x0  }
0x28: {  	s26 =	smov.u32 s14;
	s22 =	sadd.s32 $0xFFFFFFFF, s5;
	[sflag:s15] =	ssyncadd.s32 $0xFFFFC000  }
.LBB2_2:
0x29: {  	[tilespmem:s18], [sflag:$0x2] =	stream.indirect.gather [hbm4b:s3+s16], $0x80, s26, s16, $0xb8;
	[tilespmem:$0xB400] =	vst v63  }
0x2a: {  	p0 =	sne.s32 s22, $0x1;
	s22 =	sadd.s32 $0xFFFFFFFF, s22;
	_ =	swait.ge [sflag:s19], $0x4000  }
0x2b: {  	s28 =	sshrl.u32 s25, $0x3;
	s26 =	smov.u32 s23;
	[sflag:s19] =	ssyncset.done $0x0  }
0x2c: {  	s28 =	sadd.s32 s4, s28;
	[sflag:s19] =	ssyncadd.s32 $0xFFFFC000  }
0x2d: {  	[hbm4b:s28+s1] =	stream.linear.scatter [tilespmem:s17], [sflag:$0x3], $0x4000, $0x38;
	[tilespmem:$0xB400] =	vst v63  }
0x2e: {  	_ =	swait.ge [sflag:s15], $0x4000  }
0x2f: {  	[sflag:s15] =	ssyncset.done $0x0  }
0x30: {  	s28 =	sadd.s32 $0xFFFFFF80, s23;
	[sflag:s15] =	ssyncadd.s32 $0xFFFFC000  }
0x31: {  	[tilespmem:s17], [sflag:$0x1] =	stream.indirect.gather [hbm4b:s3+s16], $0x80, s28, s16, $0xb8;
	[tilespmem:$0xB400] =	vst v63  }
0x32: {  	_ =	swait.ge [sflag:s20], $0x4000  }
0x33: {  	[sflag:s20] =	ssyncset.done $0x0  }
.Ltmp1:
0x34: {  	[sflag:s20] =	ssyncadd.s32 $0xFFFFC000;
	(pc) =	sbr.rel @p0 .LBB2_2-.Ltmp1, $4  }
0x35: {  	[hbm4b:s24+s1] =	stream.linear.scatter [tilespmem:s18], [sflag:$0x3], $0x4000, $0x38;
	[tilespmem:$0xB400] =	vst v63  }
0x36: {  	_ =	swait.ge [sflag:s15], $0x4000  }
0x37: {  	s23 =	sadd.s32 $0x100, s23;
	[sflag:s15] =	ssyncset.done $0x0  }
0x38: {  	s25 =	sadd.s32 $0x8000, s25;
	s24 =	sadd.s32 $0x1000, s24;
	[sflag:s15] =	ssyncadd.s32 $0xFFFFC000  }
.LBB2_3:
0x39: {  	[tilespmem:s18], [sflag:$0x2] =	stream.indirect.gather [hbm4b:s3+s16], $0x80, s26, s16, $0xb8;
	[tilespmem:$0xB400] =	vst v63  }
0x3a: {  	_ =	swait.ge [sflag:s19], $0x4000  }
0x3b: {  	[sflag:s19] =	ssyncset.done $0x0  }
0x3c: {  	[sflag:s19] =	ssyncadd.s32 $0xFFFFC000  }
0x3d: {  	[hbm4b:s9+s1] =	stream.linear.scatter [tilespmem:s17], [sflag:$0x3], $0x4000, $0x38;
	[tilespmem:$0xB400] =	vst v63  }
0x3e: {  	_ =	swait.ge [sflag:s15], $0x4000  }
0x3f: {  	[sflag:s15] =	ssyncset.done $0x0  }
0x40: {  	[sflag:s15] =	ssyncadd.s32 $0xFFFFC000  }
0x41: {  	s21 =	sadd.s32 $0x1, s21;
	_ =	swait.ge [sflag:s20], $0x4000  }
0x42: {  	p0 =	sne.s32 s21, s11;
	[sflag:s20] =	ssyncset.done $0x0  }
.Ltmp2:
0x43: {  	[sflag:s20] =	ssyncadd.s32 $0xFFFFC000;
	(pc) =	sbr.rel @p0 .LBB2_1-.Ltmp2, $4  }
0x44: {  	[hbm4b:s10+s1] =	stream.linear.scatter [tilespmem:s18], [sflag:$0x3], $0x4000, $0x38;
	[tilespmem:$0xB400] =	vst v63  }
0x45: {  	_ =	swait.ge [sflag:s15], $0x4000  }
0x46: {  	[sflag:s15] =	ssyncset.done $0x0  }
0x47: {  	[sflag:s15] =	ssyncadd.s32 $0xFFFFC000  }
0x48: {  	_ =	sfence.sel $0x180000  }
0x49: {  	[bflag:$0x0] =	sbarrier.arrive $0xFFFF  }
0x4a: {  	p0 =	sne.s32 s2, $0x0;
	_ =	strace $0x90000053  }
0x4b: {  	s0 =	sadd.s32 @!p0 $0x100000, s0;
	[bflag:$0x2] =	sbarrier.arrive $0xFFFF  }
0x4c: {  	[sflag:s0] =	ssyncadd.tile.s32 @!p0 $0x1;
	_ =	shalt  }
.Lfunc_end2:
_tile_overlayer_lowered:
.L_overlay_start_2:
0x4d: {  	(tag) =	ssettag $0x2  }
0x4e: {  	s0 =	rddreg [dreg:$0x0];
	s2 =	stileid.u32  }
0x4f: {  	s1 =	rddreg [dreg:$0x1];
	p0 =	sne.s32 s2, $0x0  }
0x50: {  	s3 =	rddreg [dreg:$0x2];
	[bflag:$0x3] =	sbarrier.arrive $0xFFFF;
	s2 =	simm.s32 @!p0 $0x1C03  }
0x51: {  	[timem:s3], [sflag:s2] =	dma.local @!p0 [hbm:s0], s1  }
0x52: {  	s0 =	simm.s32 @!p0 $0x3  }
0x53: {  	_ =	swait.ge @!p0 [sflag:s0], s1  }
0x54: {  	s1 =	ssub.s32 @!p0 $0x0, s1;
	[sflag:s0] =	ssyncset.done @!p0 $0x0  }
0x55: {  	[sflag:s0] =	ssyncadd.s32 @!p0 s1  }
0x56: {  	[bflag:$0x3] =	sbarrier.arrive $0xFFFF  }
0x57: {  	_ =	shalt  }

// kernel: kernel.39.cloned.1.call-start
scs
__scs_entry_jumppad:
0x0: {  	(pc) =	sbr.rel $0x88, $3  }
0x1: {  	(tag) =	ssettag $0x0;
	lr =	simm.s32 $0x1  }
0x2: {  	[smem:$0x3F65] =	sst lr;
	_ =	strace $0xD0000000  }
0x3: {  	_ = 	snop  }
0x4: {  	_ = 	snop  }
0x5: {  	_ = 	snop  }
0x6: {  	_ = 	snop  }
0x7: {  	_ = 	snop  }
__scs_overlays_trampoline_lowered:
0x8: {  	[smem:$0x3F74] =	sst s0  }
0x9: {  	[smem:$0x3F75] =	sst s1  }
0xa: {  	[smem:$0x3F76] =	sst s2  }
0xb: {  	[smem:$0x3F77] =	sst s3  }
0xc: {  	[smem:$0x3F78] =	sst s4  }
0xd: {  	[smem:$0x3F79] =	sst s5  }
0xe: {  	[smem:$0x3F7A] =	sst s6  }
0xf: {  	[smem:$0x3F7B] =	sst s7  }
0x10: {  	[smem:$0x3F7C] =	sst s8  }
0x11: {  	[smem:$0x3F7D] =	sst s9;
	s0 =	simm.s32 @!p0 $0x0  }
0x12: {  	s1 =	sld [smem:$0x3F63];
	s0 =	simm.s32 @p0 $0x1  }
0x13: {  	[smem:$0x3F7E] =	sst s0;
	s0 =	simm.s32 @!p1 $0x0  }
0x14: {  	s2 =	sld [smem:$0x3F62];
	s0 =	simm.s32 @p1 $0x1  }
0x15: {  	[smem:$0x3F7F] =	sst s0;
	s0 =	simm.s32 @!p2 $0x0  }
0x16: {  	s3 =	sld [smem:$0x3FDB];
	s0 =	simm.s32 @p2 $0x1  }
0x17: {  	s4 =	simm.s32 $0x1BF5;
	[smem:$0x3F81] =	sst s0  }
0x18: {  	s0 =	sld [smem:$0x3F64];
	_ =	swait.ge [sflag:s4], $0x0  }
0x19: {  	s7 =	sld [smem:$0x3F65]  }
0x1a: {  	s8 =	sadd.s32 $0xFFFFE003, lr  }
0x1b: {  	s9 =	sadd.s32 $0xFFFFFEF7, lr;
	s5 =	simm.s32 $0xFFFFFFFF;
	p2 =	slt.u32 s8, $0xFFFFF086  }
0x1c: {  	p1 =	slt.u32 s9, $0xF7A;
	s5 =	simm.s32 @!p2 $0x0  }
0x1d: {  	s5 =	simm.s32 @p1 $0x1;
	p0 =	seq.s32 s7, s2  }
0x1e: {  	s7 =	smul.u32 @!p0 $0xF7A, s2;
	p2 =	seq.s32 @!p0 s5, $0x0  }
0x1f: {  	s9 =	smul.u32 $0xF7A, s1;
	s8 =	simm.s32 @!p0 $0x1BF5;
	p2 =	por !p2, p0  }
0x20: {  	[sflag:s8] =	ssyncset.s32 @!p0 $0xFFFFF086;
	s6 =	sadd.s32 @!p0 s3, s7;
	s7 =	simm.s32 @!p0 $0x108  }
0x21: {  	s3 =	sadd.s32 s3, s9;
	s6 =	sadd.s32 @!p0 $0x88, s6;
	s7 =	simm.s32 @p2 $0x1082  }
0x22: {  	[simem:s7], [sflag:s8] =	dma.local @!p0 [hbm:s6], $0xF7A  }
0x23: {  	s9 =	sor.u32 $0xD0000000, s2;
	s6 =	simm.s32 $0x108;
	_ =	swait.ge @!p0 [sflag:s8], $0x0  }
0x24: {  	s3 =	sadd.s32 $0x88, s3;
	s6 =	simm.s32 @!p1 $0x1082;
	[sflag:s4] =	ssyncset.s32 $0xFFFFF086  }
0x25: {  	[simem:s6], [sflag:s4] =	dma.local [hbm:s3], $0xF7A  }
0x26: {  	[smem:$0x3F65] =	sst s1;
	(tag) =	ssettag s2;
	_ =	strace s9  }
0x27: {  	s1 =	sld [smem:$0x3F75]  }
0x28: {  	s2 =	sld [smem:$0x3F76]  }
0x29: {  	s4 =	sld [smem:$0x3F78]  }
0x2a: {  	p0 =	seq.s32 s5, $0x0;
	s5 =	sld [smem:$0x3F79]  }
0x2b: {  	s6 =	sld [smem:$0x3F7A]  }
0x2c: {  	s7 =	sld [smem:$0x3F7B]  }
0x2d: {  	s3 =	simm.s32 $0x108;
	s8 =	sld [smem:$0x3F7C]  }
0x2e: {  	s3 =	simm.s32 @!p0 $0x1082;
	s9 =	sld [smem:$0x3F7D]  }
0x2f: {  	lr =	sadd.s32 s0, s3;
	s0 =	sld [smem:$0x3F74]  }
0x30: {  	s3 =	sld [smem:$0x3F77]  }
0x31: {  	[smem:$0x3F80] =	sst s10  }
0x32: {  	s10 =	sld [smem:$0x3F7E];
	_ =	sdelay $0x3  }
0x33: {  	p0 =	seq.s32 s10, $0x1;
	s10 =	sld [smem:$0x3F80];
	_ =	sdelay $0x3  }
0x34: {  	[smem:$0x3F80] =	sst s10  }
0x35: {  	s10 =	sld [smem:$0x3F7F];
	_ =	sdelay $0x3  }
0x36: {  	p1 =	seq.s32 s10, $0x1;
	s10 =	sld [smem:$0x3F80];
	_ =	sdelay $0x3  }
0x37: {  	[smem:$0x3F80] =	sst s10  }
0x38: {  	s10 =	sld [smem:$0x3F81]  }
0x39: {  	_ = 	snop;
	(pc) =	sbr.ind lr, $3  }
0x3a: {  	_ = 	snop  }
0x3b: {  	_ = 	snop  }
0x3c: {  	p2 =	seq.s32 s10, $0x1;
	s10 =	sld [smem:$0x3F80]  }
0x3d: {  	_ =	shalt  }
0x3e: {  	_ =	shalt  }
0x3f: {  	_ =	shalt  }
0x40: {  	_ =	shalt  }
0x41: {  	_ =	shalt  }
0x42: {  	_ =	shalt  }
0x43: {  	_ =	shalt  }
0x44: {  	_ =	shalt  }
0x45: {  	_ =	shalt  }
0x46: {  	_ =	shalt  }
0x47: {  	_ =	shalt  }
0x48: {  	_ =	shalt  }
0x49: {  	_ =	shalt  }
0x4a: {  	_ =	shalt  }
0x4b: {  	_ =	shalt  }
0x4c: {  	_ =	shalt  }
0x4d: {  	_ =	shalt  }
0x4e: {  	_ =	shalt  }
0x4f: {  	_ =	shalt  }
0x50: {  	_ =	shalt  }
0x51: {  	_ =	shalt  }
0x52: {  	_ =	shalt  }
0x53: {  	_ =	shalt  }
0x54: {  	_ =	shalt  }
0x55: {  	_ =	shalt  }
0x56: {  	_ =	shalt  }
0x57: {  	_ =	shalt  }
0x58: {  	_ =	shalt  }
0x59: {  	_ =	shalt  }
0x5a: {  	_ =	shalt  }
0x5b: {  	_ =	shalt  }
0x5c: {  	_ =	shalt  }
0x5d: {  	_ =	shalt  }
0x5e: {  	_ =	shalt  }
0x5f: {  	_ =	shalt  }
0x60: {  	_ =	shalt  }
0x61: {  	_ =	shalt  }
0x62: {  	_ =	shalt  }
0x63: {  	_ =	shalt  }
0x64: {  	_ =	shalt  }
0x65: {  	_ =	shalt  }
0x66: {  	_ =	shalt  }
0x67: {  	_ =	shalt  }
0x68: {  	_ =	shalt  }
0x69: {  	_ =	shalt  }
0x6a: {  	_ =	shalt  }
0x6b: {  	_ =	shalt  }
0x6c: {  	_ =	shalt  }
0x6d: {  	_ =	shalt  }
0x6e: {  	_ =	shalt  }
0x6f: {  	_ =	shalt  }
0x70: {  	_ =	shalt  }
0x71: {  	_ =	shalt  }
0x72: {  	_ =	shalt  }
0x73: {  	_ =	shalt  }
0x74: {  	_ =	shalt  }
0x75: {  	_ =	shalt  }
0x76: {  	_ =	shalt  }
0x77: {  	_ =	shalt  }
0x78: {  	_ =	shalt  }
0x79: {  	_ =	shalt  }
0x7a: {  	_ =	shalt  }
0x7b: {  	_ =	shalt  }
0x7c: {  	_ =	shalt  }
0x7d: {  	_ =	shalt  }
0x7e: {  	_ =	shalt  }
0x7f: {  	_ =	shalt  }
0x80: {  	_ =	shalt  }
0x81: {  	_ =	shalt  }
0x82: {  	_ =	shalt  }
0x83: {  	_ =	shalt  }
0x84: {  	_ =	shalt  }
0x85: {  	_ =	shalt  }
0x86: {  	_ =	shalt  }
0x87: {  	_ =	shalt  }
.Lfunc_end0:
.L_simem_size_0:
called_computation.5_lowered:
.L_overlay_start_0:
0x88: {  	s2 =	sld [smem:$0x3FD9]  }
0x89: {  	s3 =	sld [smem:$0x3FFE];
	_ =	sdelay $0x1  }
0x8a: {  	s1 =	srdreg.scid  }
0x8b: {  	s0 =	sand.u32 $0x1, s1  }
0x8c: {  	s16 =	sshll.u32 s0, $0xA;
	s2 =	sadd.s32 s3, s2  }
0x8d: {  	s2 =	sadd.s32 s2, s16  }
0x8e: {  	[smem:$0x3F8C] =	sst s2  }
0x8f: {  	_ = 	snop  }
0x90: {  	(tm) =	ssettm $0x1  }
0x91: {  	s17 =	sld [smem:$0x3FFB];
	_ =	sdelay $0x3  }
0x92: {  	_ =	strace s17  }
0x93: {  	s2 =	sld [smem:$0x3FFC];
	_ =	sdelay $0x3  }
0x94: {  	_ =	strace s2  }
0x95: {  	s2 =	sld [smem:$0x3FFD];
	_ =	sdelay $0x3  }
0x96: {  	_ =	strace s2  }
0x97: {  	_ =	strace $0x8FFFFFFF  }
0x98: {  	s18 =	sld [smem:$0x3FDB];
	_ =	sdelay $0x1  }
0x99: {  	s19 =	simm.s32 $_scs_section_size  }
0x9a: {  	s4 =	simm.s32 $_size__tile_overlayer_lowered;
	s5 =	simm.s32 $_tile_overlayer_lowered  }
0x9b: {  	s22 =	simm.s32 $0x1BFF;
	s21 =	sshll.u32 s5, $0x1;
	s2 =	sadd.s32 s19, s18  }
0x9c: {  	s6 =	simm.s32 $0x0;
	s20 =	sshll.u32 s4, $0x1;
	s4 =	sadd.s32 s21, s2  }
0x9d: {  	[timem:s6], [sflag:s22] =	dma.local [hbm:s4], s20  }
0x9e: {  	_ =	swait.ge [sflag:s22], s20  }
0x9f: {  	s3 =	ssub.s32 $0x0, s20;
	[sflag:s22] =	ssyncset.done $0x0  }
0xa0: {  	[sflag:s22] =	ssyncadd.s32 s3;
	_ =	sdelay $0x1  }
0xa1: {  	s23 =	simm.s32 $0x1B8B  }
0xa2: {  	_ =	swait.ge [sflag:s23], $0x1  }
0xa3: {  	[sflag:s23] =	ssyncset.done $0x0  }
0xa4: {  	s25 =	simm.s32 $0x1B8E;
	s24 =	sld [smem:$0x3FFE];
	[sflag:s23] =	ssyncadd.s32 $0xFFFFFFFF  }
0xa5: {  	s26 =	simm.s32 $execute0_lowered;
	[smem:$0x3FD2] =	sst s25  }
0xa6: {  	s4 =	sshll.u32 s26, $0x1;
	_ =	strace $0x80000055;
	[dreg:$0x1] =	wrdreg $0xFFFFFFFF  }
0xa7: {  	s28 =	simm.s32 $_size_execute0_lowered;
	s2 =	sadd.s32 s2, s4;
	[dreg:$0x0] =	wrdreg $0x0  }
0xa8: {  	s4 =	sshll.u32 s28, $0x1;
	[dreg:$0x2] =	wrdreg s2  }
0xa9: {  	[dreg:$0x3] =	wrdreg s4  }
0xaa: {  	[dreg:$0x4] =	wrdreg $0xC0  }
0xab: {  	_ =	task [dreg:s6], $0x5FFFF  }
0xac: {  	[dreg:$0x1] =	wrdreg $0xFFFFFFFF  }
0xad: {  	[dreg:$0x0] =	wrdreg $0x60  }
0xae: {  	[dreg:$0x2] =	wrdreg s24  }
0xaf: {  	[dreg:$0x3] =	wrdreg $0x9C000  }
0xb0: {  	[dreg:$0x4] =	wrdreg $0x9  }
0xb1: {  	_ =	task.clear_ibuf [dreg:s6], $0x5FFFF;
	_ =	strace $0x90000055  }
0xb2: {  	s29 =	simm.s32 $0x9;
	_ =	strace $0x80000057  }
0xb3: {  	_ =	swait.ge [sflag:s29], $0x1  }
0xb4: {  	[sflag:s29] =	ssyncadd.s32 $0xFFFFFFFF  }
0xb5: {  	_ =	strace $0x90000057  }
0xb6: {  	_ =	sfence  }
0xb7: {  	s30 =	sld [smem:$0x0];
	_ =	sdelay $0x2  }
0xb8: {  	s31 =	sshll.u32 s1, $0xD;
	s1 =	sshrl.u32 s1, $0x2  }
0xb9: {  	s3 =	sand.u32 $0x4000, s31;
	s1 =	sadd.s32 s1, s30  }
0xba: {  	s0 =	sor.u32 s3, s0;
	s1 =	sshll.u32 s1, $0x11  }
0xbb: {  	s0 =	sor.u32 s1, s0  }
0xbc: {  	s0 =	sadd.s32 $0x8F2B, s0  }
0xbd: {  	[sflag:s0] =	ssyncadd.remote.s32 $0x1  }
0xbe: {  	_ =	sfence.sel $0xFFFF  }
0xbf: {  	[dreg:$0x0] =	wrdreg $0xFFFFFFFF;
	(pc) =	sbr.abs _section_cstart, $3  }
0xc0: {  	[dreg:$0x1] =	wrdreg $0xFFFFFFFF  }
0xc1: {  	_ =	task.clear_ibuf [dreg:s6], $0x2FFFF;
	_ =	strace $0x9FFFFFFF  }
0xc2: {  	(tm) =	ssettm $0x7FFFFFFF  }
0xc3: {  	_ =	shalt  }
tec
execute0_lowered:
.L_overlay_start_1:
0x0: {  	(tag) =	ssettag $0x1  }
0x1: {  	s0 =	rddreg [dreg:$0x0]  }
0x2: {  	s2 =	rddreg [dreg:$0x1];
	s3 =	simm.s32 $0x0  }
0x3: {  	s1 =	stileid.u32;
	s4 =	srdreg.scid;
	s16 =	simm.s32 $0x400  }
0x4: {  	s17 =	simm.s32 $0x800;
	s18 =	simm.s32 $0x1C00;
	s19 =	simm.s32 $0x5C00  }
0x5: {  	s20 =	simm.s32 $0x1;
	s21 =	simm.s32 $0x80;
	s5 =	smul.u32 $0x380, s1  }
0x6: {  	s22 =	simm.s32 $0x2;
	s28 =	simm.s32 $0x0;
	s7 =	smul.u32 $0x28000, s1  }
0x7: {  	[smem:$0x7FF] =	sst s3;
	s6 =	sand.u32 $0x1, s4;
	s24 =	smul.u32 $0x50000, s1  }
0x8: {  	s4 =	sadd.s32 $0x77C200, s0;
	s11 =	smul.u32 $0x190000, s1;
	s29 =	sshll.u32 s1, $0x6  }
0x9: {  	_ =	strace $0x80000056;
	s8 =	sshll.u32 s6, $0xA;
	s6 =	ssub.s32 $0x2, s6  }
0xa: {  	s9 =	sadd.s32 s5, s0;
	s23 =	sor.u32 s8, s7;
	s5 =	sadd.s32 $0x40B800, s0  }
0xb: {  	s25 =	sshrl.u32 s6, $0x1;
	s26 =	sshrl.u32 s24, $0x2;
	s13 =	sor.u32 s8, s11  }
0xc: {  	s24 =	simm.s32 $0x1880;
	s10 =	sshrl.u32 s23, $0x3;
	s12 =	ssub.s32 s6, s25  }
0xd: {  	s14 =	sadd.s32 s26, s2;
	s30 =	sshrl.u32 s13, $0x3;
	s6 =	sor.u32 $0x1C03, s29  }
0xe: {  	s31 =	sadd.s32 $0x18000, s13;
	s8 =	sadd.s32 $0x37B600, s9;
	s13 =	sadd.s32 $0x10000, s13  }
0xf: {  	s23 =	simm.s32 $0x1800;
	s25 =	simm.s32 $0x8;
	s26 =	simm.s32 $0x100  }
0x10: {  	s0 =	sadd.s32 s10, s0;
	s7 =	sadd.s32 s4, s30;
	s15 =	sshrl.u32 s31, $0x3  }
0x11: {  	s11 =	smax.u32 s12, $0x1;
	s14 =	sshrl.u32 s14, $0x3;
	s9 =	sadd.s32 $0x1000, s7  }
0x12: {  	s10 =	sadd.s32 $0x37EE00, s0;
	s12 =	sadd.s32 s15, s4;
	s15 =	simm.s32 $0x3  }
.LBB2_1:
0x13: {  	[spmem:s14], [sflag:s6] =	dma.local [hbm:s5], $0x2800  }
0x14: {  	_ =	swait.ge [sflag:s15], $0x2800  }
0x15: {  	[sflag:s15] =	ssyncset.done $0x0  }
0x16: {  	[sflag:s15] =	ssyncadd.s32 $0xFFFFD800  }
0x17: {  	[tilespmem:s3], [sflag:$0x3] =	stream.linear.gather [hbm4b:s8+s3], $0x1900, $0x38;
	[tilespmem:$0x1DC00] =	vst v63  }
0x18: {  	_ =	swait.ge [sflag:s15], $0x1900  }
0x19: {  	[sflag:s15] =	ssyncset.done $0x0  }
0x1a: {  	[sflag:s15] =	ssyncadd.s32 $0xFFFFE700  }
0x1b: {  	[bflag:$0x0] =	sbarrier.arrive $0xFFFF  }
0x1c: {  	[tilespmem:s18], [sflag:$0x1] =	stream.strided.gather [hbm4b:s7+s16], $0x4000, s17, s16, $0x38;
	[tilespmem:$0x1DC00] =	vst v63  }
0x1d: {  	_ = 	snop  }
0x1e: {  	[tilespmem:s19], [sflag:$0x2] =	stream.strided.gather [hbm4b:s9+s16], $0x4000, s17, s16, $0x38;
	[tilespmem:$0x1DC00] =	vst v63  }
0x1f: {  	_ =	swait.ge [sflag:s20], $0x4000  }
0x20: {  	[sflag:s20] =	ssyncset.done $0x0  }
0x21: {  	s0 =	simm.s32 $0x0;
	[sflag:s20] =	ssyncadd.s32 $0xFFFFC000  }
0x22: {  	[spmem:s2] =	stream.indirect.scatter.add.f32 [tilespmem:s18], [sflag:$0x3], $0x80, s0, s21, $0xb8;
	[tilespmem:$0x1DC00] =	vst v63  }
0x23: {  	_ =	swait.ge [sflag:s15], $0x4000  }
0x24: {  	s1 =	sshrl.u32 s13, $0x3;
	[sflag:s15] =	ssyncset.done $0x0  }
0x25: {  	s0 =	sadd.s32 s4, s1;
	[sflag:s15] =	ssyncadd.s32 $0xFFFFC000  }
0x26: {  	[tilespmem:s18], [sflag:$0x1] =	stream.strided.gather [hbm4b:s0+s16], $0x4000, s17, s16, $0x38;
	[tilespmem:$0x1DC00] =	vst v63  }
0x27: {  	_ =	swait.ge [sflag:s22], $0x4000  }
0x28: {  	[sflag:s22] =	ssyncset.done $0x0  }
0x29: {  	[sflag:s22] =	ssyncadd.s32 $0xFFFFC000  }
0x2a: {  	[spmem:s2] =	stream.indirect.scatter.add.f32 [tilespmem:s19], [sflag:$0x3], $0x80, s21, s21, $0xb8;
	[tilespmem:$0x1DC00] =	vst v63  }
0x2b: {  	_ =	swait.ge [sflag:s15], $0x4000  }
0x2c: {  	s29 =	simm.s32 $0x2000;
	s30 =	simm.s32 $0x180;
	[sflag:s15] =	ssyncset.done $0x0  }
0x2d: {  	s31 =	sadd.s32 $0x10000, s13;
	s0 =	sadd.s32 $0x0, s12;
	[sflag:s15] =	ssyncadd.s32 $0xFFFFC000  }
.LBB2_2:
0x2e: {  	[tilespmem:s19], [sflag:$0x2] =	stream.strided.gather [hbm4b:s0+s16], $0x4000, s17, s16, $0x38;
	[tilespmem:$0x1DC00] =	vst v63  }
0x2f: {  	s0 =	smov.u32 s29  }
0x30: {  	p0 =	sne.s32 s29, $0x2E000;
	s29 =	sadd.s32 $0x2000, s29;
	_ =	swait.ge [sflag:s20], $0x4000  }
0x31: {  	[sflag:s20] =	ssyncset.done $0x0  }
0x32: {  	s1 =	sadd.s32 $0xFFFFFF80, s30;
	[sflag:s20] =	ssyncadd.s32 $0xFFFFC000  }
0x33: {  	[spmem:s2] =	stream.indirect.scatter.add.f32 [tilespmem:s18], [sflag:$0x3], $0x80, s1, s21, $0xb8;
	[tilespmem:$0x1DC00] =	vst v63  }
0x34: {  	_ =	swait.ge [sflag:s15], $0x4000  }
0x35: {  	s1 =	sshrl.u32 s31, $0x3;
	[sflag:s15] =	ssyncset.done $0x0  }
0x36: {  	s1 =	sadd.s32 s4, s1;
	[sflag:s15] =	ssyncadd.s32 $0xFFFFC000  }
0x37: {  	[tilespmem:s18], [sflag:$0x1] =	stream.strided.gather [hbm4b:s1+s16], $0x4000, s17, s16, $0x38;
	[tilespmem:$0x1DC00] =	vst v63  }
0x38: {  	_ =	swait.ge [sflag:s22], $0x4000  }
0x39: {  	[sflag:s22] =	ssyncset.done $0x0  }
.Ltmp0:
0x3a: {  	[sflag:s22] =	ssyncadd.s32 $0xFFFFC000;
	(pc) =	sbr.rel @p0 .LBB2_2-.Ltmp0, $4  }
0x3b: {  	[spmem:s2] =	stream.indirect.scatter.add.f32 [tilespmem:s19], [sflag:$0x3], $0x80, s30, s21, $0xb8;
	[tilespmem:$0x1DC00] =	vst v63  }
0x3c: {  	_ =	swait.ge [sflag:s15], $0x4000  }
0x3d: {  	s30 =	sadd.s32 $0x100, s30;
	[sflag:s15] =	ssyncset.done $0x0  }
0x3e: {  	s0 =	sadd.s32 s0, s12;
	s31 =	sadd.s32 $0x10000, s31;
	[sflag:s15] =	ssyncadd.s32 $0xFFFFC000  }
0x3f: {  	[tilespmem:s19], [sflag:$0x2] =	stream.strided.gather [hbm4b:s0+s16], $0x4000, s17, s16, $0x38;
	[tilespmem:$0x1DC00] =	vst v63  }
0x40: {  	_ =	swait.ge [sflag:s20], $0x4000  }
0x41: {  	[sflag:s20] =	ssyncset.done $0x0  }
0x42: {  	[sflag:s20] =	ssyncadd.s32 $0xFFFFC000  }
0x43: {  	[spmem:s2] =	stream.indirect.scatter.add.f32 [tilespmem:s18], [sflag:$0x3], $0x80, s23, s21, $0xb8;
	[tilespmem:$0x1DC00] =	vst v63  }
0x44: {  	_ =	swait.ge [sflag:s15], $0x4000  }
0x45: {  	[sflag:s15] =	ssyncset.done $0x0  }
0x46: {  	[sflag:s15] =	ssyncadd.s32 $0xFFFFC000  }
0x47: {  	_ =	swait.ge [sflag:s22], $0x4000  }
0x48: {  	[sflag:s22] =	ssyncset.done $0x0  }
0x49: {  	[sflag:s22] =	ssyncadd.s32 $0xFFFFC000  }
0x4a: {  	[spmem:s2] =	stream.indirect.scatter.add.f32 [tilespmem:s19], [sflag:$0x3], $0x80, s24, s21, $0xb8;
	[tilespmem:$0x1DC00] =	vst v63  }
0x4b: {  	_ =	swait.ge [sflag:s15], $0x4000  }
0x4c: {  	s28 =	sadd.s32 $0x1, s28;
	[sflag:s15] =	ssyncset.done $0x0  }
0x4d: {  	p0 =	sne.s32 s28, s11;
	[sflag:s15] =	ssyncadd.s32 $0xFFFFC000  }
.Ltmp1:
0x4e: {  	[bflag:$0x0] =	sbarrier.arrive $0xFFFF;
	(pc) =	sbr.rel @p0 .LBB2_1-.Ltmp1, $4  }
0x4f: {  	[hbm:s10@s26], [sflag:s6] =	dma.strided [spmem:s14@s21], $0x2800, s25, $0x10   }
0x50: {  	_ =	swait.ge [sflag:s15], $0x2800  }
0x51: {  	[sflag:s15] =	ssyncset.done $0x0  }
0x52: {  	[sflag:s15] =	ssyncadd.s32 $0xFFFFD800  }
0x53: {  	_ =	sfence.sel $0x180000  }
0x54: {  	[bflag:$0x0] =	sbarrier.arrive $0xFFFF  }
0x55: {  	_ =	strace $0x90000056  }
0x56: {  	s0 =	stileid.u32;
	[bflag:$0x2] =	sbarrier.arrive $0xFFFF  }
0x57: {  	p0 =	sne.s32 s0, $0x0;
	s0 =	rddreg [dreg:$0x2]  }
0x58: {  	s0 =	sadd.s32 @!p0 $0x100000, s0  }
0x59: {  	[sflag:s0] =	ssyncadd.tile.s32 @!p0 $0x1;
	_ =	shalt  }
.Lfunc_end2:
_tile_overlayer_lowered:
.L_overlay_start_2:
0x5a: {  	(tag) =	ssettag $0x2  }
0x5b: {  	s0 =	rddreg [dreg:$0x0];
	s2 =	stileid.u32  }
0x5c: {  	s1 =	rddreg [dreg:$0x1];
	p0 =	sne.s32 s2, $0x0  }
0x5d: {  	s3 =	rddreg [dreg:$0x2];
	[bflag:$0x3] =	sbarrier.arrive $0xFFFF;
	s2 =	simm.s32 @!p0 $0x1C03  }
0x5e: {  	[timem:s3], [sflag:s2] =	dma.local @!p0 [hbm:s0], s1  }
0x5f: {  	s0 =	simm.s32 @!p0 $0x3  }
0x60: {  	_ =	swait.ge @!p0 [sflag:s0], s1  }
0x61: {  	s1 =	ssub.s32 @!p0 $0x0, s1;
	[sflag:s0] =	ssyncset.done @!p0 $0x0  }
0x62: {  	[sflag:s0] =	ssyncadd.s32 @!p0 s1  }
0x63: {  	[bflag:$0x3] =	sbarrier.arrive $0xFFFF  }
0x64: {  	_ =	shalt  }

</sc_bundles>
